<compile_context>
chip_gen: v7x
topology: tpu7x:2x2x1
jax: 0.10.2.dev20260603
libtpu: 0.0.44.dev20260713+nightly
codegen_flags: <defaults>
</compile_context>

<pallas_src>
import functools

import jax
import jax.numpy as jnp
from jax import lax
from jax.experimental import pallas as pl
from jax.experimental.pallas import tpu as pltpu
from jax.experimental.pallas import tpu_sc as plsc

B = 16384
VOCAB = 100000
EMB = 106
N_FIELDS = 9
N_SPARSE = 3
N_BEHAVIOR = 5
DENSE = 13

_NC = 2
_NS = 16
_NW = _NC * _NS
_CHUNK = 128
_CPW = B // (_NW * _CHUNK)
_RPW = B // _NW


EMB_P = 128
_PR = 10000
_PNB = VOCAB // _PR


def _pad_body(i_ref, o_ref):
    o_ref[:, :EMB] = i_ref[...]


@functools.cache
def _pad_call():
    return pl.pallas_call(
        _pad_body,
        grid=(_PNB,),
        in_specs=[pl.BlockSpec((_PR, EMB), lambda i: (i, 0))],
        out_specs=pl.BlockSpec((_PR, EMB_P), lambda i: (i, 0)),
        out_shape=jax.ShapeDtypeStruct((VOCAB, EMB_P), jnp.float32),
    )


def _sc_gather_body(idx_hbm, tab, out_hbm, idx_v, rows_v, sem):
    wid = lax.axis_index("s") * _NC + lax.axis_index("c")
    c0 = wid * _CPW
    pltpu.sync_copy(idx_hbm.at[wid, :], idx_v)

    def chunk_body(j, _):
        pltpu.async_copy(
            tab.at[idx_v.at[pl.ds(j * _CHUNK, _CHUNK)]], rows_v, sem).wait()
        pltpu.sync_copy(
            rows_v, out_hbm.at[pl.ds((c0 + j) * _CHUNK, _CHUNK), :])
        return 0

    lax.fori_loop(0, _CPW, chunk_body, 0)


@functools.cache
def _sc_gather():
    return pl.kernel(
        _sc_gather_body,
        out_type=jax.ShapeDtypeStruct((B, EMB_P), jnp.float32),
        mesh=plsc.VectorSubcoreMesh(core_axis_name="c", subcore_axis_name="s"),
        scratch_types=[
            pltpu.VMEM((_RPW,), jnp.int32),
            pltpu.VMEM((_CHUNK, EMB_P), jnp.float32),
            pltpu.SemaphoreType.DMA,
        ],
    )


_BB = 1024
_NB = B // _BB
_BB5 = N_BEHAVIOR * _BB


def _prelu(x, a):
    return jnp.maximum(x, 0.0) + a * jnp.minimum(x, 0.0)


def _dotT(x, w):
    return lax.dot_general(x, w, (((1,), (1,)), ((), ())),
                           preferred_element_type=jnp.float32)


def _tc_body(g0, g1, g2, g3, g4, g5, g6, g7, g8, dense_ref,
             aw1a, aw1b, aw1c, aw1d, ab1, aw2,
             w1s0, w1s1, w1s2, w1sd, w1sp, w1sc, b1, w2, b2, w3, scal,
             out_ref, gbuf, sems):
    a_att = scal[0]
    ab2 = scal[1]
    p1 = scal[2]
    p2 = scal[3]
    b3 = scal[4]

    gs = [g0, g1, g2, g3, g4, g5, g6, g7, g8]
    i = pl.program_id(0)
    slot = lax.rem(i, 2)
    nxt = lax.rem(i + 1, 2)

    def _copy(blk, sl, f):
        return pltpu.make_async_copy(
            gs[f].at[pl.ds(blk * _BB, _BB), :], gbuf.at[sl, f], sems.at[sl, f])

    @pl.when(i == 0)
    def _prime():
        for f in range(N_FIELDS):
            _copy(0, 0, f).start()

    @pl.when(i + 1 < _NB)
    def _prefetch():
        for f in range(N_FIELDS):
            _copy(i + 1, nxt, f).start()

    for f in range(N_FIELDS):
        _copy(i, slot, f).wait()

    lane = lax.broadcasted_iota(jnp.int32, (1, EMB_P), 1)
    lmask = lane < EMB

    def _mg(f):
        return jnp.where(lmask, gbuf[slot, f], 0.0)

    g0m, g1m, g2m = _mg(0), _mg(1), _mg(2)
    cand = _mg(8)
    amat = aw1a[...] + aw1c[...]
    bmat = aw1b[...] - aw1c[...]
    dmat = aw1d[...]
    c0 = _dotT(cand, bmat) + ab1[...]

    beh5 = jnp.stack([_mg(3), _mg(4), _mg(5), _mg(6), _mg(7)], axis=0)
    behf = beh5.reshape(_BB5, EMB_P)
    bcf = (beh5 * cand[None]).reshape(_BB5, EMB_P)
    c05 = jnp.broadcast_to(c0[None], (N_BEHAVIOR, _BB, 32)).reshape(_BB5, 32)
    h = _prelu(_dotT(behf, amat) + _dotT(bcf, dmat) + c05, a_att)
    score = jnp.sum(h * aw2[...], axis=1, keepdims=True) + ab2
    att5 = jax.nn.sigmoid(score).reshape(N_BEHAVIOR, _BB, 1)
    pool = jnp.sum(att5 * beh5, axis=0)

    acc = (_dotT(g0m, w1s0[...]) + _dotT(g1m, w1s1[...])
           + _dotT(g2m, w1s2[...]) + _dotT(dense_ref[...], w1sd[...])
           + _dotT(pool, w1sp[...]) + _dotT(cand, w1sc[...]) + b1[...])
    o1 = _prelu(acc, p1)
    o2 = _prelu(_dotT(o1, w2[...]) + b2[...], p2)
    o3 = jnp.sum(o2 * w3[...], axis=1) + b3
    out_ref[0, 0, :] = jax.nn.sigmoid(o3)


def _full(shape):
    n = len(shape)
    return pl.BlockSpec(shape, lambda i, _n=n: (0,) * _n)


def _make_tc_call(interpret=False):
    gspec = pl.BlockSpec(memory_space=pl.ANY)
    return pl.pallas_call(
        _tc_body,
        grid=(_NB,),
        scratch_shapes=[
            pltpu.VMEM((2, N_FIELDS, _BB, EMB_P), jnp.float32),
            pltpu.SemaphoreType.DMA((2, N_FIELDS)),
        ],
        in_specs=[gspec] * N_FIELDS + [
            pl.BlockSpec((_BB, DENSE), lambda i: (i, 0)),
            _full((32, EMB_P)), _full((32, EMB_P)), _full((32, EMB_P)),
            _full((32, EMB_P)), _full((1, 32)), _full((1, 32)),
            _full((128, EMB_P)), _full((128, EMB_P)), _full((128, EMB_P)),
            _full((128, DENSE)), _full((128, EMB_P)), _full((128, EMB_P)),
            _full((1, 128)), _full((64, 128)), _full((1, 64)),
            _full((1, 64)),
            pl.BlockSpec(memory_space=pltpu.SMEM),
        ],
        out_specs=pl.BlockSpec((1, 1, _BB), lambda i: (i, 0, 0)),
        out_shape=jax.ShapeDtypeStruct((_NB, 1, _BB), jnp.float32),
        interpret=interpret,
    )


def _padw(w):
    return jnp.pad(w, ((0, 0), (0, EMB_P - w.shape[1])))


def _dense_stage(gathered, dense_feature, att_w1, att_b1, att_a, att_w2,
                 att_b2, w1, b1, p1, w2, b2, p2, w3, b3, interpret=False):
    scal = jnp.concatenate([
        att_a.reshape(-1), att_b2.reshape(-1), p1.reshape(-1),
        p2.reshape(-1), b3.reshape(-1),
        jnp.zeros((3,), jnp.float32)]).astype(jnp.float32)
    out = _make_tc_call(interpret)(
        *gathered, dense_feature,
        _padw(att_w1[:, :EMB]), _padw(att_w1[:, EMB:2 * EMB]),
        _padw(att_w1[:, 2 * EMB:3 * EMB]), _padw(att_w1[:, 3 * EMB:]),
        att_b1.reshape(1, 32), att_w2.reshape(1, 32),
        _padw(w1[:, :EMB]), _padw(w1[:, EMB:2 * EMB]),
        _padw(w1[:, 2 * EMB:3 * EMB]),
        w1[:, 3 * EMB:3 * EMB + DENSE],
        _padw(w1[:, 3 * EMB + DENSE:4 * EMB + DENSE]),
        _padw(w1[:, 4 * EMB + DENSE:]),
        b1.reshape(1, 128), w2, b2.reshape(1, 64), w3, scal)
    return out.reshape(-1)


def kernel(sparse_feature, dense_feature, emb_tables, att_w1, att_b1, att_a,
           att_w2, att_b2, w1, b1, p1, w2, b2, p2, w3, b3):
    idx = sparse_feature.astype(jnp.int32).T.reshape(N_FIELDS, _NW, _RPW)
    gathered = []
    for f in range(N_FIELDS):
        tab = _pad_call()(emb_tables[f])
        gathered.append(_sc_gather()(idx[f], tab))
    return _dense_stage(gathered, dense_feature, att_w1, att_b1, att_a,
                        att_w2, att_b2, w1, b1, p1, w2, b2, p2, w3, b3)

# --- scband reference (transcript-rebuilt; emitter-appended) ---
"""Pipeline reference for scband-din-77558519431937 (READ-ONLY COPY).

The authoritative reference and input builder live on the scoring server;
editing this copy changes nothing except your own understanding.
"""

import jax, jax.numpy as jnp
import numpy as np

B = 16384
VOCAB = 100000
EMB = 106  # int(6 * 100000 ** 0.25)
N_SPARSE = 3
N_BEHAVIOR = 5
N_FIELDS = 9
DENSE = 13
DEEP_IN = N_SPARSE * EMB + DENSE + 2 * EMB  # 543


def _prelu(x, a):
    return jnp.maximum(x, 0.0) + a * jnp.minimum(x, 0.0)


def _forward(sparse_feature, dense_feature, emb_tables, att_w1, att_b1, att_a, att_w2, att_b2, w1, b1, p1, w2, b2, p2, w3, b3):
    embeds = [jnp.take(emb_tables[i], sparse_feature[:, i], axis=0) for i in range(N_FIELDS)]
    sparse_embedding = jnp.concatenate(embeds[:N_SPARSE], axis=1)
    behavior = jnp.stack(embeds[N_SPARSE:N_SPARSE + N_BEHAVIOR], axis=1)  # [B, 5, EMB]
    candidate = embeds[-1][:, None, :]  # [B, 1, EMB]
    cand = jnp.broadcast_to(candidate, behavior.shape)
    embed_input = jnp.concatenate([behavior, cand, behavior - cand, behavior * cand], axis=2)  # [B, 5, 4*EMB]
    h = _prelu(embed_input @ att_w1.T + att_b1, att_a)
    att = jax.nn.sigmoid(h @ att_w2.T + att_b2)  # [B, 5, 1]
    sum_pool = jnp.sum(att * behavior, axis=1)  # [B, EMB]
    deep_input = jnp.concatenate([sparse_embedding, dense_feature, sum_pool, embeds[-1]], axis=1)  # [B, DEEP_IN]
    o = _prelu(deep_input @ w1.T + b1, p1)
    o = _prelu(o @ w2.T + b2, p2)
    o = o @ w3.T + b3
    return jax.nn.sigmoid(o).reshape(-1)


def setup_inputs(seed: int = 0):
    key = jax.random.key(seed)
    ks = jax.random.split(key, 24)
    inp = {}
    inp["sparse_feature"] = jax.random.randint(ks[0], (B, N_FIELDS), 0, VOCAB)
    inp["dense_feature"] = jax.random.normal(ks[1], (B, DENSE), dtype=jnp.float32)
    inp["emb_tables"] = tuple(jax.random.normal(ks[2 + i], (VOCAB, EMB), dtype=jnp.float32) * 0.05 for i in range(N_FIELDS))
    inp["att_w1"] = jax.random.normal(ks[11], (32, 4 * EMB), dtype=jnp.float32) * 0.05
    inp["att_b1"] = jnp.zeros((32,), dtype=jnp.float32)
    inp["att_a"] = jnp.full((1,), 0.25, dtype=jnp.float32)
    inp["att_w2"] = jax.random.normal(ks[12], (1, 32), dtype=jnp.float32) * 0.05
    inp["att_b2"] = jnp.zeros((1,), dtype=jnp.float32)
    inp["w1"] = jax.random.normal(ks[13], (128, DEEP_IN), dtype=jnp.float32) * 0.05
    inp["b1"] = jnp.zeros((128,), dtype=jnp.float32)
    inp["p1"] = jnp.full((1,), 0.25, dtype=jnp.float32)
    inp["w2"] = jax.random.normal(ks[14], (64, 128), dtype=jnp.float32) * 0.05
    inp["b2"] = jnp.zeros((64,), dtype=jnp.float32)
    inp["p2"] = jnp.full((1,), 0.25, dtype=jnp.float32)
    inp["w3"] = jax.random.normal(ks[15], (1, 64), dtype=jnp.float32) * 0.05
    inp["b3"] = jnp.zeros((1,), dtype=jnp.float32)
    return inp


def reference(sparse_feature, dense_feature, emb_tables, att_w1, att_b1, att_a, att_w2, att_b2, w1, b1, p1, w2, b2, p2, w3, b3):
    return _forward(sparse_feature, dense_feature, emb_tables, att_w1, att_b1, att_a, att_w2, att_b2, w1, b1, p1, w2, b2, p2, w3, b3)

if __name__ == "__main__":
    import jax
    _d = setup_inputs()
    print(jax.jit(kernel)(*tuple(_d.values())))

</pallas_src>

<mosaic_0001>
#map = affine_map<(d0, d1) -> (0, 0)>
module attributes {stable_mosaic.version = 14 : i64} {
  func.func @_sc_gather_body(%arg0: i32, %arg1: i32, %arg2: memref<32x512xi32, #tpu.memory_space<hbm>>, %arg3: memref<100000x128xf32, #tpu.memory_space<hbm>>, %arg4: memref<16384x128xf32, #tpu.memory_space<hbm>>, %arg5: memref<512xi32, #tpu.memory_space<vmem>>, %arg6: memref<128x128xf32, #tpu.memory_space<vmem>>, %arg7: memref<!tpu.dma_semaphore, #tpu.memory_space<semaphore_mem>>) attributes {dimension_semantics = [#tpu.dimension_semantics<core_parallel>, #tpu.dimension_semantics<subcore_parallel>], iteration_bounds = array<i64: 2, 16>, scalar_prefetch = 0 : i64, scratch_operands = 3 : i64, tpu.core_type = #tpu.core_type<sc_vector_subcore>, window_params = [{transform_indices = #map}, {transform_indices = #map}, {transform_indices = #map}]} {
    %mul3A = arith.constant 2 : i32
    %mul3A_0 = arith.muli %arg1, %mul3A : i32
    %add3A = arith.addi %mul3A_0, %arg0 : i32
    %mul3A_1 = arith.constant 4 : i32
    %mul3A_2 = arith.muli %add3A, %mul3A_1 : i32
    "tpu.region"() ({
      %run_scoped3A = tpu.sem_alloc : memref<!tpu.dma_semaphore, #tpu.memory_space<semaphore_mem>>
      %dma_start3A = arith.constant 0 : i32
      %dma_start3A_9 = tpu.memref_slice %arg2[%add3A, %dma_start3A] : memref<32x512xi32, #tpu.memory_space<hbm>> -> memref<1x512xi32, #tpu.memory_space<hbm>>
      %dma_start3A_10 = tpu.memref_squeeze %dma_start3A_9 : memref<1x512xi32, #tpu.memory_space<hbm>> -> memref<512xi32, #tpu.memory_space<hbm>>
      %dma_start3A_11 = arith.constant 0 : i32
      %dma_start3A_12 = tpu.memref_slice %arg2[%add3A, %dma_start3A_11] : memref<32x512xi32, #tpu.memory_space<hbm>> -> memref<1x512xi32, #tpu.memory_space<hbm>>
      %dma_start3A_13 = tpu.memref_squeeze %dma_start3A_12 : memref<1x512xi32, #tpu.memory_space<hbm>> -> memref<512xi32, #tpu.memory_space<hbm>>
      tpu.enqueue_dma source(%dma_start3A_13 : memref<512xi32, #tpu.memory_space<hbm>>) target(%arg5 : memref<512xi32, #tpu.memory_space<vmem>>) target_semaphore(%run_scoped3A : memref<!tpu.dma_semaphore, #tpu.memory_space<semaphore_mem>>)
      %dma_wait3A = arith.constant 0 : i32
      %dma_wait3A_14 = tpu.memref_slice %arg2[%add3A, %dma_wait3A] : memref<32x512xi32, #tpu.memory_space<hbm>> -> memref<1x512xi32, #tpu.memory_space<hbm>>
      %dma_wait3A_15 = tpu.memref_squeeze %dma_wait3A_14 : memref<1x512xi32, #tpu.memory_space<hbm>> -> memref<512xi32, #tpu.memory_space<hbm>>
      %dma_wait3A_16 = arith.constant 0 : i32
      %dma_wait3A_17 = tpu.memref_slice %arg2[%add3A, %dma_wait3A_16] : memref<32x512xi32, #tpu.memory_space<hbm>> -> memref<1x512xi32, #tpu.memory_space<hbm>>
      %dma_wait3A_18 = tpu.memref_squeeze %dma_wait3A_17 : memref<1x512xi32, #tpu.memory_space<hbm>> -> memref<512xi32, #tpu.memory_space<hbm>>
      tpu.wait_dma2 semaphore(%run_scoped3A : memref<!tpu.dma_semaphore, #tpu.memory_space<semaphore_mem>>) src(%dma_wait3A_18 : memref<512xi32, #tpu.memory_space<hbm>>) dst(%arg5 : memref<512xi32, #tpu.memory_space<vmem>>)
      tpu.yield
    }) : () -> ()
    %scan3A = arith.constant 0 : i32
    %scan3A_3 = arith.constant 0 : i32
    %scan3A_4 = arith.constant 4 : i32
    %scan3A_5 = arith.addi %scan3A_3, %scan3A_4 : i32
    %scan3A_6 = arith.constant 1 : i32
    %scan3A_7 = scf.for %scan3A_9 = %scan3A_3 to %scan3A_5 step %scan3A_6 iter_args(%scan3A_10 = %scan3A) -> (i32)  : i32 {
      %mul3A_11 = arith.constant 128 : i32
      %mul3A_12 = arith.muli %scan3A_9, %mul3A_11 : i32
      %dma_start3A = tpu.memref_slice %arg5[%mul3A_12] : memref<512xi32, #tpu.memory_space<vmem>> -> memref<128xi32, #tpu.memory_space<vmem>>
      %dma_start3A_13 = arith.constant 0 : i32
      %dma_start3A_14 = arith.constant 0 : i32
      %dma_start3A_15 = tpu.memref_slice %arg3[%dma_start3A_13, %dma_start3A_14] : memref<100000x128xf32, #tpu.memory_space<hbm>> -> memref<100000x128xf32, #tpu.memory_space<hbm>>
      tpu.enqueue_indirect_dma source(%dma_start3A_15 : memref<100000x128xf32, #tpu.memory_space<hbm>>) target(%arg6 : memref<128x128xf32, #tpu.memory_space<vmem>>) offsets(%dma_start3A : memref<128xi32, #tpu.memory_space<vmem>>) semaphore(%arg7 : memref<!tpu.dma_semaphore, #tpu.memory_space<semaphore_mem>>)
      %dma_wait3A = tpu.memref_slice %arg5[%mul3A_12] : memref<512xi32, #tpu.memory_space<vmem>> -> memref<128xi32, #tpu.memory_space<vmem>>
      %dma_wait3A_16 = arith.constant 0 : i32
      %dma_wait3A_17 = arith.constant 0 : i32
      %dma_wait3A_18 = tpu.memref_slice %arg3[%dma_wait3A_16, %dma_wait3A_17] : memref<100000x128xf32, #tpu.memory_space<hbm>> -> memref<100000x128xf32, #tpu.memory_space<hbm>>
      tpu.wait_indirect_dma semaphore(%arg7 : memref<!tpu.dma_semaphore, #tpu.memory_space<semaphore_mem>>) src(%dma_wait3A_18 : memref<100000x128xf32, #tpu.memory_space<hbm>>) dst(%arg6 : memref<128x128xf32, #tpu.memory_space<vmem>>)
      %add3A_19 = arith.addi %mul3A_2, %scan3A_9 : i32
      %mul3A_20 = arith.constant 128 : i32
      %mul3A_21 = arith.muli %add3A_19, %mul3A_20 : i32
      "tpu.region"() ({
        %run_scoped3A = tpu.sem_alloc : memref<!tpu.dma_semaphore, #tpu.memory_space<semaphore_mem>>
        %dma_start3A_23 = arith.constant 0 : i32
        %dma_start3A_24 = tpu.memref_slice %arg4[%mul3A_21, %dma_start3A_23] : memref<16384x128xf32, #tpu.memory_space<hbm>> -> memref<128x128xf32, #tpu.memory_space<hbm>>
        %dma_start3A_25 = arith.constant 0 : i32
        %dma_start3A_26 = tpu.memref_slice %arg4[%mul3A_21, %dma_start3A_25] : memref<16384x128xf32, #tpu.memory_space<hbm>> -> memref<128x128xf32, #tpu.memory_space<hbm>>
        tpu.enqueue_dma source(%arg6 : memref<128x128xf32, #tpu.memory_space<vmem>>) target(%dma_start3A_26 : memref<128x128xf32, #tpu.memory_space<hbm>>) target_semaphore(%run_scoped3A : memref<!tpu.dma_semaphore, #tpu.memory_space<semaphore_mem>>)
        %dma_wait3A_27 = arith.constant 0 : i32
        %dma_wait3A_28 = tpu.memref_slice %arg4[%mul3A_21, %dma_wait3A_27] : memref<16384x128xf32, #tpu.memory_space<hbm>> -> memref<128x128xf32, #tpu.memory_space<hbm>>
        %dma_wait3A_29 = arith.constant 0 : i32
        %dma_wait3A_30 = tpu.memref_slice %arg4[%mul3A_21, %dma_wait3A_29] : memref<16384x128xf32, #tpu.memory_space<hbm>> -> memref<128x128xf32, #tpu.memory_space<hbm>>
        tpu.wait_dma2 semaphore(%run_scoped3A : memref<!tpu.dma_semaphore, #tpu.memory_space<semaphore_mem>>) src(%arg6 : memref<128x128xf32, #tpu.memory_space<vmem>>) dst(%dma_wait3A_30 : memref<128x128xf32, #tpu.memory_space<hbm>>)
        tpu.yield
      }) : () -> ()
      %scan3A_22 = arith.constant 0 : i32
      scf.yield %scan3A_22 : i32
    }
    %scan3A_8 = arith.constant 4 : i32
    return
  }
}

#map = affine_map<(d0, d1) -> (0, 0)>
module attributes {stable_mosaic.version = 14 : i64} {
  func.func @_sc_gather_body(%arg0: i32, %arg1: i32, %arg2: memref<32x512xi32, #tpu.memory_space<hbm>>, %arg3: memref<100000x128xf32, #tpu.memory_space<hbm>>, %arg4: memref<16384x128xf32, #tpu.memory_space<hbm>>, %arg5: memref<512xi32, #tpu.memory_space<vmem>>, %arg6: memref<128x128xf32, #tpu.memory_space<vmem>>, %arg7: memref<!tpu.dma_semaphore, #tpu.memory_space<semaphore_mem>>) attributes {dimension_semantics = [#tpu.dimension_semantics<core_parallel>, #tpu.dimension_semantics<subcore_parallel>], iteration_bounds = array<i64: 2, 16>, scalar_prefetch = 0 : i64, scratch_operands = 3 : i64, tpu.core_type = #tpu.core_type<sc_vector_subcore>, window_params = [{transform_indices = #map}, {transform_indices = #map}, {transform_indices = #map}]} {
    %mul3A = arith.constant 2 : i32
    %mul3A_0 = arith.muli %arg1, %mul3A : i32
    %add3A = arith.addi %mul3A_0, %arg0 : i32
    %mul3A_1 = arith.constant 4 : i32
    %mul3A_2 = arith.muli %add3A, %mul3A_1 : i32
    "tpu.region"() ({
      %run_scoped3A = tpu.sem_alloc : memref<!tpu.dma_semaphore, #tpu.memory_space<semaphore_mem>>
      %dma_start3A = arith.constant 0 : i32
      %dma_start3A_9 = tpu.memref_slice %arg2[%add3A, %dma_start3A] : memref<32x512xi32, #tpu.memory_space<hbm>> -> memref<1x512xi32, #tpu.memory_space<hbm>>
      %dma_start3A_10 = tpu.memref_squeeze %dma_start3A_9 : memref<1x512xi32, #tpu.memory_space<hbm>> -> memref<512xi32, #tpu.memory_space<hbm>>
      %dma_start3A_11 = arith.constant 0 : i32
      %dma_start3A_12 = tpu.memref_slice %arg2[%add3A, %dma_start3A_11] : memref<32x512xi32, #tpu.memory_space<hbm>> -> memref<1x512xi32, #tpu.memory_space<hbm>>
      %dma_start3A_13 = tpu.memref_squeeze %dma_start3A_12 : memref<1x512xi32, #tpu.memory_space<hbm>> -> memref<512xi32, #tpu.memory_space<hbm>>
      tpu.enqueue_dma source(%dma_start3A_13 : memref<512xi32, #tpu.memory_space<hbm>>) target(%arg5 : memref<512xi32, #tpu.memory_space<vmem>>) target_semaphore(%run_scoped3A : memref<!tpu.dma_semaphore, #tpu.memory_space<semaphore_mem>>)
      %dma_wait3A = arith.constant 0 : i32
      %dma_wait3A_14 = tpu.memref_slice %arg2[%add3A, %dma_wait3A] : memref<32x512xi32, #tpu.memory_space<hbm>> -> memref<1x512xi32, #tpu.memory_space<hbm>>
      %dma_wait3A_15 = tpu.memref_squeeze %dma_wait3A_14 : memref<1x512xi32, #tpu.memory_space<hbm>> -> memref<512xi32, #tpu.memory_space<hbm>>
      %dma_wait3A_16 = arith.constant 0 : i32
      %dma_wait3A_17 = tpu.memref_slice %arg2[%add3A, %dma_wait3A_16] : memref<32x512xi32, #tpu.memory_space<hbm>> -> memref<1x512xi32, #tpu.memory_space<hbm>>
      %dma_wait3A_18 = tpu.memref_squeeze %dma_wait3A_17 : memref<1x512xi32, #tpu.memory_space<hbm>> -> memref<512xi32, #tpu.memory_space<hbm>>
      tpu.wait_dma2 semaphore(%run_scoped3A : memref<!tpu.dma_semaphore, #tpu.memory_space<semaphore_mem>>) src(%dma_wait3A_18 : memref<512xi32, #tpu.memory_space<hbm>>) dst(%arg5 : memref<512xi32, #tpu.memory_space<vmem>>)
      tpu.yield
    }) : () -> ()
    %scan3A = arith.constant 0 : i32
    %scan3A_3 = arith.constant 0 : i32
    %scan3A_4 = arith.constant 4 : i32
    %scan3A_5 = arith.addi %scan3A_3, %scan3A_4 : i32
    %scan3A_6 = arith.constant 1 : i32
    %scan3A_7 = scf.for %scan3A_9 = %scan3A_3 to %scan3A_5 step %scan3A_6 iter_args(%scan3A_10 = %scan3A) -> (i32)  : i32 {
      %mul3A_11 = arith.constant 128 : i32
      %mul3A_12 = arith.muli %scan3A_9, %mul3A_11 : i32
      %dma_start3A = tpu.memref_slice %arg5[%mul3A_12] : memref<512xi32, #tpu.memory_space<vmem>> -> memref<128xi32, #tpu.memory_space<vmem>>
      %dma_start3A_13 = arith.constant 0 : i32
      %dma_start3A_14 = arith.constant 0 : i32
      %dma_start3A_15 = tpu.memref_slice %arg3[%dma_start3A_13, %dma_start3A_14] : memref<100000x128xf32, #tpu.memory_space<hbm>> -> memref<100000x128xf32, #tpu.memory_space<hbm>>
      tpu.enqueue_indirect_dma source(%dma_start3A_15 : memref<100000x128xf32, #tpu.memory_space<hbm>>) target(%arg6 : memref<128x128xf32, #tpu.memory_space<vmem>>) offsets(%dma_start3A : memref<128xi32, #tpu.memory_space<vmem>>) semaphore(%arg7 : memref<!tpu.dma_semaphore, #tpu.memory_space<semaphore_mem>>)
      %dma_wait3A = tpu.memref_slice %arg5[%mul3A_12] : memref<512xi32, #tpu.memory_space<vmem>> -> memref<128xi32, #tpu.memory_space<vmem>>
      %dma_wait3A_16 = arith.constant 0 : i32
      %dma_wait3A_17 = arith.constant 0 : i32
      %dma_wait3A_18 = tpu.memref_slice %arg3[%dma_wait3A_16, %dma_wait3A_17] : memref<100000x128xf32, #tpu.memory_space<hbm>> -> memref<100000x128xf32, #tpu.memory_space<hbm>>
      tpu.wait_indirect_dma semaphore(%arg7 : memref<!tpu.dma_semaphore, #tpu.memory_space<semaphore_mem>>) src(%dma_wait3A_18 : memref<100000x128xf32, #tpu.memory_space<hbm>>) dst(%arg6 : memref<128x128xf32, #tpu.memory_space<vmem>>)
      %add3A_19 = arith.addi %mul3A_2, %scan3A_9 : i32
      %mul3A_20 = arith.constant 128 : i32
      %mul3A_21 = arith.muli %add3A_19, %mul3A_20 : i32
      "tpu.region"() ({
        %run_scoped3A = tpu.sem_alloc : memref<!tpu.dma_semaphore, #tpu.memory_space<semaphore_mem>>
        %dma_start3A_23 = arith.constant 0 : i32
        %dma_start3A_24 = tpu.memref_slice %arg4[%mul3A_21, %dma_start3A_23] : memref<16384x128xf32, #tpu.memory_space<hbm>> -> memref<128x128xf32, #tpu.memory_space<hbm>>
        %dma_start3A_25 = arith.constant 0 : i32
        %dma_start3A_26 = tpu.memref_slice %arg4[%mul3A_21, %dma_start3A_25] : memref<16384x128xf32, #tpu.memory_space<hbm>> -> memref<128x128xf32, #tpu.memory_space<hbm>>
        tpu.enqueue_dma source(%arg6 : memref<128x128xf32, #tpu.memory_space<vmem>>) target(%dma_start3A_26 : memref<128x128xf32, #tpu.memory_space<hbm>>) target_semaphore(%run_scoped3A : memref<!tpu.dma_semaphore, #tpu.memory_space<semaphore_mem>>)
        %dma_wait3A_27 = arith.constant 0 : i32
        %dma_wait3A_28 = tpu.memref_slice %arg4[%mul3A_21, %dma_wait3A_27] : memref<16384x128xf32, #tpu.memory_space<hbm>> -> memref<128x128xf32, #tpu.memory_space<hbm>>
        %dma_wait3A_29 = arith.constant 0 : i32
        %dma_wait3A_30 = tpu.memref_slice %arg4[%mul3A_21, %dma_wait3A_29] : memref<16384x128xf32, #tpu.memory_space<hbm>> -> memref<128x128xf32, #tpu.memory_space<hbm>>
        tpu.wait_dma2 semaphore(%run_scoped3A : memref<!tpu.dma_semaphore, #tpu.memory_space<semaphore_mem>>) src(%arg6 : memref<128x128xf32, #tpu.memory_space<vmem>>) dst(%dma_wait3A_30 : memref<128x128xf32, #tpu.memory_space<hbm>>)
        tpu.yield
      }) : () -> ()
      %scan3A_22 = arith.constant 0 : i32
      scf.yield %scan3A_22 : i32
    }
    %scan3A_8 = arith.constant 4 : i32
    return
  }
}

#map = affine_map<(d0, d1) -> (0, 0)>
module attributes {stable_mosaic.version = 14 : i64} {
  func.func @_sc_gather_body(%arg0: i32, %arg1: i32, %arg2: memref<32x512xi32, #tpu.memory_space<hbm>>, %arg3: memref<100000x128xf32, #tpu.memory_space<hbm>>, %arg4: memref<16384x128xf32, #tpu.memory_space<hbm>>, %arg5: memref<512xi32, #tpu.memory_space<vmem>>, %arg6: memref<128x128xf32, #tpu.memory_space<vmem>>, %arg7: memref<!tpu.dma_semaphore, #tpu.memory_space<semaphore_mem>>) attributes {dimension_semantics = [#tpu.dimension_semantics<core_parallel>, #tpu.dimension_semantics<subcore_parallel>], iteration_bounds = array<i64: 2, 16>, scalar_prefetch = 0 : i64, scratch_operands = 3 : i64, tpu.core_type = #tpu.core_type<sc_vector_subcore>, window_params = [{transform_indices = #map}, {transform_indices = #map}, {transform_indices = #map}]} {
    %mul3A = arith.constant 2 : i32
    %mul3A_0 = arith.muli %arg1, %mul3A : i32
    %add3A = arith.addi %mul3A_0, %arg0 : i32
    %mul3A_1 = arith.constant 4 : i32
    %mul3A_2 = arith.muli %add3A, %mul3A_1 : i32
    "tpu.region"() ({
      %run_scoped3A = tpu.sem_alloc : memref<!tpu.dma_semaphore, #tpu.memory_space<semaphore_mem>>
      %dma_start3A = arith.constant 0 : i32
      %dma_start3A_9 = tpu.memref_slice %arg2[%add3A, %dma_start3A] : memref<32x512xi32, #tpu.memory_space<hbm>> -> memref<1x512xi32, #tpu.memory_space<hbm>>
      %dma_start3A_10 = tpu.memref_squeeze %dma_start3A_9 : memref<1x512xi32, #tpu.memory_space<hbm>> -> memref<512xi32, #tpu.memory_space<hbm>>
      %dma_start3A_11 = arith.constant 0 : i32
      %dma_start3A_12 = tpu.memref_slice %arg2[%add3A, %dma_start3A_11] : memref<32x512xi32, #tpu.memory_space<hbm>> -> memref<1x512xi32, #tpu.memory_space<hbm>>
      %dma_start3A_13 = tpu.memref_squeeze %dma_start3A_12 : memref<1x512xi32, #tpu.memory_space<hbm>> -> memref<512xi32, #tpu.memory_space<hbm>>
      tpu.enqueue_dma source(%dma_start3A_13 : memref<512xi32, #tpu.memory_space<hbm>>) target(%arg5 : memref<512xi32, #tpu.memory_space<vmem>>) target_semaphore(%run_scoped3A : memref<!tpu.dma_semaphore, #tpu.memory_space<semaphore_mem>>)
      %dma_wait3A = arith.constant 0 : i32
      %dma_wait3A_14 = tpu.memref_slice %arg2[%add3A, %dma_wait3A] : memref<32x512xi32, #tpu.memory_space<hbm>> -> memref<1x512xi32, #tpu.memory_space<hbm>>
      %dma_wait3A_15 = tpu.memref_squeeze %dma_wait3A_14 : memref<1x512xi32, #tpu.memory_space<hbm>> -> memref<512xi32, #tpu.memory_space<hbm>>
      %dma_wait3A_16 = arith.constant 0 : i32
      %dma_wait3A_17 = tpu.memref_slice %arg2[%add3A, %dma_wait3A_16] : memref<32x512xi32, #tpu.memory_space<hbm>> -> memref<1x512xi32, #tpu.memory_space<hbm>>
      %dma_wait3A_18 = tpu.memref_squeeze %dma_wait3A_17 : memref<1x512xi32, #tpu.memory_space<hbm>> -> memref<512xi32, #tpu.memory_space<hbm>>
      tpu.wait_dma2 semaphore(%run_scoped3A : memref<!tpu.dma_semaphore, #tpu.memory_space<semaphore_mem>>) src(%dma_wait3A_18 : memref<512xi32, #tpu.memory_space<hbm>>) dst(%arg5 : memref<512xi32, #tpu.memory_space<vmem>>)
      tpu.yield
    }) : () -> ()
    %scan3A = arith.constant 0 : i32
    %scan3A_3 = arith.constant 0 : i32
    %scan3A_4 = arith.constant 4 : i32
    %scan3A_5 = arith.addi %scan3A_3, %scan3A_4 : i32
    %scan3A_6 = arith.constant 1 : i32
    %scan3A_7 = scf.for %scan3A_9 = %scan3A_3 to %scan3A_5 step %scan3A_6 iter_args(%scan3A_10 = %scan3A) -> (i32)  : i32 {
      %mul3A_11 = arith.constant 128 : i32
      %mul3A_12 = arith.muli %scan3A_9, %mul3A_11 : i32
      %dma_start3A = tpu.memref_slice %arg5[%mul3A_12] : memref<512xi32, #tpu.memory_space<vmem>> -> memref<128xi32, #tpu.memory_space<vmem>>
      %dma_start3A_13 = arith.constant 0 : i32
      %dma_start3A_14 = arith.constant 0 : i32
      %dma_start3A_15 = tpu.memref_slice %arg3[%dma_start3A_13, %dma_start3A_14] : memref<100000x128xf32, #tpu.memory_space<hbm>> -> memref<100000x128xf32, #tpu.memory_space<hbm>>
      tpu.enqueue_indirect_dma source(%dma_start3A_15 : memref<100000x128xf32, #tpu.memory_space<hbm>>) target(%arg6 : memref<128x128xf32, #tpu.memory_space<vmem>>) offsets(%dma_start3A : memref<128xi32, #tpu.memory_space<vmem>>) semaphore(%arg7 : memref<!tpu.dma_semaphore, #tpu.memory_space<semaphore_mem>>)
      %dma_wait3A = tpu.memref_slice %arg5[%mul3A_12] : memref<512xi32, #tpu.memory_space<vmem>> -> memref<128xi32, #tpu.memory_space<vmem>>
      %dma_wait3A_16 = arith.constant 0 : i32
      %dma_wait3A_17 = arith.constant 0 : i32
      %dma_wait3A_18 = tpu.memref_slice %arg3[%dma_wait3A_16, %dma_wait3A_17] : memref<100000x128xf32, #tpu.memory_space<hbm>> -> memref<100000x128xf32, #tpu.memory_space<hbm>>
      tpu.wait_indirect_dma semaphore(%arg7 : memref<!tpu.dma_semaphore, #tpu.memory_space<semaphore_mem>>) src(%dma_wait3A_18 : memref<100000x128xf32, #tpu.memory_space<hbm>>) dst(%arg6 : memref<128x128xf32, #tpu.memory_space<vmem>>)
      %add3A_19 = arith.addi %mul3A_2, %scan3A_9 : i32
      %mul3A_20 = arith.constant 128 : i32
      %mul3A_21 = arith.muli %add3A_19, %mul3A_20 : i32
      "tpu.region"() ({
        %run_scoped3A = tpu.sem_alloc : memref<!tpu.dma_semaphore, #tpu.memory_space<semaphore_mem>>
        %dma_start3A_23 = arith.constant 0 : i32
        %dma_start3A_24 = tpu.memref_slice %arg4[%mul3A_21, %dma_start3A_23] : memref<16384x128xf32, #tpu.memory_space<hbm>> -> memref<128x128xf32, #tpu.memory_space<hbm>>
        %dma_start3A_25 = arith.constant 0 : i32
        %dma_start3A_26 = tpu.memref_slice %arg4[%mul3A_21, %dma_start3A_25] : memref<16384x128xf32, #tpu.memory_space<hbm>> -> memref<128x128xf32, #tpu.memory_space<hbm>>
        tpu.enqueue_dma source(%arg6 : memref<128x128xf32, #tpu.memory_space<vmem>>) target(%dma_start3A_26 : memref<128x128xf32, #tpu.memory_space<hbm>>) target_semaphore(%run_scoped3A : memref<!tpu.dma_semaphore, #tpu.memory_space<semaphore_mem>>)
        %dma_wait3A_27 = arith.constant 0 : i32
        %dma_wait3A_28 = tpu.memref_slice %arg4[%mul3A_21, %dma_wait3A_27] : memref<16384x128xf32, #tpu.memory_space<hbm>> -> memref<128x128xf32, #tpu.memory_space<hbm>>
        %dma_wait3A_29 = arith.constant 0 : i32
        %dma_wait3A_30 = tpu.memref_slice %arg4[%mul3A_21, %dma_wait3A_29] : memref<16384x128xf32, #tpu.memory_space<hbm>> -> memref<128x128xf32, #tpu.memory_space<hbm>>
        tpu.wait_dma2 semaphore(%run_scoped3A : memref<!tpu.dma_semaphore, #tpu.memory_space<semaphore_mem>>) src(%arg6 : memref<128x128xf32, #tpu.memory_space<vmem>>) dst(%dma_wait3A_30 : memref<128x128xf32, #tpu.memory_space<hbm>>)
        tpu.yield
      }) : () -> ()
      %scan3A_22 = arith.constant 0 : i32
      scf.yield %scan3A_22 : i32
    }
    %scan3A_8 = arith.constant 4 : i32
    return
  }
}

#map = affine_map<(d0, d1) -> (0, 0)>
module attributes {stable_mosaic.version = 14 : i64} {
  func.func @_sc_gather_body(%arg0: i32, %arg1: i32, %arg2: memref<32x512xi32, #tpu.memory_space<hbm>>, %arg3: memref<100000x128xf32, #tpu.memory_space<hbm>>, %arg4: memref<16384x128xf32, #tpu.memory_space<hbm>>, %arg5: memref<512xi32, #tpu.memory_space<vmem>>, %arg6: memref<128x128xf32, #tpu.memory_space<vmem>>, %arg7: memref<!tpu.dma_semaphore, #tpu.memory_space<semaphore_mem>>) attributes {dimension_semantics = [#tpu.dimension_semantics<core_parallel>, #tpu.dimension_semantics<subcore_parallel>], iteration_bounds = array<i64: 2, 16>, scalar_prefetch = 0 : i64, scratch_operands = 3 : i64, tpu.core_type = #tpu.core_type<sc_vector_subcore>, window_params = [{transform_indices = #map}, {transform_indices = #map}, {transform_indices = #map}]} {
    %mul3A = arith.constant 2 : i32
    %mul3A_0 = arith.muli %arg1, %mul3A : i32
    %add3A = arith.addi %mul3A_0, %arg0 : i32
    %mul3A_1 = arith.constant 4 : i32
    %mul3A_2 = arith.muli %add3A, %mul3A_1 : i32
    "tpu.region"() ({
      %run_scoped3A = tpu.sem_alloc : memref<!tpu.dma_semaphore, #tpu.memory_space<semaphore_mem>>
      %dma_start3A = arith.constant 0 : i32
      %dma_start3A_9 = tpu.memref_slice %arg2[%add3A, %dma_start3A] : memref<32x512xi32, #tpu.memory_space<hbm>> -> memref<1x512xi32, #tpu.memory_space<hbm>>
      %dma_start3A_10 = tpu.memref_squeeze %dma_start3A_9 : memref<1x512xi32, #tpu.memory_space<hbm>> -> memref<512xi32, #tpu.memory_space<hbm>>
      %dma_start3A_11 = arith.constant 0 : i32
      %dma_start3A_12 = tpu.memref_slice %arg2[%add3A, %dma_start3A_11] : memref<32x512xi32, #tpu.memory_space<hbm>> -> memref<1x512xi32, #tpu.memory_space<hbm>>
      %dma_start3A_13 = tpu.memref_squeeze %dma_start3A_12 : memref<1x512xi32, #tpu.memory_space<hbm>> -> memref<512xi32, #tpu.memory_space<hbm>>
      tpu.enqueue_dma source(%dma_start3A_13 : memref<512xi32, #tpu.memory_space<hbm>>) target(%arg5 : memref<512xi32, #tpu.memory_space<vmem>>) target_semaphore(%run_scoped3A : memref<!tpu.dma_semaphore, #tpu.memory_space<semaphore_mem>>)
      %dma_wait3A = arith.constant 0 : i32
      %dma_wait3A_14 = tpu.memref_slice %arg2[%add3A, %dma_wait3A] : memref<32x512xi32, #tpu.memory_space<hbm>> -> memref<1x512xi32, #tpu.memory_space<hbm>>
      %dma_wait3A_15 = tpu.memref_squeeze %dma_wait3A_14 : memref<1x512xi32, #tpu.memory_space<hbm>> -> memref<512xi32, #tpu.memory_space<hbm>>
      %dma_wait3A_16 = arith.constant 0 : i32
      %dma_wait3A_17 = tpu.memref_slice %arg2[%add3A, %dma_wait3A_16] : memref<32x512xi32, #tpu.memory_space<hbm>> -> memref<1x512xi32, #tpu.memory_space<hbm>>
      %dma_wait3A_18 = tpu.memref_squeeze %dma_wait3A_17 : memref<1x512xi32, #tpu.memory_space<hbm>> -> memref<512xi32, #tpu.memory_space<hbm>>
      tpu.wait_dma2 semaphore(%run_scoped3A : memref<!tpu.dma_semaphore, #tpu.memory_space<semaphore_mem>>) src(%dma_wait3A_18 : memref<512xi32, #tpu.memory_space<hbm>>) dst(%arg5 : memref<512xi32, #tpu.memory_space<vmem>>)
      tpu.yield
    }) : () -> ()
    %scan3A = arith.constant 0 : i32
    %scan3A_3 = arith.constant 0 : i32
    %scan3A_4 = arith.constant 4 : i32
    %scan3A_5 = arith.addi %scan3A_3, %scan3A_4 : i32
    %scan3A_6 = arith.constant 1 : i32
    %scan3A_7 = scf.for %scan3A_9 = %scan3A_3 to %scan3A_5 step %scan3A_6 iter_args(%scan3A_10 = %scan3A) -> (i32)  : i32 {
      %mul3A_11 = arith.constant 128 : i32
      %mul3A_12 = arith.muli %scan3A_9, %mul3A_11 : i32
      %dma_start3A = tpu.memref_slice %arg5[%mul3A_12] : memref<512xi32, #tpu.memory_space<vmem>> -> memref<128xi32, #tpu.memory_space<vmem>>
      %dma_start3A_13 = arith.constant 0 : i32
      %dma_start3A_14 = arith.constant 0 : i32
      %dma_start3A_15 = tpu.memref_slice %arg3[%dma_start3A_13, %dma_start3A_14] : memref<100000x128xf32, #tpu.memory_space<hbm>> -> memref<100000x128xf32, #tpu.memory_space<hbm>>
      tpu.enqueue_indirect_dma source(%dma_start3A_15 : memref<100000x128xf32, #tpu.memory_space<hbm>>) target(%arg6 : memref<128x128xf32, #tpu.memory_space<vmem>>) offsets(%dma_start3A : memref<128xi32, #tpu.memory_space<vmem>>) semaphore(%arg7 : memref<!tpu.dma_semaphore, #tpu.memory_space<semaphore_mem>>)
      %dma_wait3A = tpu.memref_slice %arg5[%mul3A_12] : memref<512xi32, #tpu.memory_space<vmem>> -> memref<128xi32, #tpu.memory_space<vmem>>
      %dma_wait3A_16 = arith.constant 0 : i32
      %dma_wait3A_17 = arith.constant 0 : i32
      %dma_wait3A_18 = tpu.memref_slice %arg3[%dma_wait3A_16, %dma_wait3A_17] : memref<100000x128xf32, #tpu.memory_space<hbm>> -> memref<100000x128xf32, #tpu.memory_space<hbm>>
      tpu.wait_indirect_dma semaphore(%arg7 : memref<!tpu.dma_semaphore, #tpu.memory_space<semaphore_mem>>) src(%dma_wait3A_18 : memref<100000x128xf32, #tpu.memory_space<hbm>>) dst(%arg6 : memref<128x128xf32, #tpu.memory_space<vmem>>)
      %add3A_19 = arith.addi %mul3A_2, %scan3A_9 : i32
      %mul3A_20 = arith.constant 128 : i32
      %mul3A_21 = arith.muli %add3A_19, %mul3A_20 : i32
      "tpu.region"() ({
        %run_scoped3A = tpu.sem_alloc : memref<!tpu.dma_semaphore, #tpu.memory_space<semaphore_mem>>
        %dma_start3A_23 = arith.constant 0 : i32
        %dma_start3A_24 = tpu.memref_slice %arg4[%mul3A_21, %dma_start3A_23] : memref<16384x128xf32, #tpu.memory_space<hbm>> -> memref<128x128xf32, #tpu.memory_space<hbm>>
        %dma_start3A_25 = arith.constant 0 : i32
        %dma_start3A_26 = tpu.memref_slice %arg4[%mul3A_21, %dma_start3A_25] : memref<16384x128xf32, #tpu.memory_space<hbm>> -> memref<128x128xf32, #tpu.memory_space<hbm>>
        tpu.enqueue_dma source(%arg6 : memref<128x128xf32, #tpu.memory_space<vmem>>) target(%dma_start3A_26 : memref<128x128xf32, #tpu.memory_space<hbm>>) target_semaphore(%run_scoped3A : memref<!tpu.dma_semaphore, #tpu.memory_space<semaphore_mem>>)
        %dma_wait3A_27 = arith.constant 0 : i32
        %dma_wait3A_28 = tpu.memref_slice %arg4[%mul3A_21, %dma_wait3A_27] : memref<16384x128xf32, #tpu.memory_space<hbm>> -> memref<128x128xf32, #tpu.memory_space<hbm>>
        %dma_wait3A_29 = arith.constant 0 : i32
        %dma_wait3A_30 = tpu.memref_slice %arg4[%mul3A_21, %dma_wait3A_29] : memref<16384x128xf32, #tpu.memory_space<hbm>> -> memref<128x128xf32, #tpu.memory_space<hbm>>
        tpu.wait_dma2 semaphore(%run_scoped3A : memref<!tpu.dma_semaphore, #tpu.memory_space<semaphore_mem>>) src(%arg6 : memref<128x128xf32, #tpu.memory_space<vmem>>) dst(%dma_wait3A_30 : memref<128x128xf32, #tpu.memory_space<hbm>>)
        tpu.yield
      }) : () -> ()
      %scan3A_22 = arith.constant 0 : i32
      scf.yield %scan3A_22 : i32
    }
    %scan3A_8 = arith.constant 4 : i32
    return
  }
}

#map = affine_map<(d0, d1) -> (0, 0)>
module attributes {stable_mosaic.version = 14 : i64} {
  func.func @_sc_gather_body(%arg0: i32, %arg1: i32, %arg2: memref<32x512xi32, #tpu.memory_space<hbm>>, %arg3: memref<100000x128xf32, #tpu.memory_space<hbm>>, %arg4: memref<16384x128xf32, #tpu.memory_space<hbm>>, %arg5: memref<512xi32, #tpu.memory_space<vmem>>, %arg6: memref<128x128xf32, #tpu.memory_space<vmem>>, %arg7: memref<!tpu.dma_semaphore, #tpu.memory_space<semaphore_mem>>) attributes {dimension_semantics = [#tpu.dimension_semantics<core_parallel>, #tpu.dimension_semantics<subcore_parallel>], iteration_bounds = array<i64: 2, 16>, scalar_prefetch = 0 : i64, scratch_operands = 3 : i64, tpu.core_type = #tpu.core_type<sc_vector_subcore>, window_params = [{transform_indices = #map}, {transform_indices = #map}, {transform_indices = #map}]} {
    %mul3A = arith.constant 2 : i32
    %mul3A_0 = arith.muli %arg1, %mul3A : i32
    %add3A = arith.addi %mul3A_0, %arg0 : i32
    %mul3A_1 = arith.constant 4 : i32
    %mul3A_2 = arith.muli %add3A, %mul3A_1 : i32
    "tpu.region"() ({
      %run_scoped3A = tpu.sem_alloc : memref<!tpu.dma_semaphore, #tpu.memory_space<semaphore_mem>>
      %dma_start3A = arith.constant 0 : i32
      %dma_start3A_9 = tpu.memref_slice %arg2[%add3A, %dma_start3A] : memref<32x512xi32, #tpu.memory_space<hbm>> -> memref<1x512xi32, #tpu.memory_space<hbm>>
      %dma_start3A_10 = tpu.memref_squeeze %dma_start3A_9 : memref<1x512xi32, #tpu.memory_space<hbm>> -> memref<512xi32, #tpu.memory_space<hbm>>
      %dma_start3A_11 = arith.constant 0 : i32
      %dma_start3A_12 = tpu.memref_slice %arg2[%add3A, %dma_start3A_11] : memref<32x512xi32, #tpu.memory_space<hbm>> -> memref<1x512xi32, #tpu.memory_space<hbm>>
      %dma_start3A_13 = tpu.memref_squeeze %dma_start3A_12 : memref<1x512xi32, #tpu.memory_space<hbm>> -> memref<512xi32, #tpu.memory_space<hbm>>
      tpu.enqueue_dma source(%dma_start3A_13 : memref<512xi32, #tpu.memory_space<hbm>>) target(%arg5 : memref<512xi32, #tpu.memory_space<vmem>>) target_semaphore(%run_scoped3A : memref<!tpu.dma_semaphore, #tpu.memory_space<semaphore_mem>>)
      %dma_wait3A = arith.constant 0 : i32
      %dma_wait3A_14 = tpu.memref_slice %arg2[%add3A, %dma_wait3A] : memref<32x512xi32, #tpu.memory_space<hbm>> -> memref<1x512xi32, #tpu.memory_space<hbm>>
      %dma_wait3A_15 = tpu.memref_squeeze %dma_wait3A_14 : memref<1x512xi32, #tpu.memory_space<hbm>> -> memref<512xi32, #tpu.memory_space<hbm>>
      %dma_wait3A_16 = arith.constant 0 : i32
      %dma_wait3A_17 = tpu.memref_slice %arg2[%add3A, %dma_wait3A_16] : memref<32x512xi32, #tpu.memory_space<hbm>> -> memref<1x512xi32, #tpu.memory_space<hbm>>
      %dma_wait3A_18 = tpu.memref_squeeze %dma_wait3A_17 : memref<1x512xi32, #tpu.memory_space<hbm>> -> memref<512xi32, #tpu.memory_space<hbm>>
      tpu.wait_dma2 semaphore(%run_scoped3A : memref<!tpu.dma_semaphore, #tpu.memory_space<semaphore_mem>>) src(%dma_wait3A_18 : memref<512xi32, #tpu.memory_space<hbm>>) dst(%arg5 : memref<512xi32, #tpu.memory_space<vmem>>)
      tpu.yield
    }) : () -> ()
    %scan3A = arith.constant 0 : i32
    %scan3A_3 = arith.constant 0 : i32
    %scan3A_4 = arith.constant 4 : i32
    %scan3A_5 = arith.addi %scan3A_3, %scan3A_4 : i32
    %scan3A_6 = arith.constant 1 : i32
    %scan3A_7 = scf.for %scan3A_9 = %scan3A_3 to %scan3A_5 step %scan3A_6 iter_args(%scan3A_10 = %scan3A) -> (i32)  : i32 {
      %mul3A_11 = arith.constant 128 : i32
      %mul3A_12 = arith.muli %scan3A_9, %mul3A_11 : i32
      %dma_start3A = tpu.memref_slice %arg5[%mul3A_12] : memref<512xi32, #tpu.memory_space<vmem>> -> memref<128xi32, #tpu.memory_space<vmem>>
      %dma_start3A_13 = arith.constant 0 : i32
      %dma_start3A_14 = arith.constant 0 : i32
      %dma_start3A_15 = tpu.memref_slice %arg3[%dma_start3A_13, %dma_start3A_14] : memref<100000x128xf32, #tpu.memory_space<hbm>> -> memref<100000x128xf32, #tpu.memory_space<hbm>>
      tpu.enqueue_indirect_dma source(%dma_start3A_15 : memref<100000x128xf32, #tpu.memory_space<hbm>>) target(%arg6 : memref<128x128xf32, #tpu.memory_space<vmem>>) offsets(%dma_start3A : memref<128xi32, #tpu.memory_space<vmem>>) semaphore(%arg7 : memref<!tpu.dma_semaphore, #tpu.memory_space<semaphore_mem>>)
      %dma_wait3A = tpu.memref_slice %arg5[%mul3A_12] : memref<512xi32, #tpu.memory_space<vmem>> -> memref<128xi32, #tpu.memory_space<vmem>>
      %dma_wait3A_16 = arith.constant 0 : i32
      %dma_wait3A_17 = arith.constant 0 : i32
      %dma_wait3A_18 = tpu.memref_slice %arg3[%dma_wait3A_16, %dma_wait3A_17] : memref<100000x128xf32, #tpu.memory_space<hbm>> -> memref<100000x128xf32, #tpu.memory_space<hbm>>
      tpu.wait_indirect_dma semaphore(%arg7 : memref<!tpu.dma_semaphore, #tpu.memory_space<semaphore_mem>>) src(%dma_wait3A_18 : memref<100000x128xf32, #tpu.memory_space<hbm>>) dst(%arg6 : memref<128x128xf32, #tpu.memory_space<vmem>>)
      %add3A_19 = arith.addi %mul3A_2, %scan3A_9 : i32
      %mul3A_20 = arith.constant 128 : i32
      %mul3A_21 = arith.muli %add3A_19, %mul3A_20 : i32
      "tpu.region"() ({
        %run_scoped3A = tpu.sem_alloc : memref<!tpu.dma_semaphore, #tpu.memory_space<semaphore_mem>>
        %dma_start3A_23 = arith.constant 0 : i32
        %dma_start3A_24 = tpu.memref_slice %arg4[%mul3A_21, %dma_start3A_23] : memref<16384x128xf32, #tpu.memory_space<hbm>> -> memref<128x128xf32, #tpu.memory_space<hbm>>
        %dma_start3A_25 = arith.constant 0 : i32
        %dma_start3A_26 = tpu.memref_slice %arg4[%mul3A_21, %dma_start3A_25] : memref<16384x128xf32, #tpu.memory_space<hbm>> -> memref<128x128xf32, #tpu.memory_space<hbm>>
        tpu.enqueue_dma source(%arg6 : memref<128x128xf32, #tpu.memory_space<vmem>>) target(%dma_start3A_26 : memref<128x128xf32, #tpu.memory_space<hbm>>) target_semaphore(%run_scoped3A : memref<!tpu.dma_semaphore, #tpu.memory_space<semaphore_mem>>)
        %dma_wait3A_27 = arith.constant 0 : i32
        %dma_wait3A_28 = tpu.memref_slice %arg4[%mul3A_21, %dma_wait3A_27] : memref<16384x128xf32, #tpu.memory_space<hbm>> -> memref<128x128xf32, #tpu.memory_space<hbm>>
        %dma_wait3A_29 = arith.constant 0 : i32
        %dma_wait3A_30 = tpu.memref_slice %arg4[%mul3A_21, %dma_wait3A_29] : memref<16384x128xf32, #tpu.memory_space<hbm>> -> memref<128x128xf32, #tpu.memory_space<hbm>>
        tpu.wait_dma2 semaphore(%run_scoped3A : memref<!tpu.dma_semaphore, #tpu.memory_space<semaphore_mem>>) src(%arg6 : memref<128x128xf32, #tpu.memory_space<vmem>>) dst(%dma_wait3A_30 : memref<128x128xf32, #tpu.memory_space<hbm>>)
        tpu.yield
      }) : () -> ()
      %scan3A_22 = arith.constant 0 : i32
      scf.yield %scan3A_22 : i32
    }
    %scan3A_8 = arith.constant 4 : i32
    return
  }
}

#map = affine_map<(d0, d1) -> (0, 0)>
module attributes {stable_mosaic.version = 14 : i64} {
  func.func @_sc_gather_body(%arg0: i32, %arg1: i32, %arg2: memref<32x512xi32, #tpu.memory_space<hbm>>, %arg3: memref<100000x128xf32, #tpu.memory_space<hbm>>, %arg4: memref<16384x128xf32, #tpu.memory_space<hbm>>, %arg5: memref<512xi32, #tpu.memory_space<vmem>>, %arg6: memref<128x128xf32, #tpu.memory_space<vmem>>, %arg7: memref<!tpu.dma_semaphore, #tpu.memory_space<semaphore_mem>>) attributes {dimension_semantics = [#tpu.dimension_semantics<core_parallel>, #tpu.dimension_semantics<subcore_parallel>], iteration_bounds = array<i64: 2, 16>, scalar_prefetch = 0 : i64, scratch_operands = 3 : i64, tpu.core_type = #tpu.core_type<sc_vector_subcore>, window_params = [{transform_indices = #map}, {transform_indices = #map}, {transform_indices = #map}]} {
    %mul3A = arith.constant 2 : i32
    %mul3A_0 = arith.muli %arg1, %mul3A : i32
    %add3A = arith.addi %mul3A_0, %arg0 : i32
    %mul3A_1 = arith.constant 4 : i32
    %mul3A_2 = arith.muli %add3A, %mul3A_1 : i32
    "tpu.region"() ({
      %run_scoped3A = tpu.sem_alloc : memref<!tpu.dma_semaphore, #tpu.memory_space<semaphore_mem>>
      %dma_start3A = arith.constant 0 : i32
      %dma_start3A_9 = tpu.memref_slice %arg2[%add3A, %dma_start3A] : memref<32x512xi32, #tpu.memory_space<hbm>> -> memref<1x512xi32, #tpu.memory_space<hbm>>
      %dma_start3A_10 = tpu.memref_squeeze %dma_start3A_9 : memref<1x512xi32, #tpu.memory_space<hbm>> -> memref<512xi32, #tpu.memory_space<hbm>>
      %dma_start3A_11 = arith.constant 0 : i32
      %dma_start3A_12 = tpu.memref_slice %arg2[%add3A, %dma_start3A_11] : memref<32x512xi32, #tpu.memory_space<hbm>> -> memref<1x512xi32, #tpu.memory_space<hbm>>
      %dma_start3A_13 = tpu.memref_squeeze %dma_start3A_12 : memref<1x512xi32, #tpu.memory_space<hbm>> -> memref<512xi32, #tpu.memory_space<hbm>>
      tpu.enqueue_dma source(%dma_start3A_13 : memref<512xi32, #tpu.memory_space<hbm>>) target(%arg5 : memref<512xi32, #tpu.memory_space<vmem>>) target_semaphore(%run_scoped3A : memref<!tpu.dma_semaphore, #tpu.memory_space<semaphore_mem>>)
      %dma_wait3A = arith.constant 0 : i32
      %dma_wait3A_14 = tpu.memref_slice %arg2[%add3A, %dma_wait3A] : memref<32x512xi32, #tpu.memory_space<hbm>> -> memref<1x512xi32, #tpu.memory_space<hbm>>
      %dma_wait3A_15 = tpu.memref_squeeze %dma_wait3A_14 : memref<1x512xi32, #tpu.memory_space<hbm>> -> memref<512xi32, #tpu.memory_space<hbm>>
      %dma_wait3A_16 = arith.constant 0 : i32
      %dma_wait3A_17 = tpu.memref_slice %arg2[%add3A, %dma_wait3A_16] : memref<32x512xi32, #tpu.memory_space<hbm>> -> memref<1x512xi32, #tpu.memory_space<hbm>>
      %dma_wait3A_18 = tpu.memref_squeeze %dma_wait3A_17 : memref<1x512xi32, #tpu.memory_space<hbm>> -> memref<512xi32, #tpu.memory_space<hbm>>
      tpu.wait_dma2 semaphore(%run_scoped3A : memref<!tpu.dma_semaphore, #tpu.memory_space<semaphore_mem>>) src(%dma_wait3A_18 : memref<512xi32, #tpu.memory_space<hbm>>) dst(%arg5 : memref<512xi32, #tpu.memory_space<vmem>>)
      tpu.yield
    }) : () -> ()
    %scan3A = arith.constant 0 : i32
    %scan3A_3 = arith.constant 0 : i32
    %scan3A_4 = arith.constant 4 : i32
    %scan3A_5 = arith.addi %scan3A_3, %scan3A_4 : i32
    %scan3A_6 = arith.constant 1 : i32
    %scan3A_7 = scf.for %scan3A_9 = %scan3A_3 to %scan3A_5 step %scan3A_6 iter_args(%scan3A_10 = %scan3A) -> (i32)  : i32 {
      %mul3A_11 = arith.constant 128 : i32
      %mul3A_12 = arith.muli %scan3A_9, %mul3A_11 : i32
      %dma_start3A = tpu.memref_slice %arg5[%mul3A_12] : memref<512xi32, #tpu.memory_space<vmem>> -> memref<128xi32, #tpu.memory_space<vmem>>
      %dma_start3A_13 = arith.constant 0 : i32
      %dma_start3A_14 = arith.constant 0 : i32
      %dma_start3A_15 = tpu.memref_slice %arg3[%dma_start3A_13, %dma_start3A_14] : memref<100000x128xf32, #tpu.memory_space<hbm>> -> memref<100000x128xf32, #tpu.memory_space<hbm>>
      tpu.enqueue_indirect_dma source(%dma_start3A_15 : memref<100000x128xf32, #tpu.memory_space<hbm>>) target(%arg6 : memref<128x128xf32, #tpu.memory_space<vmem>>) offsets(%dma_start3A : memref<128xi32, #tpu.memory_space<vmem>>) semaphore(%arg7 : memref<!tpu.dma_semaphore, #tpu.memory_space<semaphore_mem>>)
      %dma_wait3A = tpu.memref_slice %arg5[%mul3A_12] : memref<512xi32, #tpu.memory_space<vmem>> -> memref<128xi32, #tpu.memory_space<vmem>>
      %dma_wait3A_16 = arith.constant 0 : i32
      %dma_wait3A_17 = arith.constant 0 : i32
      %dma_wait3A_18 = tpu.memref_slice %arg3[%dma_wait3A_16, %dma_wait3A_17] : memref<100000x128xf32, #tpu.memory_space<hbm>> -> memref<100000x128xf32, #tpu.memory_space<hbm>>
      tpu.wait_indirect_dma semaphore(%arg7 : memref<!tpu.dma_semaphore, #tpu.memory_space<semaphore_mem>>) src(%dma_wait3A_18 : memref<100000x128xf32, #tpu.memory_space<hbm>>) dst(%arg6 : memref<128x128xf32, #tpu.memory_space<vmem>>)
      %add3A_19 = arith.addi %mul3A_2, %scan3A_9 : i32
      %mul3A_20 = arith.constant 128 : i32
      %mul3A_21 = arith.muli %add3A_19, %mul3A_20 : i32
      "tpu.region"() ({
        %run_scoped3A = tpu.sem_alloc : memref<!tpu.dma_semaphore, #tpu.memory_space<semaphore_mem>>
        %dma_start3A_23 = arith.constant 0 : i32
        %dma_start3A_24 = tpu.memref_slice %arg4[%mul3A_21, %dma_start3A_23] : memref<16384x128xf32, #tpu.memory_space<hbm>> -> memref<128x128xf32, #tpu.memory_space<hbm>>
        %dma_start3A_25 = arith.constant 0 : i32
        %dma_start3A_26 = tpu.memref_slice %arg4[%mul3A_21, %dma_start3A_25] : memref<16384x128xf32, #tpu.memory_space<hbm>> -> memref<128x128xf32, #tpu.memory_space<hbm>>
        tpu.enqueue_dma source(%arg6 : memref<128x128xf32, #tpu.memory_space<vmem>>) target(%dma_start3A_26 : memref<128x128xf32, #tpu.memory_space<hbm>>) target_semaphore(%run_scoped3A : memref<!tpu.dma_semaphore, #tpu.memory_space<semaphore_mem>>)
        %dma_wait3A_27 = arith.constant 0 : i32
        %dma_wait3A_28 = tpu.memref_slice %arg4[%mul3A_21, %dma_wait3A_27] : memref<16384x128xf32, #tpu.memory_space<hbm>> -> memref<128x128xf32, #tpu.memory_space<hbm>>
        %dma_wait3A_29 = arith.constant 0 : i32
        %dma_wait3A_30 = tpu.memref_slice %arg4[%mul3A_21, %dma_wait3A_29] : memref<16384x128xf32, #tpu.memory_space<hbm>> -> memref<128x128xf32, #tpu.memory_space<hbm>>
        tpu.wait_dma2 semaphore(%run_scoped3A : memref<!tpu.dma_semaphore, #tpu.memory_space<semaphore_mem>>) src(%arg6 : memref<128x128xf32, #tpu.memory_space<vmem>>) dst(%dma_wait3A_30 : memref<128x128xf32, #tpu.memory_space<hbm>>)
        tpu.yield
      }) : () -> ()
      %scan3A_22 = arith.constant 0 : i32
      scf.yield %scan3A_22 : i32
    }
    %scan3A_8 = arith.constant 4 : i32
    return
  }
}

#map = affine_map<(d0, d1) -> (0, 0)>
module attributes {stable_mosaic.version = 14 : i64} {
  func.func @_sc_gather_body(%arg0: i32, %arg1: i32, %arg2: memref<32x512xi32, #tpu.memory_space<hbm>>, %arg3: memref<100000x128xf32, #tpu.memory_space<hbm>>, %arg4: memref<16384x128xf32, #tpu.memory_space<hbm>>, %arg5: memref<512xi32, #tpu.memory_space<vmem>>, %arg6: memref<128x128xf32, #tpu.memory_space<vmem>>, %arg7: memref<!tpu.dma_semaphore, #tpu.memory_space<semaphore_mem>>) attributes {dimension_semantics = [#tpu.dimension_semantics<core_parallel>, #tpu.dimension_semantics<subcore_parallel>], iteration_bounds = array<i64: 2, 16>, scalar_prefetch = 0 : i64, scratch_operands = 3 : i64, tpu.core_type = #tpu.core_type<sc_vector_subcore>, window_params = [{transform_indices = #map}, {transform_indices = #map}, {transform_indices = #map}]} {
    %mul3A = arith.constant 2 : i32
    %mul3A_0 = arith.muli %arg1, %mul3A : i32
    %add3A = arith.addi %mul3A_0, %arg0 : i32
    %mul3A_1 = arith.constant 4 : i32
    %mul3A_2 = arith.muli %add3A, %mul3A_1 : i32
    "tpu.region"() ({
      %run_scoped3A = tpu.sem_alloc : memref<!tpu.dma_semaphore, #tpu.memory_space<semaphore_mem>>
      %dma_start3A = arith.constant 0 : i32
      %dma_start3A_9 = tpu.memref_slice %arg2[%add3A, %dma_start3A] : memref<32x512xi32, #tpu.memory_space<hbm>> -> memref<1x512xi32, #tpu.memory_space<hbm>>
      %dma_start3A_10 = tpu.memref_squeeze %dma_start3A_9 : memref<1x512xi32, #tpu.memory_space<hbm>> -> memref<512xi32, #tpu.memory_space<hbm>>
      %dma_start3A_11 = arith.constant 0 : i32
      %dma_start3A_12 = tpu.memref_slice %arg2[%add3A, %dma_start3A_11] : memref<32x512xi32, #tpu.memory_space<hbm>> -> memref<1x512xi32, #tpu.memory_space<hbm>>
      %dma_start3A_13 = tpu.memref_squeeze %dma_start3A_12 : memref<1x512xi32, #tpu.memory_space<hbm>> -> memref<512xi32, #tpu.memory_space<hbm>>
      tpu.enqueue_dma source(%dma_start3A_13 : memref<512xi32, #tpu.memory_space<hbm>>) target(%arg5 : memref<512xi32, #tpu.memory_space<vmem>>) target_semaphore(%run_scoped3A : memref<!tpu.dma_semaphore, #tpu.memory_space<semaphore_mem>>)
      %dma_wait3A = arith.constant 0 : i32
      %dma_wait3A_14 = tpu.memref_slice %arg2[%add3A, %dma_wait3A] : memref<32x512xi32, #tpu.memory_space<hbm>> -> memref<1x512xi32, #tpu.memory_space<hbm>>
      %dma_wait3A_15 = tpu.memref_squeeze %dma_wait3A_14 : memref<1x512xi32, #tpu.memory_space<hbm>> -> memref<512xi32, #tpu.memory_space<hbm>>
      %dma_wait3A_16 = arith.constant 0 : i32
      %dma_wait3A_17 = tpu.memref_slice %arg2[%add3A, %dma_wait3A_16] : memref<32x512xi32, #tpu.memory_space<hbm>> -> memref<1x512xi32, #tpu.memory_space<hbm>>
      %dma_wait3A_18 = tpu.memref_squeeze %dma_wait3A_17 : memref<1x512xi32, #tpu.memory_space<hbm>> -> memref<512xi32, #tpu.memory_space<hbm>>
      tpu.wait_dma2 semaphore(%run_scoped3A : memref<!tpu.dma_semaphore, #tpu.memory_space<semaphore_mem>>) src(%dma_wait3A_18 : memref<512xi32, #tpu.memory_space<hbm>>) dst(%arg5 : memref<512xi32, #tpu.memory_space<vmem>>)
      tpu.yield
    }) : () -> ()
    %scan3A = arith.constant 0 : i32
    %scan3A_3 = arith.constant 0 : i32
    %scan3A_4 = arith.constant 4 : i32
    %scan3A_5 = arith.addi %scan3A_3, %scan3A_4 : i32
    %scan3A_6 = arith.constant 1 : i32
    %scan3A_7 = scf.for %scan3A_9 = %scan3A_3 to %scan3A_5 step %scan3A_6 iter_args(%scan3A_10 = %scan3A) -> (i32)  : i32 {
      %mul3A_11 = arith.constant 128 : i32
      %mul3A_12 = arith.muli %scan3A_9, %mul3A_11 : i32
      %dma_start3A = tpu.memref_slice %arg5[%mul3A_12] : memref<512xi32, #tpu.memory_space<vmem>> -> memref<128xi32, #tpu.memory_space<vmem>>
      %dma_start3A_13 = arith.constant 0 : i32
      %dma_start3A_14 = arith.constant 0 : i32
      %dma_start3A_15 = tpu.memref_slice %arg3[%dma_start3A_13, %dma_start3A_14] : memref<100000x128xf32, #tpu.memory_space<hbm>> -> memref<100000x128xf32, #tpu.memory_space<hbm>>
      tpu.enqueue_indirect_dma source(%dma_start3A_15 : memref<100000x128xf32, #tpu.memory_space<hbm>>) target(%arg6 : memref<128x128xf32, #tpu.memory_space<vmem>>) offsets(%dma_start3A : memref<128xi32, #tpu.memory_space<vmem>>) semaphore(%arg7 : memref<!tpu.dma_semaphore, #tpu.memory_space<semaphore_mem>>)
      %dma_wait3A = tpu.memref_slice %arg5[%mul3A_12] : memref<512xi32, #tpu.memory_space<vmem>> -> memref<128xi32, #tpu.memory_space<vmem>>
      %dma_wait3A_16 = arith.constant 0 : i32
      %dma_wait3A_17 = arith.constant 0 : i32
      %dma_wait3A_18 = tpu.memref_slice %arg3[%dma_wait3A_16, %dma_wait3A_17] : memref<100000x128xf32, #tpu.memory_space<hbm>> -> memref<100000x128xf32, #tpu.memory_space<hbm>>
      tpu.wait_indirect_dma semaphore(%arg7 : memref<!tpu.dma_semaphore, #tpu.memory_space<semaphore_mem>>) src(%dma_wait3A_18 : memref<100000x128xf32, #tpu.memory_space<hbm>>) dst(%arg6 : memref<128x128xf32, #tpu.memory_space<vmem>>)
      %add3A_19 = arith.addi %mul3A_2, %scan3A_9 : i32
      %mul3A_20 = arith.constant 128 : i32
      %mul3A_21 = arith.muli %add3A_19, %mul3A_20 : i32
      "tpu.region"() ({
        %run_scoped3A = tpu.sem_alloc : memref<!tpu.dma_semaphore, #tpu.memory_space<semaphore_mem>>
        %dma_start3A_23 = arith.constant 0 : i32
        %dma_start3A_24 = tpu.memref_slice %arg4[%mul3A_21, %dma_start3A_23] : memref<16384x128xf32, #tpu.memory_space<hbm>> -> memref<128x128xf32, #tpu.memory_space<hbm>>
        %dma_start3A_25 = arith.constant 0 : i32
        %dma_start3A_26 = tpu.memref_slice %arg4[%mul3A_21, %dma_start3A_25] : memref<16384x128xf32, #tpu.memory_space<hbm>> -> memref<128x128xf32, #tpu.memory_space<hbm>>
        tpu.enqueue_dma source(%arg6 : memref<128x128xf32, #tpu.memory_space<vmem>>) target(%dma_start3A_26 : memref<128x128xf32, #tpu.memory_space<hbm>>) target_semaphore(%run_scoped3A : memref<!tpu.dma_semaphore, #tpu.memory_space<semaphore_mem>>)
        %dma_wait3A_27 = arith.constant 0 : i32
        %dma_wait3A_28 = tpu.memref_slice %arg4[%mul3A_21, %dma_wait3A_27] : memref<16384x128xf32, #tpu.memory_space<hbm>> -> memref<128x128xf32, #tpu.memory_space<hbm>>
        %dma_wait3A_29 = arith.constant 0 : i32
        %dma_wait3A_30 = tpu.memref_slice %arg4[%mul3A_21, %dma_wait3A_29] : memref<16384x128xf32, #tpu.memory_space<hbm>> -> memref<128x128xf32, #tpu.memory_space<hbm>>
        tpu.wait_dma2 semaphore(%run_scoped3A : memref<!tpu.dma_semaphore, #tpu.memory_space<semaphore_mem>>) src(%arg6 : memref<128x128xf32, #tpu.memory_space<vmem>>) dst(%dma_wait3A_30 : memref<128x128xf32, #tpu.memory_space<hbm>>)
        tpu.yield
      }) : () -> ()
      %scan3A_22 = arith.constant 0 : i32
      scf.yield %scan3A_22 : i32
    }
    %scan3A_8 = arith.constant 4 : i32
    return
  }
}

#map = affine_map<(d0, d1) -> (0, 0)>
module attributes {stable_mosaic.version = 14 : i64} {
  func.func @_sc_gather_body(%arg0: i32, %arg1: i32, %arg2: memref<32x512xi32, #tpu.memory_space<hbm>>, %arg3: memref<100000x128xf32, #tpu.memory_space<hbm>>, %arg4: memref<16384x128xf32, #tpu.memory_space<hbm>>, %arg5: memref<512xi32, #tpu.memory_space<vmem>>, %arg6: memref<128x128xf32, #tpu.memory_space<vmem>>, %arg7: memref<!tpu.dma_semaphore, #tpu.memory_space<semaphore_mem>>) attributes {dimension_semantics = [#tpu.dimension_semantics<core_parallel>, #tpu.dimension_semantics<subcore_parallel>], iteration_bounds = array<i64: 2, 16>, scalar_prefetch = 0 : i64, scratch_operands = 3 : i64, tpu.core_type = #tpu.core_type<sc_vector_subcore>, window_params = [{transform_indices = #map}, {transform_indices = #map}, {transform_indices = #map}]} {
    %mul3A = arith.constant 2 : i32
    %mul3A_0 = arith.muli %arg1, %mul3A : i32
    %add3A = arith.addi %mul3A_0, %arg0 : i32
    %mul3A_1 = arith.constant 4 : i32
    %mul3A_2 = arith.muli %add3A, %mul3A_1 : i32
    "tpu.region"() ({
      %run_scoped3A = tpu.sem_alloc : memref<!tpu.dma_semaphore, #tpu.memory_space<semaphore_mem>>
      %dma_start3A = arith.constant 0 : i32
      %dma_start3A_9 = tpu.memref_slice %arg2[%add3A, %dma_start3A] : memref<32x512xi32, #tpu.memory_space<hbm>> -> memref<1x512xi32, #tpu.memory_space<hbm>>
      %dma_start3A_10 = tpu.memref_squeeze %dma_start3A_9 : memref<1x512xi32, #tpu.memory_space<hbm>> -> memref<512xi32, #tpu.memory_space<hbm>>
      %dma_start3A_11 = arith.constant 0 : i32
      %dma_start3A_12 = tpu.memref_slice %arg2[%add3A, %dma_start3A_11] : memref<32x512xi32, #tpu.memory_space<hbm>> -> memref<1x512xi32, #tpu.memory_space<hbm>>
      %dma_start3A_13 = tpu.memref_squeeze %dma_start3A_12 : memref<1x512xi32, #tpu.memory_space<hbm>> -> memref<512xi32, #tpu.memory_space<hbm>>
      tpu.enqueue_dma source(%dma_start3A_13 : memref<512xi32, #tpu.memory_space<hbm>>) target(%arg5 : memref<512xi32, #tpu.memory_space<vmem>>) target_semaphore(%run_scoped3A : memref<!tpu.dma_semaphore, #tpu.memory_space<semaphore_mem>>)
      %dma_wait3A = arith.constant 0 : i32
      %dma_wait3A_14 = tpu.memref_slice %arg2[%add3A, %dma_wait3A] : memref<32x512xi32, #tpu.memory_space<hbm>> -> memref<1x512xi32, #tpu.memory_space<hbm>>
      %dma_wait3A_15 = tpu.memref_squeeze %dma_wait3A_14 : memref<1x512xi32, #tpu.memory_space<hbm>> -> memref<512xi32, #tpu.memory_space<hbm>>
      %dma_wait3A_16 = arith.constant 0 : i32
      %dma_wait3A_17 = tpu.memref_slice %arg2[%add3A, %dma_wait3A_16] : memref<32x512xi32, #tpu.memory_space<hbm>> -> memref<1x512xi32, #tpu.memory_space<hbm>>
      %dma_wait3A_18 = tpu.memref_squeeze %dma_wait3A_17 : memref<1x512xi32, #tpu.memory_space<hbm>> -> memref<512xi32, #tpu.memory_space<hbm>>
      tpu.wait_dma2 semaphore(%run_scoped3A : memref<!tpu.dma_semaphore, #tpu.memory_space<semaphore_mem>>) src(%dma_wait3A_18 : memref<512xi32, #tpu.memory_space<hbm>>) dst(%arg5 : memref<512xi32, #tpu.memory_space<vmem>>)
      tpu.yield
    }) : () -> ()
    %scan3A = arith.constant 0 : i32
    %scan3A_3 = arith.constant 0 : i32
    %scan3A_4 = arith.constant 4 : i32
    %scan3A_5 = arith.addi %scan3A_3, %scan3A_4 : i32
    %scan3A_6 = arith.constant 1 : i32
    %scan3A_7 = scf.for %scan3A_9 = %scan3A_3 to %scan3A_5 step %scan3A_6 iter_args(%scan3A_10 = %scan3A) -> (i32)  : i32 {
      %mul3A_11 = arith.constant 128 : i32
      %mul3A_12 = arith.muli %scan3A_9, %mul3A_11 : i32
      %dma_start3A = tpu.memref_slice %arg5[%mul3A_12] : memref<512xi32, #tpu.memory_space<vmem>> -> memref<128xi32, #tpu.memory_space<vmem>>
      %dma_start3A_13 = arith.constant 0 : i32
      %dma_start3A_14 = arith.constant 0 : i32
      %dma_start3A_15 = tpu.memref_slice %arg3[%dma_start3A_13, %dma_start3A_14] : memref<100000x128xf32, #tpu.memory_space<hbm>> -> memref<100000x128xf32, #tpu.memory_space<hbm>>
      tpu.enqueue_indirect_dma source(%dma_start3A_15 : memref<100000x128xf32, #tpu.memory_space<hbm>>) target(%arg6 : memref<128x128xf32, #tpu.memory_space<vmem>>) offsets(%dma_start3A : memref<128xi32, #tpu.memory_space<vmem>>) semaphore(%arg7 : memref<!tpu.dma_semaphore, #tpu.memory_space<semaphore_mem>>)
      %dma_wait3A = tpu.memref_slice %arg5[%mul3A_12] : memref<512xi32, #tpu.memory_space<vmem>> -> memref<128xi32, #tpu.memory_space<vmem>>
      %dma_wait3A_16 = arith.constant 0 : i32
      %dma_wait3A_17 = arith.constant 0 : i32
      %dma_wait3A_18 = tpu.memref_slice %arg3[%dma_wait3A_16, %dma_wait3A_17] : memref<100000x128xf32, #tpu.memory_space<hbm>> -> memref<100000x128xf32, #tpu.memory_space<hbm>>
      tpu.wait_indirect_dma semaphore(%arg7 : memref<!tpu.dma_semaphore, #tpu.memory_space<semaphore_mem>>) src(%dma_wait3A_18 : memref<100000x128xf32, #tpu.memory_space<hbm>>) dst(%arg6 : memref<128x128xf32, #tpu.memory_space<vmem>>)
      %add3A_19 = arith.addi %mul3A_2, %scan3A_9 : i32
      %mul3A_20 = arith.constant 128 : i32
      %mul3A_21 = arith.muli %add3A_19, %mul3A_20 : i32
      "tpu.region"() ({
        %run_scoped3A = tpu.sem_alloc : memref<!tpu.dma_semaphore, #tpu.memory_space<semaphore_mem>>
        %dma_start3A_23 = arith.constant 0 : i32
        %dma_start3A_24 = tpu.memref_slice %arg4[%mul3A_21, %dma_start3A_23] : memref<16384x128xf32, #tpu.memory_space<hbm>> -> memref<128x128xf32, #tpu.memory_space<hbm>>
        %dma_start3A_25 = arith.constant 0 : i32
        %dma_start3A_26 = tpu.memref_slice %arg4[%mul3A_21, %dma_start3A_25] : memref<16384x128xf32, #tpu.memory_space<hbm>> -> memref<128x128xf32, #tpu.memory_space<hbm>>
        tpu.enqueue_dma source(%arg6 : memref<128x128xf32, #tpu.memory_space<vmem>>) target(%dma_start3A_26 : memref<128x128xf32, #tpu.memory_space<hbm>>) target_semaphore(%run_scoped3A : memref<!tpu.dma_semaphore, #tpu.memory_space<semaphore_mem>>)
        %dma_wait3A_27 = arith.constant 0 : i32
        %dma_wait3A_28 = tpu.memref_slice %arg4[%mul3A_21, %dma_wait3A_27] : memref<16384x128xf32, #tpu.memory_space<hbm>> -> memref<128x128xf32, #tpu.memory_space<hbm>>
        %dma_wait3A_29 = arith.constant 0 : i32
        %dma_wait3A_30 = tpu.memref_slice %arg4[%mul3A_21, %dma_wait3A_29] : memref<16384x128xf32, #tpu.memory_space<hbm>> -> memref<128x128xf32, #tpu.memory_space<hbm>>
        tpu.wait_dma2 semaphore(%run_scoped3A : memref<!tpu.dma_semaphore, #tpu.memory_space<semaphore_mem>>) src(%arg6 : memref<128x128xf32, #tpu.memory_space<vmem>>) dst(%dma_wait3A_30 : memref<128x128xf32, #tpu.memory_space<hbm>>)
        tpu.yield
      }) : () -> ()
      %scan3A_22 = arith.constant 0 : i32
      scf.yield %scan3A_22 : i32
    }
    %scan3A_8 = arith.constant 4 : i32
    return
  }
}

#map = affine_map<(d0, d1) -> (0, 0)>
module attributes {stable_mosaic.version = 14 : i64} {
  func.func @_sc_gather_body(%arg0: i32, %arg1: i32, %arg2: memref<32x512xi32, #tpu.memory_space<hbm>>, %arg3: memref<100000x128xf32, #tpu.memory_space<hbm>>, %arg4: memref<16384x128xf32, #tpu.memory_space<hbm>>, %arg5: memref<512xi32, #tpu.memory_space<vmem>>, %arg6: memref<128x128xf32, #tpu.memory_space<vmem>>, %arg7: memref<!tpu.dma_semaphore, #tpu.memory_space<semaphore_mem>>) attributes {dimension_semantics = [#tpu.dimension_semantics<core_parallel>, #tpu.dimension_semantics<subcore_parallel>], iteration_bounds = array<i64: 2, 16>, scalar_prefetch = 0 : i64, scratch_operands = 3 : i64, tpu.core_type = #tpu.core_type<sc_vector_subcore>, window_params = [{transform_indices = #map}, {transform_indices = #map}, {transform_indices = #map}]} {
    %mul3A = arith.constant 2 : i32
    %mul3A_0 = arith.muli %arg1, %mul3A : i32
    %add3A = arith.addi %mul3A_0, %arg0 : i32
    %mul3A_1 = arith.constant 4 : i32
    %mul3A_2 = arith.muli %add3A, %mul3A_1 : i32
    "tpu.region"() ({
      %run_scoped3A = tpu.sem_alloc : memref<!tpu.dma_semaphore, #tpu.memory_space<semaphore_mem>>
      %dma_start3A = arith.constant 0 : i32
      %dma_start3A_9 = tpu.memref_slice %arg2[%add3A, %dma_start3A] : memref<32x512xi32, #tpu.memory_space<hbm>> -> memref<1x512xi32, #tpu.memory_space<hbm>>
      %dma_start3A_10 = tpu.memref_squeeze %dma_start3A_9 : memref<1x512xi32, #tpu.memory_space<hbm>> -> memref<512xi32, #tpu.memory_space<hbm>>
      %dma_start3A_11 = arith.constant 0 : i32
      %dma_start3A_12 = tpu.memref_slice %arg2[%add3A, %dma_start3A_11] : memref<32x512xi32, #tpu.memory_space<hbm>> -> memref<1x512xi32, #tpu.memory_space<hbm>>
      %dma_start3A_13 = tpu.memref_squeeze %dma_start3A_12 : memref<1x512xi32, #tpu.memory_space<hbm>> -> memref<512xi32, #tpu.memory_space<hbm>>
      tpu.enqueue_dma source(%dma_start3A_13 : memref<512xi32, #tpu.memory_space<hbm>>) target(%arg5 : memref<512xi32, #tpu.memory_space<vmem>>) target_semaphore(%run_scoped3A : memref<!tpu.dma_semaphore, #tpu.memory_space<semaphore_mem>>)
      %dma_wait3A = arith.constant 0 : i32
      %dma_wait3A_14 = tpu.memref_slice %arg2[%add3A, %dma_wait3A] : memref<32x512xi32, #tpu.memory_space<hbm>> -> memref<1x512xi32, #tpu.memory_space<hbm>>
      %dma_wait3A_15 = tpu.memref_squeeze %dma_wait3A_14 : memref<1x512xi32, #tpu.memory_space<hbm>> -> memref<512xi32, #tpu.memory_space<hbm>>
      %dma_wait3A_16 = arith.constant 0 : i32
      %dma_wait3A_17 = tpu.memref_slice %arg2[%add3A, %dma_wait3A_16] : memref<32x512xi32, #tpu.memory_space<hbm>> -> memref<1x512xi32, #tpu.memory_space<hbm>>
      %dma_wait3A_18 = tpu.memref_squeeze %dma_wait3A_17 : memref<1x512xi32, #tpu.memory_space<hbm>> -> memref<512xi32, #tpu.memory_space<hbm>>
      tpu.wait_dma2 semaphore(%run_scoped3A : memref<!tpu.dma_semaphore, #tpu.memory_space<semaphore_mem>>) src(%dma_wait3A_18 : memref<512xi32, #tpu.memory_space<hbm>>) dst(%arg5 : memref<512xi32, #tpu.memory_space<vmem>>)
      tpu.yield
    }) : () -> ()
    %scan3A = arith.constant 0 : i32
    %scan3A_3 = arith.constant 0 : i32
    %scan3A_4 = arith.constant 4 : i32
    %scan3A_5 = arith.addi %scan3A_3, %scan3A_4 : i32
    %scan3A_6 = arith.constant 1 : i32
    %scan3A_7 = scf.for %scan3A_9 = %scan3A_3 to %scan3A_5 step %scan3A_6 iter_args(%scan3A_10 = %scan3A) -> (i32)  : i32 {
      %mul3A_11 = arith.constant 128 : i32
      %mul3A_12 = arith.muli %scan3A_9, %mul3A_11 : i32
      %dma_start3A = tpu.memref_slice %arg5[%mul3A_12] : memref<512xi32, #tpu.memory_space<vmem>> -> memref<128xi32, #tpu.memory_space<vmem>>
      %dma_start3A_13 = arith.constant 0 : i32
      %dma_start3A_14 = arith.constant 0 : i32
      %dma_start3A_15 = tpu.memref_slice %arg3[%dma_start3A_13, %dma_start3A_14] : memref<100000x128xf32, #tpu.memory_space<hbm>> -> memref<100000x128xf32, #tpu.memory_space<hbm>>
      tpu.enqueue_indirect_dma source(%dma_start3A_15 : memref<100000x128xf32, #tpu.memory_space<hbm>>) target(%arg6 : memref<128x128xf32, #tpu.memory_space<vmem>>) offsets(%dma_start3A : memref<128xi32, #tpu.memory_space<vmem>>) semaphore(%arg7 : memref<!tpu.dma_semaphore, #tpu.memory_space<semaphore_mem>>)
      %dma_wait3A = tpu.memref_slice %arg5[%mul3A_12] : memref<512xi32, #tpu.memory_space<vmem>> -> memref<128xi32, #tpu.memory_space<vmem>>
      %dma_wait3A_16 = arith.constant 0 : i32
      %dma_wait3A_17 = arith.constant 0 : i32
      %dma_wait3A_18 = tpu.memref_slice %arg3[%dma_wait3A_16, %dma_wait3A_17] : memref<100000x128xf32, #tpu.memory_space<hbm>> -> memref<100000x128xf32, #tpu.memory_space<hbm>>
      tpu.wait_indirect_dma semaphore(%arg7 : memref<!tpu.dma_semaphore, #tpu.memory_space<semaphore_mem>>) src(%dma_wait3A_18 : memref<100000x128xf32, #tpu.memory_space<hbm>>) dst(%arg6 : memref<128x128xf32, #tpu.memory_space<vmem>>)
      %add3A_19 = arith.addi %mul3A_2, %scan3A_9 : i32
      %mul3A_20 = arith.constant 128 : i32
      %mul3A_21 = arith.muli %add3A_19, %mul3A_20 : i32
      "tpu.region"() ({
        %run_scoped3A = tpu.sem_alloc : memref<!tpu.dma_semaphore, #tpu.memory_space<semaphore_mem>>
        %dma_start3A_23 = arith.constant 0 : i32
        %dma_start3A_24 = tpu.memref_slice %arg4[%mul3A_21, %dma_start3A_23] : memref<16384x128xf32, #tpu.memory_space<hbm>> -> memref<128x128xf32, #tpu.memory_space<hbm>>
        %dma_start3A_25 = arith.constant 0 : i32
        %dma_start3A_26 = tpu.memref_slice %arg4[%mul3A_21, %dma_start3A_25] : memref<16384x128xf32, #tpu.memory_space<hbm>> -> memref<128x128xf32, #tpu.memory_space<hbm>>
        tpu.enqueue_dma source(%arg6 : memref<128x128xf32, #tpu.memory_space<vmem>>) target(%dma_start3A_26 : memref<128x128xf32, #tpu.memory_space<hbm>>) target_semaphore(%run_scoped3A : memref<!tpu.dma_semaphore, #tpu.memory_space<semaphore_mem>>)
        %dma_wait3A_27 = arith.constant 0 : i32
        %dma_wait3A_28 = tpu.memref_slice %arg4[%mul3A_21, %dma_wait3A_27] : memref<16384x128xf32, #tpu.memory_space<hbm>> -> memref<128x128xf32, #tpu.memory_space<hbm>>
        %dma_wait3A_29 = arith.constant 0 : i32
        %dma_wait3A_30 = tpu.memref_slice %arg4[%mul3A_21, %dma_wait3A_29] : memref<16384x128xf32, #tpu.memory_space<hbm>> -> memref<128x128xf32, #tpu.memory_space<hbm>>
        tpu.wait_dma2 semaphore(%run_scoped3A : memref<!tpu.dma_semaphore, #tpu.memory_space<semaphore_mem>>) src(%arg6 : memref<128x128xf32, #tpu.memory_space<vmem>>) dst(%dma_wait3A_30 : memref<128x128xf32, #tpu.memory_space<hbm>>)
        tpu.yield
      }) : () -> ()
      %scan3A_22 = arith.constant 0 : i32
      scf.yield %scan3A_22 : i32
    }
    %scan3A_8 = arith.constant 4 : i32
    return
  }
}

module attributes {stable_mosaic.version = 14 : i64} {
  func.func @_pad_body(%arg0: i32, %arg1: memref<10000x106xf32, #tpu.memory_space<vmem>>, %arg2: memref<10000x128xf32, #tpu.memory_space<vmem>>) attributes {dimension_semantics = [#tpu.dimension_semantics<arbitrary>], iteration_bounds = array<i64: 10>, scalar_prefetch = 0 : i64, scratch_operands = 0 : i64, tpu.core_type = #tpu.core_type<tc>, window_params = [{transform_indices = @transform_0, window_bounds = array<i64: 10000, 106>}, {transform_indices = @transform_1, window_bounds = array<i64: 10000, 128>}]} {
    %get3A = arith.constant 0 : index
    %get3A_0 = arith.constant 0 : index
    %get3A_1 = vector.load %arg1[%get3A, %get3A_0] : memref<10000x106xf32, #tpu.memory_space<vmem>>, vector<10000x106xf32>
    %swap3A = arith.constant 0 : index
    %swap3A_2 = arith.constant 0 : index
    %swap3A_3 = vector.load %arg2[%swap3A, %swap3A_2] : memref<10000x128xf32, #tpu.memory_space<vmem>>, vector<10000x106xf32>
    tpu.vector_store %arg2[%swap3A, %swap3A_2], %get3A_1 {strides = array<i32>} : memref<10000x128xf32, #tpu.memory_space<vmem>>, vector<10000x106xf32>,
    return
  }
  func.func @transform_0(%arg0: i32) -> (i32, i32) {
    %c0_i32 = arith.constant 0 : i32
    %c0_i32_0 = arith.constant 0 : i32
    return %arg0, %c0_i32 : i32, i32
  }
  func.func @transform_1(%arg0: i32) -> (i32, i32) {
    %c0_i32 = arith.constant 0 : i32
    %c0_i32_0 = arith.constant 0 : i32
    return %arg0, %c0_i32 : i32, i32
  }
}

module attributes {stable_mosaic.version = 14 : i64} {
  func.func @_tc_body(%arg0: i32, %arg1: memref<16384x128xf32, #tpu.memory_space<any>>, %arg2: memref<16384x128xf32, #tpu.memory_space<any>>, %arg3: memref<16384x128xf32, #tpu.memory_space<any>>, %arg4: memref<16384x128xf32, #tpu.memory_space<any>>, %arg5: memref<16384x128xf32, #tpu.memory_space<any>>, %arg6: memref<16384x128xf32, #tpu.memory_space<any>>, %arg7: memref<16384x128xf32, #tpu.memory_space<any>>, %arg8: memref<16384x128xf32, #tpu.memory_space<any>>, %arg9: memref<16384x128xf32, #tpu.memory_space<any>>, %arg10: memref<1024x13xf32, #tpu.memory_space<vmem>>, %arg11: memref<32x128xf32, #tpu.memory_space<vmem>>, %arg12: memref<32x128xf32, #tpu.memory_space<vmem>>, %arg13: memref<32x128xf32, #tpu.memory_space<vmem>>, %arg14: memref<32x128xf32, #tpu.memory_space<vmem>>, %arg15: memref<1x32xf32, #tpu.memory_space<vmem>>, %arg16: memref<1x32xf32, #tpu.memory_space<vmem>>, %arg17: memref<128x128xf32, #tpu.memory_space<vmem>>, %arg18: memref<128x128xf32, #tpu.memory_space<vmem>>, %arg19: memref<128x128xf32, #tpu.memory_space<vmem>>, %arg20: memref<128x13xf32, #tpu.memory_space<vmem>>, %arg21: memref<128x128xf32, #tpu.memory_space<vmem>>, %arg22: memref<128x128xf32, #tpu.memory_space<vmem>>, %arg23: memref<1x128xf32, #tpu.memory_space<vmem>>, %arg24: memref<64x128xf32, #tpu.memory_space<vmem>>, %arg25: memref<1x64xf32, #tpu.memory_space<vmem>>, %arg26: memref<1x64xf32, #tpu.memory_space<vmem>>, %arg27: memref<8xf32, #tpu.memory_space<smem>>, %arg28: memref<1x1x1024xf32, #tpu.memory_space<vmem>>, %arg29: memref<2x9x1024x128xf32, #tpu.memory_space<vmem>>, %arg30: memref<2x9x!tpu.dma_semaphore, #tpu.memory_space<semaphore_mem>>) attributes {dimension_semantics = [#tpu.dimension_semantics<arbitrary>], iteration_bounds = array<i64: 16>, scalar_prefetch = 0 : i64, scratch_operands = 2 : i64, tpu.core_type = #tpu.core_type<tc>, window_params = [{}, {}, {}, {}, {}, {}, {}, {}, {}, {transform_indices = @transform_9, window_bounds = array<i64: 1024, 13>}, {pipeline_mode = #tpu.pipeline_mode<synchronous>, transform_indices = @transform_10, window_bounds = array<i64: 32, 128>}, {pipeline_mode = #tpu.pipeline_mode<synchronous>, transform_indices = @transform_11, window_bounds = array<i64: 32, 128>}, {pipeline_mode = #tpu.pipeline_mode<synchronous>, transform_indices = @transform_12, window_bounds = array<i64: 32, 128>}, {pipeline_mode = #tpu.pipeline_mode<synchronous>, transform_indices = @transform_13, window_bounds = array<i64: 32, 128>}, {pipeline_mode = #tpu.pipeline_mode<synchronous>, transform_indices = @transform_14, window_bounds = array<i64: 1, 32>}, {pipeline_mode = #tpu.pipeline_mode<synchronous>, transform_indices = @transform_15, window_bounds = array<i64: 1, 32>}, {pipeline_mode = #tpu.pipeline_mode<synchronous>, transform_indices = @transform_16, window_bounds = array<i64: 128, 128>}, {pipeline_mode = #tpu.pipeline_mode<synchronous>, transform_indices = @transform_17, window_bounds = array<i64: 128, 128>}, {pipeline_mode = #tpu.pipeline_mode<synchronous>, transform_indices = @transform_18, window_bounds = array<i64: 128, 128>}, {pipeline_mode = #tpu.pipeline_mode<synchronous>, transform_indices = @transform_19, window_bounds = array<i64: 128, 13>}, {pipeline_mode = #tpu.pipeline_mode<synchronous>, transform_indices = @transform_20, window_bounds = array<i64: 128, 128>}, {pipeline_mode = #tpu.pipeline_mode<synchronous>, transform_indices = @transform_21, window_bounds = array<i64: 128, 128>}, {pipeline_mode = #tpu.pipeline_mode<synchronous>, transform_indices = @transform_22, window_bounds = array<i64: 1, 128>}, {pipeline_mode = #tpu.pipeline_mode<synchronous>, transform_indices = @transform_23, window_bounds = array<i64: 64, 128>}, {pipeline_mode = #tpu.pipeline_mode<synchronous>, transform_indices = @transform_24, window_bounds = array<i64: 1, 64>}, {pipeline_mode = #tpu.pipeline_mode<synchronous>, transform_indices = @transform_25, window_bounds = array<i64: 1, 64>}, {transform_indices = @transform_26, window_bounds = array<i64: 8>}, {transform_indices = @transform_27, window_bounds = array<i64: 1, 1, 1024>}]} {
    %get3A = arith.constant 0 : index
    %get3A_0 = memref.load %arg27[%get3A] : memref<8xf32, #tpu.memory_space<smem>>
    %get3A_1 = arith.constant 1 : index
    %get3A_2 = memref.load %arg27[%get3A_1] : memref<8xf32, #tpu.memory_space<smem>>
    %get3A_3 = arith.constant 2 : index
    %get3A_4 = memref.load %arg27[%get3A_3] : memref<8xf32, #tpu.memory_space<smem>>
    %get3A_5 = arith.constant 3 : index
    %get3A_6 = memref.load %arg27[%get3A_5] : memref<8xf32, #tpu.memory_space<smem>>
    %get3A_7 = arith.constant 4 : index
    %get3A_8 = memref.load %arg27[%get3A_7] : memref<8xf32, #tpu.memory_space<smem>>
    %rem3A = arith.constant 2 : i32
    %rem3A_9 = arith.remsi %arg0, %rem3A : i32
    %add3A = arith.constant 1 : i32
    %add3A_10 = arith.addi %arg0, %add3A : i32
    %rem3A_11 = arith.constant 2 : i32
    %rem3A_12 = arith.remsi %add3A_10, %rem3A_11 : i32
    %eq3A = arith.constant 0 : i32
    %eq3A_13 = arith.cmpi eq, %arg0, %eq3A : i32
    %convert_element_type3A = arith.extui %eq3A_13 : i1 to i32
    %cond3A = arith.constant 0 : i32
    %cond3A_14 = arith.cmpi ne, %convert_element_type3A, %cond3A : i32
    scf.if %cond3A_14 {
      %dma_start3A = arith.constant 0 : i32
      %dma_start3A_384 = arith.constant 0 : i32
      %dma_start3A_385 = arith.constant 0 : i32
      %dma_start3A_386 = arith.constant 0 : i32
      %dma_start3A_387 = tpu.memref_slice %arg30[%dma_start3A_385, %dma_start3A_386] : memref<2x9x!tpu.dma_semaphore, #tpu.memory_space<semaphore_mem>> -> memref<1x1x!tpu.dma_semaphore, #tpu.memory_space<semaphore_mem>>
      %dma_start3A_388 = tpu.memref_squeeze %dma_start3A_387 : memref<1x1x!tpu.dma_semaphore, #tpu.memory_space<semaphore_mem>> -> memref<!tpu.dma_semaphore, #tpu.memory_space<semaphore_mem>>
      %dma_start3A_389 = arith.constant 0 : i32
      %dma_start3A_390 = arith.constant 0 : i32
      %dma_start3A_391 = tpu.memref_slice %arg29[%dma_start3A, %dma_start3A_384, %dma_start3A_389, %dma_start3A_390] : memref<2x9x1024x128xf32, #tpu.memory_space<vmem>> -> memref<1x1x1024x128xf32, #tpu.memory_space<vmem>>
      %dma_start3A_392 = tpu.memref_squeeze %dma_start3A_391 : memref<1x1x1024x128xf32, #tpu.memory_space<vmem>> -> memref<1024x128xf32, #tpu.memory_space<vmem>>
      %dma_start3A_393 = arith.constant 0 : i32
      %dma_start3A_394 = arith.constant 0 : i32
      %dma_start3A_395 = tpu.memref_slice %arg1[%dma_start3A_393, %dma_start3A_394] : memref<16384x128xf32, #tpu.memory_space<any>> -> memref<1024x128xf32, #tpu.memory_space<any>>
      tpu.enqueue_dma source(%dma_start3A_395 : memref<1024x128xf32, #tpu.memory_space<any>>) target(%dma_start3A_392 : memref<1024x128xf32, #tpu.memory_space<vmem>>) target_semaphore(%dma_start3A_388 : memref<!tpu.dma_semaphore, #tpu.memory_space<semaphore_mem>>)
      %dma_start3A_396 = arith.constant 0 : i32
      %dma_start3A_397 = arith.constant 1 : i32
      %dma_start3A_398 = arith.constant 0 : i32
      %dma_start3A_399 = arith.constant 1 : i32
      %dma_start3A_400 = tpu.memref_slice %arg30[%dma_start3A_398, %dma_start3A_399] : memref<2x9x!tpu.dma_semaphore, #tpu.memory_space<semaphore_mem>> -> memref<1x1x!tpu.dma_semaphore, #tpu.memory_space<semaphore_mem>>
      %dma_start3A_401 = tpu.memref_squeeze %dma_start3A_400 : memref<1x1x!tpu.dma_semaphore, #tpu.memory_space<semaphore_mem>> -> memref<!tpu.dma_semaphore, #tpu.memory_space<semaphore_mem>>
      %dma_start3A_402 = arith.constant 0 : i32
      %dma_start3A_403 = arith.constant 0 : i32
      %dma_start3A_404 = tpu.memref_slice %arg29[%dma_start3A_396, %dma_start3A_397, %dma_start3A_402, %dma_start3A_403] : memref<2x9x1024x128xf32, #tpu.memory_space<vmem>> -> memref<1x1x1024x128xf32, #tpu.memory_space<vmem>>
      %dma_start3A_405 = tpu.memref_squeeze %dma_start3A_404 : memref<1x1x1024x128xf32, #tpu.memory_space<vmem>> -> memref<1024x128xf32, #tpu.memory_space<vmem>>
      %dma_start3A_406 = arith.constant 0 : i32
      %dma_start3A_407 = arith.constant 0 : i32
      %dma_start3A_408 = tpu.memref_slice %arg2[%dma_start3A_406, %dma_start3A_407] : memref<16384x128xf32, #tpu.memory_space<any>> -> memref<1024x128xf32, #tpu.memory_space<any>>
      tpu.enqueue_dma source(%dma_start3A_408 : memref<1024x128xf32, #tpu.memory_space<any>>) target(%dma_start3A_405 : memref<1024x128xf32, #tpu.memory_space<vmem>>) target_semaphore(%dma_start3A_401 : memref<!tpu.dma_semaphore, #tpu.memory_space<semaphore_mem>>)
      %dma_start3A_409 = arith.constant 0 : i32
      %dma_start3A_410 = arith.constant 2 : i32
      %dma_start3A_411 = arith.constant 0 : i32
      %dma_start3A_412 = arith.constant 2 : i32
      %dma_start3A_413 = tpu.memref_slice %arg30[%dma_start3A_411, %dma_start3A_412] : memref<2x9x!tpu.dma_semaphore, #tpu.memory_space<semaphore_mem>> -> memref<1x1x!tpu.dma_semaphore, #tpu.memory_space<semaphore_mem>>
      %dma_start3A_414 = tpu.memref_squeeze %dma_start3A_413 : memref<1x1x!tpu.dma_semaphore, #tpu.memory_space<semaphore_mem>> -> memref<!tpu.dma_semaphore, #tpu.memory_space<semaphore_mem>>
      %dma_start3A_415 = arith.constant 0 : i32
      %dma_start3A_416 = arith.constant 0 : i32
      %dma_start3A_417 = tpu.memref_slice %arg29[%dma_start3A_409, %dma_start3A_410, %dma_start3A_415, %dma_start3A_416] : memref<2x9x1024x128xf32, #tpu.memory_space<vmem>> -> memref<1x1x1024x128xf32, #tpu.memory_space<vmem>>
      %dma_start3A_418 = tpu.memref_squeeze %dma_start3A_417 : memref<1x1x1024x128xf32, #tpu.memory_space<vmem>> -> memref<1024x128xf32, #tpu.memory_space<vmem>>
      %dma_start3A_419 = arith.constant 0 : i32
      %dma_start3A_420 = arith.constant 0 : i32
      %dma_start3A_421 = tpu.memref_slice %arg3[%dma_start3A_419, %dma_start3A_420] : memref<16384x128xf32, #tpu.memory_space<any>> -> memref<1024x128xf32, #tpu.memory_space<any>>
      tpu.enqueue_dma source(%dma_start3A_421 : memref<1024x128xf32, #tpu.memory_space<any>>) target(%dma_start3A_418 : memref<1024x128xf32, #tpu.memory_space<vmem>>) target_semaphore(%dma_start3A_414 : memref<!tpu.dma_semaphore, #tpu.memory_space<semaphore_mem>>)
      %dma_start3A_422 = arith.constant 0 : i32
      %dma_start3A_423 = arith.constant 3 : i32
      %dma_start3A_424 = arith.constant 0 : i32
      %dma_start3A_425 = arith.constant 3 : i32
      %dma_start3A_426 = tpu.memref_slice %arg30[%dma_start3A_424, %dma_start3A_425] : memref<2x9x!tpu.dma_semaphore, #tpu.memory_space<semaphore_mem>> -> memref<1x1x!tpu.dma_semaphore, #tpu.memory_space<semaphore_mem>>
      %dma_start3A_427 = tpu.memref_squeeze %dma_start3A_426 : memref<1x1x!tpu.dma_semaphore, #tpu.memory_space<semaphore_mem>> -> memref<!tpu.dma_semaphore, #tpu.memory_space<semaphore_mem>>
      %dma_start3A_428 = arith.constant 0 : i32
      %dma_start3A_429 = arith.constant 0 : i32
      %dma_start3A_430 = tpu.memref_slice %arg29[%dma_start3A_422, %dma_start3A_423, %dma_start3A_428, %dma_start3A_429] : memref<2x9x1024x128xf32, #tpu.memory_space<vmem>> -> memref<1x1x1024x128xf32, #tpu.memory_space<vmem>>
      %dma_start3A_431 = tpu.memref_squeeze %dma_start3A_430 : memref<1x1x1024x128xf32, #tpu.memory_space<vmem>> -> memref<1024x128xf32, #tpu.memory_space<vmem>>
      %dma_start3A_432 = arith.constant 0 : i32
      %dma_start3A_433 = arith.constant 0 : i32
      %dma_start3A_434 = tpu.memref_slice %arg4[%dma_start3A_432, %dma_start3A_433] : memref<16384x128xf32, #tpu.memory_space<any>> -> memref<1024x128xf32, #tpu.memory_space<any>>
      tpu.enqueue_dma source(%dma_start3A_434 : memref<1024x128xf32, #tpu.memory_space<any>>) target(%dma_start3A_431 : memref<1024x128xf32, #tpu.memory_space<vmem>>) target_semaphore(%dma_start3A_427 : memref<!tpu.dma_semaphore, #tpu.memory_space<semaphore_mem>>)
      %dma_start3A_435 = arith.constant 0 : i32
      %dma_start3A_436 = arith.constant 4 : i32
      %dma_start3A_437 = arith.constant 0 : i32
      %dma_start3A_438 = arith.constant 4 : i32
      %dma_start3A_439 = tpu.memref_slice %arg30[%dma_start3A_437, %dma_start3A_438] : memref<2x9x!tpu.dma_semaphore, #tpu.memory_space<semaphore_mem>> -> memref<1x1x!tpu.dma_semaphore, #tpu.memory_space<semaphore_mem>>
      %dma_start3A_440 = tpu.memref_squeeze %dma_start3A_439 : memref<1x1x!tpu.dma_semaphore, #tpu.memory_space<semaphore_mem>> -> memref<!tpu.dma_semaphore, #tpu.memory_space<semaphore_mem>>
      %dma_start3A_441 = arith.constant 0 : i32
      %dma_start3A_442 = arith.constant 0 : i32
      %dma_start3A_443 = tpu.memref_slice %arg29[%dma_start3A_435, %dma_start3A_436, %dma_start3A_441, %dma_start3A_442] : memref<2x9x1024x128xf32, #tpu.memory_space<vmem>> -> memref<1x1x1024x128xf32, #tpu.memory_space<vmem>>
      %dma_start3A_444 = tpu.memref_squeeze %dma_start3A_443 : memref<1x1x1024x128xf32, #tpu.memory_space<vmem>> -> memref<1024x128xf32, #tpu.memory_space<vmem>>
      %dma_start3A_445 = arith.constant 0 : i32
      %dma_start3A_446 = arith.constant 0 : i32
      %dma_start3A_447 = tpu.memref_slice %arg5[%dma_start3A_445, %dma_start3A_446] : memref<16384x128xf32, #tpu.memory_space<any>> -> memref<1024x128xf32, #tpu.memory_space<any>>
      tpu.enqueue_dma source(%dma_start3A_447 : memref<1024x128xf32, #tpu.memory_space<any>>) target(%dma_start3A_444 : memref<1024x128xf32, #tpu.memory_space<vmem>>) target_semaphore(%dma_start3A_440 : memref<!tpu.dma_semaphore, #tpu.memory_space<semaphore_mem>>)
      %dma_start3A_448 = arith.constant 0 : i32
      %dma_start3A_449 = arith.constant 5 : i32
      %dma_start3A_450 = arith.constant 0 : i32
      %dma_start3A_451 = arith.constant 5 : i32
      %dma_start3A_452 = tpu.memref_slice %arg30[%dma_start3A_450, %dma_start3A_451] : memref<2x9x!tpu.dma_semaphore, #tpu.memory_space<semaphore_mem>> -> memref<1x1x!tpu.dma_semaphore, #tpu.memory_space<semaphore_mem>>
      %dma_start3A_453 = tpu.memref_squeeze %dma_start3A_452 : memref<1x1x!tpu.dma_semaphore, #tpu.memory_space<semaphore_mem>> -> memref<!tpu.dma_semaphore, #tpu.memory_space<semaphore_mem>>
      %dma_start3A_454 = arith.constant 0 : i32
      %dma_start3A_455 = arith.constant 0 : i32
      %dma_start3A_456 = tpu.memref_slice %arg29[%dma_start3A_448, %dma_start3A_449, %dma_start3A_454, %dma_start3A_455] : memref<2x9x1024x128xf32, #tpu.memory_space<vmem>> -> memref<1x1x1024x128xf32, #tpu.memory_space<vmem>>
      %dma_start3A_457 = tpu.memref_squeeze %dma_start3A_456 : memref<1x1x1024x128xf32, #tpu.memory_space<vmem>> -> memref<1024x128xf32, #tpu.memory_space<vmem>>
      %dma_start3A_458 = arith.constant 0 : i32
      %dma_start3A_459 = arith.constant 0 : i32
      %dma_start3A_460 = tpu.memref_slice %arg6[%dma_start3A_458, %dma_start3A_459] : memref<16384x128xf32, #tpu.memory_space<any>> -> memref<1024x128xf32, #tpu.memory_space<any>>
      tpu.enqueue_dma source(%dma_start3A_460 : memref<1024x128xf32, #tpu.memory_space<any>>) target(%dma_start3A_457 : memref<1024x128xf32, #tpu.memory_space<vmem>>) target_semaphore(%dma_start3A_453 : memref<!tpu.dma_semaphore, #tpu.memory_space<semaphore_mem>>)
      %dma_start3A_461 = arith.constant 0 : i32
      %dma_start3A_462 = arith.constant 6 : i32
      %dma_start3A_463 = arith.constant 0 : i32
      %dma_start3A_464 = arith.constant 6 : i32
      %dma_start3A_465 = tpu.memref_slice %arg30[%dma_start3A_463, %dma_start3A_464] : memref<2x9x!tpu.dma_semaphore, #tpu.memory_space<semaphore_mem>> -> memref<1x1x!tpu.dma_semaphore, #tpu.memory_space<semaphore_mem>>
      %dma_start3A_466 = tpu.memref_squeeze %dma_start3A_465 : memref<1x1x!tpu.dma_semaphore, #tpu.memory_space<semaphore_mem>> -> memref<!tpu.dma_semaphore, #tpu.memory_space<semaphore_mem>>
      %dma_start3A_467 = arith.constant 0 : i32
      %dma_start3A_468 = arith.constant 0 : i32
      %dma_start3A_469 = tpu.memref_slice %arg29[%dma_start3A_461, %dma_start3A_462, %dma_start3A_467, %dma_start3A_468] : memref<2x9x1024x128xf32, #tpu.memory_space<vmem>> -> memref<1x1x1024x128xf32, #tpu.memory_space<vmem>>
      %dma_start3A_470 = tpu.memref_squeeze %dma_start3A_469 : memref<1x1x1024x128xf32, #tpu.memory_space<vmem>> -> memref<1024x128xf32, #tpu.memory_space<vmem>>
      %dma_start3A_471 = arith.constant 0 : i32
      %dma_start3A_472 = arith.constant 0 : i32
      %dma_start3A_473 = tpu.memref_slice %arg7[%dma_start3A_471, %dma_start3A_472] : memref<16384x128xf32, #tpu.memory_space<any>> -> memref<1024x128xf32, #tpu.memory_space<any>>
      tpu.enqueue_dma source(%dma_start3A_473 : memref<1024x128xf32, #tpu.memory_space<any>>) target(%dma_start3A_470 : memref<1024x128xf32, #tpu.memory_space<vmem>>) target_semaphore(%dma_start3A_466 : memref<!tpu.dma_semaphore, #tpu.memory_space<semaphore_mem>>)
      %dma_start3A_474 = arith.constant 0 : i32
      %dma_start3A_475 = arith.constant 7 : i32
      %dma_start3A_476 = arith.constant 0 : i32
      %dma_start3A_477 = arith.constant 7 : i32
      %dma_start3A_478 = tpu.memref_slice %arg30[%dma_start3A_476, %dma_start3A_477] : memref<2x9x!tpu.dma_semaphore, #tpu.memory_space<semaphore_mem>> -> memref<1x1x!tpu.dma_semaphore, #tpu.memory_space<semaphore_mem>>
      %dma_start3A_479 = tpu.memref_squeeze %dma_start3A_478 : memref<1x1x!tpu.dma_semaphore, #tpu.memory_space<semaphore_mem>> -> memref<!tpu.dma_semaphore, #tpu.memory_space<semaphore_mem>>
      %dma_start3A_480 = arith.constant 0 : i32
      %dma_start3A_481 = arith.constant 0 : i32
      %dma_start3A_482 = tpu.memref_slice %arg29[%dma_start3A_474, %dma_start3A_475, %dma_start3A_480, %dma_start3A_481] : memref<2x9x1024x128xf32, #tpu.memory_space<vmem>> -> memref<1x1x1024x128xf32, #tpu.memory_space<vmem>>
      %dma_start3A_483 = tpu.memref_squeeze %dma_start3A_482 : memref<1x1x1024x128xf32, #tpu.memory_space<vmem>> -> memref<1024x128xf32, #tpu.memory_space<vmem>>
      %dma_start3A_484 = arith.constant 0 : i32
      %dma_start3A_485 = arith.constant 0 : i32
      %dma_start3A_486 = tpu.memref_slice %arg8[%dma_start3A_484, %dma_start3A_485] : memref<16384x128xf32, #tpu.memory_space<any>> -> memref<1024x128xf32, #tpu.memory_space<any>>
      tpu.enqueue_dma source(%dma_start3A_486 : memref<1024x128xf32, #tpu.memory_space<any>>) target(%dma_start3A_483 : memref<1024x128xf32, #tpu.memory_space<vmem>>) target_semaphore(%dma_start3A_479 : memref<!tpu.dma_semaphore, #tpu.memory_space<semaphore_mem>>)
      %dma_start3A_487 = arith.constant 0 : i32
      %dma_start3A_488 = arith.constant 8 : i32
      %dma_start3A_489 = arith.constant 0 : i32
      %dma_start3A_490 = arith.constant 8 : i32
      %dma_start3A_491 = tpu.memref_slice %arg30[%dma_start3A_489, %dma_start3A_490] : memref<2x9x!tpu.dma_semaphore, #tpu.memory_space<semaphore_mem>> -> memref<1x1x!tpu.dma_semaphore, #tpu.memory_space<semaphore_mem>>
      %dma_start3A_492 = tpu.memref_squeeze %dma_start3A_491 : memref<1x1x!tpu.dma_semaphore, #tpu.memory_space<semaphore_mem>> -> memref<!tpu.dma_semaphore, #tpu.memory_space<semaphore_mem>>
      %dma_start3A_493 = arith.constant 0 : i32
      %dma_start3A_494 = arith.constant 0 : i32
      %dma_start3A_495 = tpu.memref_slice %arg29[%dma_start3A_487, %dma_start3A_488, %dma_start3A_493, %dma_start3A_494] : memref<2x9x1024x128xf32, #tpu.memory_space<vmem>> -> memref<1x1x1024x128xf32, #tpu.memory_space<vmem>>
      %dma_start3A_496 = tpu.memref_squeeze %dma_start3A_495 : memref<1x1x1024x128xf32, #tpu.memory_space<vmem>> -> memref<1024x128xf32, #tpu.memory_space<vmem>>
      %dma_start3A_497 = arith.constant 0 : i32
      %dma_start3A_498 = arith.constant 0 : i32
      %dma_start3A_499 = tpu.memref_slice %arg9[%dma_start3A_497, %dma_start3A_498] : memref<16384x128xf32, #tpu.memory_space<any>> -> memref<1024x128xf32, #tpu.memory_space<any>>
      tpu.enqueue_dma source(%dma_start3A_499 : memref<1024x128xf32, #tpu.memory_space<any>>) target(%dma_start3A_496 : memref<1024x128xf32, #tpu.memory_space<vmem>>) target_semaphore(%dma_start3A_492 : memref<!tpu.dma_semaphore, #tpu.memory_space<semaphore_mem>>)
    } else {
    }
    %add3A_15 = arith.constant 1 : i32
    %add3A_16 = arith.addi %arg0, %add3A_15 : i32
    %lt3A = arith.constant 16 : i32
    %lt3A_17 = arith.cmpi slt, %add3A_16, %lt3A : i32
    %convert_element_type3A_18 = arith.extui %lt3A_17 : i1 to i32
    %cond3A_19 = arith.constant 0 : i32
    %cond3A_20 = arith.cmpi ne, %convert_element_type3A_18, %cond3A_19 : i32
    scf.if %cond3A_20 {
      %add3A_384 = arith.constant 1 : i32
      %add3A_385 = arith.addi %arg0, %add3A_384 : i32
      %mul3A_386 = arith.constant 1024 : i32
      %mul3A_387 = arith.muli %add3A_385, %mul3A_386 : i32
      %dma_start3A = arith.constant 0 : i32
      %dma_start3A_388 = arith.constant 0 : i32
      %dma_start3A_389 = tpu.memref_slice %arg30[%rem3A_12, %dma_start3A_388] : memref<2x9x!tpu.dma_semaphore, #tpu.memory_space<semaphore_mem>> -> memref<1x1x!tpu.dma_semaphore, #tpu.memory_space<semaphore_mem>>
      %dma_start3A_390 = tpu.memref_squeeze %dma_start3A_389 : memref<1x1x!tpu.dma_semaphore, #tpu.memory_space<semaphore_mem>> -> memref<!tpu.dma_semaphore, #tpu.memory_space<semaphore_mem>>
      %dma_start3A_391 = arith.constant 0 : i32
      %dma_start3A_392 = arith.constant 0 : i32
      %dma_start3A_393 = tpu.memref_slice %arg29[%rem3A_12, %dma_start3A, %dma_start3A_391, %dma_start3A_392] : memref<2x9x1024x128xf32, #tpu.memory_space<vmem>> -> memref<1x1x1024x128xf32, #tpu.memory_space<vmem>>
      %dma_start3A_394 = tpu.memref_squeeze %dma_start3A_393 : memref<1x1x1024x128xf32, #tpu.memory_space<vmem>> -> memref<1024x128xf32, #tpu.memory_space<vmem>>
      %dma_start3A_395 = arith.constant 0 : i32
      %dma_start3A_396 = tpu.memref_slice %arg1[%mul3A_387, %dma_start3A_395] : memref<16384x128xf32, #tpu.memory_space<any>> -> memref<1024x128xf32, #tpu.memory_space<any>>
      tpu.enqueue_dma source(%dma_start3A_396 : memref<1024x128xf32, #tpu.memory_space<any>>) target(%dma_start3A_394 : memref<1024x128xf32, #tpu.memory_space<vmem>>) target_semaphore(%dma_start3A_390 : memref<!tpu.dma_semaphore, #tpu.memory_space<semaphore_mem>>)
      %add3A_397 = arith.constant 1 : i32
      %add3A_398 = arith.addi %arg0, %add3A_397 : i32
      %mul3A_399 = arith.constant 1024 : i32
      %mul3A_400 = arith.muli %add3A_398, %mul3A_399 : i32
      %dma_start3A_401 = arith.constant 1 : i32
      %dma_start3A_402 = arith.constant 1 : i32
      %dma_start3A_403 = tpu.memref_slice %arg30[%rem3A_12, %dma_start3A_402] : memref<2x9x!tpu.dma_semaphore, #tpu.memory_space<semaphore_mem>> -> memref<1x1x!tpu.dma_semaphore, #tpu.memory_space<semaphore_mem>>
      %dma_start3A_404 = tpu.memref_squeeze %dma_start3A_403 : memref<1x1x!tpu.dma_semaphore, #tpu.memory_space<semaphore_mem>> -> memref<!tpu.dma_semaphore, #tpu.memory_space<semaphore_mem>>
      %dma_start3A_405 = arith.constant 0 : i32
      %dma_start3A_406 = arith.constant 0 : i32
      %dma_start3A_407 = tpu.memref_slice %arg29[%rem3A_12, %dma_start3A_401, %dma_start3A_405, %dma_start3A_406] : memref<2x9x1024x128xf32, #tpu.memory_space<vmem>> -> memref<1x1x1024x128xf32, #tpu.memory_space<vmem>>
      %dma_start3A_408 = tpu.memref_squeeze %dma_start3A_407 : memref<1x1x1024x128xf32, #tpu.memory_space<vmem>> -> memref<1024x128xf32, #tpu.memory_space<vmem>>
      %dma_start3A_409 = arith.constant 0 : i32
      %dma_start3A_410 = tpu.memref_slice %arg2[%mul3A_400, %dma_start3A_409] : memref<16384x128xf32, #tpu.memory_space<any>> -> memref<1024x128xf32, #tpu.memory_space<any>>
      tpu.enqueue_dma source(%dma_start3A_410 : memref<1024x128xf32, #tpu.memory_space<any>>) target(%dma_start3A_408 : memref<1024x128xf32, #tpu.memory_space<vmem>>) target_semaphore(%dma_start3A_404 : memref<!tpu.dma_semaphore, #tpu.memory_space<semaphore_mem>>)
      %add3A_411 = arith.constant 1 : i32
      %add3A_412 = arith.addi %arg0, %add3A_411 : i32
      %mul3A_413 = arith.constant 1024 : i32
      %mul3A_414 = arith.muli %add3A_412, %mul3A_413 : i32
      %dma_start3A_415 = arith.constant 2 : i32
      %dma_start3A_416 = arith.constant 2 : i32
      %dma_start3A_417 = tpu.memref_slice %arg30[%rem3A_12, %dma_start3A_416] : memref<2x9x!tpu.dma_semaphore, #tpu.memory_space<semaphore_mem>> -> memref<1x1x!tpu.dma_semaphore, #tpu.memory_space<semaphore_mem>>
      %dma_start3A_418 = tpu.memref_squeeze %dma_start3A_417 : memref<1x1x!tpu.dma_semaphore, #tpu.memory_space<semaphore_mem>> -> memref<!tpu.dma_semaphore, #tpu.memory_space<semaphore_mem>>
      %dma_start3A_419 = arith.constant 0 : i32
      %dma_start3A_420 = arith.constant 0 : i32
      %dma_start3A_421 = tpu.memref_slice %arg29[%rem3A_12, %dma_start3A_415, %dma_start3A_419, %dma_start3A_420] : memref<2x9x1024x128xf32, #tpu.memory_space<vmem>> -> memref<1x1x1024x128xf32, #tpu.memory_space<vmem>>
      %dma_start3A_422 = tpu.memref_squeeze %dma_start3A_421 : memref<1x1x1024x128xf32, #tpu.memory_space<vmem>> -> memref<1024x128xf32, #tpu.memory_space<vmem>>
      %dma_start3A_423 = arith.constant 0 : i32
      %dma_start3A_424 = tpu.memref_slice %arg3[%mul3A_414, %dma_start3A_423] : memref<16384x128xf32, #tpu.memory_space<any>> -> memref<1024x128xf32, #tpu.memory_space<any>>
      tpu.enqueue_dma source(%dma_start3A_424 : memref<1024x128xf32, #tpu.memory_space<any>>) target(%dma_start3A_422 : memref<1024x128xf32, #tpu.memory_space<vmem>>) target_semaphore(%dma_start3A_418 : memref<!tpu.dma_semaphore, #tpu.memory_space<semaphore_mem>>)
      %add3A_425 = arith.constant 1 : i32
      %add3A_426 = arith.addi %arg0, %add3A_425 : i32
      %mul3A_427 = arith.constant 1024 : i32
      %mul3A_428 = arith.muli %add3A_426, %mul3A_427 : i32
      %dma_start3A_429 = arith.constant 3 : i32
      %dma_start3A_430 = arith.constant 3 : i32
      %dma_start3A_431 = tpu.memref_slice %arg30[%rem3A_12, %dma_start3A_430] : memref<2x9x!tpu.dma_semaphore, #tpu.memory_space<semaphore_mem>> -> memref<1x1x!tpu.dma_semaphore, #tpu.memory_space<semaphore_mem>>
      %dma_start3A_432 = tpu.memref_squeeze %dma_start3A_431 : memref<1x1x!tpu.dma_semaphore, #tpu.memory_space<semaphore_mem>> -> memref<!tpu.dma_semaphore, #tpu.memory_space<semaphore_mem>>
      %dma_start3A_433 = arith.constant 0 : i32
      %dma_start3A_434 = arith.constant 0 : i32
      %dma_start3A_435 = tpu.memref_slice %arg29[%rem3A_12, %dma_start3A_429, %dma_start3A_433, %dma_start3A_434] : memref<2x9x1024x128xf32, #tpu.memory_space<vmem>> -> memref<1x1x1024x128xf32, #tpu.memory_space<vmem>>
      %dma_start3A_436 = tpu.memref_squeeze %dma_start3A_435 : memref<1x1x1024x128xf32, #tpu.memory_space<vmem>> -> memref<1024x128xf32, #tpu.memory_space<vmem>>
      %dma_start3A_437 = arith.constant 0 : i32
      %dma_start3A_438 = tpu.memref_slice %arg4[%mul3A_428, %dma_start3A_437] : memref<16384x128xf32, #tpu.memory_space<any>> -> memref<1024x128xf32, #tpu.memory_space<any>>
      tpu.enqueue_dma source(%dma_start3A_438 : memref<1024x128xf32, #tpu.memory_space<any>>) target(%dma_start3A_436 : memref<1024x128xf32, #tpu.memory_space<vmem>>) target_semaphore(%dma_start3A_432 : memref<!tpu.dma_semaphore, #tpu.memory_space<semaphore_mem>>)
      %add3A_439 = arith.constant 1 : i32
      %add3A_440 = arith.addi %arg0, %add3A_439 : i32
      %mul3A_441 = arith.constant 1024 : i32
      %mul3A_442 = arith.muli %add3A_440, %mul3A_441 : i32
      %dma_start3A_443 = arith.constant 4 : i32
      %dma_start3A_444 = arith.constant 4 : i32
      %dma_start3A_445 = tpu.memref_slice %arg30[%rem3A_12, %dma_start3A_444] : memref<2x9x!tpu.dma_semaphore, #tpu.memory_space<semaphore_mem>> -> memref<1x1x!tpu.dma_semaphore, #tpu.memory_space<semaphore_mem>>
      %dma_start3A_446 = tpu.memref_squeeze %dma_start3A_445 : memref<1x1x!tpu.dma_semaphore, #tpu.memory_space<semaphore_mem>> -> memref<!tpu.dma_semaphore, #tpu.memory_space<semaphore_mem>>
      %dma_start3A_447 = arith.constant 0 : i32
      %dma_start3A_448 = arith.constant 0 : i32
      %dma_start3A_449 = tpu.memref_slice %arg29[%rem3A_12, %dma_start3A_443, %dma_start3A_447, %dma_start3A_448] : memref<2x9x1024x128xf32, #tpu.memory_space<vmem>> -> memref<1x1x1024x128xf32, #tpu.memory_space<vmem>>
      %dma_start3A_450 = tpu.memref_squeeze %dma_start3A_449 : memref<1x1x1024x128xf32, #tpu.memory_space<vmem>> -> memref<1024x128xf32, #tpu.memory_space<vmem>>
      %dma_start3A_451 = arith.constant 0 : i32
      %dma_start3A_452 = tpu.memref_slice %arg5[%mul3A_442, %dma_start3A_451] : memref<16384x128xf32, #tpu.memory_space<any>> -> memref<1024x128xf32, #tpu.memory_space<any>>
      tpu.enqueue_dma source(%dma_start3A_452 : memref<1024x128xf32, #tpu.memory_space<any>>) target(%dma_start3A_450 : memref<1024x128xf32, #tpu.memory_space<vmem>>) target_semaphore(%dma_start3A_446 : memref<!tpu.dma_semaphore, #tpu.memory_space<semaphore_mem>>)
      %add3A_453 = arith.constant 1 : i32
      %add3A_454 = arith.addi %arg0, %add3A_453 : i32
      %mul3A_455 = arith.constant 1024 : i32
      %mul3A_456 = arith.muli %add3A_454, %mul3A_455 : i32
      %dma_start3A_457 = arith.constant 5 : i32
      %dma_start3A_458 = arith.constant 5 : i32
      %dma_start3A_459 = tpu.memref_slice %arg30[%rem3A_12, %dma_start3A_458] : memref<2x9x!tpu.dma_semaphore, #tpu.memory_space<semaphore_mem>> -> memref<1x1x!tpu.dma_semaphore, #tpu.memory_space<semaphore_mem>>
      %dma_start3A_460 = tpu.memref_squeeze %dma_start3A_459 : memref<1x1x!tpu.dma_semaphore, #tpu.memory_space<semaphore_mem>> -> memref<!tpu.dma_semaphore, #tpu.memory_space<semaphore_mem>>
      %dma_start3A_461 = arith.constant 0 : i32
      %dma_start3A_462 = arith.constant 0 : i32
      %dma_start3A_463 = tpu.memref_slice %arg29[%rem3A_12, %dma_start3A_457, %dma_start3A_461, %dma_start3A_462] : memref<2x9x1024x128xf32, #tpu.memory_space<vmem>> -> memref<1x1x1024x128xf32, #tpu.memory_space<vmem>>
      %dma_start3A_464 = tpu.memref_squeeze %dma_start3A_463 : memref<1x1x1024x128xf32, #tpu.memory_space<vmem>> -> memref<1024x128xf32, #tpu.memory_space<vmem>>
      %dma_start3A_465 = arith.constant 0 : i32
      %dma_start3A_466 = tpu.memref_slice %arg6[%mul3A_456, %dma_start3A_465] : memref<16384x128xf32, #tpu.memory_space<any>> -> memref<1024x128xf32, #tpu.memory_space<any>>
      tpu.enqueue_dma source(%dma_start3A_466 : memref<1024x128xf32, #tpu.memory_space<any>>) target(%dma_start3A_464 : memref<1024x128xf32, #tpu.memory_space<vmem>>) target_semaphore(%dma_start3A_460 : memref<!tpu.dma_semaphore, #tpu.memory_space<semaphore_mem>>)
      %add3A_467 = arith.constant 1 : i32
      %add3A_468 = arith.addi %arg0, %add3A_467 : i32
      %mul3A_469 = arith.constant 1024 : i32
      %mul3A_470 = arith.muli %add3A_468, %mul3A_469 : i32
      %dma_start3A_471 = arith.constant 6 : i32
      %dma_start3A_472 = arith.constant 6 : i32
      %dma_start3A_473 = tpu.memref_slice %arg30[%rem3A_12, %dma_start3A_472] : memref<2x9x!tpu.dma_semaphore, #tpu.memory_space<semaphore_mem>> -> memref<1x1x!tpu.dma_semaphore, #tpu.memory_space<semaphore_mem>>
      %dma_start3A_474 = tpu.memref_squeeze %dma_start3A_473 : memref<1x1x!tpu.dma_semaphore, #tpu.memory_space<semaphore_mem>> -> memref<!tpu.dma_semaphore, #tpu.memory_space<semaphore_mem>>
      %dma_start3A_475 = arith.constant 0 : i32
      %dma_start3A_476 = arith.constant 0 : i32
      %dma_start3A_477 = tpu.memref_slice %arg29[%rem3A_12, %dma_start3A_471, %dma_start3A_475, %dma_start3A_476] : memref<2x9x1024x128xf32, #tpu.memory_space<vmem>> -> memref<1x1x1024x128xf32, #tpu.memory_space<vmem>>
      %dma_start3A_478 = tpu.memref_squeeze %dma_start3A_477 : memref<1x1x1024x128xf32, #tpu.memory_space<vmem>> -> memref<1024x128xf32, #tpu.memory_space<vmem>>
      %dma_start3A_479 = arith.constant 0 : i32
      %dma_start3A_480 = tpu.memref_slice %arg7[%mul3A_470, %dma_start3A_479] : memref<16384x128xf32, #tpu.memory_space<any>> -> memref<1024x128xf32, #tpu.memory_space<any>>
      tpu.enqueue_dma source(%dma_start3A_480 : memref<1024x128xf32, #tpu.memory_space<any>>) target(%dma_start3A_478 : memref<1024x128xf32, #tpu.memory_space<vmem>>) target_semaphore(%dma_start3A_474 : memref<!tpu.dma_semaphore, #tpu.memory_space<semaphore_mem>>)
      %add3A_481 = arith.constant 1 : i32
      %add3A_482 = arith.addi %arg0, %add3A_481 : i32
      %mul3A_483 = arith.constant 1024 : i32
      %mul3A_484 = arith.muli %add3A_482, %mul3A_483 : i32
      %dma_start3A_485 = arith.constant 7 : i32
      %dma_start3A_486 = arith.constant 7 : i32
      %dma_start3A_487 = tpu.memref_slice %arg30[%rem3A_12, %dma_start3A_486] : memref<2x9x!tpu.dma_semaphore, #tpu.memory_space<semaphore_mem>> -> memref<1x1x!tpu.dma_semaphore, #tpu.memory_space<semaphore_mem>>
      %dma_start3A_488 = tpu.memref_squeeze %dma_start3A_487 : memref<1x1x!tpu.dma_semaphore, #tpu.memory_space<semaphore_mem>> -> memref<!tpu.dma_semaphore, #tpu.memory_space<semaphore_mem>>
      %dma_start3A_489 = arith.constant 0 : i32
      %dma_start3A_490 = arith.constant 0 : i32
      %dma_start3A_491 = tpu.memref_slice %arg29[%rem3A_12, %dma_start3A_485, %dma_start3A_489, %dma_start3A_490] : memref<2x9x1024x128xf32, #tpu.memory_space<vmem>> -> memref<1x1x1024x128xf32, #tpu.memory_space<vmem>>
      %dma_start3A_492 = tpu.memref_squeeze %dma_start3A_491 : memref<1x1x1024x128xf32, #tpu.memory_space<vmem>> -> memref<1024x128xf32, #tpu.memory_space<vmem>>
      %dma_start3A_493 = arith.constant 0 : i32
      %dma_start3A_494 = tpu.memref_slice %arg8[%mul3A_484, %dma_start3A_493] : memref<16384x128xf32, #tpu.memory_space<any>> -> memref<1024x128xf32, #tpu.memory_space<any>>
      tpu.enqueue_dma source(%dma_start3A_494 : memref<1024x128xf32, #tpu.memory_space<any>>) target(%dma_start3A_492 : memref<1024x128xf32, #tpu.memory_space<vmem>>) target_semaphore(%dma_start3A_488 : memref<!tpu.dma_semaphore, #tpu.memory_space<semaphore_mem>>)
      %add3A_495 = arith.constant 1 : i32
      %add3A_496 = arith.addi %arg0, %add3A_495 : i32
      %mul3A_497 = arith.constant 1024 : i32
      %mul3A_498 = arith.muli %add3A_496, %mul3A_497 : i32
      %dma_start3A_499 = arith.constant 8 : i32
      %dma_start3A_500 = arith.constant 8 : i32
      %dma_start3A_501 = tpu.memref_slice %arg30[%rem3A_12, %dma_start3A_500] : memref<2x9x!tpu.dma_semaphore, #tpu.memory_space<semaphore_mem>> -> memref<1x1x!tpu.dma_semaphore, #tpu.memory_space<semaphore_mem>>
      %dma_start3A_502 = tpu.memref_squeeze %dma_start3A_501 : memref<1x1x!tpu.dma_semaphore, #tpu.memory_space<semaphore_mem>> -> memref<!tpu.dma_semaphore, #tpu.memory_space<semaphore_mem>>
      %dma_start3A_503 = arith.constant 0 : i32
      %dma_start3A_504 = arith.constant 0 : i32
      %dma_start3A_505 = tpu.memref_slice %arg29[%rem3A_12, %dma_start3A_499, %dma_start3A_503, %dma_start3A_504] : memref<2x9x1024x128xf32, #tpu.memory_space<vmem>> -> memref<1x1x1024x128xf32, #tpu.memory_space<vmem>>
      %dma_start3A_506 = tpu.memref_squeeze %dma_start3A_505 : memref<1x1x1024x128xf32, #tpu.memory_space<vmem>> -> memref<1024x128xf32, #tpu.memory_space<vmem>>
      %dma_start3A_507 = arith.constant 0 : i32
      %dma_start3A_508 = tpu.memref_slice %arg9[%mul3A_498, %dma_start3A_507] : memref<16384x128xf32, #tpu.memory_space<any>> -> memref<1024x128xf32, #tpu.memory_space<any>>
      tpu.enqueue_dma source(%dma_start3A_508 : memref<1024x128xf32, #tpu.memory_space<any>>) target(%dma_start3A_506 : memref<1024x128xf32, #tpu.memory_space<vmem>>) target_semaphore(%dma_start3A_502 : memref<!tpu.dma_semaphore, #tpu.memory_space<semaphore_mem>>)
    } else {
    }
    %mul3A = arith.constant 1024 : i32
    %mul3A_21 = arith.muli %arg0, %mul3A : i32
    %dma_wait3A = arith.constant 0 : i32
    %dma_wait3A_22 = arith.constant 0 : i32
    %dma_wait3A_23 = tpu.memref_slice %arg30[%rem3A_9, %dma_wait3A_22] : memref<2x9x!tpu.dma_semaphore, #tpu.memory_space<semaphore_mem>> -> memref<1x1x!tpu.dma_semaphore, #tpu.memory_space<semaphore_mem>>
    %dma_wait3A_24 = tpu.memref_squeeze %dma_wait3A_23 : memref<1x1x!tpu.dma_semaphore, #tpu.memory_space<semaphore_mem>> -> memref<!tpu.dma_semaphore, #tpu.memory_space<semaphore_mem>>
    %dma_wait3A_25 = arith.constant 0 : i32
    %dma_wait3A_26 = arith.constant 0 : i32
    %dma_wait3A_27 = tpu.memref_slice %arg29[%rem3A_9, %dma_wait3A, %dma_wait3A_25, %dma_wait3A_26] : memref<2x9x1024x128xf32, #tpu.memory_space<vmem>> -> memref<1x1x1024x128xf32, #tpu.memory_space<vmem>>
    %dma_wait3A_28 = tpu.memref_squeeze %dma_wait3A_27 : memref<1x1x1024x128xf32, #tpu.memory_space<vmem>> -> memref<1024x128xf32, #tpu.memory_space<vmem>>
    %dma_wait3A_29 = arith.constant 0 : i32
    %dma_wait3A_30 = tpu.memref_slice %arg1[%mul3A_21, %dma_wait3A_29] : memref<16384x128xf32, #tpu.memory_space<any>> -> memref<1024x128xf32, #tpu.memory_space<any>>
    tpu.wait_dma2 semaphore(%dma_wait3A_24 : memref<!tpu.dma_semaphore, #tpu.memory_space<semaphore_mem>>) src(%dma_wait3A_30 : memref<1024x128xf32, #tpu.memory_space<any>>) dst(%dma_wait3A_28 : memref<1024x128xf32, #tpu.memory_space<vmem>>)
    %mul3A_31 = arith.constant 1024 : i32
    %mul3A_32 = arith.muli %arg0, %mul3A_31 : i32
    %dma_wait3A_33 = arith.constant 1 : i32
    %dma_wait3A_34 = arith.constant 1 : i32
    %dma_wait3A_35 = tpu.memref_slice %arg30[%rem3A_9, %dma_wait3A_34] : memref<2x9x!tpu.dma_semaphore, #tpu.memory_space<semaphore_mem>> -> memref<1x1x!tpu.dma_semaphore, #tpu.memory_space<semaphore_mem>>
    %dma_wait3A_36 = tpu.memref_squeeze %dma_wait3A_35 : memref<1x1x!tpu.dma_semaphore, #tpu.memory_space<semaphore_mem>> -> memref<!tpu.dma_semaphore, #tpu.memory_space<semaphore_mem>>
    %dma_wait3A_37 = arith.constant 0 : i32
    %dma_wait3A_38 = arith.constant 0 : i32
    %dma_wait3A_39 = tpu.memref_slice %arg29[%rem3A_9, %dma_wait3A_33, %dma_wait3A_37, %dma_wait3A_38] : memref<2x9x1024x128xf32, #tpu.memory_space<vmem>> -> memref<1x1x1024x128xf32, #tpu.memory_space<vmem>>
    %dma_wait3A_40 = tpu.memref_squeeze %dma_wait3A_39 : memref<1x1x1024x128xf32, #tpu.memory_space<vmem>> -> memref<1024x128xf32, #tpu.memory_space<vmem>>
    %dma_wait3A_41 = arith.constant 0 : i32
    %dma_wait3A_42 = tpu.memref_slice %arg2[%mul3A_32, %dma_wait3A_41] : memref<16384x128xf32, #tpu.memory_space<any>> -> memref<1024x128xf32, #tpu.memory_space<any>>
    tpu.wait_dma2 semaphore(%dma_wait3A_36 : memref<!tpu.dma_semaphore, #tpu.memory_space<semaphore_mem>>) src(%dma_wait3A_42 : memref<1024x128xf32, #tpu.memory_space<any>>) dst(%dma_wait3A_40 : memref<1024x128xf32, #tpu.memory_space<vmem>>)
    %mul3A_43 = arith.constant 1024 : i32
    %mul3A_44 = arith.muli %arg0, %mul3A_43 : i32
    %dma_wait3A_45 = arith.constant 2 : i32
    %dma_wait3A_46 = arith.constant 2 : i32
    %dma_wait3A_47 = tpu.memref_slice %arg30[%rem3A_9, %dma_wait3A_46] : memref<2x9x!tpu.dma_semaphore, #tpu.memory_space<semaphore_mem>> -> memref<1x1x!tpu.dma_semaphore, #tpu.memory_space<semaphore_mem>>
    %dma_wait3A_48 = tpu.memref_squeeze %dma_wait3A_47 : memref<1x1x!tpu.dma_semaphore, #tpu.memory_space<semaphore_mem>> -> memref<!tpu.dma_semaphore, #tpu.memory_space<semaphore_mem>>
    %dma_wait3A_49 = arith.constant 0 : i32
    %dma_wait3A_50 = arith.constant 0 : i32
    %dma_wait3A_51 = tpu.memref_slice %arg29[%rem3A_9, %dma_wait3A_45, %dma_wait3A_49, %dma_wait3A_50] : memref<2x9x1024x128xf32, #tpu.memory_space<vmem>> -> memref<1x1x1024x128xf32, #tpu.memory_space<vmem>>
    %dma_wait3A_52 = tpu.memref_squeeze %dma_wait3A_51 : memref<1x1x1024x128xf32, #tpu.memory_space<vmem>> -> memref<1024x128xf32, #tpu.memory_space<vmem>>
    %dma_wait3A_53 = arith.constant 0 : i32
    %dma_wait3A_54 = tpu.memref_slice %arg3[%mul3A_44, %dma_wait3A_53] : memref<16384x128xf32, #tpu.memory_space<any>> -> memref<1024x128xf32, #tpu.memory_space<any>>
    tpu.wait_dma2 semaphore(%dma_wait3A_48 : memref<!tpu.dma_semaphore, #tpu.memory_space<semaphore_mem>>) src(%dma_wait3A_54 : memref<1024x128xf32, #tpu.memory_space<any>>) dst(%dma_wait3A_52 : memref<1024x128xf32, #tpu.memory_space<vmem>>)
    %mul3A_55 = arith.constant 1024 : i32
    %mul3A_56 = arith.muli %arg0, %mul3A_55 : i32
    %dma_wait3A_57 = arith.constant 3 : i32
    %dma_wait3A_58 = arith.constant 3 : i32
    %dma_wait3A_59 = tpu.memref_slice %arg30[%rem3A_9, %dma_wait3A_58] : memref<2x9x!tpu.dma_semaphore, #tpu.memory_space<semaphore_mem>> -> memref<1x1x!tpu.dma_semaphore, #tpu.memory_space<semaphore_mem>>
    %dma_wait3A_60 = tpu.memref_squeeze %dma_wait3A_59 : memref<1x1x!tpu.dma_semaphore, #tpu.memory_space<semaphore_mem>> -> memref<!tpu.dma_semaphore, #tpu.memory_space<semaphore_mem>>
    %dma_wait3A_61 = arith.constant 0 : i32
    %dma_wait3A_62 = arith.constant 0 : i32
    %dma_wait3A_63 = tpu.memref_slice %arg29[%rem3A_9, %dma_wait3A_57, %dma_wait3A_61, %dma_wait3A_62] : memref<2x9x1024x128xf32, #tpu.memory_space<vmem>> -> memref<1x1x1024x128xf32, #tpu.memory_space<vmem>>
    %dma_wait3A_64 = tpu.memref_squeeze %dma_wait3A_63 : memref<1x1x1024x128xf32, #tpu.memory_space<vmem>> -> memref<1024x128xf32, #tpu.memory_space<vmem>>
    %dma_wait3A_65 = arith.constant 0 : i32
    %dma_wait3A_66 = tpu.memref_slice %arg4[%mul3A_56, %dma_wait3A_65] : memref<16384x128xf32, #tpu.memory_space<any>> -> memref<1024x128xf32, #tpu.memory_space<any>>
    tpu.wait_dma2 semaphore(%dma_wait3A_60 : memref<!tpu.dma_semaphore, #tpu.memory_space<semaphore_mem>>) src(%dma_wait3A_66 : memref<1024x128xf32, #tpu.memory_space<any>>) dst(%dma_wait3A_64 : memref<1024x128xf32, #tpu.memory_space<vmem>>)
    %mul3A_67 = arith.constant 1024 : i32
    %mul3A_68 = arith.muli %arg0, %mul3A_67 : i32
    %dma_wait3A_69 = arith.constant 4 : i32
    %dma_wait3A_70 = arith.constant 4 : i32
    %dma_wait3A_71 = tpu.memref_slice %arg30[%rem3A_9, %dma_wait3A_70] : memref<2x9x!tpu.dma_semaphore, #tpu.memory_space<semaphore_mem>> -> memref<1x1x!tpu.dma_semaphore, #tpu.memory_space<semaphore_mem>>
    %dma_wait3A_72 = tpu.memref_squeeze %dma_wait3A_71 : memref<1x1x!tpu.dma_semaphore, #tpu.memory_space<semaphore_mem>> -> memref<!tpu.dma_semaphore, #tpu.memory_space<semaphore_mem>>
    %dma_wait3A_73 = arith.constant 0 : i32
    %dma_wait3A_74 = arith.constant 0 : i32
    %dma_wait3A_75 = tpu.memref_slice %arg29[%rem3A_9, %dma_wait3A_69, %dma_wait3A_73, %dma_wait3A_74] : memref<2x9x1024x128xf32, #tpu.memory_space<vmem>> -> memref<1x1x1024x128xf32, #tpu.memory_space<vmem>>
    %dma_wait3A_76 = tpu.memref_squeeze %dma_wait3A_75 : memref<1x1x1024x128xf32, #tpu.memory_space<vmem>> -> memref<1024x128xf32, #tpu.memory_space<vmem>>
    %dma_wait3A_77 = arith.constant 0 : i32
    %dma_wait3A_78 = tpu.memref_slice %arg5[%mul3A_68, %dma_wait3A_77] : memref<16384x128xf32, #tpu.memory_space<any>> -> memref<1024x128xf32, #tpu.memory_space<any>>
    tpu.wait_dma2 semaphore(%dma_wait3A_72 : memref<!tpu.dma_semaphore, #tpu.memory_space<semaphore_mem>>) src(%dma_wait3A_78 : memref<1024x128xf32, #tpu.memory_space<any>>) dst(%dma_wait3A_76 : memref<1024x128xf32, #tpu.memory_space<vmem>>)
    %mul3A_79 = arith.constant 1024 : i32
    %mul3A_80 = arith.muli %arg0, %mul3A_79 : i32
    %dma_wait3A_81 = arith.constant 5 : i32
    %dma_wait3A_82 = arith.constant 5 : i32
    %dma_wait3A_83 = tpu.memref_slice %arg30[%rem3A_9, %dma_wait3A_82] : memref<2x9x!tpu.dma_semaphore, #tpu.memory_space<semaphore_mem>> -> memref<1x1x!tpu.dma_semaphore, #tpu.memory_space<semaphore_mem>>
    %dma_wait3A_84 = tpu.memref_squeeze %dma_wait3A_83 : memref<1x1x!tpu.dma_semaphore, #tpu.memory_space<semaphore_mem>> -> memref<!tpu.dma_semaphore, #tpu.memory_space<semaphore_mem>>
    %dma_wait3A_85 = arith.constant 0 : i32
    %dma_wait3A_86 = arith.constant 0 : i32
    %dma_wait3A_87 = tpu.memref_slice %arg29[%rem3A_9, %dma_wait3A_81, %dma_wait3A_85, %dma_wait3A_86] : memref<2x9x1024x128xf32, #tpu.memory_space<vmem>> -> memref<1x1x1024x128xf32, #tpu.memory_space<vmem>>
    %dma_wait3A_88 = tpu.memref_squeeze %dma_wait3A_87 : memref<1x1x1024x128xf32, #tpu.memory_space<vmem>> -> memref<1024x128xf32, #tpu.memory_space<vmem>>
    %dma_wait3A_89 = arith.constant 0 : i32
    %dma_wait3A_90 = tpu.memref_slice %arg6[%mul3A_80, %dma_wait3A_89] : memref<16384x128xf32, #tpu.memory_space<any>> -> memref<1024x128xf32, #tpu.memory_space<any>>
    tpu.wait_dma2 semaphore(%dma_wait3A_84 : memref<!tpu.dma_semaphore, #tpu.memory_space<semaphore_mem>>) src(%dma_wait3A_90 : memref<1024x128xf32, #tpu.memory_space<any>>) dst(%dma_wait3A_88 : memref<1024x128xf32, #tpu.memory_space<vmem>>)
    %mul3A_91 = arith.constant 1024 : i32
    %mul3A_92 = arith.muli %arg0, %mul3A_91 : i32
    %dma_wait3A_93 = arith.constant 6 : i32
    %dma_wait3A_94 = arith.constant 6 : i32
    %dma_wait3A_95 = tpu.memref_slice %arg30[%rem3A_9, %dma_wait3A_94] : memref<2x9x!tpu.dma_semaphore, #tpu.memory_space<semaphore_mem>> -> memref<1x1x!tpu.dma_semaphore, #tpu.memory_space<semaphore_mem>>
    %dma_wait3A_96 = tpu.memref_squeeze %dma_wait3A_95 : memref<1x1x!tpu.dma_semaphore, #tpu.memory_space<semaphore_mem>> -> memref<!tpu.dma_semaphore, #tpu.memory_space<semaphore_mem>>
    %dma_wait3A_97 = arith.constant 0 : i32
    %dma_wait3A_98 = arith.constant 0 : i32
    %dma_wait3A_99 = tpu.memref_slice %arg29[%rem3A_9, %dma_wait3A_93, %dma_wait3A_97, %dma_wait3A_98] : memref<2x9x1024x128xf32, #tpu.memory_space<vmem>> -> memref<1x1x1024x128xf32, #tpu.memory_space<vmem>>
    %dma_wait3A_100 = tpu.memref_squeeze %dma_wait3A_99 : memref<1x1x1024x128xf32, #tpu.memory_space<vmem>> -> memref<1024x128xf32, #tpu.memory_space<vmem>>
    %dma_wait3A_101 = arith.constant 0 : i32
    %dma_wait3A_102 = tpu.memref_slice %arg7[%mul3A_92, %dma_wait3A_101] : memref<16384x128xf32, #tpu.memory_space<any>> -> memref<1024x128xf32, #tpu.memory_space<any>>
    tpu.wait_dma2 semaphore(%dma_wait3A_96 : memref<!tpu.dma_semaphore, #tpu.memory_space<semaphore_mem>>) src(%dma_wait3A_102 : memref<1024x128xf32, #tpu.memory_space<any>>) dst(%dma_wait3A_100 : memref<1024x128xf32, #tpu.memory_space<vmem>>)
    %mul3A_103 = arith.constant 1024 : i32
    %mul3A_104 = arith.muli %arg0, %mul3A_103 : i32
    %dma_wait3A_105 = arith.constant 7 : i32
    %dma_wait3A_106 = arith.constant 7 : i32
    %dma_wait3A_107 = tpu.memref_slice %arg30[%rem3A_9, %dma_wait3A_106] : memref<2x9x!tpu.dma_semaphore, #tpu.memory_space<semaphore_mem>> -> memref<1x1x!tpu.dma_semaphore, #tpu.memory_space<semaphore_mem>>
    %dma_wait3A_108 = tpu.memref_squeeze %dma_wait3A_107 : memref<1x1x!tpu.dma_semaphore, #tpu.memory_space<semaphore_mem>> -> memref<!tpu.dma_semaphore, #tpu.memory_space<semaphore_mem>>
    %dma_wait3A_109 = arith.constant 0 : i32
    %dma_wait3A_110 = arith.constant 0 : i32
    %dma_wait3A_111 = tpu.memref_slice %arg29[%rem3A_9, %dma_wait3A_105, %dma_wait3A_109, %dma_wait3A_110] : memref<2x9x1024x128xf32, #tpu.memory_space<vmem>> -> memref<1x1x1024x128xf32, #tpu.memory_space<vmem>>
    %dma_wait3A_112 = tpu.memref_squeeze %dma_wait3A_111 : memref<1x1x1024x128xf32, #tpu.memory_space<vmem>> -> memref<1024x128xf32, #tpu.memory_space<vmem>>
    %dma_wait3A_113 = arith.constant 0 : i32
    %dma_wait3A_114 = tpu.memref_slice %arg8[%mul3A_104, %dma_wait3A_113] : memref<16384x128xf32, #tpu.memory_space<any>> -> memref<1024x128xf32, #tpu.memory_space<any>>
    tpu.wait_dma2 semaphore(%dma_wait3A_108 : memref<!tpu.dma_semaphore, #tpu.memory_space<semaphore_mem>>) src(%dma_wait3A_114 : memref<1024x128xf32, #tpu.memory_space<any>>) dst(%dma_wait3A_112 : memref<1024x128xf32, #tpu.memory_space<vmem>>)
    %mul3A_115 = arith.constant 1024 : i32
    %mul3A_116 = arith.muli %arg0, %mul3A_115 : i32
    %dma_wait3A_117 = arith.constant 8 : i32
    %dma_wait3A_118 = arith.constant 8 : i32
    %dma_wait3A_119 = tpu.memref_slice %arg30[%rem3A_9, %dma_wait3A_118] : memref<2x9x!tpu.dma_semaphore, #tpu.memory_space<semaphore_mem>> -> memref<1x1x!tpu.dma_semaphore, #tpu.memory_space<semaphore_mem>>
    %dma_wait3A_120 = tpu.memref_squeeze %dma_wait3A_119 : memref<1x1x!tpu.dma_semaphore, #tpu.memory_space<semaphore_mem>> -> memref<!tpu.dma_semaphore, #tpu.memory_space<semaphore_mem>>
    %dma_wait3A_121 = arith.constant 0 : i32
    %dma_wait3A_122 = arith.constant 0 : i32
    %dma_wait3A_123 = tpu.memref_slice %arg29[%rem3A_9, %dma_wait3A_117, %dma_wait3A_121, %dma_wait3A_122] : memref<2x9x1024x128xf32, #tpu.memory_space<vmem>> -> memref<1x1x1024x128xf32, #tpu.memory_space<vmem>>
    %dma_wait3A_124 = tpu.memref_squeeze %dma_wait3A_123 : memref<1x1x1024x128xf32, #tpu.memory_space<vmem>> -> memref<1024x128xf32, #tpu.memory_space<vmem>>
    %dma_wait3A_125 = arith.constant 0 : i32
    %dma_wait3A_126 = tpu.memref_slice %arg9[%mul3A_116, %dma_wait3A_125] : memref<16384x128xf32, #tpu.memory_space<any>> -> memref<1024x128xf32, #tpu.memory_space<any>>
    tpu.wait_dma2 semaphore(%dma_wait3A_120 : memref<!tpu.dma_semaphore, #tpu.memory_space<semaphore_mem>>) src(%dma_wait3A_126 : memref<1024x128xf32, #tpu.memory_space<any>>) dst(%dma_wait3A_124 : memref<1024x128xf32, #tpu.memory_space<vmem>>)
    %iota3A = tpu.iota {dimensions = array<i32: 1>} : vector<1x128xi32>
    %lt3A_127 = arith.constant 106 : i32
    %lt3A_128 = vector.broadcast %lt3A_127 : i32 to vector<1x128xi32>
    %lt3A_129 = arith.cmpi slt, %iota3A, %lt3A_128 : vector<1x128xi32>
    %get3A_130 = arith.index_cast %rem3A_9 : i32 to index
    %get3A_131 = arith.constant 0 : index
    %get3A_132 = arith.constant 0 : index
    %get3A_133 = arith.constant 0 : index
    %get3A_134 = vector.load %arg29[%get3A_130, %get3A_131, %get3A_132, %get3A_133] : memref<2x9x1024x128xf32, #tpu.memory_space<vmem>>, vector<1x1x1024x128xf32>
    %get3A_135 = vector.shape_cast %get3A_134 : vector<1x1x1024x128xf32> to vector<1024x128xf32>
    %jit3A = arith.constant 0.000000e+00 : f32
    %broadcast_in_dim3A = vector.shape_cast %lt3A_129 : vector<1x128xi1> to vector<1x128xi1>
    %broadcast_in_dim3A_136 = vector.broadcast %broadcast_in_dim3A : vector<1x128xi1> to vector<1024x128xi1>
    %broadcast_in_dim3A_137 = vector.broadcast %jit3A : f32 to vector<1024x128xf32>
    %select_n3A = arith.select %broadcast_in_dim3A_136, %get3A_135, %broadcast_in_dim3A_137 : vector<1024x128xi1>, vector<1024x128xf32>
    %get3A_138 = arith.index_cast %rem3A_9 : i32 to index
    %get3A_139 = arith.constant 1 : index
    %get3A_140 = arith.constant 0 : index
    %get3A_141 = arith.constant 0 : index
    %get3A_142 = vector.load %arg29[%get3A_138, %get3A_139, %get3A_140, %get3A_141] : memref<2x9x1024x128xf32, #tpu.memory_space<vmem>>, vector<1x1x1024x128xf32>
    %get3A_143 = vector.shape_cast %get3A_142 : vector<1x1x1024x128xf32> to vector<1024x128xf32>
    %jit3A_144 = arith.constant 0.000000e+00 : f32
    %broadcast_in_dim3A_145 = vector.shape_cast %lt3A_129 : vector<1x128xi1> to vector<1x128xi1>
    %broadcast_in_dim3A_146 = vector.broadcast %broadcast_in_dim3A_145 : vector<1x128xi1> to vector<1024x128xi1>
    %broadcast_in_dim3A_147 = vector.broadcast %jit3A_144 : f32 to vector<1024x128xf32>
    %select_n3A_148 = arith.select %broadcast_in_dim3A_146, %get3A_143, %broadcast_in_dim3A_147 : vector<1024x128xi1>, vector<1024x128xf32>
    %get3A_149 = arith.index_cast %rem3A_9 : i32 to index
    %get3A_150 = arith.constant 2 : index
    %get3A_151 = arith.constant 0 : index
    %get3A_152 = arith.constant 0 : index
    %get3A_153 = vector.load %arg29[%get3A_149, %get3A_150, %get3A_151, %get3A_152] : memref<2x9x1024x128xf32, #tpu.memory_space<vmem>>, vector<1x1x1024x128xf32>
    %get3A_154 = vector.shape_cast %get3A_153 : vector<1x1x1024x128xf32> to vector<1024x128xf32>
    %jit3A_155 = arith.constant 0.000000e+00 : f32
    %broadcast_in_dim3A_156 = vector.shape_cast %lt3A_129 : vector<1x128xi1> to vector<1x128xi1>
    %broadcast_in_dim3A_157 = vector.broadcast %broadcast_in_dim3A_156 : vector<1x128xi1> to vector<1024x128xi1>
    %broadcast_in_dim3A_158 = vector.broadcast %jit3A_155 : f32 to vector<1024x128xf32>
    %select_n3A_159 = arith.select %broadcast_in_dim3A_157, %get3A_154, %broadcast_in_dim3A_158 : vector<1024x128xi1>, vector<1024x128xf32>
    %get3A_160 = arith.index_cast %rem3A_9 : i32 to index
    %get3A_161 = arith.constant 8 : index
    %get3A_162 = arith.constant 0 : index
    %get3A_163 = arith.constant 0 : index
    %get3A_164 = vector.load %arg29[%get3A_160, %get3A_161, %get3A_162, %get3A_163] : memref<2x9x1024x128xf32, #tpu.memory_space<vmem>>, vector<1x1x1024x128xf32>
    %get3A_165 = vector.shape_cast %get3A_164 : vector<1x1x1024x128xf32> to vector<1024x128xf32>
    %jit3A_166 = arith.constant 0.000000e+00 : f32
    %broadcast_in_dim3A_167 = vector.shape_cast %lt3A_129 : vector<1x128xi1> to vector<1x128xi1>
    %broadcast_in_dim3A_168 = vector.broadcast %broadcast_in_dim3A_167 : vector<1x128xi1> to vector<1024x128xi1>
    %broadcast_in_dim3A_169 = vector.broadcast %jit3A_166 : f32 to vector<1024x128xf32>
    %select_n3A_170 = arith.select %broadcast_in_dim3A_168, %get3A_165, %broadcast_in_dim3A_169 : vector<1024x128xi1>, vector<1024x128xf32>
    %get3A_171 = arith.constant 0 : index
    %get3A_172 = arith.constant 0 : index
    %get3A_173 = vector.load %arg11[%get3A_171, %get3A_172] : memref<32x128xf32, #tpu.memory_space<vmem>>, vector<32x128xf32>
    %get3A_174 = arith.constant 0 : index
    %get3A_175 = arith.constant 0 : index
    %get3A_176 = vector.load %arg13[%get3A_174, %get3A_175] : memref<32x128xf32, #tpu.memory_space<vmem>>, vector<32x128xf32>
    %add3A_177 = arith.addf %get3A_173, %get3A_176 : vector<32x128xf32>
    %get3A_178 = arith.constant 0 : index
    %get3A_179 = arith.constant 0 : index
    %get3A_180 = vector.load %arg12[%get3A_178, %get3A_179] : memref<32x128xf32, #tpu.memory_space<vmem>>, vector<32x128xf32>
    %get3A_181 = arith.constant 0 : index
    %get3A_182 = arith.constant 0 : index
    %get3A_183 = vector.load %arg13[%get3A_181, %get3A_182] : memref<32x128xf32, #tpu.memory_space<vmem>>, vector<32x128xf32>
    %sub3A = arith.subf %get3A_180, %get3A_183 : vector<32x128xf32>
    %get3A_184 = arith.constant 0 : index
    %get3A_185 = arith.constant 0 : index
    %get3A_186 = vector.load %arg14[%get3A_184, %get3A_185] : memref<32x128xf32, #tpu.memory_space<vmem>>, vector<32x128xf32>
    %dot_general3A = arith.constant dense<0.000000e+00> : vector<1024x32xf32>
    %dot_general3A_187 = tpu.matmul %select_n3A_170, %sub3A, %dot_general3A {dimension_numbers = #tpu.dot_dimension_numbers<[1], [1], [0], [0], [0, 0, 1, 0], [], []>, transpose_lhs_hint = false} : vector<1024x128xf32>, vector<32x128xf32>, vector<1024x32xf32> -> vector<1024x32xf32>
    %get3A_188 = arith.constant 0 : index
    %get3A_189 = arith.constant 0 : index
    %get3A_190 = vector.load %arg15[%get3A_188, %get3A_189] : memref<1x32xf32, #tpu.memory_space<vmem>>, vector<1x32xf32>
    %add3A_191 = vector.broadcast %get3A_190 : vector<1x32xf32> to vector<1024x32xf32>
    %add3A_192 = arith.addf %dot_general3A_187, %add3A_191 : vector<1024x32xf32>
    %get3A_193 = arith.index_cast %rem3A_9 : i32 to index
    %get3A_194 = arith.constant 3 : index
    %get3A_195 = arith.constant 0 : index
    %get3A_196 = arith.constant 0 : index
    %get3A_197 = vector.load %arg29[%get3A_193, %get3A_194, %get3A_195, %get3A_196] : memref<2x9x1024x128xf32, #tpu.memory_space<vmem>>, vector<1x1x1024x128xf32>
    %get3A_198 = vector.shape_cast %get3A_197 : vector<1x1x1024x128xf32> to vector<1024x128xf32>
    %jit3A_199 = arith.constant 0.000000e+00 : f32
    %broadcast_in_dim3A_200 = vector.shape_cast %lt3A_129 : vector<1x128xi1> to vector<1x128xi1>
    %broadcast_in_dim3A_201 = vector.broadcast %broadcast_in_dim3A_200 : vector<1x128xi1> to vector<1024x128xi1>
    %broadcast_in_dim3A_202 = vector.broadcast %jit3A_199 : f32 to vector<1024x128xf32>
    %select_n3A_203 = arith.select %broadcast_in_dim3A_201, %get3A_198, %broadcast_in_dim3A_202 : vector<1024x128xi1>, vector<1024x128xf32>
    %get3A_204 = arith.index_cast %rem3A_9 : i32 to index
    %get3A_205 = arith.constant 4 : index
    %get3A_206 = arith.constant 0 : index
    %get3A_207 = arith.constant 0 : index
    %get3A_208 = vector.load %arg29[%get3A_204, %get3A_205, %get3A_206, %get3A_207] : memref<2x9x1024x128xf32, #tpu.memory_space<vmem>>, vector<1x1x1024x128xf32>
    %get3A_209 = vector.shape_cast %get3A_208 : vector<1x1x1024x128xf32> to vector<1024x128xf32>
    %jit3A_210 = arith.constant 0.000000e+00 : f32
    %broadcast_in_dim3A_211 = vector.shape_cast %lt3A_129 : vector<1x128xi1> to vector<1x128xi1>
    %broadcast_in_dim3A_212 = vector.broadcast %broadcast_in_dim3A_211 : vector<1x128xi1> to vector<1024x128xi1>
    %broadcast_in_dim3A_213 = vector.broadcast %jit3A_210 : f32 to vector<1024x128xf32>
    %select_n3A_214 = arith.select %broadcast_in_dim3A_212, %get3A_209, %broadcast_in_dim3A_213 : vector<1024x128xi1>, vector<1024x128xf32>
    %get3A_215 = arith.index_cast %rem3A_9 : i32 to index
    %get3A_216 = arith.constant 5 : index
    %get3A_217 = arith.constant 0 : index
    %get3A_218 = arith.constant 0 : index
    %get3A_219 = vector.load %arg29[%get3A_215, %get3A_216, %get3A_217, %get3A_218] : memref<2x9x1024x128xf32, #tpu.memory_space<vmem>>, vector<1x1x1024x128xf32>
    %get3A_220 = vector.shape_cast %get3A_219 : vector<1x1x1024x128xf32> to vector<1024x128xf32>
    %jit3A_221 = arith.constant 0.000000e+00 : f32
    %broadcast_in_dim3A_222 = vector.shape_cast %lt3A_129 : vector<1x128xi1> to vector<1x128xi1>
    %broadcast_in_dim3A_223 = vector.broadcast %broadcast_in_dim3A_222 : vector<1x128xi1> to vector<1024x128xi1>
    %broadcast_in_dim3A_224 = vector.broadcast %jit3A_221 : f32 to vector<1024x128xf32>
    %select_n3A_225 = arith.select %broadcast_in_dim3A_223, %get3A_220, %broadcast_in_dim3A_224 : vector<1024x128xi1>, vector<1024x128xf32>
    %get3A_226 = arith.index_cast %rem3A_9 : i32 to index
    %get3A_227 = arith.constant 6 : index
    %get3A_228 = arith.constant 0 : index
    %get3A_229 = arith.constant 0 : index
    %get3A_230 = vector.load %arg29[%get3A_226, %get3A_227, %get3A_228, %get3A_229] : memref<2x9x1024x128xf32, #tpu.memory_space<vmem>>, vector<1x1x1024x128xf32>
    %get3A_231 = vector.shape_cast %get3A_230 : vector<1x1x1024x128xf32> to vector<1024x128xf32>
    %jit3A_232 = arith.constant 0.000000e+00 : f32
    %broadcast_in_dim3A_233 = vector.shape_cast %lt3A_129 : vector<1x128xi1> to vector<1x128xi1>
    %broadcast_in_dim3A_234 = vector.broadcast %broadcast_in_dim3A_233 : vector<1x128xi1> to vector<1024x128xi1>
    %broadcast_in_dim3A_235 = vector.broadcast %jit3A_232 : f32 to vector<1024x128xf32>
    %select_n3A_236 = arith.select %broadcast_in_dim3A_234, %get3A_231, %broadcast_in_dim3A_235 : vector<1024x128xi1>, vector<1024x128xf32>
    %get3A_237 = arith.index_cast %rem3A_9 : i32 to index
    %get3A_238 = arith.constant 7 : index
    %get3A_239 = arith.constant 0 : index
    %get3A_240 = arith.constant 0 : index
    %get3A_241 = vector.load %arg29[%get3A_237, %get3A_238, %get3A_239, %get3A_240] : memref<2x9x1024x128xf32, #tpu.memory_space<vmem>>, vector<1x1x1024x128xf32>
    %get3A_242 = vector.shape_cast %get3A_241 : vector<1x1x1024x128xf32> to vector<1024x128xf32>
    %jit3A_243 = arith.constant 0.000000e+00 : f32
    %broadcast_in_dim3A_244 = vector.shape_cast %lt3A_129 : vector<1x128xi1> to vector<1x128xi1>
    %broadcast_in_dim3A_245 = vector.broadcast %broadcast_in_dim3A_244 : vector<1x128xi1> to vector<1024x128xi1>
    %broadcast_in_dim3A_246 = vector.broadcast %jit3A_243 : f32 to vector<1024x128xf32>
    %select_n3A_247 = arith.select %broadcast_in_dim3A_245, %get3A_242, %broadcast_in_dim3A_246 : vector<1024x128xi1>, vector<1024x128xf32>
    %stack3A = vector.shape_cast %select_n3A_203 : vector<1024x128xf32> to vector<1x1024x128xf32>
    %stack3A_248 = vector.shape_cast %select_n3A_214 : vector<1024x128xf32> to vector<1x1024x128xf32>
    %stack3A_249 = vector.shape_cast %select_n3A_225 : vector<1024x128xf32> to vector<1x1024x128xf32>
    %stack3A_250 = vector.shape_cast %select_n3A_236 : vector<1024x128xf32> to vector<1x1024x128xf32>
    %stack3A_251 = vector.shape_cast %select_n3A_247 : vector<1024x128xf32> to vector<1x1024x128xf32>
    %stack3A_252 = tpu.concatenate %stack3A, %stack3A_248, %stack3A_249, %stack3A_250, %stack3A_251 in 0 : vector<1x1024x128xf32>, vector<1x1024x128xf32>, vector<1x1024x128xf32>, vector<1x1024x128xf32>, vector<1x1024x128xf32> -> vector<5x1024x128xf32>
    %reshape3A = vector.shape_cast %stack3A_252 : vector<5x1024x128xf32> to vector<5120x128xf32>
    %broadcast_in_dim3A_253 = vector.shape_cast %select_n3A_170 : vector<1024x128xf32> to vector<1x1024x128xf32>
    %mul3A_254 = vector.broadcast %broadcast_in_dim3A_253 : vector<1x1024x128xf32> to vector<5x1024x128xf32>
    %mul3A_255 = arith.mulf %stack3A_252, %mul3A_254 : vector<5x1024x128xf32>
    %reshape3A_256 = vector.shape_cast %mul3A_255 : vector<5x1024x128xf32> to vector<5120x128xf32>
    %broadcast_in_dim3A_257 = vector.shape_cast %add3A_192 : vector<1024x32xf32> to vector<1x1024x32xf32>
    %broadcast_in_dim3A_258 = vector.shape_cast %broadcast_in_dim3A_257 : vector<1x1024x32xf32> to vector<1x1024x32xf32>
    %broadcast_in_dim3A_259 = vector.broadcast %broadcast_in_dim3A_258 : vector<1x1024x32xf32> to vector<5x1024x32xf32>
    %reshape3A_260 = vector.shape_cast %broadcast_in_dim3A_259 : vector<5x1024x32xf32> to vector<5120x32xf32>
    %dot_general3A_261 = arith.constant dense<0.000000e+00> : vector<5120x32xf32>
    %dot_general3A_262 = tpu.matmul %reshape3A, %add3A_177, %dot_general3A_261 {dimension_numbers = #tpu.dot_dimension_numbers<[1], [1], [0], [0], [0, 0, 1, 0], [], []>, transpose_lhs_hint = false} : vector<5120x128xf32>, vector<32x128xf32>, vector<5120x32xf32> -> vector<5120x32xf32>
    %dot_general3A_263 = arith.constant dense<0.000000e+00> : vector<5120x32xf32>
    %dot_general3A_264 = tpu.matmul %reshape3A_256, %get3A_186, %dot_general3A_263 {dimension_numbers = #tpu.dot_dimension_numbers<[1], [1], [0], [0], [0, 0, 1, 0], [], []>, transpose_lhs_hint = false} : vector<5120x128xf32>, vector<32x128xf32>, vector<5120x32xf32> -> vector<5120x32xf32>
    %add3A_265 = arith.addf %dot_general3A_262, %dot_general3A_264 : vector<5120x32xf32>
    %add3A_266 = arith.addf %add3A_265, %reshape3A_260 : vector<5120x32xf32>
    %max3A = arith.constant 0.000000e+00 : f32
    %max3A_267 = vector.broadcast %max3A : f32 to vector<5120x32xf32>
    %max3A_268 = arith.maximumf %add3A_266, %max3A_267 : vector<5120x32xf32>
    %min3A = arith.constant 0.000000e+00 : f32
    %min3A_269 = vector.broadcast %min3A : f32 to vector<5120x32xf32>
    %min3A_270 = arith.minimumf %add3A_266, %min3A_269 : vector<5120x32xf32>
    %mul3A_271 = vector.broadcast %get3A_0 : f32 to vector<5120x32xf32>
    %mul3A_272 = arith.mulf %mul3A_271, %min3A_270 : vector<5120x32xf32>
    %add3A_273 = arith.addf %max3A_268, %mul3A_272 : vector<5120x32xf32>
    %get3A_274 = arith.constant 0 : index
    %get3A_275 = arith.constant 0 : index
    %get3A_276 = vector.load %arg16[%get3A_274, %get3A_275] : memref<1x32xf32, #tpu.memory_space<vmem>>, vector<1x32xf32>
    %mul3A_277 = vector.broadcast %get3A_276 : vector<1x32xf32> to vector<5120x32xf32>
    %mul3A_278 = arith.mulf %add3A_273, %mul3A_277 : vector<5120x32xf32>
    %reduce_sum3A = arith.constant dense<0.000000e+00> : vector<5120xf32>
    %reduce_sum3A_279 = vector.multi_reduction <add>, %mul3A_278, %reduce_sum3A [1] : vector<5120x32xf32> to vector<5120xf32>
    %broadcast_in_dim3A_280 = vector.shape_cast %reduce_sum3A_279 : vector<5120xf32> to vector<5120x1xf32>
    %add3A_281 = vector.broadcast %get3A_2 : f32 to vector<5120x1xf32>
    %add3A_282 = arith.addf %broadcast_in_dim3A_280, %add3A_281 : vector<5120x1xf32>
    %logistic3A = arith.negf %add3A_282 : vector<5120x1xf32>
    %logistic3A_283 = math.exp %logistic3A : vector<5120x1xf32>
    %logistic3A_284 = arith.constant 1.000000e+00 : f32
    %logistic3A_285 = vector.broadcast %logistic3A_284 : f32 to vector<5120x1xf32>
    %logistic3A_286 = arith.addf %logistic3A_285, %logistic3A_283 : vector<5120x1xf32>
    %logistic3A_287 = arith.divf %logistic3A_285, %logistic3A_286 : vector<5120x1xf32>
    %reshape3A_288 = vector.shape_cast %logistic3A_287 : vector<5120x1xf32> to vector<5x1024x1xf32>
    %mul3A_289 = vector.broadcast %reshape3A_288 : vector<5x1024x1xf32> to vector<5x1024x128xf32>
    %mul3A_290 = arith.mulf %mul3A_289, %stack3A_252 : vector<5x1024x128xf32>
    %reduce_sum3A_291 = arith.constant dense<0.000000e+00> : vector<1024x128xf32>
    %reduce_sum3A_292 = vector.multi_reduction <add>, %mul3A_290, %reduce_sum3A_291 [0] : vector<5x1024x128xf32> to vector<1024x128xf32>
    %get3A_293 = arith.constant 0 : index
    %get3A_294 = arith.constant 0 : index
    %get3A_295 = vector.load %arg17[%get3A_293, %get3A_294] : memref<128x128xf32, #tpu.memory_space<vmem>>, vector<128x128xf32>
    %dot_general3A_296 = arith.constant dense<0.000000e+00> : vector<1024x128xf32>
    %dot_general3A_297 = tpu.matmul %select_n3A, %get3A_295, %dot_general3A_296 {dimension_numbers = #tpu.dot_dimension_numbers<[1], [1], [0], [0], [0, 0, 1, 0], [], []>, transpose_lhs_hint = false} : vector<1024x128xf32>, vector<128x128xf32>, vector<1024x128xf32> -> vector<1024x128xf32>
    %get3A_298 = arith.constant 0 : index
    %get3A_299 = arith.constant 0 : index
    %get3A_300 = vector.load %arg18[%get3A_298, %get3A_299] : memref<128x128xf32, #tpu.memory_space<vmem>>, vector<128x128xf32>
    %dot_general3A_301 = arith.constant dense<0.000000e+00> : vector<1024x128xf32>
    %dot_general3A_302 = tpu.matmul %select_n3A_148, %get3A_300, %dot_general3A_301 {dimension_numbers = #tpu.dot_dimension_numbers<[1], [1], [0], [0], [0, 0, 1, 0], [], []>, transpose_lhs_hint = false} : vector<1024x128xf32>, vector<128x128xf32>, vector<1024x128xf32> -> vector<1024x128xf32>
    %add3A_303 = arith.addf %dot_general3A_297, %dot_general3A_302 : vector<1024x128xf32>
    %get3A_304 = arith.constant 0 : index
    %get3A_305 = arith.constant 0 : index
    %get3A_306 = vector.load %arg19[%get3A_304, %get3A_305] : memref<128x128xf32, #tpu.memory_space<vmem>>, vector<128x128xf32>
    %dot_general3A_307 = arith.constant dense<0.000000e+00> : vector<1024x128xf32>
    %dot_general3A_308 = tpu.matmul %select_n3A_159, %get3A_306, %dot_general3A_307 {dimension_numbers = #tpu.dot_dimension_numbers<[1], [1], [0], [0], [0, 0, 1, 0], [], []>, transpose_lhs_hint = false} : vector<1024x128xf32>, vector<128x128xf32>, vector<1024x128xf32> -> vector<1024x128xf32>
    %add3A_309 = arith.addf %add3A_303, %dot_general3A_308 : vector<1024x128xf32>
    %get3A_310 = arith.constant 0 : index
    %get3A_311 = arith.constant 0 : index
    %get3A_312 = vector.load %arg10[%get3A_310, %get3A_311] : memref<1024x13xf32, #tpu.memory_space<vmem>>, vector<1024x13xf32>
    %get3A_313 = arith.constant 0 : index
    %get3A_314 = arith.constant 0 : index
    %get3A_315 = vector.load %arg20[%get3A_313, %get3A_314] : memref<128x13xf32, #tpu.memory_space<vmem>>, vector<128x13xf32>
    %dot_general3A_316 = arith.constant dense<0.000000e+00> : vector<1024x128xf32>
    %dot_general3A_317 = tpu.matmul %get3A_312, %get3A_315, %dot_general3A_316 {dimension_numbers = #tpu.dot_dimension_numbers<[1], [1], [0], [0], [0, 0, 1, 0], [], []>, transpose_lhs_hint = false} : vector<1024x13xf32>, vector<128x13xf32>, vector<1024x128xf32> -> vector<1024x128xf32>
    %add3A_318 = arith.addf %add3A_309, %dot_general3A_317 : vector<1024x128xf32>
    %get3A_319 = arith.constant 0 : index
    %get3A_320 = arith.constant 0 : index
    %get3A_321 = vector.load %arg21[%get3A_319, %get3A_320] : memref<128x128xf32, #tpu.memory_space<vmem>>, vector<128x128xf32>
    %dot_general3A_322 = arith.constant dense<0.000000e+00> : vector<1024x128xf32>
    %dot_general3A_323 = tpu.matmul %reduce_sum3A_292, %get3A_321, %dot_general3A_322 {dimension_numbers = #tpu.dot_dimension_numbers<[1], [1], [0], [0], [0, 0, 1, 0], [], []>, transpose_lhs_hint = false} : vector<1024x128xf32>, vector<128x128xf32>, vector<1024x128xf32> -> vector<1024x128xf32>
    %add3A_324 = arith.addf %add3A_318, %dot_general3A_323 : vector<1024x128xf32>
    %get3A_325 = arith.constant 0 : index
    %get3A_326 = arith.constant 0 : index
    %get3A_327 = vector.load %arg22[%get3A_325, %get3A_326] : memref<128x128xf32, #tpu.memory_space<vmem>>, vector<128x128xf32>
    %dot_general3A_328 = arith.constant dense<0.000000e+00> : vector<1024x128xf32>
    %dot_general3A_329 = tpu.matmul %select_n3A_170, %get3A_327, %dot_general3A_328 {dimension_numbers = #tpu.dot_dimension_numbers<[1], [1], [0], [0], [0, 0, 1, 0], [], []>, transpose_lhs_hint = false} : vector<1024x128xf32>, vector<128x128xf32>, vector<1024x128xf32> -> vector<1024x128xf32>
    %add3A_330 = arith.addf %add3A_324, %dot_general3A_329 : vector<1024x128xf32>
    %get3A_331 = arith.constant 0 : index
    %get3A_332 = arith.constant 0 : index
    %get3A_333 = vector.load %arg23[%get3A_331, %get3A_332] : memref<1x128xf32, #tpu.memory_space<vmem>>, vector<1x128xf32>
    %add3A_334 = vector.broadcast %get3A_333 : vector<1x128xf32> to vector<1024x128xf32>
    %add3A_335 = arith.addf %add3A_330, %add3A_334 : vector<1024x128xf32>
    %max3A_336 = arith.constant 0.000000e+00 : f32
    %max3A_337 = vector.broadcast %max3A_336 : f32 to vector<1024x128xf32>
    %max3A_338 = arith.maximumf %add3A_335, %max3A_337 : vector<1024x128xf32>
    %min3A_339 = arith.constant 0.000000e+00 : f32
    %min3A_340 = vector.broadcast %min3A_339 : f32 to vector<1024x128xf32>
    %min3A_341 = arith.minimumf %add3A_335, %min3A_340 : vector<1024x128xf32>
    %mul3A_342 = vector.broadcast %get3A_4 : f32 to vector<1024x128xf32>
    %mul3A_343 = arith.mulf %mul3A_342, %min3A_341 : vector<1024x128xf32>
    %add3A_344 = arith.addf %max3A_338, %mul3A_343 : vector<1024x128xf32>
    %get3A_345 = arith.constant 0 : index
    %get3A_346 = arith.constant 0 : index
    %get3A_347 = vector.load %arg24[%get3A_345, %get3A_346] : memref<64x128xf32, #tpu.memory_space<vmem>>, vector<64x128xf32>
    %dot_general3A_348 = arith.constant dense<0.000000e+00> : vector<1024x64xf32>
    %dot_general3A_349 = tpu.matmul %add3A_344, %get3A_347, %dot_general3A_348 {dimension_numbers = #tpu.dot_dimension_numbers<[1], [1], [0], [0], [0, 0, 1, 0], [], []>, transpose_lhs_hint = false} : vector<1024x128xf32>, vector<64x128xf32>, vector<1024x64xf32> -> vector<1024x64xf32>
    %get3A_350 = arith.constant 0 : index
    %get3A_351 = arith.constant 0 : index
    %get3A_352 = vector.load %arg25[%get3A_350, %get3A_351] : memref<1x64xf32, #tpu.memory_space<vmem>>, vector<1x64xf32>
    %add3A_353 = vector.broadcast %get3A_352 : vector<1x64xf32> to vector<1024x64xf32>
    %add3A_354 = arith.addf %dot_general3A_349, %add3A_353 : vector<1024x64xf32>
    %max3A_355 = arith.constant 0.000000e+00 : f32
    %max3A_356 = vector.broadcast %max3A_355 : f32 to vector<1024x64xf32>
    %max3A_357 = arith.maximumf %add3A_354, %max3A_356 : vector<1024x64xf32>
    %min3A_358 = arith.constant 0.000000e+00 : f32
    %min3A_359 = vector.broadcast %min3A_358 : f32 to vector<1024x64xf32>
    %min3A_360 = arith.minimumf %add3A_354, %min3A_359 : vector<1024x64xf32>
    %mul3A_361 = vector.broadcast %get3A_6 : f32 to vector<1024x64xf32>
    %mul3A_362 = arith.mulf %mul3A_361, %min3A_360 : vector<1024x64xf32>
    %add3A_363 = arith.addf %max3A_357, %mul3A_362 : vector<1024x64xf32>
    %get3A_364 = arith.constant 0 : index
    %get3A_365 = arith.constant 0 : index
    %get3A_366 = vector.load %arg26[%get3A_364, %get3A_365] : memref<1x64xf32, #tpu.memory_space<vmem>>, vector<1x64xf32>
    %mul3A_367 = vector.broadcast %get3A_366 : vector<1x64xf32> to vector<1024x64xf32>
    %mul3A_368 = arith.mulf %add3A_363, %mul3A_367 : vector<1024x64xf32>
    %reduce_sum3A_369 = arith.constant dense<0.000000e+00> : vector<1024xf32>
    %reduce_sum3A_370 = vector.multi_reduction <add>, %mul3A_368, %reduce_sum3A_369 [1] : vector<1024x64xf32> to vector<1024xf32>
    %add3A_371 = vector.broadcast %get3A_8 : f32 to vector<1024xf32>
    %add3A_372 = arith.addf %reduce_sum3A_370, %add3A_371 : vector<1024xf32>
    %logistic3A_373 = arith.negf %add3A_372 : vector<1024xf32>
    %logistic3A_374 = math.exp %logistic3A_373 : vector<1024xf32>
    %logistic3A_375 = arith.constant 1.000000e+00 : f32
    %logistic3A_376 = vector.broadcast %logistic3A_375 : f32 to vector<1024xf32>
    %logistic3A_377 = arith.addf %logistic3A_376, %logistic3A_374 : vector<1024xf32>
    %logistic3A_378 = arith.divf %logistic3A_376, %logistic3A_377 : vector<1024xf32>
    %swap3A = arith.constant 0 : index
    %swap3A_379 = arith.constant 0 : index
    %swap3A_380 = arith.constant 0 : index
    %swap3A_381 = vector.load %arg28[%swap3A, %swap3A_379, %swap3A_380] : memref<1x1x1024xf32, #tpu.memory_space<vmem>>, vector<1x1x1024xf32>
    %swap3A_382 = vector.shape_cast %swap3A_381 : vector<1x1x1024xf32> to vector<1024xf32>
    %swap3A_383 = vector.shape_cast %logistic3A_378 : vector<1024xf32> to vector<1x1x1024xf32>
    tpu.vector_store %arg28[%swap3A, %swap3A_379, %swap3A_380], %swap3A_383 {strides = array<i32>} : memref<1x1x1024xf32, #tpu.memory_space<vmem>>, vector<1x1x1024xf32>,
    return
  }
  func.func @transform_9(%arg0: i32) -> (i32, i32) {
    %c0_i32 = arith.constant 0 : i32
    %c0_i32_0 = arith.constant 0 : i32
    return %arg0, %c0_i32 : i32, i32
  }
  func.func @transform_10(%arg0: i32) -> (i32, i32) {
    %c0_i32 = arith.constant 0 : i32
    %c0_i32_0 = arith.constant 0 : i32
    %c0_i32_1 = arith.constant 0 : i32
    return %c0_i32, %c0_i32_0 : i32, i32
  }
  func.func @transform_11(%arg0: i32) -> (i32, i32) {
    %c0_i32 = arith.constant 0 : i32
    %c0_i32_0 = arith.constant 0 : i32
    %c0_i32_1 = arith.constant 0 : i32
    return %c0_i32, %c0_i32_0 : i32, i32
  }
  func.func @transform_12(%arg0: i32) -> (i32, i32) {
    %c0_i32 = arith.constant 0 : i32
    %c0_i32_0 = arith.constant 0 : i32
    %c0_i32_1 = arith.constant 0 : i32
    return %c0_i32, %c0_i32_0 : i32, i32
  }
  func.func @transform_13(%arg0: i32) -> (i32, i32) {
    %c0_i32 = arith.constant 0 : i32
    %c0_i32_0 = arith.constant 0 : i32
    %c0_i32_1 = arith.constant 0 : i32
    return %c0_i32, %c0_i32_0 : i32, i32
  }
  func.func @transform_14(%arg0: i32) -> (i32, i32) {
    %c0_i32 = arith.constant 0 : i32
    %c0_i32_0 = arith.constant 0 : i32
    %c0_i32_1 = arith.constant 0 : i32
    return %c0_i32, %c0_i32_0 : i32, i32
  }
  func.func @transform_15(%arg0: i32) -> (i32, i32) {
    %c0_i32 = arith.constant 0 : i32
    %c0_i32_0 = arith.constant 0 : i32
    %c0_i32_1 = arith.constant 0 : i32
    return %c0_i32, %c0_i32_0 : i32, i32
  }
  func.func @transform_16(%arg0: i32) -> (i32, i32) {
    %c0_i32 = arith.constant 0 : i32
    %c0_i32_0 = arith.constant 0 : i32
    %c0_i32_1 = arith.constant 0 : i32
    return %c0_i32, %c0_i32_0 : i32, i32
  }
  func.func @transform_17(%arg0: i32) -> (i32, i32) {
    %c0_i32 = arith.constant 0 : i32
    %c0_i32_0 = arith.constant 0 : i32
    %c0_i32_1 = arith.constant 0 : i32
    return %c0_i32, %c0_i32_0 : i32, i32
  }
  func.func @transform_18(%arg0: i32) -> (i32, i32) {
    %c0_i32 = arith.constant 0 : i32
    %c0_i32_0 = arith.constant 0 : i32
    %c0_i32_1 = arith.constant 0 : i32
    return %c0_i32, %c0_i32_0 : i32, i32
  }
  func.func @transform_19(%arg0: i32) -> (i32, i32) {
    %c0_i32 = arith.constant 0 : i32
    %c0_i32_0 = arith.constant 0 : i32
    %c0_i32_1 = arith.constant 0 : i32
    return %c0_i32, %c0_i32_0 : i32, i32
  }
  func.func @transform_20(%arg0: i32) -> (i32, i32) {
    %c0_i32 = arith.constant 0 : i32
    %c0_i32_0 = arith.constant 0 : i32
    %c0_i32_1 = arith.constant 0 : i32
    return %c0_i32, %c0_i32_0 : i32, i32
  }
  func.func @transform_21(%arg0: i32) -> (i32, i32) {
    %c0_i32 = arith.constant 0 : i32
    %c0_i32_0 = arith.constant 0 : i32
    %c0_i32_1 = arith.constant 0 : i32
    return %c0_i32, %c0_i32_0 : i32, i32
  }
  func.func @transform_22(%arg0: i32) -> (i32, i32) {
    %c0_i32 = arith.constant 0 : i32
    %c0_i32_0 = arith.constant 0 : i32
    %c0_i32_1 = arith.constant 0 : i32
    return %c0_i32, %c0_i32_0 : i32, i32
  }
  func.func @transform_23(%arg0: i32) -> (i32, i32) {
    %c0_i32 = arith.constant 0 : i32
    %c0_i32_0 = arith.constant 0 : i32
    %c0_i32_1 = arith.constant 0 : i32
    return %c0_i32, %c0_i32_0 : i32, i32
  }
  func.func @transform_24(%arg0: i32) -> (i32, i32) {
    %c0_i32 = arith.constant 0 : i32
    %c0_i32_0 = arith.constant 0 : i32
    %c0_i32_1 = arith.constant 0 : i32
    return %c0_i32, %c0_i32_0 : i32, i32
  }
  func.func @transform_25(%arg0: i32) -> (i32, i32) {
    %c0_i32 = arith.constant 0 : i32
    %c0_i32_0 = arith.constant 0 : i32
    %c0_i32_1 = arith.constant 0 : i32
    return %c0_i32, %c0_i32_0 : i32, i32
  }
  func.func @transform_26(%arg0: i32) -> i32 {
    %c0_i32 = arith.constant 0 : i32
    %c0_i32_0 = arith.constant 0 : i32
    return %c0_i32 : i32
  }
  func.func @transform_27(%arg0: i32) -> (i32, i32, i32) {
    %c0_i32 = arith.constant 0 : i32
    %c0_i32_0 = arith.constant 0 : i32
    %c0_i32_1 = arith.constant 0 : i32
    return %arg0, %c0_i32, %c0_i32_0 : i32, i32, i32
  }
}

</mosaic_0001>

<sc_bundles>
// kernel: kernel.21.cloned.1.call-start
scs
__scs_entry_jumppad:
0x0: {  	(pc) =	sbr.rel $0x88, $3  }
0x1: {  	(tag) =	ssettag $0x0;
	lr =	simm.s32 $0x1  }
0x2: {  	[smem:$0x3F89] =	sst lr;
	_ =	strace $0xD0000000  }
0x3: {  	_ = 	snop  }
0x4: {  	_ = 	snop  }
0x5: {  	_ = 	snop  }
0x6: {  	_ = 	snop  }
0x7: {  	_ = 	snop  }
__scs_overlays_trampoline_lowered:
0x8: {  	[smem:$0x3F98] =	sst s0  }
0x9: {  	[smem:$0x3F99] =	sst s1  }
0xa: {  	[smem:$0x3F9A] =	sst s2  }
0xb: {  	[smem:$0x3F9B] =	sst s3  }
0xc: {  	[smem:$0x3F9C] =	sst s4  }
0xd: {  	[smem:$0x3F9D] =	sst s5  }
0xe: {  	[smem:$0x3F9E] =	sst s6  }
0xf: {  	[smem:$0x3F9F] =	sst s7  }
0x10: {  	[smem:$0x3FA0] =	sst s8  }
0x11: {  	[smem:$0x3FA1] =	sst s9;
	s0 =	simm.s32 @!p0 $0x0  }
0x12: {  	s1 =	sld [smem:$0x3F87];
	s0 =	simm.s32 @p0 $0x1  }
0x13: {  	[smem:$0x3FA2] =	sst s0;
	s0 =	simm.s32 @!p1 $0x0  }
0x14: {  	s2 =	sld [smem:$0x3F86];
	s0 =	simm.s32 @p1 $0x1  }
0x15: {  	[smem:$0x3FA3] =	sst s0;
	s0 =	simm.s32 @!p2 $0x0  }
0x16: {  	s3 =	sld [smem:$0x3FDB];
	s0 =	simm.s32 @p2 $0x1  }
0x17: {  	s4 =	simm.s32 $0x1BF5;
	[smem:$0x3FA5] =	sst s0  }
0x18: {  	s0 =	sld [smem:$0x3F88];
	_ =	swait.ge [sflag:s4], $0x0  }
0x19: {  	s7 =	sld [smem:$0x3F89]  }
0x1a: {  	s8 =	sadd.s32 $0xFFFFE003, lr  }
0x1b: {  	s9 =	sadd.s32 $0xFFFFFEF7, lr;
	s5 =	simm.s32 $0xFFFFFFFF;
	p2 =	slt.u32 s8, $0xFFFFF086  }
0x1c: {  	p1 =	slt.u32 s9, $0xF7A;
	s5 =	simm.s32 @!p2 $0x0  }
0x1d: {  	s5 =	simm.s32 @p1 $0x1;
	p0 =	seq.s32 s7, s2  }
0x1e: {  	s7 =	smul.u32 @!p0 $0xF7A, s2;
	p2 =	seq.s32 @!p0 s5, $0x0  }
0x1f: {  	s9 =	smul.u32 $0xF7A, s1;
	s8 =	simm.s32 @!p0 $0x1BF5;
	p2 =	por !p2, p0  }
0x20: {  	[sflag:s8] =	ssyncset.s32 @!p0 $0xFFFFF086;
	s6 =	sadd.s32 @!p0 s3, s7;
	s7 =	simm.s32 @!p0 $0x108  }
0x21: {  	s3 =	sadd.s32 s3, s9;
	s6 =	sadd.s32 @!p0 $0x88, s6;
	s7 =	simm.s32 @p2 $0x1082  }
0x22: {  	[simem:s7], [sflag:s8] =	dma.local @!p0 [hbm:s6], $0xF7A  }
0x23: {  	s9 =	sor.u32 $0xD0000000, s2;
	s6 =	simm.s32 $0x108;
	_ =	swait.ge @!p0 [sflag:s8], $0x0  }
0x24: {  	s3 =	sadd.s32 $0x88, s3;
	s6 =	simm.s32 @!p1 $0x1082;
	[sflag:s4] =	ssyncset.s32 $0xFFFFF086  }
0x25: {  	[simem:s6], [sflag:s4] =	dma.local [hbm:s3], $0xF7A  }
0x26: {  	[smem:$0x3F89] =	sst s1;
	(tag) =	ssettag s2;
	_ =	strace s9  }
0x27: {  	s1 =	sld [smem:$0x3F99]  }
0x28: {  	s2 =	sld [smem:$0x3F9A]  }
0x29: {  	s4 =	sld [smem:$0x3F9C]  }
0x2a: {  	p0 =	seq.s32 s5, $0x0;
	s5 =	sld [smem:$0x3F9D]  }
0x2b: {  	s6 =	sld [smem:$0x3F9E]  }
0x2c: {  	s7 =	sld [smem:$0x3F9F]  }
0x2d: {  	s3 =	simm.s32 $0x108;
	s8 =	sld [smem:$0x3FA0]  }
0x2e: {  	s3 =	simm.s32 @!p0 $0x1082;
	s9 =	sld [smem:$0x3FA1]  }
0x2f: {  	lr =	sadd.s32 s0, s3;
	s0 =	sld [smem:$0x3F98]  }
0x30: {  	s3 =	sld [smem:$0x3F9B]  }
0x31: {  	[smem:$0x3FA4] =	sst s10  }
0x32: {  	s10 =	sld [smem:$0x3FA2];
	_ =	sdelay $0x3  }
0x33: {  	p0 =	seq.s32 s10, $0x1;
	s10 =	sld [smem:$0x3FA4];
	_ =	sdelay $0x3  }
0x34: {  	[smem:$0x3FA4] =	sst s10  }
0x35: {  	s10 =	sld [smem:$0x3FA3];
	_ =	sdelay $0x3  }
0x36: {  	p1 =	seq.s32 s10, $0x1;
	s10 =	sld [smem:$0x3FA4];
	_ =	sdelay $0x3  }
0x37: {  	[smem:$0x3FA4] =	sst s10  }
0x38: {  	s10 =	sld [smem:$0x3FA5]  }
0x39: {  	_ = 	snop;
	(pc) =	sbr.ind lr, $3  }
0x3a: {  	_ = 	snop  }
0x3b: {  	_ = 	snop  }
0x3c: {  	p2 =	seq.s32 s10, $0x1;
	s10 =	sld [smem:$0x3FA4]  }
0x3d: {  	_ =	shalt  }
0x3e: {  	_ =	shalt  }
0x3f: {  	_ =	shalt  }
0x40: {  	_ =	shalt  }
0x41: {  	_ =	shalt  }
0x42: {  	_ =	shalt  }
0x43: {  	_ =	shalt  }
0x44: {  	_ =	shalt  }
0x45: {  	_ =	shalt  }
0x46: {  	_ =	shalt  }
0x47: {  	_ =	shalt  }
0x48: {  	_ =	shalt  }
0x49: {  	_ =	shalt  }
0x4a: {  	_ =	shalt  }
0x4b: {  	_ =	shalt  }
0x4c: {  	_ =	shalt  }
0x4d: {  	_ =	shalt  }
0x4e: {  	_ =	shalt  }
0x4f: {  	_ =	shalt  }
0x50: {  	_ =	shalt  }
0x51: {  	_ =	shalt  }
0x52: {  	_ =	shalt  }
0x53: {  	_ =	shalt  }
0x54: {  	_ =	shalt  }
0x55: {  	_ =	shalt  }
0x56: {  	_ =	shalt  }
0x57: {  	_ =	shalt  }
0x58: {  	_ =	shalt  }
0x59: {  	_ =	shalt  }
0x5a: {  	_ =	shalt  }
0x5b: {  	_ =	shalt  }
0x5c: {  	_ =	shalt  }
0x5d: {  	_ =	shalt  }
0x5e: {  	_ =	shalt  }
0x5f: {  	_ =	shalt  }
0x60: {  	_ =	shalt  }
0x61: {  	_ =	shalt  }
0x62: {  	_ =	shalt  }
0x63: {  	_ =	shalt  }
0x64: {  	_ =	shalt  }
0x65: {  	_ =	shalt  }
0x66: {  	_ =	shalt  }
0x67: {  	_ =	shalt  }
0x68: {  	_ =	shalt  }
0x69: {  	_ =	shalt  }
0x6a: {  	_ =	shalt  }
0x6b: {  	_ =	shalt  }
0x6c: {  	_ =	shalt  }
0x6d: {  	_ =	shalt  }
0x6e: {  	_ =	shalt  }
0x6f: {  	_ =	shalt  }
0x70: {  	_ =	shalt  }
0x71: {  	_ =	shalt  }
0x72: {  	_ =	shalt  }
0x73: {  	_ =	shalt  }
0x74: {  	_ =	shalt  }
0x75: {  	_ =	shalt  }
0x76: {  	_ =	shalt  }
0x77: {  	_ =	shalt  }
0x78: {  	_ =	shalt  }
0x79: {  	_ =	shalt  }
0x7a: {  	_ =	shalt  }
0x7b: {  	_ =	shalt  }
0x7c: {  	_ =	shalt  }
0x7d: {  	_ =	shalt  }
0x7e: {  	_ =	shalt  }
0x7f: {  	_ =	shalt  }
0x80: {  	_ =	shalt  }
0x81: {  	_ =	shalt  }
0x82: {  	_ =	shalt  }
0x83: {  	_ =	shalt  }
0x84: {  	_ =	shalt  }
0x85: {  	_ =	shalt  }
0x86: {  	_ =	shalt  }
0x87: {  	_ =	shalt  }
.Lfunc_end0:
.L_simem_size_0:
called_computation_lowered:
.L_overlay_start_0:
0x88: {  	s2 =	sld [smem:$0x3FD9]  }
0x89: {  	s3 =	sld [smem:$0x3FFE];
	_ =	sdelay $0x1  }
0x8a: {  	s1 =	srdreg.scid  }
0x8b: {  	s0 =	sand.u32 $0x1, s1  }
0x8c: {  	s17 =	sshll.u32 s0, $0xA;
	s2 =	sadd.s32 s3, s2  }
0x8d: {  	s2 =	sadd.s32 s2, s17  }
0x8e: {  	[smem:$0x3FB0] =	sst s2  }
0x8f: {  	_ = 	snop  }
0x90: {  	s2 =	sld [smem:$0x3FD0];
	(tm) =	ssettm $0x1  }
0x91: {  	s18 =	sld [smem:$0x3FFB];
	_ =	sdelay $0x3  }
0x92: {  	_ =	strace s18  }
0x93: {  	s3 =	sld [smem:$0x3FFC];
	_ =	sdelay $0x3  }
0x94: {  	_ =	strace s3  }
0x95: {  	s3 =	sld [smem:$0x3FFD];
	_ =	sdelay $0x3  }
0x96: {  	_ =	strace s3  }
0x97: {  	_ =	strace $0x8FFFFFFF  }
0x98: {  	s19 =	sld [smem:$0x3FDB];
	_ =	sdelay $0x1  }
0x99: {  	s4 =	simm.s32 $_scs_section_size  }
0x9a: {  	s5 =	simm.s32 $_size__tile_overlayer_lowered;
	s6 =	simm.s32 $_tile_overlayer_lowered  }
0x9b: {  	s22 =	simm.s32 $0x1BFF;
	s21 =	sshll.u32 s6, $0x1;
	s3 =	sadd.s32 s4, s19  }
0x9c: {  	s7 =	simm.s32 $0x0;
	s20 =	sshll.u32 s5, $0x1;
	s5 =	sadd.s32 s21, s3  }
0x9d: {  	[timem:s7], [sflag:s22] =	dma.local [hbm:s5], s20  }
0x9e: {  	_ =	swait.ge [sflag:s22], s20  }
0x9f: {  	s4 =	ssub.s32 $0x0, s20;
	[sflag:s22] =	ssyncset.done $0x0  }
0xa0: {  	[sflag:s22] =	ssyncadd.s32 s4;
	_ =	sdelay $0x1  }
0xa1: {  	s23 =	simm.s32 $0x1B8B  }
0xa2: {  	_ =	swait.ge [sflag:s23], $0x1  }
0xa3: {  	[sflag:s23] =	ssyncset.done $0x0  }
0xa4: {  	s25 =	simm.s32 $0x1B8E;
	s24 =	sld [smem:$0x3FFE];
	[sflag:s23] =	ssyncadd.s32 $0xFFFFFFFF  }
0xa5: {  	s26 =	simm.s32 $execute0_lowered;
	[smem:$0x3FD2] =	sst s25  }
0xa6: {  	s5 =	sshll.u32 s26, $0x1;
	_ =	strace $0x80000046;
	[dreg:$0x1] =	wrdreg $0xFFFFFFFF  }
0xa7: {  	s28 =	simm.s32 $_size_execute0_lowered;
	s3 =	sadd.s32 s3, s5;
	[dreg:$0x0] =	wrdreg $0x0  }
0xa8: {  	s5 =	sshll.u32 s28, $0x1;
	[dreg:$0x2] =	wrdreg s3  }
0xa9: {  	[dreg:$0x3] =	wrdreg s5  }
0xaa: {  	[dreg:$0x4] =	wrdreg $0xC0  }
0xab: {  	_ =	task [dreg:s7], $0x5FFFF  }
0xac: {  	[dreg:$0x1] =	wrdreg $0xFFFFFFFF  }
0xad: {  	[dreg:$0x0] =	wrdreg $0x60  }
0xae: {  	[dreg:$0x2] =	wrdreg s2  }
0xaf: {  	[dreg:$0x3] =	wrdreg s24  }
0xb0: {  	[dreg:$0x4] =	wrdreg $0x9  }
0xb1: {  	_ =	task.clear_ibuf [dreg:s7], $0x5FFFF;
	_ =	strace $0x90000046  }
0xb2: {  	s29 =	simm.s32 $0x9;
	_ =	strace $0x80000048  }
0xb3: {  	_ =	swait.ge [sflag:s29], $0x1  }
0xb4: {  	[sflag:s29] =	ssyncadd.s32 $0xFFFFFFFF  }
0xb5: {  	_ =	strace $0x90000048  }
0xb6: {  	_ =	sfence  }
0xb7: {  	s30 =	sld [smem:$0x0];
	_ =	sdelay $0x2  }
0xb8: {  	s31 =	sshll.u32 s1, $0xD;
	s1 =	sshrl.u32 s1, $0x2  }
0xb9: {  	s3 =	sand.u32 $0x4000, s31;
	s1 =	sadd.s32 s1, s30  }
0xba: {  	s0 =	sor.u32 s3, s0;
	s1 =	sshll.u32 s1, $0x11  }
0xbb: {  	s0 =	sor.u32 s1, s0  }
0xbc: {  	s0 =	sadd.s32 $0x8F2B, s0  }
0xbd: {  	[sflag:s0] =	ssyncadd.remote.s32 $0x1  }
0xbe: {  	_ =	sfence.sel $0xFFFF  }
0xbf: {  	[dreg:$0x0] =	wrdreg $0xFFFFFFFF;
	(pc) =	sbr.abs _section_cstart, $3  }
0xc0: {  	[dreg:$0x1] =	wrdreg $0xFFFFFFFF  }
0xc1: {  	_ =	task.clear_ibuf [dreg:s7], $0x2FFFF;
	_ =	strace $0x9FFFFFFF  }
0xc2: {  	(tm) =	ssettm $0x7FFFFFFF  }
0xc3: {  	_ =	shalt  }
tec
execute0_lowered:
.L_overlay_start_1:
0x0: {  	(tag) =	ssettag $0x1  }
0x1: {  	s3 =	rddreg [dreg:$0x0];
	s1 =	srdreg.scid  }
0x2: {  	s0 =	stileid.u32;
	s10 =	rddreg [dreg:$0x1];
	s6 =	simm.s32 $0x400  }
0x3: {  	s14 =	sand.u32 $0x1, s1;
	s2 =	sshll.u32 s0, $0x1;
	s1 =	rddreg [dreg:$0x2]  }
0x4: {  	s4 =	sshll.u32 s0, $0x7;
	s11 =	sor.u32 s14, s2;
	s2 =	simm.s32 $0x0  }
0x5: {  	s4 =	sand.u32 $0x600, s4;
	s5 =	sshll.u32 s11, $0x4;
	[smem:$0x7FF] =	sst s2  }
0x6: {  	s3 =	sadd.s32 s3, s4;
	s4 =	simm.s32 $0x80;
	s5 =	sand.u32 $0x70, s5  }
0x7: {  	_ =	strace $0x80000047;
	s3 =	sadd.s32 s5, s3;
	s5 =	simm.s32 $0x2  }
0x8: {  	[tilespmem:s2], [sflag:$0x2] =	stream.strided.gather [hbm4b:s3+s4], $0x200, s6, s4, $0x38;
	[tilespmem:$0x4200] =	vst v63  }
0x9: {  	_ =	swait.ge [sflag:s5], $0x200  }
0xa: {  	s8 =	simm.s32 $0x200;
	[sflag:s5] =	ssyncset.done $0x0  }
0xb: {  	s9 =	simm.s32 $0x1;
	s7 =	sadd.s32 $0x18AE00, s10;
	[sflag:s5] =	ssyncadd.s32 $0xFFFFFE00  }
0xc: {  	[tilespmem:s8], [sflag:$0x1] =	stream.indirect.gather [hbm4b:s7+s4], $0x80, s2, s4, $0xb8;
	[tilespmem:$0x4200] =	vst v63  }
0xd: {  	s11 =	sshll.u32 s11, $0xD;
	_ =	swait.ge [sflag:s9], $0x4000  }
0xe: {  	s15 =	sadd.s32 s11, s10;
	[sflag:s9] =	ssyncset.done $0x0  }
0xf: {  	s10 =	sadd.s32 $0x4400, s15;
	[sflag:s9] =	ssyncadd.s32 $0xFFFFC000  }
0x10: {  	[hbm4b:s10+s2] =	stream.linear.scatter [tilespmem:s8], [sflag:$0x2], $0x4000, $0x38;
	[tilespmem:$0x4200] =	vst v63  }
0x11: {  	_ =	swait.ge [sflag:s5], $0x4000  }
0x12: {  	[sflag:s5] =	ssyncset.done $0x0  }
0x13: {  	[sflag:s5] =	ssyncadd.s32 $0xFFFFC000  }
0x14: {  	[tilespmem:s8], [sflag:$0x1] =	stream.indirect.gather [hbm4b:s7+s4], $0x80, s4, s4, $0xb8;
	[tilespmem:$0x4200] =	vst v63  }
0x15: {  	_ =	swait.ge [sflag:s9], $0x4000  }
0x16: {  	[sflag:s9] =	ssyncset.done $0x0  }
0x17: {  	s11 =	sadd.s32 $0x4C00, s15;
	[sflag:s9] =	ssyncadd.s32 $0xFFFFC000  }
0x18: {  	[hbm4b:s11+s2] =	stream.linear.scatter [tilespmem:s8], [sflag:$0x2], $0x4000, $0x38;
	[tilespmem:$0x4200] =	vst v63  }
0x19: {  	_ =	swait.ge [sflag:s5], $0x4000  }
0x1a: {  	[sflag:s5] =	ssyncset.done $0x0  }
0x1b: {  	s12 =	simm.s32 $0x100;
	[sflag:s5] =	ssyncadd.s32 $0xFFFFC000  }
0x1c: {  	[tilespmem:s8], [sflag:$0x1] =	stream.indirect.gather [hbm4b:s7+s4], $0x80, s12, s4, $0xb8;
	[tilespmem:$0x4200] =	vst v63  }
0x1d: {  	_ =	swait.ge [sflag:s9], $0x4000  }
0x1e: {  	[sflag:s9] =	ssyncset.done $0x0  }
0x1f: {  	s16 =	ssub.s32 $0x2, s14;
	s13 =	sadd.s32 $0x5400, s15;
	[sflag:s9] =	ssyncadd.s32 $0xFFFFC000  }
0x20: {  	[hbm4b:s13+s2] =	stream.linear.scatter [tilespmem:s8], [sflag:$0x2], $0x4000, $0x38;
	[tilespmem:$0x4200] =	vst v63  }
0x21: {  	s17 =	sshrl.u32 s16, $0x1;
	_ =	swait.ge [sflag:s5], $0x4000  }
0x22: {  	s16 =	ssub.s32 s16, s17;
	[sflag:s5] =	ssyncset.done $0x0  }
0x23: {  	s14 =	simm.s32 $0x180;
	s16 =	smax.u32 s16, $0x1;
	[sflag:s5] =	ssyncadd.s32 $0xFFFFC000  }
0x24: {  	[tilespmem:s8], [sflag:$0x1] =	stream.indirect.gather [hbm4b:s7+s4], $0x80, s14, s4, $0xb8;
	[tilespmem:$0x4200] =	vst v63  }
0x25: {  	p0 =	sne.s32 s16, $0x1;
	_ =	swait.ge [sflag:s9], $0x4000  }
.Ltmp0:
0x26: {  	[sflag:s9] =	ssyncset.done $0x0;
	(pc) =	sbr.rel @!p0 .LBB2_2-.Ltmp0, $4  }
0x27: {  	s15 =	sadd.s32 $0x5C00, s15;
	[sflag:s9] =	ssyncadd.s32 $0xFFFFC000  }
0x28: {  	[hbm4b:s15+s2] =	stream.linear.scatter [tilespmem:s8], [sflag:$0x2], $0x4000, $0x38;
	[tilespmem:$0x4200] =	vst v63  }
0x29: {  	_ =	swait.ge [sflag:s5], $0x4000  }
0x2a: {  	s16 =	sadd.s32 $0xFFFFFFFF, s16;
	[sflag:s5] =	ssyncset.done $0x0  }
.LBB2_1:
0x2b: {  	p0 =	sne.s32 s16, $0x1;
	s16 =	sadd.s32 $0xFFFFFFFF, s16;
	[sflag:s5] =	ssyncadd.s32 $0xFFFFC000  }
0x2c: {  	[tilespmem:s2], [sflag:$0x2] =	stream.strided.gather [hbm4b:s3+s4], $0x200, s6, s4, $0x38;
	[tilespmem:$0x4200] =	vst v63  }
0x2d: {  	_ =	swait.ge [sflag:s5], $0x200  }
0x2e: {  	[sflag:s5] =	ssyncset.done $0x0  }
0x2f: {  	[sflag:s5] =	ssyncadd.s32 $0xFFFFFE00  }
0x30: {  	[tilespmem:s8], [sflag:$0x1] =	stream.indirect.gather [hbm4b:s7+s4], $0x80, s2, s4, $0xb8;
	[tilespmem:$0x4200] =	vst v63  }
0x31: {  	_ =	swait.ge [sflag:s9], $0x4000  }
0x32: {  	[sflag:s9] =	ssyncset.done $0x0  }
0x33: {  	[sflag:s9] =	ssyncadd.s32 $0xFFFFC000  }
0x34: {  	[hbm4b:s10+s2] =	stream.linear.scatter [tilespmem:s8], [sflag:$0x2], $0x4000, $0x38;
	[tilespmem:$0x4200] =	vst v63  }
0x35: {  	_ =	swait.ge [sflag:s5], $0x4000  }
0x36: {  	[sflag:s5] =	ssyncset.done $0x0  }
0x37: {  	[sflag:s5] =	ssyncadd.s32 $0xFFFFC000  }
0x38: {  	[tilespmem:s8], [sflag:$0x1] =	stream.indirect.gather [hbm4b:s7+s4], $0x80, s4, s4, $0xb8;
	[tilespmem:$0x4200] =	vst v63  }
0x39: {  	_ =	swait.ge [sflag:s9], $0x4000  }
0x3a: {  	[sflag:s9] =	ssyncset.done $0x0  }
0x3b: {  	[sflag:s9] =	ssyncadd.s32 $0xFFFFC000  }
0x3c: {  	[hbm4b:s11+s2] =	stream.linear.scatter [tilespmem:s8], [sflag:$0x2], $0x4000, $0x38;
	[tilespmem:$0x4200] =	vst v63  }
0x3d: {  	_ =	swait.ge [sflag:s5], $0x4000  }
0x3e: {  	[sflag:s5] =	ssyncset.done $0x0  }
0x3f: {  	[sflag:s5] =	ssyncadd.s32 $0xFFFFC000  }
0x40: {  	[tilespmem:s8], [sflag:$0x1] =	stream.indirect.gather [hbm4b:s7+s4], $0x80, s12, s4, $0xb8;
	[tilespmem:$0x4200] =	vst v63  }
0x41: {  	_ =	swait.ge [sflag:s9], $0x4000  }
0x42: {  	[sflag:s9] =	ssyncset.done $0x0  }
0x43: {  	[sflag:s9] =	ssyncadd.s32 $0xFFFFC000  }
0x44: {  	[hbm4b:s13+s2] =	stream.linear.scatter [tilespmem:s8], [sflag:$0x2], $0x4000, $0x38;
	[tilespmem:$0x4200] =	vst v63  }
0x45: {  	_ =	swait.ge [sflag:s5], $0x4000  }
0x46: {  	[sflag:s5] =	ssyncset.done $0x0  }
0x47: {  	[sflag:s5] =	ssyncadd.s32 $0xFFFFC000  }
0x48: {  	[tilespmem:s8], [sflag:$0x1] =	stream.indirect.gather [hbm4b:s7+s4], $0x80, s14, s4, $0xb8;
	[tilespmem:$0x4200] =	vst v63  }
0x49: {  	_ =	swait.ge [sflag:s9], $0x4000  }
.Ltmp1:
0x4a: {  	[sflag:s9] =	ssyncset.done $0x0;
	(pc) =	sbr.rel @p0 .LBB2_1-.Ltmp1, $4  }
0x4b: {  	[sflag:s9] =	ssyncadd.s32 $0xFFFFC000  }
0x4c: {  	[hbm4b:s15+s2] =	stream.linear.scatter [tilespmem:s8], [sflag:$0x2], $0x4000, $0x38;
	[tilespmem:$0x4200] =	vst v63  }
0x4d: {  	_ =	swait.ge [sflag:s5], $0x4000  }
0x4e: {  	[sflag:s5] =	ssyncset.done $0x0  }
.LBB2_2:
0x4f: {  	[sflag:s5] =	ssyncadd.s32 $0xFFFFC000  }
0x50: {  	_ =	sfence.sel $0x180000  }
0x51: {  	[bflag:$0x0] =	sbarrier.arrive $0xFFFF  }
0x52: {  	p0 =	sne.s32 s0, $0x0;
	_ =	strace $0x90000047  }
0x53: {  	s0 =	sadd.s32 @!p0 $0x100000, s1;
	[bflag:$0x2] =	sbarrier.arrive $0xFFFF  }
0x54: {  	[sflag:s0] =	ssyncadd.tile.s32 @!p0 $0x1;
	_ =	shalt  }
.Lfunc_end2:
_tile_overlayer_lowered:
.L_overlay_start_2:
0x55: {  	(tag) =	ssettag $0x2  }
0x56: {  	s0 =	rddreg [dreg:$0x0];
	s2 =	stileid.u32  }
0x57: {  	s1 =	rddreg [dreg:$0x1];
	p0 =	sne.s32 s2, $0x0  }
0x58: {  	s3 =	rddreg [dreg:$0x2];
	[bflag:$0x3] =	sbarrier.arrive $0xFFFF;
	s2 =	simm.s32 @!p0 $0x1C02  }
0x59: {  	[timem:s3], [sflag:s2] =	dma.local @!p0 [hbm:s0], s1  }
0x5a: {  	s0 =	simm.s32 @!p0 $0x2  }
0x5b: {  	_ =	swait.ge @!p0 [sflag:s0], s1  }
0x5c: {  	s1 =	ssub.s32 @!p0 $0x0, s1;
	[sflag:s0] =	ssyncset.done @!p0 $0x0  }
0x5d: {  	[sflag:s0] =	ssyncadd.s32 @!p0 s1  }
0x5e: {  	[bflag:$0x3] =	sbarrier.arrive $0xFFFF  }
0x5f: {  	_ =	shalt  }

// kernel: kernel.24.cloned.1.call-start
scs
__scs_entry_jumppad:
0x0: {  	(pc) =	sbr.rel $0x88, $3  }
0x1: {  	(tag) =	ssettag $0x0;
	lr =	simm.s32 $0x1  }
0x2: {  	[smem:$0x3F89] =	sst lr;
	_ =	strace $0xD0000000  }
0x3: {  	_ = 	snop  }
0x4: {  	_ = 	snop  }
0x5: {  	_ = 	snop  }
0x6: {  	_ = 	snop  }
0x7: {  	_ = 	snop  }
__scs_overlays_trampoline_lowered:
0x8: {  	[smem:$0x3F98] =	sst s0  }
0x9: {  	[smem:$0x3F99] =	sst s1  }
0xa: {  	[smem:$0x3F9A] =	sst s2  }
0xb: {  	[smem:$0x3F9B] =	sst s3  }
0xc: {  	[smem:$0x3F9C] =	sst s4  }
0xd: {  	[smem:$0x3F9D] =	sst s5  }
0xe: {  	[smem:$0x3F9E] =	sst s6  }
0xf: {  	[smem:$0x3F9F] =	sst s7  }
0x10: {  	[smem:$0x3FA0] =	sst s8  }
0x11: {  	[smem:$0x3FA1] =	sst s9;
	s0 =	simm.s32 @!p0 $0x0  }
0x12: {  	s1 =	sld [smem:$0x3F87];
	s0 =	simm.s32 @p0 $0x1  }
0x13: {  	[smem:$0x3FA2] =	sst s0;
	s0 =	simm.s32 @!p1 $0x0  }
0x14: {  	s2 =	sld [smem:$0x3F86];
	s0 =	simm.s32 @p1 $0x1  }
0x15: {  	[smem:$0x3FA3] =	sst s0;
	s0 =	simm.s32 @!p2 $0x0  }
0x16: {  	s3 =	sld [smem:$0x3FDB];
	s0 =	simm.s32 @p2 $0x1  }
0x17: {  	s4 =	simm.s32 $0x1BF5;
	[smem:$0x3FA5] =	sst s0  }
0x18: {  	s0 =	sld [smem:$0x3F88];
	_ =	swait.ge [sflag:s4], $0x0  }
0x19: {  	s7 =	sld [smem:$0x3F89]  }
0x1a: {  	s8 =	sadd.s32 $0xFFFFE003, lr  }
0x1b: {  	s9 =	sadd.s32 $0xFFFFFEF7, lr;
	s5 =	simm.s32 $0xFFFFFFFF;
	p2 =	slt.u32 s8, $0xFFFFF086  }
0x1c: {  	p1 =	slt.u32 s9, $0xF7A;
	s5 =	simm.s32 @!p2 $0x0  }
0x1d: {  	s5 =	simm.s32 @p1 $0x1;
	p0 =	seq.s32 s7, s2  }
0x1e: {  	s7 =	smul.u32 @!p0 $0xF7A, s2;
	p2 =	seq.s32 @!p0 s5, $0x0  }
0x1f: {  	s9 =	smul.u32 $0xF7A, s1;
	s8 =	simm.s32 @!p0 $0x1BF5;
	p2 =	por !p2, p0  }
0x20: {  	[sflag:s8] =	ssyncset.s32 @!p0 $0xFFFFF086;
	s6 =	sadd.s32 @!p0 s3, s7;
	s7 =	simm.s32 @!p0 $0x108  }
0x21: {  	s3 =	sadd.s32 s3, s9;
	s6 =	sadd.s32 @!p0 $0x88, s6;
	s7 =	simm.s32 @p2 $0x1082  }
0x22: {  	[simem:s7], [sflag:s8] =	dma.local @!p0 [hbm:s6], $0xF7A  }
0x23: {  	s9 =	sor.u32 $0xD0000000, s2;
	s6 =	simm.s32 $0x108;
	_ =	swait.ge @!p0 [sflag:s8], $0x0  }
0x24: {  	s3 =	sadd.s32 $0x88, s3;
	s6 =	simm.s32 @!p1 $0x1082;
	[sflag:s4] =	ssyncset.s32 $0xFFFFF086  }
0x25: {  	[simem:s6], [sflag:s4] =	dma.local [hbm:s3], $0xF7A  }
0x26: {  	[smem:$0x3F89] =	sst s1;
	(tag) =	ssettag s2;
	_ =	strace s9  }
0x27: {  	s1 =	sld [smem:$0x3F99]  }
0x28: {  	s2 =	sld [smem:$0x3F9A]  }
0x29: {  	s4 =	sld [smem:$0x3F9C]  }
0x2a: {  	p0 =	seq.s32 s5, $0x0;
	s5 =	sld [smem:$0x3F9D]  }
0x2b: {  	s6 =	sld [smem:$0x3F9E]  }
0x2c: {  	s7 =	sld [smem:$0x3F9F]  }
0x2d: {  	s3 =	simm.s32 $0x108;
	s8 =	sld [smem:$0x3FA0]  }
0x2e: {  	s3 =	simm.s32 @!p0 $0x1082;
	s9 =	sld [smem:$0x3FA1]  }
0x2f: {  	lr =	sadd.s32 s0, s3;
	s0 =	sld [smem:$0x3F98]  }
0x30: {  	s3 =	sld [smem:$0x3F9B]  }
0x31: {  	[smem:$0x3FA4] =	sst s10  }
0x32: {  	s10 =	sld [smem:$0x3FA2];
	_ =	sdelay $0x3  }
0x33: {  	p0 =	seq.s32 s10, $0x1;
	s10 =	sld [smem:$0x3FA4];
	_ =	sdelay $0x3  }
0x34: {  	[smem:$0x3FA4] =	sst s10  }
0x35: {  	s10 =	sld [smem:$0x3FA3];
	_ =	sdelay $0x3  }
0x36: {  	p1 =	seq.s32 s10, $0x1;
	s10 =	sld [smem:$0x3FA4];
	_ =	sdelay $0x3  }
0x37: {  	[smem:$0x3FA4] =	sst s10  }
0x38: {  	s10 =	sld [smem:$0x3FA5]  }
0x39: {  	_ = 	snop;
	(pc) =	sbr.ind lr, $3  }
0x3a: {  	_ = 	snop  }
0x3b: {  	_ = 	snop  }
0x3c: {  	p2 =	seq.s32 s10, $0x1;
	s10 =	sld [smem:$0x3FA4]  }
0x3d: {  	_ =	shalt  }
0x3e: {  	_ =	shalt  }
0x3f: {  	_ =	shalt  }
0x40: {  	_ =	shalt  }
0x41: {  	_ =	shalt  }
0x42: {  	_ =	shalt  }
0x43: {  	_ =	shalt  }
0x44: {  	_ =	shalt  }
0x45: {  	_ =	shalt  }
0x46: {  	_ =	shalt  }
0x47: {  	_ =	shalt  }
0x48: {  	_ =	shalt  }
0x49: {  	_ =	shalt  }
0x4a: {  	_ =	shalt  }
0x4b: {  	_ =	shalt  }
0x4c: {  	_ =	shalt  }
0x4d: {  	_ =	shalt  }
0x4e: {  	_ =	shalt  }
0x4f: {  	_ =	shalt  }
0x50: {  	_ =	shalt  }
0x51: {  	_ =	shalt  }
0x52: {  	_ =	shalt  }
0x53: {  	_ =	shalt  }
0x54: {  	_ =	shalt  }
0x55: {  	_ =	shalt  }
0x56: {  	_ =	shalt  }
0x57: {  	_ =	shalt  }
0x58: {  	_ =	shalt  }
0x59: {  	_ =	shalt  }
0x5a: {  	_ =	shalt  }
0x5b: {  	_ =	shalt  }
0x5c: {  	_ =	shalt  }
0x5d: {  	_ =	shalt  }
0x5e: {  	_ =	shalt  }
0x5f: {  	_ =	shalt  }
0x60: {  	_ =	shalt  }
0x61: {  	_ =	shalt  }
0x62: {  	_ =	shalt  }
0x63: {  	_ =	shalt  }
0x64: {  	_ =	shalt  }
0x65: {  	_ =	shalt  }
0x66: {  	_ =	shalt  }
0x67: {  	_ =	shalt  }
0x68: {  	_ =	shalt  }
0x69: {  	_ =	shalt  }
0x6a: {  	_ =	shalt  }
0x6b: {  	_ =	shalt  }
0x6c: {  	_ =	shalt  }
0x6d: {  	_ =	shalt  }
0x6e: {  	_ =	shalt  }
0x6f: {  	_ =	shalt  }
0x70: {  	_ =	shalt  }
0x71: {  	_ =	shalt  }
0x72: {  	_ =	shalt  }
0x73: {  	_ =	shalt  }
0x74: {  	_ =	shalt  }
0x75: {  	_ =	shalt  }
0x76: {  	_ =	shalt  }
0x77: {  	_ =	shalt  }
0x78: {  	_ =	shalt  }
0x79: {  	_ =	shalt  }
0x7a: {  	_ =	shalt  }
0x7b: {  	_ =	shalt  }
0x7c: {  	_ =	shalt  }
0x7d: {  	_ =	shalt  }
0x7e: {  	_ =	shalt  }
0x7f: {  	_ =	shalt  }
0x80: {  	_ =	shalt  }
0x81: {  	_ =	shalt  }
0x82: {  	_ =	shalt  }
0x83: {  	_ =	shalt  }
0x84: {  	_ =	shalt  }
0x85: {  	_ =	shalt  }
0x86: {  	_ =	shalt  }
0x87: {  	_ =	shalt  }
.Lfunc_end0:
.L_simem_size_0:
called_computation.1_lowered:
.L_overlay_start_0:
0x88: {  	s2 =	sld [smem:$0x3FD9]  }
0x89: {  	s3 =	sld [smem:$0x3FFE];
	_ =	sdelay $0x1  }
0x8a: {  	s1 =	srdreg.scid  }
0x8b: {  	s0 =	sand.u32 $0x1, s1  }
0x8c: {  	s17 =	sshll.u32 s0, $0xA;
	s2 =	sadd.s32 s3, s2  }
0x8d: {  	s2 =	sadd.s32 s2, s17  }
0x8e: {  	[smem:$0x3FB0] =	sst s2  }
0x8f: {  	_ = 	snop  }
0x90: {  	(tm) =	ssettm $0x1  }
0x91: {  	s18 =	sld [smem:$0x3FFB];
	_ =	sdelay $0x3  }
0x92: {  	_ =	strace s18  }
0x93: {  	s2 =	sld [smem:$0x3FFC];
	_ =	sdelay $0x3  }
0x94: {  	_ =	strace s2  }
0x95: {  	s2 =	sld [smem:$0x3FFD];
	_ =	sdelay $0x3  }
0x96: {  	_ =	strace s2  }
0x97: {  	_ =	strace $0x8FFFFFFF  }
0x98: {  	s19 =	sld [smem:$0x3FDB];
	_ =	sdelay $0x1  }
0x99: {  	s20 =	simm.s32 $_scs_section_size  }
0x9a: {  	s4 =	simm.s32 $_size__tile_overlayer_lowered;
	s5 =	simm.s32 $_tile_overlayer_lowered  }
0x9b: {  	s6 =	simm.s32 $0x1BFF;
	s21 =	sshll.u32 s5, $0x1;
	s3 =	sadd.s32 s20, s19  }
0x9c: {  	s22 =	simm.s32 $0x0;
	s4 =	sshll.u32 s4, $0x1;
	s5 =	sadd.s32 s21, s3  }
0x9d: {  	[timem:s22], [sflag:s6] =	dma.local [hbm:s5], s4  }
0x9e: {  	_ =	swait.ge [sflag:s6], s4  }
0x9f: {  	s4 =	ssub.s32 $0x0, s4;
	[sflag:s6] =	ssyncset.done $0x0  }
0xa0: {  	[sflag:s6] =	ssyncadd.s32 s4;
	_ =	sdelay $0x1  }
0xa1: {  	s23 =	simm.s32 $0x1B8B  }
0xa2: {  	_ =	swait.ge [sflag:s23], $0x1  }
0xa3: {  	[sflag:s23] =	ssyncset.done $0x0  }
0xa4: {  	[sflag:s23] =	ssyncadd.s32 $0xFFFFFFFF  }
0xa5: {  	s4 =	sld [smem:$0x0]  }
0xa6: {  	s5 =	sand.u32 $0xFFFFFFFE, s1  }
0xa7: {  	p0 =	sne.s32 s1, s5  }
0xa8: {  	s5 =	sshll.u32 @p0 s5, $0xE  }
0xa9: {  	s5 =	sadd.s32 @p0 $0x11B8D, s5;
	s6 =	sshll.u32 @p0 s4, $0x11  }
0xaa: {  	s5 =	sor.u32 @p0 s6, s5  }
0xab: {  	[sflag:s5] =	ssyncadd.remote.s32 @p0 $0x1;
	_ =	sdelay $0x1  }
0xac: {  	s5 =	simm.s32 @p0 $0x1B8D  }
0xad: {  	_ =	swait.eq @p0 [sflag:s5], $0x1  }
0xae: {  	[sflag:s5] =	ssyncadd.s32 @p0 $0xFFFFFFFF  }
0xaf: {  	s6 =	sshll.u32 @!p0 s1, $0xE  }
0xb0: {  	s6 =	sor.u32 @!p0 $0x4000, s6;
	s5 =	simm.s32 @!p0 $0x1B8D  }
0xb1: {  	s4 =	sshll.u32 @!p0 s4, $0x11;
	s6 =	sadd.s32 @!p0 $0x11B8D, s6;
	_ =	swait.eq @!p0 [sflag:s5], $0x1  }
0xb2: {  	s4 =	sor.u32 @!p0 s4, s6;
	[sflag:s5] =	ssyncadd.s32 @!p0 $0xFFFFFFFF  }
0xb3: {  	s25 =	simm.s32 $0x1B8E;
	s24 =	sld [smem:$0x3FFE];
	[sflag:s4] =	ssyncadd.remote.s32 @!p0 $0x1  }
0xb4: {  	s26 =	simm.s32 $execute0_lowered;
	[smem:$0x3FD2] =	sst s25  }
0xb5: {  	s5 =	sshll.u32 s26, $0x1;
	_ =	strace $0x80000049;
	[dreg:$0x1] =	wrdreg $0xFFFFFFFF  }
0xb6: {  	s28 =	simm.s32 $_size_execute0_lowered;
	s3 =	sadd.s32 s3, s5;
	[dreg:$0x0] =	wrdreg $0x0  }
0xb7: {  	s5 =	sshll.u32 s28, $0x1;
	[dreg:$0x2] =	wrdreg s3  }
0xb8: {  	[dreg:$0x3] =	wrdreg s5  }
0xb9: {  	[dreg:$0x4] =	wrdreg $0xC0  }
0xba: {  	_ =	task [dreg:s22], $0x5FFFF  }
0xbb: {  	[dreg:$0x1] =	wrdreg $0xFFFFFFFF  }
0xbc: {  	[dreg:$0x0] =	wrdreg $0x60  }
0xbd: {  	[dreg:$0x2] =	wrdreg s24  }
0xbe: {  	[dreg:$0x3] =	wrdreg $0xA  }
0xbf: {  	_ =	task.clear_ibuf [dreg:s22], $0x4FFFF;
	_ =	strace $0x90000049  }
0xc0: {  	s29 =	simm.s32 $0xA;
	_ =	strace $0x8000004B  }
0xc1: {  	_ =	swait.ge [sflag:s29], $0x1  }
0xc2: {  	[sflag:s29] =	ssyncadd.s32 $0xFFFFFFFF  }
0xc3: {  	_ =	strace $0x9000004B  }
0xc4: {  	_ =	sfence  }
0xc5: {  	s30 =	sld [smem:$0x0];
	_ =	sdelay $0x2  }
0xc6: {  	s31 =	sshll.u32 s1, $0xD;
	s1 =	sshrl.u32 s1, $0x2  }
0xc7: {  	s4 =	sand.u32 $0x4000, s31;
	s1 =	sadd.s32 s1, s30  }
0xc8: {  	s0 =	sor.u32 s4, s0;
	s1 =	sshll.u32 s1, $0x11  }
0xc9: {  	s0 =	sor.u32 s1, s0  }
0xca: {  	s0 =	sadd.s32 $0x8F2B, s0  }
0xcb: {  	[sflag:s0] =	ssyncadd.remote.s32 $0x1  }
0xcc: {  	_ =	sfence.sel $0xFFFF  }
0xcd: {  	[dreg:$0x0] =	wrdreg $0xFFFFFFFF;
	(pc) =	sbr.abs _section_cstart, $3  }
0xce: {  	[dreg:$0x1] =	wrdreg $0xFFFFFFFF  }
0xcf: {  	_ =	task.clear_ibuf [dreg:s22], $0x2FFFF;
	_ =	strace $0x9FFFFFFF  }
0xd0: {  	(tm) =	ssettm $0x7FFFFFFF  }
0xd1: {  	_ =	shalt  }
tec
execute0_lowered:
.L_overlay_start_1:
0x0: {  	(tag) =	ssettag $0x1  }
0x1: {  	s0 =	stileid.u32;
	s1 =	srdreg.scid  }
0x2: {  	s10 =	rddreg [dreg:$0x0];
	s14 =	sand.u32 $0x1, s1;
	s31 =	sshll.u32 s0, $0x1  }
0x3: {  	s6 =	simm.s32 $0x400;
	s2 =	sshll.u32 s0, $0x7;
	s11 =	sor.u32 s14, s31  }
0x4: {  	s1 =	rddreg [dreg:$0x1];
	s3 =	sand.u32 $0x600, s2;
	s4 =	sshll.u32 s11, $0x4  }
0x5: {  	s2 =	simm.s32 $0x0;
	s3 =	sadd.s32 s3, s10;
	s4 =	sand.u32 $0x70, s4  }
0x6: {  	s5 =	simm.s32 $0x2;
	[smem:$0x7FF] =	sst s2;
	s3 =	sadd.s32 s4, s3  }
0x7: {  	_ =	strace $0x8000004A;
	s4 =	simm.s32 $0x80;
	s3 =	sadd.s32 $0x44400, s3  }
0x8: {  	[tilespmem:s2], [sflag:$0x2] =	stream.strided.gather [hbm4b:s3+s4], $0x200, s6, s4, $0x38;
	[tilespmem:$0x4200] =	vst v63  }
0x9: {  	_ =	swait.ge [sflag:s5], $0x200  }
0xa: {  	s8 =	simm.s32 $0x200;
	[sflag:s5] =	ssyncset.done $0x0  }
0xb: {  	s9 =	simm.s32 $0x1;
	s7 =	sadd.s32 $0x498200, s10;
	[sflag:s5] =	ssyncadd.s32 $0xFFFFFE00  }
0xc: {  	[tilespmem:s8], [sflag:$0x1] =	stream.indirect.gather [hbm4b:s7+s4], $0x80, s2, s4, $0xb8;
	[tilespmem:$0x4200] =	vst v63  }
0xd: {  	s11 =	sshll.u32 s11, $0xD;
	_ =	swait.ge [sflag:s9], $0x4000  }
0xe: {  	s15 =	sadd.s32 s11, s10;
	[sflag:s9] =	ssyncset.done $0x0  }
0xf: {  	s10 =	sadd.s32 $0x48400, s15;
	[sflag:s9] =	ssyncadd.s32 $0xFFFFC000  }
0x10: {  	[hbm4b:s10+s2] =	stream.linear.scatter [tilespmem:s8], [sflag:$0x2], $0x4000, $0x38;
	[tilespmem:$0x4200] =	vst v63  }
0x11: {  	_ =	swait.ge [sflag:s5], $0x4000  }
0x12: {  	[sflag:s5] =	ssyncset.done $0x0  }
0x13: {  	[sflag:s5] =	ssyncadd.s32 $0xFFFFC000  }
0x14: {  	[tilespmem:s8], [sflag:$0x1] =	stream.indirect.gather [hbm4b:s7+s4], $0x80, s4, s4, $0xb8;
	[tilespmem:$0x4200] =	vst v63  }
0x15: {  	_ =	swait.ge [sflag:s9], $0x4000  }
0x16: {  	[sflag:s9] =	ssyncset.done $0x0  }
0x17: {  	s11 =	sadd.s32 $0x48C00, s15;
	[sflag:s9] =	ssyncadd.s32 $0xFFFFC000  }
0x18: {  	[hbm4b:s11+s2] =	stream.linear.scatter [tilespmem:s8], [sflag:$0x2], $0x4000, $0x38;
	[tilespmem:$0x4200] =	vst v63  }
0x19: {  	_ =	swait.ge [sflag:s5], $0x4000  }
0x1a: {  	[sflag:s5] =	ssyncset.done $0x0  }
0x1b: {  	s12 =	simm.s32 $0x100;
	[sflag:s5] =	ssyncadd.s32 $0xFFFFC000  }
0x1c: {  	[tilespmem:s8], [sflag:$0x1] =	stream.indirect.gather [hbm4b:s7+s4], $0x80, s12, s4, $0xb8;
	[tilespmem:$0x4200] =	vst v63  }
0x1d: {  	_ =	swait.ge [sflag:s9], $0x4000  }
0x1e: {  	[sflag:s9] =	ssyncset.done $0x0  }
0x1f: {  	s16 =	ssub.s32 $0x2, s14;
	s13 =	sadd.s32 $0x49400, s15;
	[sflag:s9] =	ssyncadd.s32 $0xFFFFC000  }
0x20: {  	[hbm4b:s13+s2] =	stream.linear.scatter [tilespmem:s8], [sflag:$0x2], $0x4000, $0x38;
	[tilespmem:$0x4200] =	vst v63  }
0x21: {  	s17 =	sshrl.u32 s16, $0x1;
	_ =	swait.ge [sflag:s5], $0x4000  }
0x22: {  	s16 =	ssub.s32 s16, s17;
	[sflag:s5] =	ssyncset.done $0x0  }
0x23: {  	s14 =	simm.s32 $0x180;
	s16 =	smax.u32 s16, $0x1;
	[sflag:s5] =	ssyncadd.s32 $0xFFFFC000  }
0x24: {  	[tilespmem:s8], [sflag:$0x1] =	stream.indirect.gather [hbm4b:s7+s4], $0x80, s14, s4, $0xb8;
	[tilespmem:$0x4200] =	vst v63  }
0x25: {  	p0 =	sne.s32 s16, $0x1;
	_ =	swait.ge [sflag:s9], $0x4000  }
.Ltmp0:
0x26: {  	[sflag:s9] =	ssyncset.done $0x0;
	(pc) =	sbr.rel @!p0 .LBB2_2-.Ltmp0, $4  }
0x27: {  	s15 =	sadd.s32 $0x49C00, s15;
	[sflag:s9] =	ssyncadd.s32 $0xFFFFC000  }
0x28: {  	[hbm4b:s15+s2] =	stream.linear.scatter [tilespmem:s8], [sflag:$0x2], $0x4000, $0x38;
	[tilespmem:$0x4200] =	vst v63  }
0x29: {  	_ =	swait.ge [sflag:s5], $0x4000  }
0x2a: {  	s16 =	sadd.s32 $0xFFFFFFFF, s16;
	[sflag:s5] =	ssyncset.done $0x0  }
.LBB2_1:
0x2b: {  	p0 =	sne.s32 s16, $0x1;
	s16 =	sadd.s32 $0xFFFFFFFF, s16;
	[sflag:s5] =	ssyncadd.s32 $0xFFFFC000  }
0x2c: {  	[tilespmem:s2], [sflag:$0x2] =	stream.strided.gather [hbm4b:s3+s4], $0x200, s6, s4, $0x38;
	[tilespmem:$0x4200] =	vst v63  }
0x2d: {  	_ =	swait.ge [sflag:s5], $0x200  }
0x2e: {  	[sflag:s5] =	ssyncset.done $0x0  }
0x2f: {  	[sflag:s5] =	ssyncadd.s32 $0xFFFFFE00  }
0x30: {  	[tilespmem:s8], [sflag:$0x1] =	stream.indirect.gather [hbm4b:s7+s4], $0x80, s2, s4, $0xb8;
	[tilespmem:$0x4200] =	vst v63  }
0x31: {  	_ =	swait.ge [sflag:s9], $0x4000  }
0x32: {  	[sflag:s9] =	ssyncset.done $0x0  }
0x33: {  	[sflag:s9] =	ssyncadd.s32 $0xFFFFC000  }
0x34: {  	[hbm4b:s10+s2] =	stream.linear.scatter [tilespmem:s8], [sflag:$0x2], $0x4000, $0x38;
	[tilespmem:$0x4200] =	vst v63  }
0x35: {  	_ =	swait.ge [sflag:s5], $0x4000  }
0x36: {  	[sflag:s5] =	ssyncset.done $0x0  }
0x37: {  	[sflag:s5] =	ssyncadd.s32 $0xFFFFC000  }
0x38: {  	[tilespmem:s8], [sflag:$0x1] =	stream.indirect.gather [hbm4b:s7+s4], $0x80, s4, s4, $0xb8;
	[tilespmem:$0x4200] =	vst v63  }
0x39: {  	_ =	swait.ge [sflag:s9], $0x4000  }
0x3a: {  	[sflag:s9] =	ssyncset.done $0x0  }
0x3b: {  	[sflag:s9] =	ssyncadd.s32 $0xFFFFC000  }
0x3c: {  	[hbm4b:s11+s2] =	stream.linear.scatter [tilespmem:s8], [sflag:$0x2], $0x4000, $0x38;
	[tilespmem:$0x4200] =	vst v63  }
0x3d: {  	_ =	swait.ge [sflag:s5], $0x4000  }
0x3e: {  	[sflag:s5] =	ssyncset.done $0x0  }
0x3f: {  	[sflag:s5] =	ssyncadd.s32 $0xFFFFC000  }
0x40: {  	[tilespmem:s8], [sflag:$0x1] =	stream.indirect.gather [hbm4b:s7+s4], $0x80, s12, s4, $0xb8;
	[tilespmem:$0x4200] =	vst v63  }
0x41: {  	_ =	swait.ge [sflag:s9], $0x4000  }
0x42: {  	[sflag:s9] =	ssyncset.done $0x0  }
0x43: {  	[sflag:s9] =	ssyncadd.s32 $0xFFFFC000  }
0x44: {  	[hbm4b:s13+s2] =	stream.linear.scatter [tilespmem:s8], [sflag:$0x2], $0x4000, $0x38;
	[tilespmem:$0x4200] =	vst v63  }
0x45: {  	_ =	swait.ge [sflag:s5], $0x4000  }
0x46: {  	[sflag:s5] =	ssyncset.done $0x0  }
0x47: {  	[sflag:s5] =	ssyncadd.s32 $0xFFFFC000  }
0x48: {  	[tilespmem:s8], [sflag:$0x1] =	stream.indirect.gather [hbm4b:s7+s4], $0x80, s14, s4, $0xb8;
	[tilespmem:$0x4200] =	vst v63  }
0x49: {  	_ =	swait.ge [sflag:s9], $0x4000  }
.Ltmp1:
0x4a: {  	[sflag:s9] =	ssyncset.done $0x0;
	(pc) =	sbr.rel @p0 .LBB2_1-.Ltmp1, $4  }
0x4b: {  	[sflag:s9] =	ssyncadd.s32 $0xFFFFC000  }
0x4c: {  	[hbm4b:s15+s2] =	stream.linear.scatter [tilespmem:s8], [sflag:$0x2], $0x4000, $0x38;
	[tilespmem:$0x4200] =	vst v63  }
0x4d: {  	_ =	swait.ge [sflag:s5], $0x4000  }
0x4e: {  	[sflag:s5] =	ssyncset.done $0x0  }
.LBB2_2:
0x4f: {  	[sflag:s5] =	ssyncadd.s32 $0xFFFFC000  }
0x50: {  	_ =	sfence.sel $0x180000  }
0x51: {  	[bflag:$0x0] =	sbarrier.arrive $0xFFFF  }
0x52: {  	p0 =	sne.s32 s0, $0x0;
	_ =	strace $0x9000004A  }
0x53: {  	s0 =	sadd.s32 @!p0 $0x100000, s1;
	[bflag:$0x2] =	sbarrier.arrive $0xFFFF  }
0x54: {  	[sflag:s0] =	ssyncadd.tile.s32 @!p0 $0x1;
	_ =	shalt  }
.Lfunc_end2:
_tile_overlayer_lowered:
.L_overlay_start_2:
0x55: {  	(tag) =	ssettag $0x2  }
0x56: {  	s0 =	rddreg [dreg:$0x0];
	s2 =	stileid.u32  }
0x57: {  	s1 =	rddreg [dreg:$0x1];
	p0 =	sne.s32 s2, $0x0  }
0x58: {  	s3 =	rddreg [dreg:$0x2];
	[bflag:$0x3] =	sbarrier.arrive $0xFFFF;
	s2 =	simm.s32 @!p0 $0x1C02  }
0x59: {  	[timem:s3], [sflag:s2] =	dma.local @!p0 [hbm:s0], s1  }
0x5a: {  	s0 =	simm.s32 @!p0 $0x2  }
0x5b: {  	_ =	swait.ge @!p0 [sflag:s0], s1  }
0x5c: {  	s1 =	ssub.s32 @!p0 $0x0, s1;
	[sflag:s0] =	ssyncset.done @!p0 $0x0  }
0x5d: {  	[sflag:s0] =	ssyncadd.s32 @!p0 s1  }
0x5e: {  	[bflag:$0x3] =	sbarrier.arrive $0xFFFF  }
0x5f: {  	_ =	shalt  }

// kernel: kernel.27.cloned.1.call-start
scs
__scs_entry_jumppad:
0x0: {  	(pc) =	sbr.rel $0x88, $3  }
0x1: {  	(tag) =	ssettag $0x0;
	lr =	simm.s32 $0x1  }
0x2: {  	[smem:$0x3F89] =	sst lr;
	_ =	strace $0xD0000000  }
0x3: {  	_ = 	snop  }
0x4: {  	_ = 	snop  }
0x5: {  	_ = 	snop  }
0x6: {  	_ = 	snop  }
0x7: {  	_ = 	snop  }
__scs_overlays_trampoline_lowered:
0x8: {  	[smem:$0x3F98] =	sst s0  }
0x9: {  	[smem:$0x3F99] =	sst s1  }
0xa: {  	[smem:$0x3F9A] =	sst s2  }
0xb: {  	[smem:$0x3F9B] =	sst s3  }
0xc: {  	[smem:$0x3F9C] =	sst s4  }
0xd: {  	[smem:$0x3F9D] =	sst s5  }
0xe: {  	[smem:$0x3F9E] =	sst s6  }
0xf: {  	[smem:$0x3F9F] =	sst s7  }
0x10: {  	[smem:$0x3FA0] =	sst s8  }
0x11: {  	[smem:$0x3FA1] =	sst s9;
	s0 =	simm.s32 @!p0 $0x0  }
0x12: {  	s1 =	sld [smem:$0x3F87];
	s0 =	simm.s32 @p0 $0x1  }
0x13: {  	[smem:$0x3FA2] =	sst s0;
	s0 =	simm.s32 @!p1 $0x0  }
0x14: {  	s2 =	sld [smem:$0x3F86];
	s0 =	simm.s32 @p1 $0x1  }
0x15: {  	[smem:$0x3FA3] =	sst s0;
	s0 =	simm.s32 @!p2 $0x0  }
0x16: {  	s3 =	sld [smem:$0x3FDB];
	s0 =	simm.s32 @p2 $0x1  }
0x17: {  	s4 =	simm.s32 $0x1BF5;
	[smem:$0x3FA5] =	sst s0  }
0x18: {  	s0 =	sld [smem:$0x3F88];
	_ =	swait.ge [sflag:s4], $0x0  }
0x19: {  	s7 =	sld [smem:$0x3F89]  }
0x1a: {  	s8 =	sadd.s32 $0xFFFFE003, lr  }
0x1b: {  	s9 =	sadd.s32 $0xFFFFFEF7, lr;
	s5 =	simm.s32 $0xFFFFFFFF;
	p2 =	slt.u32 s8, $0xFFFFF086  }
0x1c: {  	p1 =	slt.u32 s9, $0xF7A;
	s5 =	simm.s32 @!p2 $0x0  }
0x1d: {  	s5 =	simm.s32 @p1 $0x1;
	p0 =	seq.s32 s7, s2  }
0x1e: {  	s7 =	smul.u32 @!p0 $0xF7A, s2;
	p2 =	seq.s32 @!p0 s5, $0x0  }
0x1f: {  	s9 =	smul.u32 $0xF7A, s1;
	s8 =	simm.s32 @!p0 $0x1BF5;
	p2 =	por !p2, p0  }
0x20: {  	[sflag:s8] =	ssyncset.s32 @!p0 $0xFFFFF086;
	s6 =	sadd.s32 @!p0 s3, s7;
	s7 =	simm.s32 @!p0 $0x108  }
0x21: {  	s3 =	sadd.s32 s3, s9;
	s6 =	sadd.s32 @!p0 $0x88, s6;
	s7 =	simm.s32 @p2 $0x1082  }
0x22: {  	[simem:s7], [sflag:s8] =	dma.local @!p0 [hbm:s6], $0xF7A  }
0x23: {  	s9 =	sor.u32 $0xD0000000, s2;
	s6 =	simm.s32 $0x108;
	_ =	swait.ge @!p0 [sflag:s8], $0x0  }
0x24: {  	s3 =	sadd.s32 $0x88, s3;
	s6 =	simm.s32 @!p1 $0x1082;
	[sflag:s4] =	ssyncset.s32 $0xFFFFF086  }
0x25: {  	[simem:s6], [sflag:s4] =	dma.local [hbm:s3], $0xF7A  }
0x26: {  	[smem:$0x3F89] =	sst s1;
	(tag) =	ssettag s2;
	_ =	strace s9  }
0x27: {  	s1 =	sld [smem:$0x3F99]  }
0x28: {  	s2 =	sld [smem:$0x3F9A]  }
0x29: {  	s4 =	sld [smem:$0x3F9C]  }
0x2a: {  	p0 =	seq.s32 s5, $0x0;
	s5 =	sld [smem:$0x3F9D]  }
0x2b: {  	s6 =	sld [smem:$0x3F9E]  }
0x2c: {  	s7 =	sld [smem:$0x3F9F]  }
0x2d: {  	s3 =	simm.s32 $0x108;
	s8 =	sld [smem:$0x3FA0]  }
0x2e: {  	s3 =	simm.s32 @!p0 $0x1082;
	s9 =	sld [smem:$0x3FA1]  }
0x2f: {  	lr =	sadd.s32 s0, s3;
	s0 =	sld [smem:$0x3F98]  }
0x30: {  	s3 =	sld [smem:$0x3F9B]  }
0x31: {  	[smem:$0x3FA4] =	sst s10  }
0x32: {  	s10 =	sld [smem:$0x3FA2];
	_ =	sdelay $0x3  }
0x33: {  	p0 =	seq.s32 s10, $0x1;
	s10 =	sld [smem:$0x3FA4];
	_ =	sdelay $0x3  }
0x34: {  	[smem:$0x3FA4] =	sst s10  }
0x35: {  	s10 =	sld [smem:$0x3FA3];
	_ =	sdelay $0x3  }
0x36: {  	p1 =	seq.s32 s10, $0x1;
	s10 =	sld [smem:$0x3FA4];
	_ =	sdelay $0x3  }
0x37: {  	[smem:$0x3FA4] =	sst s10  }
0x38: {  	s10 =	sld [smem:$0x3FA5]  }
0x39: {  	_ = 	snop;
	(pc) =	sbr.ind lr, $3  }
0x3a: {  	_ = 	snop  }
0x3b: {  	_ = 	snop  }
0x3c: {  	p2 =	seq.s32 s10, $0x1;
	s10 =	sld [smem:$0x3FA4]  }
0x3d: {  	_ =	shalt  }
0x3e: {  	_ =	shalt  }
0x3f: {  	_ =	shalt  }
0x40: {  	_ =	shalt  }
0x41: {  	_ =	shalt  }
0x42: {  	_ =	shalt  }
0x43: {  	_ =	shalt  }
0x44: {  	_ =	shalt  }
0x45: {  	_ =	shalt  }
0x46: {  	_ =	shalt  }
0x47: {  	_ =	shalt  }
0x48: {  	_ =	shalt  }
0x49: {  	_ =	shalt  }
0x4a: {  	_ =	shalt  }
0x4b: {  	_ =	shalt  }
0x4c: {  	_ =	shalt  }
0x4d: {  	_ =	shalt  }
0x4e: {  	_ =	shalt  }
0x4f: {  	_ =	shalt  }
0x50: {  	_ =	shalt  }
0x51: {  	_ =	shalt  }
0x52: {  	_ =	shalt  }
0x53: {  	_ =	shalt  }
0x54: {  	_ =	shalt  }
0x55: {  	_ =	shalt  }
0x56: {  	_ =	shalt  }
0x57: {  	_ =	shalt  }
0x58: {  	_ =	shalt  }
0x59: {  	_ =	shalt  }
0x5a: {  	_ =	shalt  }
0x5b: {  	_ =	shalt  }
0x5c: {  	_ =	shalt  }
0x5d: {  	_ =	shalt  }
0x5e: {  	_ =	shalt  }
0x5f: {  	_ =	shalt  }
0x60: {  	_ =	shalt  }
0x61: {  	_ =	shalt  }
0x62: {  	_ =	shalt  }
0x63: {  	_ =	shalt  }
0x64: {  	_ =	shalt  }
0x65: {  	_ =	shalt  }
0x66: {  	_ =	shalt  }
0x67: {  	_ =	shalt  }
0x68: {  	_ =	shalt  }
0x69: {  	_ =	shalt  }
0x6a: {  	_ =	shalt  }
0x6b: {  	_ =	shalt  }
0x6c: {  	_ =	shalt  }
0x6d: {  	_ =	shalt  }
0x6e: {  	_ =	shalt  }
0x6f: {  	_ =	shalt  }
0x70: {  	_ =	shalt  }
0x71: {  	_ =	shalt  }
0x72: {  	_ =	shalt  }
0x73: {  	_ =	shalt  }
0x74: {  	_ =	shalt  }
0x75: {  	_ =	shalt  }
0x76: {  	_ =	shalt  }
0x77: {  	_ =	shalt  }
0x78: {  	_ =	shalt  }
0x79: {  	_ =	shalt  }
0x7a: {  	_ =	shalt  }
0x7b: {  	_ =	shalt  }
0x7c: {  	_ =	shalt  }
0x7d: {  	_ =	shalt  }
0x7e: {  	_ =	shalt  }
0x7f: {  	_ =	shalt  }
0x80: {  	_ =	shalt  }
0x81: {  	_ =	shalt  }
0x82: {  	_ =	shalt  }
0x83: {  	_ =	shalt  }
0x84: {  	_ =	shalt  }
0x85: {  	_ =	shalt  }
0x86: {  	_ =	shalt  }
0x87: {  	_ =	shalt  }
.Lfunc_end0:
.L_simem_size_0:
called_computation.2_lowered:
.L_overlay_start_0:
0x88: {  	s2 =	sld [smem:$0x3FD9]  }
0x89: {  	s3 =	sld [smem:$0x3FFE];
	_ =	sdelay $0x1  }
0x8a: {  	s1 =	srdreg.scid  }
0x8b: {  	s0 =	sand.u32 $0x1, s1  }
0x8c: {  	s17 =	sshll.u32 s0, $0xA;
	s2 =	sadd.s32 s3, s2  }
0x8d: {  	s2 =	sadd.s32 s2, s17  }
0x8e: {  	[smem:$0x3FB0] =	sst s2  }
0x8f: {  	_ = 	snop  }
0x90: {  	(tm) =	ssettm $0x1  }
0x91: {  	s18 =	sld [smem:$0x3FFB];
	_ =	sdelay $0x3  }
0x92: {  	_ =	strace s18  }
0x93: {  	s2 =	sld [smem:$0x3FFC];
	_ =	sdelay $0x3  }
0x94: {  	_ =	strace s2  }
0x95: {  	s2 =	sld [smem:$0x3FFD];
	_ =	sdelay $0x3  }
0x96: {  	_ =	strace s2  }
0x97: {  	_ =	strace $0x8FFFFFFF  }
0x98: {  	s19 =	sld [smem:$0x3FDB];
	_ =	sdelay $0x1  }
0x99: {  	s20 =	simm.s32 $_scs_section_size  }
0x9a: {  	s4 =	simm.s32 $_size__tile_overlayer_lowered;
	s5 =	simm.s32 $_tile_overlayer_lowered  }
0x9b: {  	s6 =	simm.s32 $0x1BFF;
	s21 =	sshll.u32 s5, $0x1;
	s3 =	sadd.s32 s20, s19  }
0x9c: {  	s22 =	simm.s32 $0x0;
	s4 =	sshll.u32 s4, $0x1;
	s5 =	sadd.s32 s21, s3  }
0x9d: {  	[timem:s22], [sflag:s6] =	dma.local [hbm:s5], s4  }
0x9e: {  	_ =	swait.ge [sflag:s6], s4  }
0x9f: {  	s4 =	ssub.s32 $0x0, s4;
	[sflag:s6] =	ssyncset.done $0x0  }
0xa0: {  	[sflag:s6] =	ssyncadd.s32 s4;
	_ =	sdelay $0x1  }
0xa1: {  	s23 =	simm.s32 $0x1B8B  }
0xa2: {  	_ =	swait.ge [sflag:s23], $0x1  }
0xa3: {  	[sflag:s23] =	ssyncset.done $0x0  }
0xa4: {  	[sflag:s23] =	ssyncadd.s32 $0xFFFFFFFF  }
0xa5: {  	s4 =	sld [smem:$0x0]  }
0xa6: {  	s5 =	sand.u32 $0xFFFFFFFE, s1  }
0xa7: {  	p0 =	sne.s32 s1, s5  }
0xa8: {  	s5 =	sshll.u32 @p0 s5, $0xE  }
0xa9: {  	s5 =	sadd.s32 @p0 $0x11B8D, s5;
	s6 =	sshll.u32 @p0 s4, $0x11  }
0xaa: {  	s5 =	sor.u32 @p0 s6, s5  }
0xab: {  	[sflag:s5] =	ssyncadd.remote.s32 @p0 $0x1;
	_ =	sdelay $0x1  }
0xac: {  	s5 =	simm.s32 @p0 $0x1B8D  }
0xad: {  	_ =	swait.eq @p0 [sflag:s5], $0x1  }
0xae: {  	[sflag:s5] =	ssyncadd.s32 @p0 $0xFFFFFFFF  }
0xaf: {  	s6 =	sshll.u32 @!p0 s1, $0xE  }
0xb0: {  	s6 =	sor.u32 @!p0 $0x4000, s6;
	s5 =	simm.s32 @!p0 $0x1B8D  }
0xb1: {  	s4 =	sshll.u32 @!p0 s4, $0x11;
	s6 =	sadd.s32 @!p0 $0x11B8D, s6;
	_ =	swait.eq @!p0 [sflag:s5], $0x1  }
0xb2: {  	s4 =	sor.u32 @!p0 s4, s6;
	[sflag:s5] =	ssyncadd.s32 @!p0 $0xFFFFFFFF  }
0xb3: {  	s25 =	simm.s32 $0x1B8E;
	s24 =	sld [smem:$0x3FFE];
	[sflag:s4] =	ssyncadd.remote.s32 @!p0 $0x1  }
0xb4: {  	s26 =	simm.s32 $execute0_lowered;
	[smem:$0x3FD2] =	sst s25  }
0xb5: {  	s5 =	sshll.u32 s26, $0x1;
	_ =	strace $0x8000004C;
	[dreg:$0x1] =	wrdreg $0xFFFFFFFF  }
0xb6: {  	s28 =	simm.s32 $_size_execute0_lowered;
	s3 =	sadd.s32 s3, s5;
	[dreg:$0x0] =	wrdreg $0x0  }
0xb7: {  	s5 =	sshll.u32 s28, $0x1;
	[dreg:$0x2] =	wrdreg s3  }
0xb8: {  	[dreg:$0x3] =	wrdreg s5  }
0xb9: {  	[dreg:$0x4] =	wrdreg $0xC0  }
0xba: {  	_ =	task [dreg:s22], $0x5FFFF  }
0xbb: {  	[dreg:$0x1] =	wrdreg $0xFFFFFFFF  }
0xbc: {  	[dreg:$0x0] =	wrdreg $0x60  }
0xbd: {  	[dreg:$0x2] =	wrdreg s24  }
0xbe: {  	[dreg:$0x3] =	wrdreg $0xB  }
0xbf: {  	_ =	task.clear_ibuf [dreg:s22], $0x4FFFF;
	_ =	strace $0x9000004C  }
0xc0: {  	s29 =	simm.s32 $0xB;
	_ =	strace $0x8000004E  }
0xc1: {  	_ =	swait.ge [sflag:s29], $0x1  }
0xc2: {  	[sflag:s29] =	ssyncadd.s32 $0xFFFFFFFF  }
0xc3: {  	_ =	strace $0x9000004E  }
0xc4: {  	_ =	sfence  }
0xc5: {  	s30 =	sld [smem:$0x0];
	_ =	sdelay $0x2  }
0xc6: {  	s31 =	sshll.u32 s1, $0xD;
	s1 =	sshrl.u32 s1, $0x2  }
0xc7: {  	s4 =	sand.u32 $0x4000, s31;
	s1 =	sadd.s32 s1, s30  }
0xc8: {  	s0 =	sor.u32 s4, s0;
	s1 =	sshll.u32 s1, $0x11  }
0xc9: {  	s0 =	sor.u32 s1, s0  }
0xca: {  	s0 =	sadd.s32 $0x8F2B, s0  }
0xcb: {  	[sflag:s0] =	ssyncadd.remote.s32 $0x1  }
0xcc: {  	_ =	sfence.sel $0xFFFF  }
0xcd: {  	[dreg:$0x0] =	wrdreg $0xFFFFFFFF;
	(pc) =	sbr.abs _section_cstart, $3  }
0xce: {  	[dreg:$0x1] =	wrdreg $0xFFFFFFFF  }
0xcf: {  	_ =	task.clear_ibuf [dreg:s22], $0x2FFFF;
	_ =	strace $0x9FFFFFFF  }
0xd0: {  	(tm) =	ssettm $0x7FFFFFFF  }
0xd1: {  	_ =	shalt  }
tec
execute0_lowered:
.L_overlay_start_1:
0x0: {  	(tag) =	ssettag $0x1  }
0x1: {  	s0 =	stileid.u32;
	s1 =	srdreg.scid  }
0x2: {  	s10 =	rddreg [dreg:$0x0];
	s14 =	sand.u32 $0x1, s1;
	s31 =	sshll.u32 s0, $0x1  }
0x3: {  	s6 =	simm.s32 $0x400;
	s2 =	sshll.u32 s0, $0x7;
	s11 =	sor.u32 s14, s31  }
0x4: {  	s1 =	rddreg [dreg:$0x1];
	s3 =	sand.u32 $0x600, s2;
	s4 =	sshll.u32 s11, $0x4  }
0x5: {  	s2 =	simm.s32 $0x0;
	s3 =	sadd.s32 s3, s10;
	s4 =	sand.u32 $0x70, s4  }
0x6: {  	s5 =	simm.s32 $0x2;
	[smem:$0x7FF] =	sst s2;
	s3 =	sadd.s32 s4, s3  }
0x7: {  	_ =	strace $0x8000004D;
	s4 =	simm.s32 $0x80;
	s3 =	sadd.s32 $0x44C00, s3  }
0x8: {  	[tilespmem:s2], [sflag:$0x2] =	stream.strided.gather [hbm4b:s3+s4], $0x200, s6, s4, $0x38;
	[tilespmem:$0x4200] =	vst v63  }
0x9: {  	_ =	swait.ge [sflag:s5], $0x200  }
0xa: {  	s8 =	simm.s32 $0x200;
	[sflag:s5] =	ssyncset.done $0x0  }
0xb: {  	s9 =	simm.s32 $0x1;
	s7 =	sadd.s32 $0x61EC00, s10;
	[sflag:s5] =	ssyncadd.s32 $0xFFFFFE00  }
0xc: {  	[tilespmem:s8], [sflag:$0x1] =	stream.indirect.gather [hbm4b:s7+s4], $0x80, s2, s4, $0xb8;
	[tilespmem:$0x4200] =	vst v63  }
0xd: {  	s11 =	sshll.u32 s11, $0xD;
	_ =	swait.ge [sflag:s9], $0x4000  }
0xe: {  	s15 =	sadd.s32 s11, s10;
	[sflag:s9] =	ssyncset.done $0x0  }
0xf: {  	s10 =	sadd.s32 $0x88400, s15;
	[sflag:s9] =	ssyncadd.s32 $0xFFFFC000  }
0x10: {  	[hbm4b:s10+s2] =	stream.linear.scatter [tilespmem:s8], [sflag:$0x2], $0x4000, $0x38;
	[tilespmem:$0x4200] =	vst v63  }
0x11: {  	_ =	swait.ge [sflag:s5], $0x4000  }
0x12: {  	[sflag:s5] =	ssyncset.done $0x0  }
0x13: {  	[sflag:s5] =	ssyncadd.s32 $0xFFFFC000  }
0x14: {  	[tilespmem:s8], [sflag:$0x1] =	stream.indirect.gather [hbm4b:s7+s4], $0x80, s4, s4, $0xb8;
	[tilespmem:$0x4200] =	vst v63  }
0x15: {  	_ =	swait.ge [sflag:s9], $0x4000  }
0x16: {  	[sflag:s9] =	ssyncset.done $0x0  }
0x17: {  	s11 =	sadd.s32 $0x88C00, s15;
	[sflag:s9] =	ssyncadd.s32 $0xFFFFC000  }
0x18: {  	[hbm4b:s11+s2] =	stream.linear.scatter [tilespmem:s8], [sflag:$0x2], $0x4000, $0x38;
	[tilespmem:$0x4200] =	vst v63  }
0x19: {  	_ =	swait.ge [sflag:s5], $0x4000  }
0x1a: {  	[sflag:s5] =	ssyncset.done $0x0  }
0x1b: {  	s12 =	simm.s32 $0x100;
	[sflag:s5] =	ssyncadd.s32 $0xFFFFC000  }
0x1c: {  	[tilespmem:s8], [sflag:$0x1] =	stream.indirect.gather [hbm4b:s7+s4], $0x80, s12, s4, $0xb8;
	[tilespmem:$0x4200] =	vst v63  }
0x1d: {  	_ =	swait.ge [sflag:s9], $0x4000  }
0x1e: {  	[sflag:s9] =	ssyncset.done $0x0  }
0x1f: {  	s16 =	ssub.s32 $0x2, s14;
	s13 =	sadd.s32 $0x89400, s15;
	[sflag:s9] =	ssyncadd.s32 $0xFFFFC000  }
0x20: {  	[hbm4b:s13+s2] =	stream.linear.scatter [tilespmem:s8], [sflag:$0x2], $0x4000, $0x38;
	[tilespmem:$0x4200] =	vst v63  }
0x21: {  	s17 =	sshrl.u32 s16, $0x1;
	_ =	swait.ge [sflag:s5], $0x4000  }
0x22: {  	s16 =	ssub.s32 s16, s17;
	[sflag:s5] =	ssyncset.done $0x0  }
0x23: {  	s14 =	simm.s32 $0x180;
	s16 =	smax.u32 s16, $0x1;
	[sflag:s5] =	ssyncadd.s32 $0xFFFFC000  }
0x24: {  	[tilespmem:s8], [sflag:$0x1] =	stream.indirect.gather [hbm4b:s7+s4], $0x80, s14, s4, $0xb8;
	[tilespmem:$0x4200] =	vst v63  }
0x25: {  	p0 =	sne.s32 s16, $0x1;
	_ =	swait.ge [sflag:s9], $0x4000  }
.Ltmp0:
0x26: {  	[sflag:s9] =	ssyncset.done $0x0;
	(pc) =	sbr.rel @!p0 .LBB2_2-.Ltmp0, $4  }
0x27: {  	s15 =	sadd.s32 $0x89C00, s15;
	[sflag:s9] =	ssyncadd.s32 $0xFFFFC000  }
0x28: {  	[hbm4b:s15+s2] =	stream.linear.scatter [tilespmem:s8], [sflag:$0x2], $0x4000, $0x38;
	[tilespmem:$0x4200] =	vst v63  }
0x29: {  	_ =	swait.ge [sflag:s5], $0x4000  }
0x2a: {  	s16 =	sadd.s32 $0xFFFFFFFF, s16;
	[sflag:s5] =	ssyncset.done $0x0  }
.LBB2_1:
0x2b: {  	p0 =	sne.s32 s16, $0x1;
	s16 =	sadd.s32 $0xFFFFFFFF, s16;
	[sflag:s5] =	ssyncadd.s32 $0xFFFFC000  }
0x2c: {  	[tilespmem:s2], [sflag:$0x2] =	stream.strided.gather [hbm4b:s3+s4], $0x200, s6, s4, $0x38;
	[tilespmem:$0x4200] =	vst v63  }
0x2d: {  	_ =	swait.ge [sflag:s5], $0x200  }
0x2e: {  	[sflag:s5] =	ssyncset.done $0x0  }
0x2f: {  	[sflag:s5] =	ssyncadd.s32 $0xFFFFFE00  }
0x30: {  	[tilespmem:s8], [sflag:$0x1] =	stream.indirect.gather [hbm4b:s7+s4], $0x80, s2, s4, $0xb8;
	[tilespmem:$0x4200] =	vst v63  }
0x31: {  	_ =	swait.ge [sflag:s9], $0x4000  }
0x32: {  	[sflag:s9] =	ssyncset.done $0x0  }
0x33: {  	[sflag:s9] =	ssyncadd.s32 $0xFFFFC000  }
0x34: {  	[hbm4b:s10+s2] =	stream.linear.scatter [tilespmem:s8], [sflag:$0x2], $0x4000, $0x38;
	[tilespmem:$0x4200] =	vst v63  }
0x35: {  	_ =	swait.ge [sflag:s5], $0x4000  }
0x36: {  	[sflag:s5] =	ssyncset.done $0x0  }
0x37: {  	[sflag:s5] =	ssyncadd.s32 $0xFFFFC000  }
0x38: {  	[tilespmem:s8], [sflag:$0x1] =	stream.indirect.gather [hbm4b:s7+s4], $0x80, s4, s4, $0xb8;
	[tilespmem:$0x4200] =	vst v63  }
0x39: {  	_ =	swait.ge [sflag:s9], $0x4000  }
0x3a: {  	[sflag:s9] =	ssyncset.done $0x0  }
0x3b: {  	[sflag:s9] =	ssyncadd.s32 $0xFFFFC000  }
0x3c: {  	[hbm4b:s11+s2] =	stream.linear.scatter [tilespmem:s8], [sflag:$0x2], $0x4000, $0x38;
	[tilespmem:$0x4200] =	vst v63  }
0x3d: {  	_ =	swait.ge [sflag:s5], $0x4000  }
0x3e: {  	[sflag:s5] =	ssyncset.done $0x0  }
0x3f: {  	[sflag:s5] =	ssyncadd.s32 $0xFFFFC000  }
0x40: {  	[tilespmem:s8], [sflag:$0x1] =	stream.indirect.gather [hbm4b:s7+s4], $0x80, s12, s4, $0xb8;
	[tilespmem:$0x4200] =	vst v63  }
0x41: {  	_ =	swait.ge [sflag:s9], $0x4000  }
0x42: {  	[sflag:s9] =	ssyncset.done $0x0  }
0x43: {  	[sflag:s9] =	ssyncadd.s32 $0xFFFFC000  }
0x44: {  	[hbm4b:s13+s2] =	stream.linear.scatter [tilespmem:s8], [sflag:$0x2], $0x4000, $0x38;
	[tilespmem:$0x4200] =	vst v63  }
0x45: {  	_ =	swait.ge [sflag:s5], $0x4000  }
0x46: {  	[sflag:s5] =	ssyncset.done $0x0  }
0x47: {  	[sflag:s5] =	ssyncadd.s32 $0xFFFFC000  }
0x48: {  	[tilespmem:s8], [sflag:$0x1] =	stream.indirect.gather [hbm4b:s7+s4], $0x80, s14, s4, $0xb8;
	[tilespmem:$0x4200] =	vst v63  }
0x49: {  	_ =	swait.ge [sflag:s9], $0x4000  }
.Ltmp1:
0x4a: {  	[sflag:s9] =	ssyncset.done $0x0;
	(pc) =	sbr.rel @p0 .LBB2_1-.Ltmp1, $4  }
0x4b: {  	[sflag:s9] =	ssyncadd.s32 $0xFFFFC000  }
0x4c: {  	[hbm4b:s15+s2] =	stream.linear.scatter [tilespmem:s8], [sflag:$0x2], $0x4000, $0x38;
	[tilespmem:$0x4200] =	vst v63  }
0x4d: {  	_ =	swait.ge [sflag:s5], $0x4000  }
0x4e: {  	[sflag:s5] =	ssyncset.done $0x0  }
.LBB2_2:
0x4f: {  	[sflag:s5] =	ssyncadd.s32 $0xFFFFC000  }
0x50: {  	_ =	sfence.sel $0x180000  }
0x51: {  	[bflag:$0x0] =	sbarrier.arrive $0xFFFF  }
0x52: {  	p0 =	sne.s32 s0, $0x0;
	_ =	strace $0x9000004D  }
0x53: {  	s0 =	sadd.s32 @!p0 $0x100000, s1;
	[bflag:$0x2] =	sbarrier.arrive $0xFFFF  }
0x54: {  	[sflag:s0] =	ssyncadd.tile.s32 @!p0 $0x1;
	_ =	shalt  }
.Lfunc_end2:
_tile_overlayer_lowered:
.L_overlay_start_2:
0x55: {  	(tag) =	ssettag $0x2  }
0x56: {  	s0 =	rddreg [dreg:$0x0];
	s2 =	stileid.u32  }
0x57: {  	s1 =	rddreg [dreg:$0x1];
	p0 =	sne.s32 s2, $0x0  }
0x58: {  	s3 =	rddreg [dreg:$0x2];
	[bflag:$0x3] =	sbarrier.arrive $0xFFFF;
	s2 =	simm.s32 @!p0 $0x1C02  }
0x59: {  	[timem:s3], [sflag:s2] =	dma.local @!p0 [hbm:s0], s1  }
0x5a: {  	s0 =	simm.s32 @!p0 $0x2  }
0x5b: {  	_ =	swait.ge @!p0 [sflag:s0], s1  }
0x5c: {  	s1 =	ssub.s32 @!p0 $0x0, s1;
	[sflag:s0] =	ssyncset.done @!p0 $0x0  }
0x5d: {  	[sflag:s0] =	ssyncadd.s32 @!p0 s1  }
0x5e: {  	[bflag:$0x3] =	sbarrier.arrive $0xFFFF  }
0x5f: {  	_ =	shalt  }

// kernel: kernel.30.cloned.1.call-start
scs
__scs_entry_jumppad:
0x0: {  	(pc) =	sbr.rel $0x88, $3  }
0x1: {  	(tag) =	ssettag $0x0;
	lr =	simm.s32 $0x1  }
0x2: {  	[smem:$0x3F89] =	sst lr;
	_ =	strace $0xD0000000  }
0x3: {  	_ = 	snop  }
0x4: {  	_ = 	snop  }
0x5: {  	_ = 	snop  }
0x6: {  	_ = 	snop  }
0x7: {  	_ = 	snop  }
__scs_overlays_trampoline_lowered:
0x8: {  	[smem:$0x3F98] =	sst s0  }
0x9: {  	[smem:$0x3F99] =	sst s1  }
0xa: {  	[smem:$0x3F9A] =	sst s2  }
0xb: {  	[smem:$0x3F9B] =	sst s3  }
0xc: {  	[smem:$0x3F9C] =	sst s4  }
0xd: {  	[smem:$0x3F9D] =	sst s5  }
0xe: {  	[smem:$0x3F9E] =	sst s6  }
0xf: {  	[smem:$0x3F9F] =	sst s7  }
0x10: {  	[smem:$0x3FA0] =	sst s8  }
0x11: {  	[smem:$0x3FA1] =	sst s9;
	s0 =	simm.s32 @!p0 $0x0  }
0x12: {  	s1 =	sld [smem:$0x3F87];
	s0 =	simm.s32 @p0 $0x1  }
0x13: {  	[smem:$0x3FA2] =	sst s0;
	s0 =	simm.s32 @!p1 $0x0  }
0x14: {  	s2 =	sld [smem:$0x3F86];
	s0 =	simm.s32 @p1 $0x1  }
0x15: {  	[smem:$0x3FA3] =	sst s0;
	s0 =	simm.s32 @!p2 $0x0  }
0x16: {  	s3 =	sld [smem:$0x3FDB];
	s0 =	simm.s32 @p2 $0x1  }
0x17: {  	s4 =	simm.s32 $0x1BF5;
	[smem:$0x3FA5] =	sst s0  }
0x18: {  	s0 =	sld [smem:$0x3F88];
	_ =	swait.ge [sflag:s4], $0x0  }
0x19: {  	s7 =	sld [smem:$0x3F89]  }
0x1a: {  	s8 =	sadd.s32 $0xFFFFE003, lr  }
0x1b: {  	s9 =	sadd.s32 $0xFFFFFEF7, lr;
	s5 =	simm.s32 $0xFFFFFFFF;
	p2 =	slt.u32 s8, $0xFFFFF086  }
0x1c: {  	p1 =	slt.u32 s9, $0xF7A;
	s5 =	simm.s32 @!p2 $0x0  }
0x1d: {  	s5 =	simm.s32 @p1 $0x1;
	p0 =	seq.s32 s7, s2  }
0x1e: {  	s7 =	smul.u32 @!p0 $0xF7A, s2;
	p2 =	seq.s32 @!p0 s5, $0x0  }
0x1f: {  	s9 =	smul.u32 $0xF7A, s1;
	s8 =	simm.s32 @!p0 $0x1BF5;
	p2 =	por !p2, p0  }
0x20: {  	[sflag:s8] =	ssyncset.s32 @!p0 $0xFFFFF086;
	s6 =	sadd.s32 @!p0 s3, s7;
	s7 =	simm.s32 @!p0 $0x108  }
0x21: {  	s3 =	sadd.s32 s3, s9;
	s6 =	sadd.s32 @!p0 $0x88, s6;
	s7 =	simm.s32 @p2 $0x1082  }
0x22: {  	[simem:s7], [sflag:s8] =	dma.local @!p0 [hbm:s6], $0xF7A  }
0x23: {  	s9 =	sor.u32 $0xD0000000, s2;
	s6 =	simm.s32 $0x108;
	_ =	swait.ge @!p0 [sflag:s8], $0x0  }
0x24: {  	s3 =	sadd.s32 $0x88, s3;
	s6 =	simm.s32 @!p1 $0x1082;
	[sflag:s4] =	ssyncset.s32 $0xFFFFF086  }
0x25: {  	[simem:s6], [sflag:s4] =	dma.local [hbm:s3], $0xF7A  }
0x26: {  	[smem:$0x3F89] =	sst s1;
	(tag) =	ssettag s2;
	_ =	strace s9  }
0x27: {  	s1 =	sld [smem:$0x3F99]  }
0x28: {  	s2 =	sld [smem:$0x3F9A]  }
0x29: {  	s4 =	sld [smem:$0x3F9C]  }
0x2a: {  	p0 =	seq.s32 s5, $0x0;
	s5 =	sld [smem:$0x3F9D]  }
0x2b: {  	s6 =	sld [smem:$0x3F9E]  }
0x2c: {  	s7 =	sld [smem:$0x3F9F]  }
0x2d: {  	s3 =	simm.s32 $0x108;
	s8 =	sld [smem:$0x3FA0]  }
0x2e: {  	s3 =	simm.s32 @!p0 $0x1082;
	s9 =	sld [smem:$0x3FA1]  }
0x2f: {  	lr =	sadd.s32 s0, s3;
	s0 =	sld [smem:$0x3F98]  }
0x30: {  	s3 =	sld [smem:$0x3F9B]  }
0x31: {  	[smem:$0x3FA4] =	sst s10  }
0x32: {  	s10 =	sld [smem:$0x3FA2];
	_ =	sdelay $0x3  }
0x33: {  	p0 =	seq.s32 s10, $0x1;
	s10 =	sld [smem:$0x3FA4];
	_ =	sdelay $0x3  }
0x34: {  	[smem:$0x3FA4] =	sst s10  }
0x35: {  	s10 =	sld [smem:$0x3FA3];
	_ =	sdelay $0x3  }
0x36: {  	p1 =	seq.s32 s10, $0x1;
	s10 =	sld [smem:$0x3FA4];
	_ =	sdelay $0x3  }
0x37: {  	[smem:$0x3FA4] =	sst s10  }
0x38: {  	s10 =	sld [smem:$0x3FA5]  }
0x39: {  	_ = 	snop;
	(pc) =	sbr.ind lr, $3  }
0x3a: {  	_ = 	snop  }
0x3b: {  	_ = 	snop  }
0x3c: {  	p2 =	seq.s32 s10, $0x1;
	s10 =	sld [smem:$0x3FA4]  }
0x3d: {  	_ =	shalt  }
0x3e: {  	_ =	shalt  }
0x3f: {  	_ =	shalt  }
0x40: {  	_ =	shalt  }
0x41: {  	_ =	shalt  }
0x42: {  	_ =	shalt  }
0x43: {  	_ =	shalt  }
0x44: {  	_ =	shalt  }
0x45: {  	_ =	shalt  }
0x46: {  	_ =	shalt  }
0x47: {  	_ =	shalt  }
0x48: {  	_ =	shalt  }
0x49: {  	_ =	shalt  }
0x4a: {  	_ =	shalt  }
0x4b: {  	_ =	shalt  }
0x4c: {  	_ =	shalt  }
0x4d: {  	_ =	shalt  }
0x4e: {  	_ =	shalt  }
0x4f: {  	_ =	shalt  }
0x50: {  	_ =	shalt  }
0x51: {  	_ =	shalt  }
0x52: {  	_ =	shalt  }
0x53: {  	_ =	shalt  }
0x54: {  	_ =	shalt  }
0x55: {  	_ =	shalt  }
0x56: {  	_ =	shalt  }
0x57: {  	_ =	shalt  }
0x58: {  	_ =	shalt  }
0x59: {  	_ =	shalt  }
0x5a: {  	_ =	shalt  }
0x5b: {  	_ =	shalt  }
0x5c: {  	_ =	shalt  }
0x5d: {  	_ =	shalt  }
0x5e: {  	_ =	shalt  }
0x5f: {  	_ =	shalt  }
0x60: {  	_ =	shalt  }
0x61: {  	_ =	shalt  }
0x62: {  	_ =	shalt  }
0x63: {  	_ =	shalt  }
0x64: {  	_ =	shalt  }
0x65: {  	_ =	shalt  }
0x66: {  	_ =	shalt  }
0x67: {  	_ =	shalt  }
0x68: {  	_ =	shalt  }
0x69: {  	_ =	shalt  }
0x6a: {  	_ =	shalt  }
0x6b: {  	_ =	shalt  }
0x6c: {  	_ =	shalt  }
0x6d: {  	_ =	shalt  }
0x6e: {  	_ =	shalt  }
0x6f: {  	_ =	shalt  }
0x70: {  	_ =	shalt  }
0x71: {  	_ =	shalt  }
0x72: {  	_ =	shalt  }
0x73: {  	_ =	shalt  }
0x74: {  	_ =	shalt  }
0x75: {  	_ =	shalt  }
0x76: {  	_ =	shalt  }
0x77: {  	_ =	shalt  }
0x78: {  	_ =	shalt  }
0x79: {  	_ =	shalt  }
0x7a: {  	_ =	shalt  }
0x7b: {  	_ =	shalt  }
0x7c: {  	_ =	shalt  }
0x7d: {  	_ =	shalt  }
0x7e: {  	_ =	shalt  }
0x7f: {  	_ =	shalt  }
0x80: {  	_ =	shalt  }
0x81: {  	_ =	shalt  }
0x82: {  	_ =	shalt  }
0x83: {  	_ =	shalt  }
0x84: {  	_ =	shalt  }
0x85: {  	_ =	shalt  }
0x86: {  	_ =	shalt  }
0x87: {  	_ =	shalt  }
.Lfunc_end0:
.L_simem_size_0:
called_computation.3_lowered:
.L_overlay_start_0:
0x88: {  	s2 =	sld [smem:$0x3FD9]  }
0x89: {  	s3 =	sld [smem:$0x3FFE];
	_ =	sdelay $0x1  }
0x8a: {  	s1 =	srdreg.scid  }
0x8b: {  	s0 =	sand.u32 $0x1, s1  }
0x8c: {  	s17 =	sshll.u32 s0, $0xA;
	s2 =	sadd.s32 s3, s2  }
0x8d: {  	s2 =	sadd.s32 s2, s17  }
0x8e: {  	[smem:$0x3FB0] =	sst s2  }
0x8f: {  	_ = 	snop  }
0x90: {  	(tm) =	ssettm $0x1  }
0x91: {  	s18 =	sld [smem:$0x3FFB];
	_ =	sdelay $0x3  }
0x92: {  	_ =	strace s18  }
0x93: {  	s2 =	sld [smem:$0x3FFC];
	_ =	sdelay $0x3  }
0x94: {  	_ =	strace s2  }
0x95: {  	s2 =	sld [smem:$0x3FFD];
	_ =	sdelay $0x3  }
0x96: {  	_ =	strace s2  }
0x97: {  	_ =	strace $0x8FFFFFFF  }
0x98: {  	s19 =	sld [smem:$0x3FDB];
	_ =	sdelay $0x1  }
0x99: {  	s20 =	simm.s32 $_scs_section_size  }
0x9a: {  	s4 =	simm.s32 $_size__tile_overlayer_lowered;
	s5 =	simm.s32 $_tile_overlayer_lowered  }
0x9b: {  	s6 =	simm.s32 $0x1BFF;
	s21 =	sshll.u32 s5, $0x1;
	s3 =	sadd.s32 s20, s19  }
0x9c: {  	s22 =	simm.s32 $0x0;
	s4 =	sshll.u32 s4, $0x1;
	s5 =	sadd.s32 s21, s3  }
0x9d: {  	[timem:s22], [sflag:s6] =	dma.local [hbm:s5], s4  }
0x9e: {  	_ =	swait.ge [sflag:s6], s4  }
0x9f: {  	s4 =	ssub.s32 $0x0, s4;
	[sflag:s6] =	ssyncset.done $0x0  }
0xa0: {  	[sflag:s6] =	ssyncadd.s32 s4;
	_ =	sdelay $0x1  }
0xa1: {  	s23 =	simm.s32 $0x1B8B  }
0xa2: {  	_ =	swait.ge [sflag:s23], $0x1  }
0xa3: {  	[sflag:s23] =	ssyncset.done $0x0  }
0xa4: {  	[sflag:s23] =	ssyncadd.s32 $0xFFFFFFFF  }
0xa5: {  	s4 =	sld [smem:$0x0]  }
0xa6: {  	s5 =	sand.u32 $0xFFFFFFFE, s1  }
0xa7: {  	p0 =	sne.s32 s1, s5  }
0xa8: {  	s5 =	sshll.u32 @p0 s5, $0xE  }
0xa9: {  	s5 =	sadd.s32 @p0 $0x11B8D, s5;
	s6 =	sshll.u32 @p0 s4, $0x11  }
0xaa: {  	s5 =	sor.u32 @p0 s6, s5  }
0xab: {  	[sflag:s5] =	ssyncadd.remote.s32 @p0 $0x1;
	_ =	sdelay $0x1  }
0xac: {  	s5 =	simm.s32 @p0 $0x1B8D  }
0xad: {  	_ =	swait.eq @p0 [sflag:s5], $0x1  }
0xae: {  	[sflag:s5] =	ssyncadd.s32 @p0 $0xFFFFFFFF  }
0xaf: {  	s6 =	sshll.u32 @!p0 s1, $0xE  }
0xb0: {  	s6 =	sor.u32 @!p0 $0x4000, s6;
	s5 =	simm.s32 @!p0 $0x1B8D  }
0xb1: {  	s4 =	sshll.u32 @!p0 s4, $0x11;
	s6 =	sadd.s32 @!p0 $0x11B8D, s6;
	_ =	swait.eq @!p0 [sflag:s5], $0x1  }
0xb2: {  	s4 =	sor.u32 @!p0 s4, s6;
	[sflag:s5] =	ssyncadd.s32 @!p0 $0xFFFFFFFF  }
0xb3: {  	s25 =	simm.s32 $0x1B8E;
	s24 =	sld [smem:$0x3FFE];
	[sflag:s4] =	ssyncadd.remote.s32 @!p0 $0x1  }
0xb4: {  	s26 =	simm.s32 $execute0_lowered;
	[smem:$0x3FD2] =	sst s25  }
0xb5: {  	s5 =	sshll.u32 s26, $0x1;
	_ =	strace $0x8000004F;
	[dreg:$0x1] =	wrdreg $0xFFFFFFFF  }
0xb6: {  	s28 =	simm.s32 $_size_execute0_lowered;
	s3 =	sadd.s32 s3, s5;
	[dreg:$0x0] =	wrdreg $0x0  }
0xb7: {  	s5 =	sshll.u32 s28, $0x1;
	[dreg:$0x2] =	wrdreg s3  }
0xb8: {  	[dreg:$0x3] =	wrdreg s5  }
0xb9: {  	[dreg:$0x4] =	wrdreg $0xC0  }
0xba: {  	_ =	task [dreg:s22], $0x5FFFF  }
0xbb: {  	[dreg:$0x1] =	wrdreg $0xFFFFFFFF  }
0xbc: {  	[dreg:$0x0] =	wrdreg $0x60  }
0xbd: {  	[dreg:$0x2] =	wrdreg s24  }
0xbe: {  	[dreg:$0x3] =	wrdreg $0xC  }
0xbf: {  	_ =	task.clear_ibuf [dreg:s22], $0x4FFFF;
	_ =	strace $0x9000004F  }
0xc0: {  	s29 =	simm.s32 $0xC;
	_ =	strace $0x80000051  }
0xc1: {  	_ =	swait.ge [sflag:s29], $0x1  }
0xc2: {  	[sflag:s29] =	ssyncadd.s32 $0xFFFFFFFF  }
0xc3: {  	_ =	strace $0x90000051  }
0xc4: {  	_ =	sfence  }
0xc5: {  	s30 =	sld [smem:$0x0];
	_ =	sdelay $0x2  }
0xc6: {  	s31 =	sshll.u32 s1, $0xD;
	s1 =	sshrl.u32 s1, $0x2  }
0xc7: {  	s4 =	sand.u32 $0x4000, s31;
	s1 =	sadd.s32 s1, s30  }
0xc8: {  	s0 =	sor.u32 s4, s0;
	s1 =	sshll.u32 s1, $0x11  }
0xc9: {  	s0 =	sor.u32 s1, s0  }
0xca: {  	s0 =	sadd.s32 $0x8F2B, s0  }
0xcb: {  	[sflag:s0] =	ssyncadd.remote.s32 $0x1  }
0xcc: {  	_ =	sfence.sel $0xFFFF  }
0xcd: {  	[dreg:$0x0] =	wrdreg $0xFFFFFFFF;
	(pc) =	sbr.abs _section_cstart, $3  }
0xce: {  	[dreg:$0x1] =	wrdreg $0xFFFFFFFF  }
0xcf: {  	_ =	task.clear_ibuf [dreg:s22], $0x2FFFF;
	_ =	strace $0x9FFFFFFF  }
0xd0: {  	(tm) =	ssettm $0x7FFFFFFF  }
0xd1: {  	_ =	shalt  }
tec
execute0_lowered:
.L_overlay_start_1:
0x0: {  	(tag) =	ssettag $0x1  }
0x1: {  	s0 =	stileid.u32;
	s1 =	srdreg.scid  }
0x2: {  	s10 =	rddreg [dreg:$0x0];
	s14 =	sand.u32 $0x1, s1;
	s31 =	sshll.u32 s0, $0x1  }
0x3: {  	s6 =	simm.s32 $0x400;
	s2 =	sshll.u32 s0, $0x7;
	s11 =	sor.u32 s14, s31  }
0x4: {  	s1 =	rddreg [dreg:$0x1];
	s3 =	sand.u32 $0x600, s2;
	s4 =	sshll.u32 s11, $0x4  }
0x5: {  	s2 =	simm.s32 $0x0;
	s3 =	sadd.s32 s3, s10;
	s4 =	sand.u32 $0x70, s4  }
0x6: {  	s5 =	simm.s32 $0x2;
	[smem:$0x7FF] =	sst s2;
	s3 =	sadd.s32 s4, s3  }
0x7: {  	_ =	strace $0x80000050;
	s4 =	simm.s32 $0x80;
	s3 =	sadd.s32 $0x45400, s3  }
0x8: {  	[tilespmem:s2], [sflag:$0x2] =	stream.strided.gather [hbm4b:s3+s4], $0x200, s6, s4, $0x38;
	[tilespmem:$0x4200] =	vst v63  }
0x9: {  	_ =	swait.ge [sflag:s5], $0x200  }
0xa: {  	s8 =	simm.s32 $0x200;
	[sflag:s5] =	ssyncset.done $0x0  }
0xb: {  	s9 =	simm.s32 $0x1;
	s7 =	sadd.s32 $0x7A5600, s10;
	[sflag:s5] =	ssyncadd.s32 $0xFFFFFE00  }
0xc: {  	[tilespmem:s8], [sflag:$0x1] =	stream.indirect.gather [hbm4b:s7+s4], $0x80, s2, s4, $0xb8;
	[tilespmem:$0x4200] =	vst v63  }
0xd: {  	s11 =	sshll.u32 s11, $0xD;
	_ =	swait.ge [sflag:s9], $0x4000  }
0xe: {  	s15 =	sadd.s32 s11, s10;
	[sflag:s9] =	ssyncset.done $0x0  }
0xf: {  	s10 =	sadd.s32 $0xC8400, s15;
	[sflag:s9] =	ssyncadd.s32 $0xFFFFC000  }
0x10: {  	[hbm4b:s10+s2] =	stream.linear.scatter [tilespmem:s8], [sflag:$0x2], $0x4000, $0x38;
	[tilespmem:$0x4200] =	vst v63  }
0x11: {  	_ =	swait.ge [sflag:s5], $0x4000  }
0x12: {  	[sflag:s5] =	ssyncset.done $0x0  }
0x13: {  	[sflag:s5] =	ssyncadd.s32 $0xFFFFC000  }
0x14: {  	[tilespmem:s8], [sflag:$0x1] =	stream.indirect.gather [hbm4b:s7+s4], $0x80, s4, s4, $0xb8;
	[tilespmem:$0x4200] =	vst v63  }
0x15: {  	_ =	swait.ge [sflag:s9], $0x4000  }
0x16: {  	[sflag:s9] =	ssyncset.done $0x0  }
0x17: {  	s11 =	sadd.s32 $0xC8C00, s15;
	[sflag:s9] =	ssyncadd.s32 $0xFFFFC000  }
0x18: {  	[hbm4b:s11+s2] =	stream.linear.scatter [tilespmem:s8], [sflag:$0x2], $0x4000, $0x38;
	[tilespmem:$0x4200] =	vst v63  }
0x19: {  	_ =	swait.ge [sflag:s5], $0x4000  }
0x1a: {  	[sflag:s5] =	ssyncset.done $0x0  }
0x1b: {  	s12 =	simm.s32 $0x100;
	[sflag:s5] =	ssyncadd.s32 $0xFFFFC000  }
0x1c: {  	[tilespmem:s8], [sflag:$0x1] =	stream.indirect.gather [hbm4b:s7+s4], $0x80, s12, s4, $0xb8;
	[tilespmem:$0x4200] =	vst v63  }
0x1d: {  	_ =	swait.ge [sflag:s9], $0x4000  }
0x1e: {  	[sflag:s9] =	ssyncset.done $0x0  }
0x1f: {  	s16 =	ssub.s32 $0x2, s14;
	s13 =	sadd.s32 $0xC9400, s15;
	[sflag:s9] =	ssyncadd.s32 $0xFFFFC000  }
0x20: {  	[hbm4b:s13+s2] =	stream.linear.scatter [tilespmem:s8], [sflag:$0x2], $0x4000, $0x38;
	[tilespmem:$0x4200] =	vst v63  }
0x21: {  	s17 =	sshrl.u32 s16, $0x1;
	_ =	swait.ge [sflag:s5], $0x4000  }
0x22: {  	s16 =	ssub.s32 s16, s17;
	[sflag:s5] =	ssyncset.done $0x0  }
0x23: {  	s14 =	simm.s32 $0x180;
	s16 =	smax.u32 s16, $0x1;
	[sflag:s5] =	ssyncadd.s32 $0xFFFFC000  }
0x24: {  	[tilespmem:s8], [sflag:$0x1] =	stream.indirect.gather [hbm4b:s7+s4], $0x80, s14, s4, $0xb8;
	[tilespmem:$0x4200] =	vst v63  }
0x25: {  	p0 =	sne.s32 s16, $0x1;
	_ =	swait.ge [sflag:s9], $0x4000  }
.Ltmp0:
0x26: {  	[sflag:s9] =	ssyncset.done $0x0;
	(pc) =	sbr.rel @!p0 .LBB2_2-.Ltmp0, $4  }
0x27: {  	s15 =	sadd.s32 $0xC9C00, s15;
	[sflag:s9] =	ssyncadd.s32 $0xFFFFC000  }
0x28: {  	[hbm4b:s15+s2] =	stream.linear.scatter [tilespmem:s8], [sflag:$0x2], $0x4000, $0x38;
	[tilespmem:$0x4200] =	vst v63  }
0x29: {  	_ =	swait.ge [sflag:s5], $0x4000  }
0x2a: {  	s16 =	sadd.s32 $0xFFFFFFFF, s16;
	[sflag:s5] =	ssyncset.done $0x0  }
.LBB2_1:
0x2b: {  	p0 =	sne.s32 s16, $0x1;
	s16 =	sadd.s32 $0xFFFFFFFF, s16;
	[sflag:s5] =	ssyncadd.s32 $0xFFFFC000  }
0x2c: {  	[tilespmem:s2], [sflag:$0x2] =	stream.strided.gather [hbm4b:s3+s4], $0x200, s6, s4, $0x38;
	[tilespmem:$0x4200] =	vst v63  }
0x2d: {  	_ =	swait.ge [sflag:s5], $0x200  }
0x2e: {  	[sflag:s5] =	ssyncset.done $0x0  }
0x2f: {  	[sflag:s5] =	ssyncadd.s32 $0xFFFFFE00  }
0x30: {  	[tilespmem:s8], [sflag:$0x1] =	stream.indirect.gather [hbm4b:s7+s4], $0x80, s2, s4, $0xb8;
	[tilespmem:$0x4200] =	vst v63  }
0x31: {  	_ =	swait.ge [sflag:s9], $0x4000  }
0x32: {  	[sflag:s9] =	ssyncset.done $0x0  }
0x33: {  	[sflag:s9] =	ssyncadd.s32 $0xFFFFC000  }
0x34: {  	[hbm4b:s10+s2] =	stream.linear.scatter [tilespmem:s8], [sflag:$0x2], $0x4000, $0x38;
	[tilespmem:$0x4200] =	vst v63  }
0x35: {  	_ =	swait.ge [sflag:s5], $0x4000  }
0x36: {  	[sflag:s5] =	ssyncset.done $0x0  }
0x37: {  	[sflag:s5] =	ssyncadd.s32 $0xFFFFC000  }
0x38: {  	[tilespmem:s8], [sflag:$0x1] =	stream.indirect.gather [hbm4b:s7+s4], $0x80, s4, s4, $0xb8;
	[tilespmem:$0x4200] =	vst v63  }
0x39: {  	_ =	swait.ge [sflag:s9], $0x4000  }
0x3a: {  	[sflag:s9] =	ssyncset.done $0x0  }
0x3b: {  	[sflag:s9] =	ssyncadd.s32 $0xFFFFC000  }
0x3c: {  	[hbm4b:s11+s2] =	stream.linear.scatter [tilespmem:s8], [sflag:$0x2], $0x4000, $0x38;
	[tilespmem:$0x4200] =	vst v63  }
0x3d: {  	_ =	swait.ge [sflag:s5], $0x4000  }
0x3e: {  	[sflag:s5] =	ssyncset.done $0x0  }
0x3f: {  	[sflag:s5] =	ssyncadd.s32 $0xFFFFC000  }
0x40: {  	[tilespmem:s8], [sflag:$0x1] =	stream.indirect.gather [hbm4b:s7+s4], $0x80, s12, s4, $0xb8;
	[tilespmem:$0x4200] =	vst v63  }
0x41: {  	_ =	swait.ge [sflag:s9], $0x4000  }
0x42: {  	[sflag:s9] =	ssyncset.done $0x0  }
0x43: {  	[sflag:s9] =	ssyncadd.s32 $0xFFFFC000  }
0x44: {  	[hbm4b:s13+s2] =	stream.linear.scatter [tilespmem:s8], [sflag:$0x2], $0x4000, $0x38;
	[tilespmem:$0x4200] =	vst v63  }
0x45: {  	_ =	swait.ge [sflag:s5], $0x4000  }
0x46: {  	[sflag:s5] =	ssyncset.done $0x0  }
0x47: {  	[sflag:s5] =	ssyncadd.s32 $0xFFFFC000  }
0x48: {  	[tilespmem:s8], [sflag:$0x1] =	stream.indirect.gather [hbm4b:s7+s4], $0x80, s14, s4, $0xb8;
	[tilespmem:$0x4200] =	vst v63  }
0x49: {  	_ =	swait.ge [sflag:s9], $0x4000  }
.Ltmp1:
0x4a: {  	[sflag:s9] =	ssyncset.done $0x0;
	(pc) =	sbr.rel @p0 .LBB2_1-.Ltmp1, $4  }
0x4b: {  	[sflag:s9] =	ssyncadd.s32 $0xFFFFC000  }
0x4c: {  	[hbm4b:s15+s2] =	stream.linear.scatter [tilespmem:s8], [sflag:$0x2], $0x4000, $0x38;
	[tilespmem:$0x4200] =	vst v63  }
0x4d: {  	_ =	swait.ge [sflag:s5], $0x4000  }
0x4e: {  	[sflag:s5] =	ssyncset.done $0x0  }
.LBB2_2:
0x4f: {  	[sflag:s5] =	ssyncadd.s32 $0xFFFFC000  }
0x50: {  	_ =	sfence.sel $0x180000  }
0x51: {  	[bflag:$0x0] =	sbarrier.arrive $0xFFFF  }
0x52: {  	p0 =	sne.s32 s0, $0x0;
	_ =	strace $0x90000050  }
0x53: {  	s0 =	sadd.s32 @!p0 $0x100000, s1;
	[bflag:$0x2] =	sbarrier.arrive $0xFFFF  }
0x54: {  	[sflag:s0] =	ssyncadd.tile.s32 @!p0 $0x1;
	_ =	shalt  }
.Lfunc_end2:
_tile_overlayer_lowered:
.L_overlay_start_2:
0x55: {  	(tag) =	ssettag $0x2  }
0x56: {  	s0 =	rddreg [dreg:$0x0];
	s2 =	stileid.u32  }
0x57: {  	s1 =	rddreg [dreg:$0x1];
	p0 =	sne.s32 s2, $0x0  }
0x58: {  	s3 =	rddreg [dreg:$0x2];
	[bflag:$0x3] =	sbarrier.arrive $0xFFFF;
	s2 =	simm.s32 @!p0 $0x1C02  }
0x59: {  	[timem:s3], [sflag:s2] =	dma.local @!p0 [hbm:s0], s1  }
0x5a: {  	s0 =	simm.s32 @!p0 $0x2  }
0x5b: {  	_ =	swait.ge @!p0 [sflag:s0], s1  }
0x5c: {  	s1 =	ssub.s32 @!p0 $0x0, s1;
	[sflag:s0] =	ssyncset.done @!p0 $0x0  }
0x5d: {  	[sflag:s0] =	ssyncadd.s32 @!p0 s1  }
0x5e: {  	[bflag:$0x3] =	sbarrier.arrive $0xFFFF  }
0x5f: {  	_ =	shalt  }

// kernel: kernel.33.cloned.1.call-start
scs
__scs_entry_jumppad:
0x0: {  	(pc) =	sbr.rel $0x88, $3  }
0x1: {  	(tag) =	ssettag $0x0;
	lr =	simm.s32 $0x1  }
0x2: {  	[smem:$0x3F89] =	sst lr;
	_ =	strace $0xD0000000  }
0x3: {  	_ = 	snop  }
0x4: {  	_ = 	snop  }
0x5: {  	_ = 	snop  }
0x6: {  	_ = 	snop  }
0x7: {  	_ = 	snop  }
__scs_overlays_trampoline_lowered:
0x8: {  	[smem:$0x3F98] =	sst s0  }
0x9: {  	[smem:$0x3F99] =	sst s1  }
0xa: {  	[smem:$0x3F9A] =	sst s2  }
0xb: {  	[smem:$0x3F9B] =	sst s3  }
0xc: {  	[smem:$0x3F9C] =	sst s4  }
0xd: {  	[smem:$0x3F9D] =	sst s5  }
0xe: {  	[smem:$0x3F9E] =	sst s6  }
0xf: {  	[smem:$0x3F9F] =	sst s7  }
0x10: {  	[smem:$0x3FA0] =	sst s8  }
0x11: {  	[smem:$0x3FA1] =	sst s9;
	s0 =	simm.s32 @!p0 $0x0  }
0x12: {  	s1 =	sld [smem:$0x3F87];
	s0 =	simm.s32 @p0 $0x1  }
0x13: {  	[smem:$0x3FA2] =	sst s0;
	s0 =	simm.s32 @!p1 $0x0  }
0x14: {  	s2 =	sld [smem:$0x3F86];
	s0 =	simm.s32 @p1 $0x1  }
0x15: {  	[smem:$0x3FA3] =	sst s0;
	s0 =	simm.s32 @!p2 $0x0  }
0x16: {  	s3 =	sld [smem:$0x3FDB];
	s0 =	simm.s32 @p2 $0x1  }
0x17: {  	s4 =	simm.s32 $0x1BF5;
	[smem:$0x3FA5] =	sst s0  }
0x18: {  	s0 =	sld [smem:$0x3F88];
	_ =	swait.ge [sflag:s4], $0x0  }
0x19: {  	s7 =	sld [smem:$0x3F89]  }
0x1a: {  	s8 =	sadd.s32 $0xFFFFE003, lr  }
0x1b: {  	s9 =	sadd.s32 $0xFFFFFEF7, lr;
	s5 =	simm.s32 $0xFFFFFFFF;
	p2 =	slt.u32 s8, $0xFFFFF086  }
0x1c: {  	p1 =	slt.u32 s9, $0xF7A;
	s5 =	simm.s32 @!p2 $0x0  }
0x1d: {  	s5 =	simm.s32 @p1 $0x1;
	p0 =	seq.s32 s7, s2  }
0x1e: {  	s7 =	smul.u32 @!p0 $0xF7A, s2;
	p2 =	seq.s32 @!p0 s5, $0x0  }
0x1f: {  	s9 =	smul.u32 $0xF7A, s1;
	s8 =	simm.s32 @!p0 $0x1BF5;
	p2 =	por !p2, p0  }
0x20: {  	[sflag:s8] =	ssyncset.s32 @!p0 $0xFFFFF086;
	s6 =	sadd.s32 @!p0 s3, s7;
	s7 =	simm.s32 @!p0 $0x108  }
0x21: {  	s3 =	sadd.s32 s3, s9;
	s6 =	sadd.s32 @!p0 $0x88, s6;
	s7 =	simm.s32 @p2 $0x1082  }
0x22: {  	[simem:s7], [sflag:s8] =	dma.local @!p0 [hbm:s6], $0xF7A  }
0x23: {  	s9 =	sor.u32 $0xD0000000, s2;
	s6 =	simm.s32 $0x108;
	_ =	swait.ge @!p0 [sflag:s8], $0x0  }
0x24: {  	s3 =	sadd.s32 $0x88, s3;
	s6 =	simm.s32 @!p1 $0x1082;
	[sflag:s4] =	ssyncset.s32 $0xFFFFF086  }
0x25: {  	[simem:s6], [sflag:s4] =	dma.local [hbm:s3], $0xF7A  }
0x26: {  	[smem:$0x3F89] =	sst s1;
	(tag) =	ssettag s2;
	_ =	strace s9  }
0x27: {  	s1 =	sld [smem:$0x3F99]  }
0x28: {  	s2 =	sld [smem:$0x3F9A]  }
0x29: {  	s4 =	sld [smem:$0x3F9C]  }
0x2a: {  	p0 =	seq.s32 s5, $0x0;
	s5 =	sld [smem:$0x3F9D]  }
0x2b: {  	s6 =	sld [smem:$0x3F9E]  }
0x2c: {  	s7 =	sld [smem:$0x3F9F]  }
0x2d: {  	s3 =	simm.s32 $0x108;
	s8 =	sld [smem:$0x3FA0]  }
0x2e: {  	s3 =	simm.s32 @!p0 $0x1082;
	s9 =	sld [smem:$0x3FA1]  }
0x2f: {  	lr =	sadd.s32 s0, s3;
	s0 =	sld [smem:$0x3F98]  }
0x30: {  	s3 =	sld [smem:$0x3F9B]  }
0x31: {  	[smem:$0x3FA4] =	sst s10  }
0x32: {  	s10 =	sld [smem:$0x3FA2];
	_ =	sdelay $0x3  }
0x33: {  	p0 =	seq.s32 s10, $0x1;
	s10 =	sld [smem:$0x3FA4];
	_ =	sdelay $0x3  }
0x34: {  	[smem:$0x3FA4] =	sst s10  }
0x35: {  	s10 =	sld [smem:$0x3FA3];
	_ =	sdelay $0x3  }
0x36: {  	p1 =	seq.s32 s10, $0x1;
	s10 =	sld [smem:$0x3FA4];
	_ =	sdelay $0x3  }
0x37: {  	[smem:$0x3FA4] =	sst s10  }
0x38: {  	s10 =	sld [smem:$0x3FA5]  }
0x39: {  	_ = 	snop;
	(pc) =	sbr.ind lr, $3  }
0x3a: {  	_ = 	snop  }
0x3b: {  	_ = 	snop  }
0x3c: {  	p2 =	seq.s32 s10, $0x1;
	s10 =	sld [smem:$0x3FA4]  }
0x3d: {  	_ =	shalt  }
0x3e: {  	_ =	shalt  }
0x3f: {  	_ =	shalt  }
0x40: {  	_ =	shalt  }
0x41: {  	_ =	shalt  }
0x42: {  	_ =	shalt  }
0x43: {  	_ =	shalt  }
0x44: {  	_ =	shalt  }
0x45: {  	_ =	shalt  }
0x46: {  	_ =	shalt  }
0x47: {  	_ =	shalt  }
0x48: {  	_ =	shalt  }
0x49: {  	_ =	shalt  }
0x4a: {  	_ =	shalt  }
0x4b: {  	_ =	shalt  }
0x4c: {  	_ =	shalt  }
0x4d: {  	_ =	shalt  }
0x4e: {  	_ =	shalt  }
0x4f: {  	_ =	shalt  }
0x50: {  	_ =	shalt  }
0x51: {  	_ =	shalt  }
0x52: {  	_ =	shalt  }
0x53: {  	_ =	shalt  }
0x54: {  	_ =	shalt  }
0x55: {  	_ =	shalt  }
0x56: {  	_ =	shalt  }
0x57: {  	_ =	shalt  }
0x58: {  	_ =	shalt  }
0x59: {  	_ =	shalt  }
0x5a: {  	_ =	shalt  }
0x5b: {  	_ =	shalt  }
0x5c: {  	_ =	shalt  }
0x5d: {  	_ =	shalt  }
0x5e: {  	_ =	shalt  }
0x5f: {  	_ =	shalt  }
0x60: {  	_ =	shalt  }
0x61: {  	_ =	shalt  }
0x62: {  	_ =	shalt  }
0x63: {  	_ =	shalt  }
0x64: {  	_ =	shalt  }
0x65: {  	_ =	shalt  }
0x66: {  	_ =	shalt  }
0x67: {  	_ =	shalt  }
0x68: {  	_ =	shalt  }
0x69: {  	_ =	shalt  }
0x6a: {  	_ =	shalt  }
0x6b: {  	_ =	shalt  }
0x6c: {  	_ =	shalt  }
0x6d: {  	_ =	shalt  }
0x6e: {  	_ =	shalt  }
0x6f: {  	_ =	shalt  }
0x70: {  	_ =	shalt  }
0x71: {  	_ =	shalt  }
0x72: {  	_ =	shalt  }
0x73: {  	_ =	shalt  }
0x74: {  	_ =	shalt  }
0x75: {  	_ =	shalt  }
0x76: {  	_ =	shalt  }
0x77: {  	_ =	shalt  }
0x78: {  	_ =	shalt  }
0x79: {  	_ =	shalt  }
0x7a: {  	_ =	shalt  }
0x7b: {  	_ =	shalt  }
0x7c: {  	_ =	shalt  }
0x7d: {  	_ =	shalt  }
0x7e: {  	_ =	shalt  }
0x7f: {  	_ =	shalt  }
0x80: {  	_ =	shalt  }
0x81: {  	_ =	shalt  }
0x82: {  	_ =	shalt  }
0x83: {  	_ =	shalt  }
0x84: {  	_ =	shalt  }
0x85: {  	_ =	shalt  }
0x86: {  	_ =	shalt  }
0x87: {  	_ =	shalt  }
.Lfunc_end0:
.L_simem_size_0:
called_computation.4_lowered:
.L_overlay_start_0:
0x88: {  	s2 =	sld [smem:$0x3FD9]  }
0x89: {  	s3 =	sld [smem:$0x3FFE];
	_ =	sdelay $0x1  }
0x8a: {  	s1 =	srdreg.scid  }
0x8b: {  	s0 =	sand.u32 $0x1, s1  }
0x8c: {  	s17 =	sshll.u32 s0, $0xA;
	s2 =	sadd.s32 s3, s2  }
0x8d: {  	s2 =	sadd.s32 s2, s17  }
0x8e: {  	[smem:$0x3FB0] =	sst s2  }
0x8f: {  	_ = 	snop  }
0x90: {  	(tm) =	ssettm $0x1  }
0x91: {  	s18 =	sld [smem:$0x3FFB];
	_ =	sdelay $0x3  }
0x92: {  	_ =	strace s18  }
0x93: {  	s2 =	sld [smem:$0x3FFC];
	_ =	sdelay $0x3  }
0x94: {  	_ =	strace s2  }
0x95: {  	s2 =	sld [smem:$0x3FFD];
	_ =	sdelay $0x3  }
0x96: {  	_ =	strace s2  }
0x97: {  	_ =	strace $0x8FFFFFFF  }
0x98: {  	s19 =	sld [smem:$0x3FDB];
	_ =	sdelay $0x1  }
0x99: {  	s20 =	simm.s32 $_scs_section_size  }
0x9a: {  	s4 =	simm.s32 $_size__tile_overlayer_lowered;
	s5 =	simm.s32 $_tile_overlayer_lowered  }
0x9b: {  	s6 =	simm.s32 $0x1BFF;
	s21 =	sshll.u32 s5, $0x1;
	s3 =	sadd.s32 s20, s19  }
0x9c: {  	s22 =	simm.s32 $0x0;
	s4 =	sshll.u32 s4, $0x1;
	s5 =	sadd.s32 s21, s3  }
0x9d: {  	[timem:s22], [sflag:s6] =	dma.local [hbm:s5], s4  }
0x9e: {  	_ =	swait.ge [sflag:s6], s4  }
0x9f: {  	s4 =	ssub.s32 $0x0, s4;
	[sflag:s6] =	ssyncset.done $0x0  }
0xa0: {  	[sflag:s6] =	ssyncadd.s32 s4;
	_ =	sdelay $0x1  }
0xa1: {  	s23 =	simm.s32 $0x1B8B  }
0xa2: {  	_ =	swait.ge [sflag:s23], $0x1  }
0xa3: {  	[sflag:s23] =	ssyncset.done $0x0  }
0xa4: {  	[sflag:s23] =	ssyncadd.s32 $0xFFFFFFFF  }
0xa5: {  	s4 =	sld [smem:$0x0]  }
0xa6: {  	s5 =	sand.u32 $0xFFFFFFFE, s1  }
0xa7: {  	p0 =	sne.s32 s1, s5  }
0xa8: {  	s5 =	sshll.u32 @p0 s5, $0xE  }
0xa9: {  	s5 =	sadd.s32 @p0 $0x11B8D, s5;
	s6 =	sshll.u32 @p0 s4, $0x11  }
0xaa: {  	s5 =	sor.u32 @p0 s6, s5  }
0xab: {  	[sflag:s5] =	ssyncadd.remote.s32 @p0 $0x1;
	_ =	sdelay $0x1  }
0xac: {  	s5 =	simm.s32 @p0 $0x1B8D  }
0xad: {  	_ =	swait.eq @p0 [sflag:s5], $0x1  }
0xae: {  	[sflag:s5] =	ssyncadd.s32 @p0 $0xFFFFFFFF  }
0xaf: {  	s6 =	sshll.u32 @!p0 s1, $0xE  }
0xb0: {  	s6 =	sor.u32 @!p0 $0x4000, s6;
	s5 =	simm.s32 @!p0 $0x1B8D  }
0xb1: {  	s4 =	sshll.u32 @!p0 s4, $0x11;
	s6 =	sadd.s32 @!p0 $0x11B8D, s6;
	_ =	swait.eq @!p0 [sflag:s5], $0x1  }
0xb2: {  	s4 =	sor.u32 @!p0 s4, s6;
	[sflag:s5] =	ssyncadd.s32 @!p0 $0xFFFFFFFF  }
0xb3: {  	s25 =	simm.s32 $0x1B8E;
	s24 =	sld [smem:$0x3FFE];
	[sflag:s4] =	ssyncadd.remote.s32 @!p0 $0x1  }
0xb4: {  	s26 =	simm.s32 $execute0_lowered;
	[smem:$0x3FD2] =	sst s25  }
0xb5: {  	s5 =	sshll.u32 s26, $0x1;
	_ =	strace $0x80000052;
	[dreg:$0x1] =	wrdreg $0xFFFFFFFF  }
0xb6: {  	s28 =	simm.s32 $_size_execute0_lowered;
	s3 =	sadd.s32 s3, s5;
	[dreg:$0x0] =	wrdreg $0x0  }
0xb7: {  	s5 =	sshll.u32 s28, $0x1;
	[dreg:$0x2] =	wrdreg s3  }
0xb8: {  	[dreg:$0x3] =	wrdreg s5  }
0xb9: {  	[dreg:$0x4] =	wrdreg $0xC0  }
0xba: {  	_ =	task [dreg:s22], $0x5FFFF  }
0xbb: {  	[dreg:$0x1] =	wrdreg $0xFFFFFFFF  }
0xbc: {  	[dreg:$0x0] =	wrdreg $0x60  }
0xbd: {  	[dreg:$0x2] =	wrdreg s24  }
0xbe: {  	[dreg:$0x3] =	wrdreg $0xD  }
0xbf: {  	_ =	task.clear_ibuf [dreg:s22], $0x4FFFF;
	_ =	strace $0x90000052  }
0xc0: {  	s29 =	simm.s32 $0xD;
	_ =	strace $0x80000054  }
0xc1: {  	_ =	swait.ge [sflag:s29], $0x1  }
0xc2: {  	[sflag:s29] =	ssyncadd.s32 $0xFFFFFFFF  }
0xc3: {  	_ =	strace $0x90000054  }
0xc4: {  	_ =	sfence  }
0xc5: {  	s30 =	sld [smem:$0x0];
	_ =	sdelay $0x2  }
0xc6: {  	s31 =	sshll.u32 s1, $0xD;
	s1 =	sshrl.u32 s1, $0x2  }
0xc7: {  	s4 =	sand.u32 $0x4000, s31;
	s1 =	sadd.s32 s1, s30  }
0xc8: {  	s0 =	sor.u32 s4, s0;
	s1 =	sshll.u32 s1, $0x11  }
0xc9: {  	s0 =	sor.u32 s1, s0  }
0xca: {  	s0 =	sadd.s32 $0x8F2B, s0  }
0xcb: {  	[sflag:s0] =	ssyncadd.remote.s32 $0x1  }
0xcc: {  	_ =	sfence.sel $0xFFFF  }
0xcd: {  	[dreg:$0x0] =	wrdreg $0xFFFFFFFF;
	(pc) =	sbr.abs _section_cstart, $3  }
0xce: {  	[dreg:$0x1] =	wrdreg $0xFFFFFFFF  }
0xcf: {  	_ =	task.clear_ibuf [dreg:s22], $0x2FFFF;
	_ =	strace $0x9FFFFFFF  }
0xd0: {  	(tm) =	ssettm $0x7FFFFFFF  }
0xd1: {  	_ =	shalt  }
tec
execute0_lowered:
.L_overlay_start_1:
0x0: {  	(tag) =	ssettag $0x1  }
0x1: {  	s0 =	stileid.u32;
	s1 =	srdreg.scid  }
0x2: {  	s10 =	rddreg [dreg:$0x0];
	s14 =	sand.u32 $0x1, s1;
	s31 =	sshll.u32 s0, $0x1  }
0x3: {  	s6 =	simm.s32 $0x400;
	s2 =	sshll.u32 s0, $0x7;
	s11 =	sor.u32 s14, s31  }
0x4: {  	s1 =	rddreg [dreg:$0x1];
	s3 =	sand.u32 $0x600, s2;
	s4 =	sshll.u32 s11, $0x4  }
0x5: {  	s2 =	simm.s32 $0x0;
	s3 =	sadd.s32 s3, s10;
	s4 =	sand.u32 $0x70, s4  }
0x6: {  	s5 =	simm.s32 $0x2;
	[smem:$0x7FF] =	sst s2;
	s3 =	sadd.s32 s4, s3  }
0x7: {  	_ =	strace $0x80000053;
	s4 =	simm.s32 $0x80;
	s3 =	sadd.s32 $0x45C00, s3  }
0x8: {  	[tilespmem:s2], [sflag:$0x2] =	stream.strided.gather [hbm4b:s3+s4], $0x200, s6, s4, $0x38;
	[tilespmem:$0x4200] =	vst v63  }
0x9: {  	_ =	swait.ge [sflag:s5], $0x200  }
0xa: {  	s8 =	simm.s32 $0x200;
	[sflag:s5] =	ssyncset.done $0x0  }
0xb: {  	s9 =	simm.s32 $0x1;
	s7 =	sadd.s32 $0x92C000, s10;
	[sflag:s5] =	ssyncadd.s32 $0xFFFFFE00  }
0xc: {  	[tilespmem:s8], [sflag:$0x1] =	stream.indirect.gather [hbm4b:s7+s4], $0x80, s2, s4, $0xb8;
	[tilespmem:$0x4200] =	vst v63  }
0xd: {  	s11 =	sshll.u32 s11, $0xD;
	_ =	swait.ge [sflag:s9], $0x4000  }
0xe: {  	s15 =	sadd.s32 s11, s10;
	[sflag:s9] =	ssyncset.done $0x0  }
0xf: {  	s10 =	sadd.s32 $0x108400, s15;
	[sflag:s9] =	ssyncadd.s32 $0xFFFFC000  }
0x10: {  	[hbm4b:s10+s2] =	stream.linear.scatter [tilespmem:s8], [sflag:$0x2], $0x4000, $0x38;
	[tilespmem:$0x4200] =	vst v63  }
0x11: {  	_ =	swait.ge [sflag:s5], $0x4000  }
0x12: {  	[sflag:s5] =	ssyncset.done $0x0  }
0x13: {  	[sflag:s5] =	ssyncadd.s32 $0xFFFFC000  }
0x14: {  	[tilespmem:s8], [sflag:$0x1] =	stream.indirect.gather [hbm4b:s7+s4], $0x80, s4, s4, $0xb8;
	[tilespmem:$0x4200] =	vst v63  }
0x15: {  	_ =	swait.ge [sflag:s9], $0x4000  }
0x16: {  	[sflag:s9] =	ssyncset.done $0x0  }
0x17: {  	s11 =	sadd.s32 $0x108C00, s15;
	[sflag:s9] =	ssyncadd.s32 $0xFFFFC000  }
0x18: {  	[hbm4b:s11+s2] =	stream.linear.scatter [tilespmem:s8], [sflag:$0x2], $0x4000, $0x38;
	[tilespmem:$0x4200] =	vst v63  }
0x19: {  	_ =	swait.ge [sflag:s5], $0x4000  }
0x1a: {  	[sflag:s5] =	ssyncset.done $0x0  }
0x1b: {  	s12 =	simm.s32 $0x100;
	[sflag:s5] =	ssyncadd.s32 $0xFFFFC000  }
0x1c: {  	[tilespmem:s8], [sflag:$0x1] =	stream.indirect.gather [hbm4b:s7+s4], $0x80, s12, s4, $0xb8;
	[tilespmem:$0x4200] =	vst v63  }
0x1d: {  	_ =	swait.ge [sflag:s9], $0x4000  }
0x1e: {  	[sflag:s9] =	ssyncset.done $0x0  }
0x1f: {  	s16 =	ssub.s32 $0x2, s14;
	s13 =	sadd.s32 $0x109400, s15;
	[sflag:s9] =	ssyncadd.s32 $0xFFFFC000  }
0x20: {  	[hbm4b:s13+s2] =	stream.linear.scatter [tilespmem:s8], [sflag:$0x2], $0x4000, $0x38;
	[tilespmem:$0x4200] =	vst v63  }
0x21: {  	s17 =	sshrl.u32 s16, $0x1;
	_ =	swait.ge [sflag:s5], $0x4000  }
0x22: {  	s16 =	ssub.s32 s16, s17;
	[sflag:s5] =	ssyncset.done $0x0  }
0x23: {  	s14 =	simm.s32 $0x180;
	s16 =	smax.u32 s16, $0x1;
	[sflag:s5] =	ssyncadd.s32 $0xFFFFC000  }
0x24: {  	[tilespmem:s8], [sflag:$0x1] =	stream.indirect.gather [hbm4b:s7+s4], $0x80, s14, s4, $0xb8;
	[tilespmem:$0x4200] =	vst v63  }
0x25: {  	p0 =	sne.s32 s16, $0x1;
	_ =	swait.ge [sflag:s9], $0x4000  }
.Ltmp0:
0x26: {  	[sflag:s9] =	ssyncset.done $0x0;
	(pc) =	sbr.rel @!p0 .LBB2_2-.Ltmp0, $4  }
0x27: {  	s15 =	sadd.s32 $0x109C00, s15;
	[sflag:s9] =	ssyncadd.s32 $0xFFFFC000  }
0x28: {  	[hbm4b:s15+s2] =	stream.linear.scatter [tilespmem:s8], [sflag:$0x2], $0x4000, $0x38;
	[tilespmem:$0x4200] =	vst v63  }
0x29: {  	_ =	swait.ge [sflag:s5], $0x4000  }
0x2a: {  	s16 =	sadd.s32 $0xFFFFFFFF, s16;
	[sflag:s5] =	ssyncset.done $0x0  }
.LBB2_1:
0x2b: {  	p0 =	sne.s32 s16, $0x1;
	s16 =	sadd.s32 $0xFFFFFFFF, s16;
	[sflag:s5] =	ssyncadd.s32 $0xFFFFC000  }
0x2c: {  	[tilespmem:s2], [sflag:$0x2] =	stream.strided.gather [hbm4b:s3+s4], $0x200, s6, s4, $0x38;
	[tilespmem:$0x4200] =	vst v63  }
0x2d: {  	_ =	swait.ge [sflag:s5], $0x200  }
0x2e: {  	[sflag:s5] =	ssyncset.done $0x0  }
0x2f: {  	[sflag:s5] =	ssyncadd.s32 $0xFFFFFE00  }
0x30: {  	[tilespmem:s8], [sflag:$0x1] =	stream.indirect.gather [hbm4b:s7+s4], $0x80, s2, s4, $0xb8;
	[tilespmem:$0x4200] =	vst v63  }
0x31: {  	_ =	swait.ge [sflag:s9], $0x4000  }
0x32: {  	[sflag:s9] =	ssyncset.done $0x0  }
0x33: {  	[sflag:s9] =	ssyncadd.s32 $0xFFFFC000  }
0x34: {  	[hbm4b:s10+s2] =	stream.linear.scatter [tilespmem:s8], [sflag:$0x2], $0x4000, $0x38;
	[tilespmem:$0x4200] =	vst v63  }
0x35: {  	_ =	swait.ge [sflag:s5], $0x4000  }
0x36: {  	[sflag:s5] =	ssyncset.done $0x0  }
0x37: {  	[sflag:s5] =	ssyncadd.s32 $0xFFFFC000  }
0x38: {  	[tilespmem:s8], [sflag:$0x1] =	stream.indirect.gather [hbm4b:s7+s4], $0x80, s4, s4, $0xb8;
	[tilespmem:$0x4200] =	vst v63  }
0x39: {  	_ =	swait.ge [sflag:s9], $0x4000  }
0x3a: {  	[sflag:s9] =	ssyncset.done $0x0  }
0x3b: {  	[sflag:s9] =	ssyncadd.s32 $0xFFFFC000  }
0x3c: {  	[hbm4b:s11+s2] =	stream.linear.scatter [tilespmem:s8], [sflag:$0x2], $0x4000, $0x38;
	[tilespmem:$0x4200] =	vst v63  }
0x3d: {  	_ =	swait.ge [sflag:s5], $0x4000  }
0x3e: {  	[sflag:s5] =	ssyncset.done $0x0  }
0x3f: {  	[sflag:s5] =	ssyncadd.s32 $0xFFFFC000  }
0x40: {  	[tilespmem:s8], [sflag:$0x1] =	stream.indirect.gather [hbm4b:s7+s4], $0x80, s12, s4, $0xb8;
	[tilespmem:$0x4200] =	vst v63  }
0x41: {  	_ =	swait.ge [sflag:s9], $0x4000  }
0x42: {  	[sflag:s9] =	ssyncset.done $0x0  }
0x43: {  	[sflag:s9] =	ssyncadd.s32 $0xFFFFC000  }
0x44: {  	[hbm4b:s13+s2] =	stream.linear.scatter [tilespmem:s8], [sflag:$0x2], $0x4000, $0x38;
	[tilespmem:$0x4200] =	vst v63  }
0x45: {  	_ =	swait.ge [sflag:s5], $0x4000  }
0x46: {  	[sflag:s5] =	ssyncset.done $0x0  }
0x47: {  	[sflag:s5] =	ssyncadd.s32 $0xFFFFC000  }
0x48: {  	[tilespmem:s8], [sflag:$0x1] =	stream.indirect.gather [hbm4b:s7+s4], $0x80, s14, s4, $0xb8;
	[tilespmem:$0x4200] =	vst v63  }
0x49: {  	_ =	swait.ge [sflag:s9], $0x4000  }
.Ltmp1:
0x4a: {  	[sflag:s9] =	ssyncset.done $0x0;
	(pc) =	sbr.rel @p0 .LBB2_1-.Ltmp1, $4  }
0x4b: {  	[sflag:s9] =	ssyncadd.s32 $0xFFFFC000  }
0x4c: {  	[hbm4b:s15+s2] =	stream.linear.scatter [tilespmem:s8], [sflag:$0x2], $0x4000, $0x38;
	[tilespmem:$0x4200] =	vst v63  }
0x4d: {  	_ =	swait.ge [sflag:s5], $0x4000  }
0x4e: {  	[sflag:s5] =	ssyncset.done $0x0  }
.LBB2_2:
0x4f: {  	[sflag:s5] =	ssyncadd.s32 $0xFFFFC000  }
0x50: {  	_ =	sfence.sel $0x180000  }
0x51: {  	[bflag:$0x0] =	sbarrier.arrive $0xFFFF  }
0x52: {  	p0 =	sne.s32 s0, $0x0;
	_ =	strace $0x90000053  }
0x53: {  	s0 =	sadd.s32 @!p0 $0x100000, s1;
	[bflag:$0x2] =	sbarrier.arrive $0xFFFF  }
0x54: {  	[sflag:s0] =	ssyncadd.tile.s32 @!p0 $0x1;
	_ =	shalt  }
.Lfunc_end2:
_tile_overlayer_lowered:
.L_overlay_start_2:
0x55: {  	(tag) =	ssettag $0x2  }
0x56: {  	s0 =	rddreg [dreg:$0x0];
	s2 =	stileid.u32  }
0x57: {  	s1 =	rddreg [dreg:$0x1];
	p0 =	sne.s32 s2, $0x0  }
0x58: {  	s3 =	rddreg [dreg:$0x2];
	[bflag:$0x3] =	sbarrier.arrive $0xFFFF;
	s2 =	simm.s32 @!p0 $0x1C02  }
0x59: {  	[timem:s3], [sflag:s2] =	dma.local @!p0 [hbm:s0], s1  }
0x5a: {  	s0 =	simm.s32 @!p0 $0x2  }
0x5b: {  	_ =	swait.ge @!p0 [sflag:s0], s1  }
0x5c: {  	s1 =	ssub.s32 @!p0 $0x0, s1;
	[sflag:s0] =	ssyncset.done @!p0 $0x0  }
0x5d: {  	[sflag:s0] =	ssyncadd.s32 @!p0 s1  }
0x5e: {  	[bflag:$0x3] =	sbarrier.arrive $0xFFFF  }
0x5f: {  	_ =	shalt  }

// kernel: kernel.36.cloned.1.call-start
scs
__scs_entry_jumppad:
0x0: {  	(pc) =	sbr.rel $0x88, $3  }
0x1: {  	(tag) =	ssettag $0x0;
	lr =	simm.s32 $0x1  }
0x2: {  	[smem:$0x3F89] =	sst lr;
	_ =	strace $0xD0000000  }
0x3: {  	_ = 	snop  }
0x4: {  	_ = 	snop  }
0x5: {  	_ = 	snop  }
0x6: {  	_ = 	snop  }
0x7: {  	_ = 	snop  }
__scs_overlays_trampoline_lowered:
0x8: {  	[smem:$0x3F98] =	sst s0  }
0x9: {  	[smem:$0x3F99] =	sst s1  }
0xa: {  	[smem:$0x3F9A] =	sst s2  }
0xb: {  	[smem:$0x3F9B] =	sst s3  }
0xc: {  	[smem:$0x3F9C] =	sst s4  }
0xd: {  	[smem:$0x3F9D] =	sst s5  }
0xe: {  	[smem:$0x3F9E] =	sst s6  }
0xf: {  	[smem:$0x3F9F] =	sst s7  }
0x10: {  	[smem:$0x3FA0] =	sst s8  }
0x11: {  	[smem:$0x3FA1] =	sst s9;
	s0 =	simm.s32 @!p0 $0x0  }
0x12: {  	s1 =	sld [smem:$0x3F87];
	s0 =	simm.s32 @p0 $0x1  }
0x13: {  	[smem:$0x3FA2] =	sst s0;
	s0 =	simm.s32 @!p1 $0x0  }
0x14: {  	s2 =	sld [smem:$0x3F86];
	s0 =	simm.s32 @p1 $0x1  }
0x15: {  	[smem:$0x3FA3] =	sst s0;
	s0 =	simm.s32 @!p2 $0x0  }
0x16: {  	s3 =	sld [smem:$0x3FDB];
	s0 =	simm.s32 @p2 $0x1  }
0x17: {  	s4 =	simm.s32 $0x1BF5;
	[smem:$0x3FA5] =	sst s0  }
0x18: {  	s0 =	sld [smem:$0x3F88];
	_ =	swait.ge [sflag:s4], $0x0  }
0x19: {  	s7 =	sld [smem:$0x3F89]  }
0x1a: {  	s8 =	sadd.s32 $0xFFFFE003, lr  }
0x1b: {  	s9 =	sadd.s32 $0xFFFFFEF7, lr;
	s5 =	simm.s32 $0xFFFFFFFF;
	p2 =	slt.u32 s8, $0xFFFFF086  }
0x1c: {  	p1 =	slt.u32 s9, $0xF7A;
	s5 =	simm.s32 @!p2 $0x0  }
0x1d: {  	s5 =	simm.s32 @p1 $0x1;
	p0 =	seq.s32 s7, s2  }
0x1e: {  	s7 =	smul.u32 @!p0 $0xF7A, s2;
	p2 =	seq.s32 @!p0 s5, $0x0  }
0x1f: {  	s9 =	smul.u32 $0xF7A, s1;
	s8 =	simm.s32 @!p0 $0x1BF5;
	p2 =	por !p2, p0  }
0x20: {  	[sflag:s8] =	ssyncset.s32 @!p0 $0xFFFFF086;
	s6 =	sadd.s32 @!p0 s3, s7;
	s7 =	simm.s32 @!p0 $0x108  }
0x21: {  	s3 =	sadd.s32 s3, s9;
	s6 =	sadd.s32 @!p0 $0x88, s6;
	s7 =	simm.s32 @p2 $0x1082  }
0x22: {  	[simem:s7], [sflag:s8] =	dma.local @!p0 [hbm:s6], $0xF7A  }
0x23: {  	s9 =	sor.u32 $0xD0000000, s2;
	s6 =	simm.s32 $0x108;
	_ =	swait.ge @!p0 [sflag:s8], $0x0  }
0x24: {  	s3 =	sadd.s32 $0x88, s3;
	s6 =	simm.s32 @!p1 $0x1082;
	[sflag:s4] =	ssyncset.s32 $0xFFFFF086  }
0x25: {  	[simem:s6], [sflag:s4] =	dma.local [hbm:s3], $0xF7A  }
0x26: {  	[smem:$0x3F89] =	sst s1;
	(tag) =	ssettag s2;
	_ =	strace s9  }
0x27: {  	s1 =	sld [smem:$0x3F99]  }
0x28: {  	s2 =	sld [smem:$0x3F9A]  }
0x29: {  	s4 =	sld [smem:$0x3F9C]  }
0x2a: {  	p0 =	seq.s32 s5, $0x0;
	s5 =	sld [smem:$0x3F9D]  }
0x2b: {  	s6 =	sld [smem:$0x3F9E]  }
0x2c: {  	s7 =	sld [smem:$0x3F9F]  }
0x2d: {  	s3 =	simm.s32 $0x108;
	s8 =	sld [smem:$0x3FA0]  }
0x2e: {  	s3 =	simm.s32 @!p0 $0x1082;
	s9 =	sld [smem:$0x3FA1]  }
0x2f: {  	lr =	sadd.s32 s0, s3;
	s0 =	sld [smem:$0x3F98]  }
0x30: {  	s3 =	sld [smem:$0x3F9B]  }
0x31: {  	[smem:$0x3FA4] =	sst s10  }
0x32: {  	s10 =	sld [smem:$0x3FA2];
	_ =	sdelay $0x3  }
0x33: {  	p0 =	seq.s32 s10, $0x1;
	s10 =	sld [smem:$0x3FA4];
	_ =	sdelay $0x3  }
0x34: {  	[smem:$0x3FA4] =	sst s10  }
0x35: {  	s10 =	sld [smem:$0x3FA3];
	_ =	sdelay $0x3  }
0x36: {  	p1 =	seq.s32 s10, $0x1;
	s10 =	sld [smem:$0x3FA4];
	_ =	sdelay $0x3  }
0x37: {  	[smem:$0x3FA4] =	sst s10  }
0x38: {  	s10 =	sld [smem:$0x3FA5]  }
0x39: {  	_ = 	snop;
	(pc) =	sbr.ind lr, $3  }
0x3a: {  	_ = 	snop  }
0x3b: {  	_ = 	snop  }
0x3c: {  	p2 =	seq.s32 s10, $0x1;
	s10 =	sld [smem:$0x3FA4]  }
0x3d: {  	_ =	shalt  }
0x3e: {  	_ =	shalt  }
0x3f: {  	_ =	shalt  }
0x40: {  	_ =	shalt  }
0x41: {  	_ =	shalt  }
0x42: {  	_ =	shalt  }
0x43: {  	_ =	shalt  }
0x44: {  	_ =	shalt  }
0x45: {  	_ =	shalt  }
0x46: {  	_ =	shalt  }
0x47: {  	_ =	shalt  }
0x48: {  	_ =	shalt  }
0x49: {  	_ =	shalt  }
0x4a: {  	_ =	shalt  }
0x4b: {  	_ =	shalt  }
0x4c: {  	_ =	shalt  }
0x4d: {  	_ =	shalt  }
0x4e: {  	_ =	shalt  }
0x4f: {  	_ =	shalt  }
0x50: {  	_ =	shalt  }
0x51: {  	_ =	shalt  }
0x52: {  	_ =	shalt  }
0x53: {  	_ =	shalt  }
0x54: {  	_ =	shalt  }
0x55: {  	_ =	shalt  }
0x56: {  	_ =	shalt  }
0x57: {  	_ =	shalt  }
0x58: {  	_ =	shalt  }
0x59: {  	_ =	shalt  }
0x5a: {  	_ =	shalt  }
0x5b: {  	_ =	shalt  }
0x5c: {  	_ =	shalt  }
0x5d: {  	_ =	shalt  }
0x5e: {  	_ =	shalt  }
0x5f: {  	_ =	shalt  }
0x60: {  	_ =	shalt  }
0x61: {  	_ =	shalt  }
0x62: {  	_ =	shalt  }
0x63: {  	_ =	shalt  }
0x64: {  	_ =	shalt  }
0x65: {  	_ =	shalt  }
0x66: {  	_ =	shalt  }
0x67: {  	_ =	shalt  }
0x68: {  	_ =	shalt  }
0x69: {  	_ =	shalt  }
0x6a: {  	_ =	shalt  }
0x6b: {  	_ =	shalt  }
0x6c: {  	_ =	shalt  }
0x6d: {  	_ =	shalt  }
0x6e: {  	_ =	shalt  }
0x6f: {  	_ =	shalt  }
0x70: {  	_ =	shalt  }
0x71: {  	_ =	shalt  }
0x72: {  	_ =	shalt  }
0x73: {  	_ =	shalt  }
0x74: {  	_ =	shalt  }
0x75: {  	_ =	shalt  }
0x76: {  	_ =	shalt  }
0x77: {  	_ =	shalt  }
0x78: {  	_ =	shalt  }
0x79: {  	_ =	shalt  }
0x7a: {  	_ =	shalt  }
0x7b: {  	_ =	shalt  }
0x7c: {  	_ =	shalt  }
0x7d: {  	_ =	shalt  }
0x7e: {  	_ =	shalt  }
0x7f: {  	_ =	shalt  }
0x80: {  	_ =	shalt  }
0x81: {  	_ =	shalt  }
0x82: {  	_ =	shalt  }
0x83: {  	_ =	shalt  }
0x84: {  	_ =	shalt  }
0x85: {  	_ =	shalt  }
0x86: {  	_ =	shalt  }
0x87: {  	_ =	shalt  }
.Lfunc_end0:
.L_simem_size_0:
called_computation.5_lowered:
.L_overlay_start_0:
0x88: {  	s2 =	sld [smem:$0x3FD9]  }
0x89: {  	s3 =	sld [smem:$0x3FFE];
	_ =	sdelay $0x1  }
0x8a: {  	s1 =	srdreg.scid  }
0x8b: {  	s0 =	sand.u32 $0x1, s1  }
0x8c: {  	s17 =	sshll.u32 s0, $0xA;
	s2 =	sadd.s32 s3, s2  }
0x8d: {  	s2 =	sadd.s32 s2, s17  }
0x8e: {  	[smem:$0x3FB0] =	sst s2  }
0x8f: {  	_ = 	snop  }
0x90: {  	(tm) =	ssettm $0x1  }
0x91: {  	s18 =	sld [smem:$0x3FFB];
	_ =	sdelay $0x3  }
0x92: {  	_ =	strace s18  }
0x93: {  	s2 =	sld [smem:$0x3FFC];
	_ =	sdelay $0x3  }
0x94: {  	_ =	strace s2  }
0x95: {  	s2 =	sld [smem:$0x3FFD];
	_ =	sdelay $0x3  }
0x96: {  	_ =	strace s2  }
0x97: {  	_ =	strace $0x8FFFFFFF  }
0x98: {  	s19 =	sld [smem:$0x3FDB];
	_ =	sdelay $0x1  }
0x99: {  	s20 =	simm.s32 $_scs_section_size  }
0x9a: {  	s4 =	simm.s32 $_size__tile_overlayer_lowered;
	s5 =	simm.s32 $_tile_overlayer_lowered  }
0x9b: {  	s6 =	simm.s32 $0x1BFF;
	s21 =	sshll.u32 s5, $0x1;
	s3 =	sadd.s32 s20, s19  }
0x9c: {  	s22 =	simm.s32 $0x0;
	s4 =	sshll.u32 s4, $0x1;
	s5 =	sadd.s32 s21, s3  }
0x9d: {  	[timem:s22], [sflag:s6] =	dma.local [hbm:s5], s4  }
0x9e: {  	_ =	swait.ge [sflag:s6], s4  }
0x9f: {  	s4 =	ssub.s32 $0x0, s4;
	[sflag:s6] =	ssyncset.done $0x0  }
0xa0: {  	[sflag:s6] =	ssyncadd.s32 s4;
	_ =	sdelay $0x1  }
0xa1: {  	s23 =	simm.s32 $0x1B8B  }
0xa2: {  	_ =	swait.ge [sflag:s23], $0x1  }
0xa3: {  	[sflag:s23] =	ssyncset.done $0x0  }
0xa4: {  	[sflag:s23] =	ssyncadd.s32 $0xFFFFFFFF  }
0xa5: {  	s4 =	sld [smem:$0x0]  }
0xa6: {  	s5 =	sand.u32 $0xFFFFFFFE, s1  }
0xa7: {  	p0 =	sne.s32 s1, s5  }
0xa8: {  	s5 =	sshll.u32 @p0 s5, $0xE  }
0xa9: {  	s5 =	sadd.s32 @p0 $0x11B8D, s5;
	s6 =	sshll.u32 @p0 s4, $0x11  }
0xaa: {  	s5 =	sor.u32 @p0 s6, s5  }
0xab: {  	[sflag:s5] =	ssyncadd.remote.s32 @p0 $0x1;
	_ =	sdelay $0x1  }
0xac: {  	s5 =	simm.s32 @p0 $0x1B8D  }
0xad: {  	_ =	swait.eq @p0 [sflag:s5], $0x1  }
0xae: {  	[sflag:s5] =	ssyncadd.s32 @p0 $0xFFFFFFFF  }
0xaf: {  	s6 =	sshll.u32 @!p0 s1, $0xE  }
0xb0: {  	s6 =	sor.u32 @!p0 $0x4000, s6;
	s5 =	simm.s32 @!p0 $0x1B8D  }
0xb1: {  	s4 =	sshll.u32 @!p0 s4, $0x11;
	s6 =	sadd.s32 @!p0 $0x11B8D, s6;
	_ =	swait.eq @!p0 [sflag:s5], $0x1  }
0xb2: {  	s4 =	sor.u32 @!p0 s4, s6;
	[sflag:s5] =	ssyncadd.s32 @!p0 $0xFFFFFFFF  }
0xb3: {  	s25 =	simm.s32 $0x1B8E;
	s24 =	sld [smem:$0x3FFE];
	[sflag:s4] =	ssyncadd.remote.s32 @!p0 $0x1  }
0xb4: {  	s26 =	simm.s32 $execute0_lowered;
	[smem:$0x3FD2] =	sst s25  }
0xb5: {  	s5 =	sshll.u32 s26, $0x1;
	_ =	strace $0x80000055;
	[dreg:$0x1] =	wrdreg $0xFFFFFFFF  }
0xb6: {  	s28 =	simm.s32 $_size_execute0_lowered;
	s3 =	sadd.s32 s3, s5;
	[dreg:$0x0] =	wrdreg $0x0  }
0xb7: {  	s5 =	sshll.u32 s28, $0x1;
	[dreg:$0x2] =	wrdreg s3  }
0xb8: {  	[dreg:$0x3] =	wrdreg s5  }
0xb9: {  	[dreg:$0x4] =	wrdreg $0xC0  }
0xba: {  	_ =	task [dreg:s22], $0x5FFFF  }
0xbb: {  	[dreg:$0x1] =	wrdreg $0xFFFFFFFF  }
0xbc: {  	[dreg:$0x0] =	wrdreg $0x60  }
0xbd: {  	[dreg:$0x2] =	wrdreg s24  }
0xbe: {  	[dreg:$0x3] =	wrdreg $0xE  }
0xbf: {  	_ =	task.clear_ibuf [dreg:s22], $0x4FFFF;
	_ =	strace $0x90000055  }
0xc0: {  	s29 =	simm.s32 $0xE;
	_ =	strace $0x80000057  }
0xc1: {  	_ =	swait.ge [sflag:s29], $0x1  }
0xc2: {  	[sflag:s29] =	ssyncadd.s32 $0xFFFFFFFF  }
0xc3: {  	_ =	strace $0x90000057  }
0xc4: {  	_ =	sfence  }
0xc5: {  	s30 =	sld [smem:$0x0];
	_ =	sdelay $0x2  }
0xc6: {  	s31 =	sshll.u32 s1, $0xD;
	s1 =	sshrl.u32 s1, $0x2  }
0xc7: {  	s4 =	sand.u32 $0x4000, s31;
	s1 =	sadd.s32 s1, s30  }
0xc8: {  	s0 =	sor.u32 s4, s0;
	s1 =	sshll.u32 s1, $0x11  }
0xc9: {  	s0 =	sor.u32 s1, s0  }
0xca: {  	s0 =	sadd.s32 $0x8F2B, s0  }
0xcb: {  	[sflag:s0] =	ssyncadd.remote.s32 $0x1  }
0xcc: {  	_ =	sfence.sel $0xFFFF  }
0xcd: {  	[dreg:$0x0] =	wrdreg $0xFFFFFFFF;
	(pc) =	sbr.abs _section_cstart, $3  }
0xce: {  	[dreg:$0x1] =	wrdreg $0xFFFFFFFF  }
0xcf: {  	_ =	task.clear_ibuf [dreg:s22], $0x2FFFF;
	_ =	strace $0x9FFFFFFF  }
0xd0: {  	(tm) =	ssettm $0x7FFFFFFF  }
0xd1: {  	_ =	shalt  }
tec
execute0_lowered:
.L_overlay_start_1:
0x0: {  	(tag) =	ssettag $0x1  }
0x1: {  	s0 =	stileid.u32;
	s1 =	srdreg.scid  }
0x2: {  	s10 =	rddreg [dreg:$0x0];
	s14 =	sand.u32 $0x1, s1;
	s31 =	sshll.u32 s0, $0x1  }
0x3: {  	s6 =	simm.s32 $0x400;
	s2 =	sshll.u32 s0, $0x7;
	s11 =	sor.u32 s14, s31  }
0x4: {  	s1 =	rddreg [dreg:$0x1];
	s3 =	sand.u32 $0x600, s2;
	s4 =	sshll.u32 s11, $0x4  }
0x5: {  	s2 =	simm.s32 $0x0;
	s3 =	sadd.s32 s3, s10;
	s4 =	sand.u32 $0x70, s4  }
0x6: {  	s5 =	simm.s32 $0x2;
	[smem:$0x7FF] =	sst s2;
	s3 =	sadd.s32 s4, s3  }
0x7: {  	_ =	strace $0x80000056;
	s4 =	simm.s32 $0x80;
	s3 =	sadd.s32 $0x46400, s3  }
0x8: {  	[tilespmem:s2], [sflag:$0x2] =	stream.strided.gather [hbm4b:s3+s4], $0x200, s6, s4, $0x38;
	[tilespmem:$0x4200] =	vst v63  }
0x9: {  	_ =	swait.ge [sflag:s5], $0x200  }
0xa: {  	s8 =	simm.s32 $0x200;
	[sflag:s5] =	ssyncset.done $0x0  }
0xb: {  	s9 =	simm.s32 $0x1;
	s7 =	sadd.s32 $0xAB2A00, s10;
	[sflag:s5] =	ssyncadd.s32 $0xFFFFFE00  }
0xc: {  	[tilespmem:s8], [sflag:$0x1] =	stream.indirect.gather [hbm4b:s7+s4], $0x80, s2, s4, $0xb8;
	[tilespmem:$0x4200] =	vst v63  }
0xd: {  	s11 =	sshll.u32 s11, $0xD;
	_ =	swait.ge [sflag:s9], $0x4000  }
0xe: {  	s15 =	sadd.s32 s11, s10;
	[sflag:s9] =	ssyncset.done $0x0  }
0xf: {  	s10 =	sadd.s32 $0x148400, s15;
	[sflag:s9] =	ssyncadd.s32 $0xFFFFC000  }
0x10: {  	[hbm4b:s10+s2] =	stream.linear.scatter [tilespmem:s8], [sflag:$0x2], $0x4000, $0x38;
	[tilespmem:$0x4200] =	vst v63  }
0x11: {  	_ =	swait.ge [sflag:s5], $0x4000  }
0x12: {  	[sflag:s5] =	ssyncset.done $0x0  }
0x13: {  	[sflag:s5] =	ssyncadd.s32 $0xFFFFC000  }
0x14: {  	[tilespmem:s8], [sflag:$0x1] =	stream.indirect.gather [hbm4b:s7+s4], $0x80, s4, s4, $0xb8;
	[tilespmem:$0x4200] =	vst v63  }
0x15: {  	_ =	swait.ge [sflag:s9], $0x4000  }
0x16: {  	[sflag:s9] =	ssyncset.done $0x0  }
0x17: {  	s11 =	sadd.s32 $0x148C00, s15;
	[sflag:s9] =	ssyncadd.s32 $0xFFFFC000  }
0x18: {  	[hbm4b:s11+s2] =	stream.linear.scatter [tilespmem:s8], [sflag:$0x2], $0x4000, $0x38;
	[tilespmem:$0x4200] =	vst v63  }
0x19: {  	_ =	swait.ge [sflag:s5], $0x4000  }
0x1a: {  	[sflag:s5] =	ssyncset.done $0x0  }
0x1b: {  	s12 =	simm.s32 $0x100;
	[sflag:s5] =	ssyncadd.s32 $0xFFFFC000  }
0x1c: {  	[tilespmem:s8], [sflag:$0x1] =	stream.indirect.gather [hbm4b:s7+s4], $0x80, s12, s4, $0xb8;
	[tilespmem:$0x4200] =	vst v63  }
0x1d: {  	_ =	swait.ge [sflag:s9], $0x4000  }
0x1e: {  	[sflag:s9] =	ssyncset.done $0x0  }
0x1f: {  	s16 =	ssub.s32 $0x2, s14;
	s13 =	sadd.s32 $0x149400, s15;
	[sflag:s9] =	ssyncadd.s32 $0xFFFFC000  }
0x20: {  	[hbm4b:s13+s2] =	stream.linear.scatter [tilespmem:s8], [sflag:$0x2], $0x4000, $0x38;
	[tilespmem:$0x4200] =	vst v63  }
0x21: {  	s17 =	sshrl.u32 s16, $0x1;
	_ =	swait.ge [sflag:s5], $0x4000  }
0x22: {  	s16 =	ssub.s32 s16, s17;
	[sflag:s5] =	ssyncset.done $0x0  }
0x23: {  	s14 =	simm.s32 $0x180;
	s16 =	smax.u32 s16, $0x1;
	[sflag:s5] =	ssyncadd.s32 $0xFFFFC000  }
0x24: {  	[tilespmem:s8], [sflag:$0x1] =	stream.indirect.gather [hbm4b:s7+s4], $0x80, s14, s4, $0xb8;
	[tilespmem:$0x4200] =	vst v63  }
0x25: {  	p0 =	sne.s32 s16, $0x1;
	_ =	swait.ge [sflag:s9], $0x4000  }
.Ltmp0:
0x26: {  	[sflag:s9] =	ssyncset.done $0x0;
	(pc) =	sbr.rel @!p0 .LBB2_2-.Ltmp0, $4  }
0x27: {  	s15 =	sadd.s32 $0x149C00, s15;
	[sflag:s9] =	ssyncadd.s32 $0xFFFFC000  }
0x28: {  	[hbm4b:s15+s2] =	stream.linear.scatter [tilespmem:s8], [sflag:$0x2], $0x4000, $0x38;
	[tilespmem:$0x4200] =	vst v63  }
0x29: {  	_ =	swait.ge [sflag:s5], $0x4000  }
0x2a: {  	s16 =	sadd.s32 $0xFFFFFFFF, s16;
	[sflag:s5] =	ssyncset.done $0x0  }
.LBB2_1:
0x2b: {  	p0 =	sne.s32 s16, $0x1;
	s16 =	sadd.s32 $0xFFFFFFFF, s16;
	[sflag:s5] =	ssyncadd.s32 $0xFFFFC000  }
0x2c: {  	[tilespmem:s2], [sflag:$0x2] =	stream.strided.gather [hbm4b:s3+s4], $0x200, s6, s4, $0x38;
	[tilespmem:$0x4200] =	vst v63  }
0x2d: {  	_ =	swait.ge [sflag:s5], $0x200  }
0x2e: {  	[sflag:s5] =	ssyncset.done $0x0  }
0x2f: {  	[sflag:s5] =	ssyncadd.s32 $0xFFFFFE00  }
0x30: {  	[tilespmem:s8], [sflag:$0x1] =	stream.indirect.gather [hbm4b:s7+s4], $0x80, s2, s4, $0xb8;
	[tilespmem:$0x4200] =	vst v63  }
0x31: {  	_ =	swait.ge [sflag:s9], $0x4000  }
0x32: {  	[sflag:s9] =	ssyncset.done $0x0  }
0x33: {  	[sflag:s9] =	ssyncadd.s32 $0xFFFFC000  }
0x34: {  	[hbm4b:s10+s2] =	stream.linear.scatter [tilespmem:s8], [sflag:$0x2], $0x4000, $0x38;
	[tilespmem:$0x4200] =	vst v63  }
0x35: {  	_ =	swait.ge [sflag:s5], $0x4000  }
0x36: {  	[sflag:s5] =	ssyncset.done $0x0  }
0x37: {  	[sflag:s5] =	ssyncadd.s32 $0xFFFFC000  }
0x38: {  	[tilespmem:s8], [sflag:$0x1] =	stream.indirect.gather [hbm4b:s7+s4], $0x80, s4, s4, $0xb8;
	[tilespmem:$0x4200] =	vst v63  }
0x39: {  	_ =	swait.ge [sflag:s9], $0x4000  }
0x3a: {  	[sflag:s9] =	ssyncset.done $0x0  }
0x3b: {  	[sflag:s9] =	ssyncadd.s32 $0xFFFFC000  }
0x3c: {  	[hbm4b:s11+s2] =	stream.linear.scatter [tilespmem:s8], [sflag:$0x2], $0x4000, $0x38;
	[tilespmem:$0x4200] =	vst v63  }
0x3d: {  	_ =	swait.ge [sflag:s5], $0x4000  }
0x3e: {  	[sflag:s5] =	ssyncset.done $0x0  }
0x3f: {  	[sflag:s5] =	ssyncadd.s32 $0xFFFFC000  }
0x40: {  	[tilespmem:s8], [sflag:$0x1] =	stream.indirect.gather [hbm4b:s7+s4], $0x80, s12, s4, $0xb8;
	[tilespmem:$0x4200] =	vst v63  }
0x41: {  	_ =	swait.ge [sflag:s9], $0x4000  }
0x42: {  	[sflag:s9] =	ssyncset.done $0x0  }
0x43: {  	[sflag:s9] =	ssyncadd.s32 $0xFFFFC000  }
0x44: {  	[hbm4b:s13+s2] =	stream.linear.scatter [tilespmem:s8], [sflag:$0x2], $0x4000, $0x38;
	[tilespmem:$0x4200] =	vst v63  }
0x45: {  	_ =	swait.ge [sflag:s5], $0x4000  }
0x46: {  	[sflag:s5] =	ssyncset.done $0x0  }
0x47: {  	[sflag:s5] =	ssyncadd.s32 $0xFFFFC000  }
0x48: {  	[tilespmem:s8], [sflag:$0x1] =	stream.indirect.gather [hbm4b:s7+s4], $0x80, s14, s4, $0xb8;
	[tilespmem:$0x4200] =	vst v63  }
0x49: {  	_ =	swait.ge [sflag:s9], $0x4000  }
.Ltmp1:
0x4a: {  	[sflag:s9] =	ssyncset.done $0x0;
	(pc) =	sbr.rel @p0 .LBB2_1-.Ltmp1, $4  }
0x4b: {  	[sflag:s9] =	ssyncadd.s32 $0xFFFFC000  }
0x4c: {  	[hbm4b:s15+s2] =	stream.linear.scatter [tilespmem:s8], [sflag:$0x2], $0x4000, $0x38;
	[tilespmem:$0x4200] =	vst v63  }
0x4d: {  	_ =	swait.ge [sflag:s5], $0x4000  }
0x4e: {  	[sflag:s5] =	ssyncset.done $0x0  }
.LBB2_2:
0x4f: {  	[sflag:s5] =	ssyncadd.s32 $0xFFFFC000  }
0x50: {  	_ =	sfence.sel $0x180000  }
0x51: {  	[bflag:$0x0] =	sbarrier.arrive $0xFFFF  }
0x52: {  	p0 =	sne.s32 s0, $0x0;
	_ =	strace $0x90000056  }
0x53: {  	s0 =	sadd.s32 @!p0 $0x100000, s1;
	[bflag:$0x2] =	sbarrier.arrive $0xFFFF  }
0x54: {  	[sflag:s0] =	ssyncadd.tile.s32 @!p0 $0x1;
	_ =	shalt  }
.Lfunc_end2:
_tile_overlayer_lowered:
.L_overlay_start_2:
0x55: {  	(tag) =	ssettag $0x2  }
0x56: {  	s0 =	rddreg [dreg:$0x0];
	s2 =	stileid.u32  }
0x57: {  	s1 =	rddreg [dreg:$0x1];
	p0 =	sne.s32 s2, $0x0  }
0x58: {  	s3 =	rddreg [dreg:$0x2];
	[bflag:$0x3] =	sbarrier.arrive $0xFFFF;
	s2 =	simm.s32 @!p0 $0x1C02  }
0x59: {  	[timem:s3], [sflag:s2] =	dma.local @!p0 [hbm:s0], s1  }
0x5a: {  	s0 =	simm.s32 @!p0 $0x2  }
0x5b: {  	_ =	swait.ge @!p0 [sflag:s0], s1  }
0x5c: {  	s1 =	ssub.s32 @!p0 $0x0, s1;
	[sflag:s0] =	ssyncset.done @!p0 $0x0  }
0x5d: {  	[sflag:s0] =	ssyncadd.s32 @!p0 s1  }
0x5e: {  	[bflag:$0x3] =	sbarrier.arrive $0xFFFF  }
0x5f: {  	_ =	shalt  }

// kernel: kernel.39.cloned.1.call-start
scs
__scs_entry_jumppad:
0x0: {  	(pc) =	sbr.rel $0x88, $3  }
0x1: {  	(tag) =	ssettag $0x0;
	lr =	simm.s32 $0x1  }
0x2: {  	[smem:$0x3F89] =	sst lr;
	_ =	strace $0xD0000000  }
0x3: {  	_ = 	snop  }
0x4: {  	_ = 	snop  }
0x5: {  	_ = 	snop  }
0x6: {  	_ = 	snop  }
0x7: {  	_ = 	snop  }
__scs_overlays_trampoline_lowered:
0x8: {  	[smem:$0x3F98] =	sst s0  }
0x9: {  	[smem:$0x3F99] =	sst s1  }
0xa: {  	[smem:$0x3F9A] =	sst s2  }
0xb: {  	[smem:$0x3F9B] =	sst s3  }
0xc: {  	[smem:$0x3F9C] =	sst s4  }
0xd: {  	[smem:$0x3F9D] =	sst s5  }
0xe: {  	[smem:$0x3F9E] =	sst s6  }
0xf: {  	[smem:$0x3F9F] =	sst s7  }
0x10: {  	[smem:$0x3FA0] =	sst s8  }
0x11: {  	[smem:$0x3FA1] =	sst s9;
	s0 =	simm.s32 @!p0 $0x0  }
0x12: {  	s1 =	sld [smem:$0x3F87];
	s0 =	simm.s32 @p0 $0x1  }
0x13: {  	[smem:$0x3FA2] =	sst s0;
	s0 =	simm.s32 @!p1 $0x0  }
0x14: {  	s2 =	sld [smem:$0x3F86];
	s0 =	simm.s32 @p1 $0x1  }
0x15: {  	[smem:$0x3FA3] =	sst s0;
	s0 =	simm.s32 @!p2 $0x0  }
0x16: {  	s3 =	sld [smem:$0x3FDB];
	s0 =	simm.s32 @p2 $0x1  }
0x17: {  	s4 =	simm.s32 $0x1BF5;
	[smem:$0x3FA5] =	sst s0  }
0x18: {  	s0 =	sld [smem:$0x3F88];
	_ =	swait.ge [sflag:s4], $0x0  }
0x19: {  	s7 =	sld [smem:$0x3F89]  }
0x1a: {  	s8 =	sadd.s32 $0xFFFFE003, lr  }
0x1b: {  	s9 =	sadd.s32 $0xFFFFFEF7, lr;
	s5 =	simm.s32 $0xFFFFFFFF;
	p2 =	slt.u32 s8, $0xFFFFF086  }
0x1c: {  	p1 =	slt.u32 s9, $0xF7A;
	s5 =	simm.s32 @!p2 $0x0  }
0x1d: {  	s5 =	simm.s32 @p1 $0x1;
	p0 =	seq.s32 s7, s2  }
0x1e: {  	s7 =	smul.u32 @!p0 $0xF7A, s2;
	p2 =	seq.s32 @!p0 s5, $0x0  }
0x1f: {  	s9 =	smul.u32 $0xF7A, s1;
	s8 =	simm.s32 @!p0 $0x1BF5;
	p2 =	por !p2, p0  }
0x20: {  	[sflag:s8] =	ssyncset.s32 @!p0 $0xFFFFF086;
	s6 =	sadd.s32 @!p0 s3, s7;
	s7 =	simm.s32 @!p0 $0x108  }
0x21: {  	s3 =	sadd.s32 s3, s9;
	s6 =	sadd.s32 @!p0 $0x88, s6;
	s7 =	simm.s32 @p2 $0x1082  }
0x22: {  	[simem:s7], [sflag:s8] =	dma.local @!p0 [hbm:s6], $0xF7A  }
0x23: {  	s9 =	sor.u32 $0xD0000000, s2;
	s6 =	simm.s32 $0x108;
	_ =	swait.ge @!p0 [sflag:s8], $0x0  }
0x24: {  	s3 =	sadd.s32 $0x88, s3;
	s6 =	simm.s32 @!p1 $0x1082;
	[sflag:s4] =	ssyncset.s32 $0xFFFFF086  }
0x25: {  	[simem:s6], [sflag:s4] =	dma.local [hbm:s3], $0xF7A  }
0x26: {  	[smem:$0x3F89] =	sst s1;
	(tag) =	ssettag s2;
	_ =	strace s9  }
0x27: {  	s1 =	sld [smem:$0x3F99]  }
0x28: {  	s2 =	sld [smem:$0x3F9A]  }
0x29: {  	s4 =	sld [smem:$0x3F9C]  }
0x2a: {  	p0 =	seq.s32 s5, $0x0;
	s5 =	sld [smem:$0x3F9D]  }
0x2b: {  	s6 =	sld [smem:$0x3F9E]  }
0x2c: {  	s7 =	sld [smem:$0x3F9F]  }
0x2d: {  	s3 =	simm.s32 $0x108;
	s8 =	sld [smem:$0x3FA0]  }
0x2e: {  	s3 =	simm.s32 @!p0 $0x1082;
	s9 =	sld [smem:$0x3FA1]  }
0x2f: {  	lr =	sadd.s32 s0, s3;
	s0 =	sld [smem:$0x3F98]  }
0x30: {  	s3 =	sld [smem:$0x3F9B]  }
0x31: {  	[smem:$0x3FA4] =	sst s10  }
0x32: {  	s10 =	sld [smem:$0x3FA2];
	_ =	sdelay $0x3  }
0x33: {  	p0 =	seq.s32 s10, $0x1;
	s10 =	sld [smem:$0x3FA4];
	_ =	sdelay $0x3  }
0x34: {  	[smem:$0x3FA4] =	sst s10  }
0x35: {  	s10 =	sld [smem:$0x3FA3];
	_ =	sdelay $0x3  }
0x36: {  	p1 =	seq.s32 s10, $0x1;
	s10 =	sld [smem:$0x3FA4];
	_ =	sdelay $0x3  }
0x37: {  	[smem:$0x3FA4] =	sst s10  }
0x38: {  	s10 =	sld [smem:$0x3FA5]  }
0x39: {  	_ = 	snop;
	(pc) =	sbr.ind lr, $3  }
0x3a: {  	_ = 	snop  }
0x3b: {  	_ = 	snop  }
0x3c: {  	p2 =	seq.s32 s10, $0x1;
	s10 =	sld [smem:$0x3FA4]  }
0x3d: {  	_ =	shalt  }
0x3e: {  	_ =	shalt  }
0x3f: {  	_ =	shalt  }
0x40: {  	_ =	shalt  }
0x41: {  	_ =	shalt  }
0x42: {  	_ =	shalt  }
0x43: {  	_ =	shalt  }
0x44: {  	_ =	shalt  }
0x45: {  	_ =	shalt  }
0x46: {  	_ =	shalt  }
0x47: {  	_ =	shalt  }
0x48: {  	_ =	shalt  }
0x49: {  	_ =	shalt  }
0x4a: {  	_ =	shalt  }
0x4b: {  	_ =	shalt  }
0x4c: {  	_ =	shalt  }
0x4d: {  	_ =	shalt  }
0x4e: {  	_ =	shalt  }
0x4f: {  	_ =	shalt  }
0x50: {  	_ =	shalt  }
0x51: {  	_ =	shalt  }
0x52: {  	_ =	shalt  }
0x53: {  	_ =	shalt  }
0x54: {  	_ =	shalt  }
0x55: {  	_ =	shalt  }
0x56: {  	_ =	shalt  }
0x57: {  	_ =	shalt  }
0x58: {  	_ =	shalt  }
0x59: {  	_ =	shalt  }
0x5a: {  	_ =	shalt  }
0x5b: {  	_ =	shalt  }
0x5c: {  	_ =	shalt  }
0x5d: {  	_ =	shalt  }
0x5e: {  	_ =	shalt  }
0x5f: {  	_ =	shalt  }
0x60: {  	_ =	shalt  }
0x61: {  	_ =	shalt  }
0x62: {  	_ =	shalt  }
0x63: {  	_ =	shalt  }
0x64: {  	_ =	shalt  }
0x65: {  	_ =	shalt  }
0x66: {  	_ =	shalt  }
0x67: {  	_ =	shalt  }
0x68: {  	_ =	shalt  }
0x69: {  	_ =	shalt  }
0x6a: {  	_ =	shalt  }
0x6b: {  	_ =	shalt  }
0x6c: {  	_ =	shalt  }
0x6d: {  	_ =	shalt  }
0x6e: {  	_ =	shalt  }
0x6f: {  	_ =	shalt  }
0x70: {  	_ =	shalt  }
0x71: {  	_ =	shalt  }
0x72: {  	_ =	shalt  }
0x73: {  	_ =	shalt  }
0x74: {  	_ =	shalt  }
0x75: {  	_ =	shalt  }
0x76: {  	_ =	shalt  }
0x77: {  	_ =	shalt  }
0x78: {  	_ =	shalt  }
0x79: {  	_ =	shalt  }
0x7a: {  	_ =	shalt  }
0x7b: {  	_ =	shalt  }
0x7c: {  	_ =	shalt  }
0x7d: {  	_ =	shalt  }
0x7e: {  	_ =	shalt  }
0x7f: {  	_ =	shalt  }
0x80: {  	_ =	shalt  }
0x81: {  	_ =	shalt  }
0x82: {  	_ =	shalt  }
0x83: {  	_ =	shalt  }
0x84: {  	_ =	shalt  }
0x85: {  	_ =	shalt  }
0x86: {  	_ =	shalt  }
0x87: {  	_ =	shalt  }
.Lfunc_end0:
.L_simem_size_0:
called_computation.6_lowered:
.L_overlay_start_0:
0x88: {  	s2 =	sld [smem:$0x3FD9]  }
0x89: {  	s3 =	sld [smem:$0x3FFE];
	_ =	sdelay $0x1  }
0x8a: {  	s1 =	srdreg.scid  }
0x8b: {  	s0 =	sand.u32 $0x1, s1  }
0x8c: {  	s17 =	sshll.u32 s0, $0xA;
	s2 =	sadd.s32 s3, s2  }
0x8d: {  	s2 =	sadd.s32 s2, s17  }
0x8e: {  	[smem:$0x3FB0] =	sst s2  }
0x8f: {  	_ = 	snop  }
0x90: {  	(tm) =	ssettm $0x1  }
0x91: {  	s18 =	sld [smem:$0x3FFB];
	_ =	sdelay $0x3  }
0x92: {  	_ =	strace s18  }
0x93: {  	s2 =	sld [smem:$0x3FFC];
	_ =	sdelay $0x3  }
0x94: {  	_ =	strace s2  }
0x95: {  	s2 =	sld [smem:$0x3FFD];
	_ =	sdelay $0x3  }
0x96: {  	_ =	strace s2  }
0x97: {  	_ =	strace $0x8FFFFFFF  }
0x98: {  	s19 =	sld [smem:$0x3FDB];
	_ =	sdelay $0x1  }
0x99: {  	s20 =	simm.s32 $_scs_section_size  }
0x9a: {  	s4 =	simm.s32 $_size__tile_overlayer_lowered;
	s5 =	simm.s32 $_tile_overlayer_lowered  }
0x9b: {  	s6 =	simm.s32 $0x1BFF;
	s21 =	sshll.u32 s5, $0x1;
	s3 =	sadd.s32 s20, s19  }
0x9c: {  	s22 =	simm.s32 $0x0;
	s4 =	sshll.u32 s4, $0x1;
	s5 =	sadd.s32 s21, s3  }
0x9d: {  	[timem:s22], [sflag:s6] =	dma.local [hbm:s5], s4  }
0x9e: {  	_ =	swait.ge [sflag:s6], s4  }
0x9f: {  	s4 =	ssub.s32 $0x0, s4;
	[sflag:s6] =	ssyncset.done $0x0  }
0xa0: {  	[sflag:s6] =	ssyncadd.s32 s4;
	_ =	sdelay $0x1  }
0xa1: {  	s23 =	simm.s32 $0x1B8B  }
0xa2: {  	_ =	swait.ge [sflag:s23], $0x1  }
0xa3: {  	[sflag:s23] =	ssyncset.done $0x0  }
0xa4: {  	[sflag:s23] =	ssyncadd.s32 $0xFFFFFFFF  }
0xa5: {  	s4 =	sld [smem:$0x0]  }
0xa6: {  	s5 =	sand.u32 $0xFFFFFFFE, s1  }
0xa7: {  	p0 =	sne.s32 s1, s5  }
0xa8: {  	s5 =	sshll.u32 @p0 s5, $0xE  }
0xa9: {  	s5 =	sadd.s32 @p0 $0x11B8D, s5;
	s6 =	sshll.u32 @p0 s4, $0x11  }
0xaa: {  	s5 =	sor.u32 @p0 s6, s5  }
0xab: {  	[sflag:s5] =	ssyncadd.remote.s32 @p0 $0x1;
	_ =	sdelay $0x1  }
0xac: {  	s5 =	simm.s32 @p0 $0x1B8D  }
0xad: {  	_ =	swait.eq @p0 [sflag:s5], $0x1  }
0xae: {  	[sflag:s5] =	ssyncadd.s32 @p0 $0xFFFFFFFF  }
0xaf: {  	s6 =	sshll.u32 @!p0 s1, $0xE  }
0xb0: {  	s6 =	sor.u32 @!p0 $0x4000, s6;
	s5 =	simm.s32 @!p0 $0x1B8D  }
0xb1: {  	s4 =	sshll.u32 @!p0 s4, $0x11;
	s6 =	sadd.s32 @!p0 $0x11B8D, s6;
	_ =	swait.eq @!p0 [sflag:s5], $0x1  }
0xb2: {  	s4 =	sor.u32 @!p0 s4, s6;
	[sflag:s5] =	ssyncadd.s32 @!p0 $0xFFFFFFFF  }
0xb3: {  	s25 =	simm.s32 $0x1B8E;
	s24 =	sld [smem:$0x3FFE];
	[sflag:s4] =	ssyncadd.remote.s32 @!p0 $0x1  }
0xb4: {  	s26 =	simm.s32 $execute0_lowered;
	[smem:$0x3FD2] =	sst s25  }
0xb5: {  	s5 =	sshll.u32 s26, $0x1;
	_ =	strace $0x80000058;
	[dreg:$0x1] =	wrdreg $0xFFFFFFFF  }
0xb6: {  	s28 =	simm.s32 $_size_execute0_lowered;
	s3 =	sadd.s32 s3, s5;
	[dreg:$0x0] =	wrdreg $0x0  }
0xb7: {  	s5 =	sshll.u32 s28, $0x1;
	[dreg:$0x2] =	wrdreg s3  }
0xb8: {  	[dreg:$0x3] =	wrdreg s5  }
0xb9: {  	[dreg:$0x4] =	wrdreg $0xC0  }
0xba: {  	_ =	task [dreg:s22], $0x5FFFF  }
0xbb: {  	[dreg:$0x1] =	wrdreg $0xFFFFFFFF  }
0xbc: {  	[dreg:$0x0] =	wrdreg $0x60  }
0xbd: {  	[dreg:$0x2] =	wrdreg s24  }
0xbe: {  	[dreg:$0x3] =	wrdreg $0xF  }
0xbf: {  	_ =	task.clear_ibuf [dreg:s22], $0x4FFFF;
	_ =	strace $0x90000058  }
0xc0: {  	s29 =	simm.s32 $0xF;
	_ =	strace $0x8000005A  }
0xc1: {  	_ =	swait.ge [sflag:s29], $0x1  }
0xc2: {  	[sflag:s29] =	ssyncadd.s32 $0xFFFFFFFF  }
0xc3: {  	_ =	strace $0x9000005A  }
0xc4: {  	_ =	sfence  }
0xc5: {  	s30 =	sld [smem:$0x0];
	_ =	sdelay $0x2  }
0xc6: {  	s31 =	sshll.u32 s1, $0xD;
	s1 =	sshrl.u32 s1, $0x2  }
0xc7: {  	s4 =	sand.u32 $0x4000, s31;
	s1 =	sadd.s32 s1, s30  }
0xc8: {  	s0 =	sor.u32 s4, s0;
	s1 =	sshll.u32 s1, $0x11  }
0xc9: {  	s0 =	sor.u32 s1, s0  }
0xca: {  	s0 =	sadd.s32 $0x8F2B, s0  }
0xcb: {  	[sflag:s0] =	ssyncadd.remote.s32 $0x1  }
0xcc: {  	_ =	sfence.sel $0xFFFF  }
0xcd: {  	[dreg:$0x0] =	wrdreg $0xFFFFFFFF;
	(pc) =	sbr.abs _section_cstart, $3  }
0xce: {  	[dreg:$0x1] =	wrdreg $0xFFFFFFFF  }
0xcf: {  	_ =	task.clear_ibuf [dreg:s22], $0x2FFFF;
	_ =	strace $0x9FFFFFFF  }
0xd0: {  	(tm) =	ssettm $0x7FFFFFFF  }
0xd1: {  	_ =	shalt  }
tec
execute0_lowered:
.L_overlay_start_1:
0x0: {  	(tag) =	ssettag $0x1  }
0x1: {  	s0 =	stileid.u32;
	s1 =	srdreg.scid  }
0x2: {  	s10 =	rddreg [dreg:$0x0];
	s14 =	sand.u32 $0x1, s1;
	s31 =	sshll.u32 s0, $0x1  }
0x3: {  	s6 =	simm.s32 $0x400;
	s2 =	sshll.u32 s0, $0x7;
	s11 =	sor.u32 s14, s31  }
0x4: {  	s1 =	rddreg [dreg:$0x1];
	s3 =	sand.u32 $0x600, s2;
	s4 =	sshll.u32 s11, $0x4  }
0x5: {  	s2 =	simm.s32 $0x0;
	s3 =	sadd.s32 s3, s10;
	s4 =	sand.u32 $0x70, s4  }
0x6: {  	s5 =	simm.s32 $0x2;
	[smem:$0x7FF] =	sst s2;
	s3 =	sadd.s32 s4, s3  }
0x7: {  	_ =	strace $0x80000059;
	s4 =	simm.s32 $0x80;
	s3 =	sadd.s32 $0x46C00, s3  }
0x8: {  	[tilespmem:s2], [sflag:$0x2] =	stream.strided.gather [hbm4b:s3+s4], $0x200, s6, s4, $0x38;
	[tilespmem:$0x4200] =	vst v63  }
0x9: {  	_ =	swait.ge [sflag:s5], $0x200  }
0xa: {  	s8 =	simm.s32 $0x200;
	[sflag:s5] =	ssyncset.done $0x0  }
0xb: {  	s9 =	simm.s32 $0x1;
	s7 =	sadd.s32 $0xC39400, s10;
	[sflag:s5] =	ssyncadd.s32 $0xFFFFFE00  }
0xc: {  	[tilespmem:s8], [sflag:$0x1] =	stream.indirect.gather [hbm4b:s7+s4], $0x80, s2, s4, $0xb8;
	[tilespmem:$0x4200] =	vst v63  }
0xd: {  	s11 =	sshll.u32 s11, $0xD;
	_ =	swait.ge [sflag:s9], $0x4000  }
0xe: {  	s15 =	sadd.s32 s11, s10;
	[sflag:s9] =	ssyncset.done $0x0  }
0xf: {  	s10 =	sadd.s32 $0x311800, s15;
	[sflag:s9] =	ssyncadd.s32 $0xFFFFC000  }
0x10: {  	[hbm4b:s10+s2] =	stream.linear.scatter [tilespmem:s8], [sflag:$0x2], $0x4000, $0x38;
	[tilespmem:$0x4200] =	vst v63  }
0x11: {  	_ =	swait.ge [sflag:s5], $0x4000  }
0x12: {  	[sflag:s5] =	ssyncset.done $0x0  }
0x13: {  	[sflag:s5] =	ssyncadd.s32 $0xFFFFC000  }
0x14: {  	[tilespmem:s8], [sflag:$0x1] =	stream.indirect.gather [hbm4b:s7+s4], $0x80, s4, s4, $0xb8;
	[tilespmem:$0x4200] =	vst v63  }
0x15: {  	_ =	swait.ge [sflag:s9], $0x4000  }
0x16: {  	[sflag:s9] =	ssyncset.done $0x0  }
0x17: {  	s11 =	sadd.s32 $0x312000, s15;
	[sflag:s9] =	ssyncadd.s32 $0xFFFFC000  }
0x18: {  	[hbm4b:s11+s2] =	stream.linear.scatter [tilespmem:s8], [sflag:$0x2], $0x4000, $0x38;
	[tilespmem:$0x4200] =	vst v63  }
0x19: {  	_ =	swait.ge [sflag:s5], $0x4000  }
0x1a: {  	[sflag:s5] =	ssyncset.done $0x0  }
0x1b: {  	s12 =	simm.s32 $0x100;
	[sflag:s5] =	ssyncadd.s32 $0xFFFFC000  }
0x1c: {  	[tilespmem:s8], [sflag:$0x1] =	stream.indirect.gather [hbm4b:s7+s4], $0x80, s12, s4, $0xb8;
	[tilespmem:$0x4200] =	vst v63  }
0x1d: {  	_ =	swait.ge [sflag:s9], $0x4000  }
0x1e: {  	[sflag:s9] =	ssyncset.done $0x0  }
0x1f: {  	s16 =	ssub.s32 $0x2, s14;
	s13 =	sadd.s32 $0x312800, s15;
	[sflag:s9] =	ssyncadd.s32 $0xFFFFC000  }
0x20: {  	[hbm4b:s13+s2] =	stream.linear.scatter [tilespmem:s8], [sflag:$0x2], $0x4000, $0x38;
	[tilespmem:$0x4200] =	vst v63  }
0x21: {  	s17 =	sshrl.u32 s16, $0x1;
	_ =	swait.ge [sflag:s5], $0x4000  }
0x22: {  	s16 =	ssub.s32 s16, s17;
	[sflag:s5] =	ssyncset.done $0x0  }
0x23: {  	s14 =	simm.s32 $0x180;
	s16 =	smax.u32 s16, $0x1;
	[sflag:s5] =	ssyncadd.s32 $0xFFFFC000  }
0x24: {  	[tilespmem:s8], [sflag:$0x1] =	stream.indirect.gather [hbm4b:s7+s4], $0x80, s14, s4, $0xb8;
	[tilespmem:$0x4200] =	vst v63  }
0x25: {  	p0 =	sne.s32 s16, $0x1;
	_ =	swait.ge [sflag:s9], $0x4000  }
.Ltmp0:
0x26: {  	[sflag:s9] =	ssyncset.done $0x0;
	(pc) =	sbr.rel @!p0 .LBB2_2-.Ltmp0, $4  }
0x27: {  	s15 =	sadd.s32 $0x313000, s15;
	[sflag:s9] =	ssyncadd.s32 $0xFFFFC000  }
0x28: {  	[hbm4b:s15+s2] =	stream.linear.scatter [tilespmem:s8], [sflag:$0x2], $0x4000, $0x38;
	[tilespmem:$0x4200] =	vst v63  }
0x29: {  	_ =	swait.ge [sflag:s5], $0x4000  }
0x2a: {  	s16 =	sadd.s32 $0xFFFFFFFF, s16;
	[sflag:s5] =	ssyncset.done $0x0  }
.LBB2_1:
0x2b: {  	p0 =	sne.s32 s16, $0x1;
	s16 =	sadd.s32 $0xFFFFFFFF, s16;
	[sflag:s5] =	ssyncadd.s32 $0xFFFFC000  }
0x2c: {  	[tilespmem:s2], [sflag:$0x2] =	stream.strided.gather [hbm4b:s3+s4], $0x200, s6, s4, $0x38;
	[tilespmem:$0x4200] =	vst v63  }
0x2d: {  	_ =	swait.ge [sflag:s5], $0x200  }
0x2e: {  	[sflag:s5] =	ssyncset.done $0x0  }
0x2f: {  	[sflag:s5] =	ssyncadd.s32 $0xFFFFFE00  }
0x30: {  	[tilespmem:s8], [sflag:$0x1] =	stream.indirect.gather [hbm4b:s7+s4], $0x80, s2, s4, $0xb8;
	[tilespmem:$0x4200] =	vst v63  }
0x31: {  	_ =	swait.ge [sflag:s9], $0x4000  }
0x32: {  	[sflag:s9] =	ssyncset.done $0x0  }
0x33: {  	[sflag:s9] =	ssyncadd.s32 $0xFFFFC000  }
0x34: {  	[hbm4b:s10+s2] =	stream.linear.scatter [tilespmem:s8], [sflag:$0x2], $0x4000, $0x38;
	[tilespmem:$0x4200] =	vst v63  }
0x35: {  	_ =	swait.ge [sflag:s5], $0x4000  }
0x36: {  	[sflag:s5] =	ssyncset.done $0x0  }
0x37: {  	[sflag:s5] =	ssyncadd.s32 $0xFFFFC000  }
0x38: {  	[tilespmem:s8], [sflag:$0x1] =	stream.indirect.gather [hbm4b:s7+s4], $0x80, s4, s4, $0xb8;
	[tilespmem:$0x4200] =	vst v63  }
0x39: {  	_ =	swait.ge [sflag:s9], $0x4000  }
0x3a: {  	[sflag:s9] =	ssyncset.done $0x0  }
0x3b: {  	[sflag:s9] =	ssyncadd.s32 $0xFFFFC000  }
0x3c: {  	[hbm4b:s11+s2] =	stream.linear.scatter [tilespmem:s8], [sflag:$0x2], $0x4000, $0x38;
	[tilespmem:$0x4200] =	vst v63  }
0x3d: {  	_ =	swait.ge [sflag:s5], $0x4000  }
0x3e: {  	[sflag:s5] =	ssyncset.done $0x0  }
0x3f: {  	[sflag:s5] =	ssyncadd.s32 $0xFFFFC000  }
0x40: {  	[tilespmem:s8], [sflag:$0x1] =	stream.indirect.gather [hbm4b:s7+s4], $0x80, s12, s4, $0xb8;
	[tilespmem:$0x4200] =	vst v63  }
0x41: {  	_ =	swait.ge [sflag:s9], $0x4000  }
0x42: {  	[sflag:s9] =	ssyncset.done $0x0  }
0x43: {  	[sflag:s9] =	ssyncadd.s32 $0xFFFFC000  }
0x44: {  	[hbm4b:s13+s2] =	stream.linear.scatter [tilespmem:s8], [sflag:$0x2], $0x4000, $0x38;
	[tilespmem:$0x4200] =	vst v63  }
0x45: {  	_ =	swait.ge [sflag:s5], $0x4000  }
0x46: {  	[sflag:s5] =	ssyncset.done $0x0  }
0x47: {  	[sflag:s5] =	ssyncadd.s32 $0xFFFFC000  }
0x48: {  	[tilespmem:s8], [sflag:$0x1] =	stream.indirect.gather [hbm4b:s7+s4], $0x80, s14, s4, $0xb8;
	[tilespmem:$0x4200] =	vst v63  }
0x49: {  	_ =	swait.ge [sflag:s9], $0x4000  }
.Ltmp1:
0x4a: {  	[sflag:s9] =	ssyncset.done $0x0;
	(pc) =	sbr.rel @p0 .LBB2_1-.Ltmp1, $4  }
0x4b: {  	[sflag:s9] =	ssyncadd.s32 $0xFFFFC000  }
0x4c: {  	[hbm4b:s15+s2] =	stream.linear.scatter [tilespmem:s8], [sflag:$0x2], $0x4000, $0x38;
	[tilespmem:$0x4200] =	vst v63  }
0x4d: {  	_ =	swait.ge [sflag:s5], $0x4000  }
0x4e: {  	[sflag:s5] =	ssyncset.done $0x0  }
.LBB2_2:
0x4f: {  	[sflag:s5] =	ssyncadd.s32 $0xFFFFC000  }
0x50: {  	_ =	sfence.sel $0x180000  }
0x51: {  	[bflag:$0x0] =	sbarrier.arrive $0xFFFF  }
0x52: {  	p0 =	sne.s32 s0, $0x0;
	_ =	strace $0x90000059  }
0x53: {  	s0 =	sadd.s32 @!p0 $0x100000, s1;
	[bflag:$0x2] =	sbarrier.arrive $0xFFFF  }
0x54: {  	[sflag:s0] =	ssyncadd.tile.s32 @!p0 $0x1;
	_ =	shalt  }
.Lfunc_end2:
_tile_overlayer_lowered:
.L_overlay_start_2:
0x55: {  	(tag) =	ssettag $0x2  }
0x56: {  	s0 =	rddreg [dreg:$0x0];
	s2 =	stileid.u32  }
0x57: {  	s1 =	rddreg [dreg:$0x1];
	p0 =	sne.s32 s2, $0x0  }
0x58: {  	s3 =	rddreg [dreg:$0x2];
	[bflag:$0x3] =	sbarrier.arrive $0xFFFF;
	s2 =	simm.s32 @!p0 $0x1C02  }
0x59: {  	[timem:s3], [sflag:s2] =	dma.local @!p0 [hbm:s0], s1  }
0x5a: {  	s0 =	simm.s32 @!p0 $0x2  }
0x5b: {  	_ =	swait.ge @!p0 [sflag:s0], s1  }
0x5c: {  	s1 =	ssub.s32 @!p0 $0x0, s1;
	[sflag:s0] =	ssyncset.done @!p0 $0x0  }
0x5d: {  	[sflag:s0] =	ssyncadd.s32 @!p0 s1  }
0x5e: {  	[bflag:$0x3] =	sbarrier.arrive $0xFFFF  }
0x5f: {  	_ =	shalt  }

// kernel: kernel.42.cloned.1.call-start
scs
__scs_entry_jumppad:
0x0: {  	(pc) =	sbr.rel $0x88, $3  }
0x1: {  	(tag) =	ssettag $0x0;
	lr =	simm.s32 $0x1  }
0x2: {  	[smem:$0x3F89] =	sst lr;
	_ =	strace $0xD0000000  }
0x3: {  	_ = 	snop  }
0x4: {  	_ = 	snop  }
0x5: {  	_ = 	snop  }
0x6: {  	_ = 	snop  }
0x7: {  	_ = 	snop  }
__scs_overlays_trampoline_lowered:
0x8: {  	[smem:$0x3F98] =	sst s0  }
0x9: {  	[smem:$0x3F99] =	sst s1  }
0xa: {  	[smem:$0x3F9A] =	sst s2  }
0xb: {  	[smem:$0x3F9B] =	sst s3  }
0xc: {  	[smem:$0x3F9C] =	sst s4  }
0xd: {  	[smem:$0x3F9D] =	sst s5  }
0xe: {  	[smem:$0x3F9E] =	sst s6  }
0xf: {  	[smem:$0x3F9F] =	sst s7  }
0x10: {  	[smem:$0x3FA0] =	sst s8  }
0x11: {  	[smem:$0x3FA1] =	sst s9;
	s0 =	simm.s32 @!p0 $0x0  }
0x12: {  	s1 =	sld [smem:$0x3F87];
	s0 =	simm.s32 @p0 $0x1  }
0x13: {  	[smem:$0x3FA2] =	sst s0;
	s0 =	simm.s32 @!p1 $0x0  }
0x14: {  	s2 =	sld [smem:$0x3F86];
	s0 =	simm.s32 @p1 $0x1  }
0x15: {  	[smem:$0x3FA3] =	sst s0;
	s0 =	simm.s32 @!p2 $0x0  }
0x16: {  	s3 =	sld [smem:$0x3FDB];
	s0 =	simm.s32 @p2 $0x1  }
0x17: {  	s4 =	simm.s32 $0x1BF5;
	[smem:$0x3FA5] =	sst s0  }
0x18: {  	s0 =	sld [smem:$0x3F88];
	_ =	swait.ge [sflag:s4], $0x0  }
0x19: {  	s7 =	sld [smem:$0x3F89]  }
0x1a: {  	s8 =	sadd.s32 $0xFFFFE003, lr  }
0x1b: {  	s9 =	sadd.s32 $0xFFFFFEF7, lr;
	s5 =	simm.s32 $0xFFFFFFFF;
	p2 =	slt.u32 s8, $0xFFFFF086  }
0x1c: {  	p1 =	slt.u32 s9, $0xF7A;
	s5 =	simm.s32 @!p2 $0x0  }
0x1d: {  	s5 =	simm.s32 @p1 $0x1;
	p0 =	seq.s32 s7, s2  }
0x1e: {  	s7 =	smul.u32 @!p0 $0xF7A, s2;
	p2 =	seq.s32 @!p0 s5, $0x0  }
0x1f: {  	s9 =	smul.u32 $0xF7A, s1;
	s8 =	simm.s32 @!p0 $0x1BF5;
	p2 =	por !p2, p0  }
0x20: {  	[sflag:s8] =	ssyncset.s32 @!p0 $0xFFFFF086;
	s6 =	sadd.s32 @!p0 s3, s7;
	s7 =	simm.s32 @!p0 $0x108  }
0x21: {  	s3 =	sadd.s32 s3, s9;
	s6 =	sadd.s32 @!p0 $0x88, s6;
	s7 =	simm.s32 @p2 $0x1082  }
0x22: {  	[simem:s7], [sflag:s8] =	dma.local @!p0 [hbm:s6], $0xF7A  }
0x23: {  	s9 =	sor.u32 $0xD0000000, s2;
	s6 =	simm.s32 $0x108;
	_ =	swait.ge @!p0 [sflag:s8], $0x0  }
0x24: {  	s3 =	sadd.s32 $0x88, s3;
	s6 =	simm.s32 @!p1 $0x1082;
	[sflag:s4] =	ssyncset.s32 $0xFFFFF086  }
0x25: {  	[simem:s6], [sflag:s4] =	dma.local [hbm:s3], $0xF7A  }
0x26: {  	[smem:$0x3F89] =	sst s1;
	(tag) =	ssettag s2;
	_ =	strace s9  }
0x27: {  	s1 =	sld [smem:$0x3F99]  }
0x28: {  	s2 =	sld [smem:$0x3F9A]  }
0x29: {  	s4 =	sld [smem:$0x3F9C]  }
0x2a: {  	p0 =	seq.s32 s5, $0x0;
	s5 =	sld [smem:$0x3F9D]  }
0x2b: {  	s6 =	sld [smem:$0x3F9E]  }
0x2c: {  	s7 =	sld [smem:$0x3F9F]  }
0x2d: {  	s3 =	simm.s32 $0x108;
	s8 =	sld [smem:$0x3FA0]  }
0x2e: {  	s3 =	simm.s32 @!p0 $0x1082;
	s9 =	sld [smem:$0x3FA1]  }
0x2f: {  	lr =	sadd.s32 s0, s3;
	s0 =	sld [smem:$0x3F98]  }
0x30: {  	s3 =	sld [smem:$0x3F9B]  }
0x31: {  	[smem:$0x3FA4] =	sst s10  }
0x32: {  	s10 =	sld [smem:$0x3FA2];
	_ =	sdelay $0x3  }
0x33: {  	p0 =	seq.s32 s10, $0x1;
	s10 =	sld [smem:$0x3FA4];
	_ =	sdelay $0x3  }
0x34: {  	[smem:$0x3FA4] =	sst s10  }
0x35: {  	s10 =	sld [smem:$0x3FA3];
	_ =	sdelay $0x3  }
0x36: {  	p1 =	seq.s32 s10, $0x1;
	s10 =	sld [smem:$0x3FA4];
	_ =	sdelay $0x3  }
0x37: {  	[smem:$0x3FA4] =	sst s10  }
0x38: {  	s10 =	sld [smem:$0x3FA5]  }
0x39: {  	_ = 	snop;
	(pc) =	sbr.ind lr, $3  }
0x3a: {  	_ = 	snop  }
0x3b: {  	_ = 	snop  }
0x3c: {  	p2 =	seq.s32 s10, $0x1;
	s10 =	sld [smem:$0x3FA4]  }
0x3d: {  	_ =	shalt  }
0x3e: {  	_ =	shalt  }
0x3f: {  	_ =	shalt  }
0x40: {  	_ =	shalt  }
0x41: {  	_ =	shalt  }
0x42: {  	_ =	shalt  }
0x43: {  	_ =	shalt  }
0x44: {  	_ =	shalt  }
0x45: {  	_ =	shalt  }
0x46: {  	_ =	shalt  }
0x47: {  	_ =	shalt  }
0x48: {  	_ =	shalt  }
0x49: {  	_ =	shalt  }
0x4a: {  	_ =	shalt  }
0x4b: {  	_ =	shalt  }
0x4c: {  	_ =	shalt  }
0x4d: {  	_ =	shalt  }
0x4e: {  	_ =	shalt  }
0x4f: {  	_ =	shalt  }
0x50: {  	_ =	shalt  }
0x51: {  	_ =	shalt  }
0x52: {  	_ =	shalt  }
0x53: {  	_ =	shalt  }
0x54: {  	_ =	shalt  }
0x55: {  	_ =	shalt  }
0x56: {  	_ =	shalt  }
0x57: {  	_ =	shalt  }
0x58: {  	_ =	shalt  }
0x59: {  	_ =	shalt  }
0x5a: {  	_ =	shalt  }
0x5b: {  	_ =	shalt  }
0x5c: {  	_ =	shalt  }
0x5d: {  	_ =	shalt  }
0x5e: {  	_ =	shalt  }
0x5f: {  	_ =	shalt  }
0x60: {  	_ =	shalt  }
0x61: {  	_ =	shalt  }
0x62: {  	_ =	shalt  }
0x63: {  	_ =	shalt  }
0x64: {  	_ =	shalt  }
0x65: {  	_ =	shalt  }
0x66: {  	_ =	shalt  }
0x67: {  	_ =	shalt  }
0x68: {  	_ =	shalt  }
0x69: {  	_ =	shalt  }
0x6a: {  	_ =	shalt  }
0x6b: {  	_ =	shalt  }
0x6c: {  	_ =	shalt  }
0x6d: {  	_ =	shalt  }
0x6e: {  	_ =	shalt  }
0x6f: {  	_ =	shalt  }
0x70: {  	_ =	shalt  }
0x71: {  	_ =	shalt  }
0x72: {  	_ =	shalt  }
0x73: {  	_ =	shalt  }
0x74: {  	_ =	shalt  }
0x75: {  	_ =	shalt  }
0x76: {  	_ =	shalt  }
0x77: {  	_ =	shalt  }
0x78: {  	_ =	shalt  }
0x79: {  	_ =	shalt  }
0x7a: {  	_ =	shalt  }
0x7b: {  	_ =	shalt  }
0x7c: {  	_ =	shalt  }
0x7d: {  	_ =	shalt  }
0x7e: {  	_ =	shalt  }
0x7f: {  	_ =	shalt  }
0x80: {  	_ =	shalt  }
0x81: {  	_ =	shalt  }
0x82: {  	_ =	shalt  }
0x83: {  	_ =	shalt  }
0x84: {  	_ =	shalt  }
0x85: {  	_ =	shalt  }
0x86: {  	_ =	shalt  }
0x87: {  	_ =	shalt  }
.Lfunc_end0:
.L_simem_size_0:
called_computation.7_lowered:
.L_overlay_start_0:
0x88: {  	s2 =	sld [smem:$0x3FD9]  }
0x89: {  	s3 =	sld [smem:$0x3FFE];
	_ =	sdelay $0x1  }
0x8a: {  	s1 =	srdreg.scid  }
0x8b: {  	s0 =	sand.u32 $0x1, s1  }
0x8c: {  	s17 =	sshll.u32 s0, $0xA;
	s2 =	sadd.s32 s3, s2  }
0x8d: {  	s2 =	sadd.s32 s2, s17  }
0x8e: {  	[smem:$0x3FB0] =	sst s2  }
0x8f: {  	_ = 	snop  }
0x90: {  	(tm) =	ssettm $0x1  }
0x91: {  	s18 =	sld [smem:$0x3FFB];
	_ =	sdelay $0x3  }
0x92: {  	_ =	strace s18  }
0x93: {  	s2 =	sld [smem:$0x3FFC];
	_ =	sdelay $0x3  }
0x94: {  	_ =	strace s2  }
0x95: {  	s2 =	sld [smem:$0x3FFD];
	_ =	sdelay $0x3  }
0x96: {  	_ =	strace s2  }
0x97: {  	_ =	strace $0x8FFFFFFF  }
0x98: {  	s19 =	sld [smem:$0x3FDB];
	_ =	sdelay $0x1  }
0x99: {  	s20 =	simm.s32 $_scs_section_size  }
0x9a: {  	s4 =	simm.s32 $_size__tile_overlayer_lowered;
	s5 =	simm.s32 $_tile_overlayer_lowered  }
0x9b: {  	s6 =	simm.s32 $0x1BFF;
	s21 =	sshll.u32 s5, $0x1;
	s3 =	sadd.s32 s20, s19  }
0x9c: {  	s22 =	simm.s32 $0x0;
	s4 =	sshll.u32 s4, $0x1;
	s5 =	sadd.s32 s21, s3  }
0x9d: {  	[timem:s22], [sflag:s6] =	dma.local [hbm:s5], s4  }
0x9e: {  	_ =	swait.ge [sflag:s6], s4  }
0x9f: {  	s4 =	ssub.s32 $0x0, s4;
	[sflag:s6] =	ssyncset.done $0x0  }
0xa0: {  	[sflag:s6] =	ssyncadd.s32 s4;
	_ =	sdelay $0x1  }
0xa1: {  	s23 =	simm.s32 $0x1B8B  }
0xa2: {  	_ =	swait.ge [sflag:s23], $0x1  }
0xa3: {  	[sflag:s23] =	ssyncset.done $0x0  }
0xa4: {  	[sflag:s23] =	ssyncadd.s32 $0xFFFFFFFF  }
0xa5: {  	s4 =	sld [smem:$0x0]  }
0xa6: {  	s5 =	sand.u32 $0xFFFFFFFE, s1  }
0xa7: {  	p0 =	sne.s32 s1, s5  }
0xa8: {  	s5 =	sshll.u32 @p0 s5, $0xE  }
0xa9: {  	s5 =	sadd.s32 @p0 $0x11B8D, s5;
	s6 =	sshll.u32 @p0 s4, $0x11  }
0xaa: {  	s5 =	sor.u32 @p0 s6, s5  }
0xab: {  	[sflag:s5] =	ssyncadd.remote.s32 @p0 $0x1;
	_ =	sdelay $0x1  }
0xac: {  	s5 =	simm.s32 @p0 $0x1B8D  }
0xad: {  	_ =	swait.eq @p0 [sflag:s5], $0x1  }
0xae: {  	[sflag:s5] =	ssyncadd.s32 @p0 $0xFFFFFFFF  }
0xaf: {  	s6 =	sshll.u32 @!p0 s1, $0xE  }
0xb0: {  	s6 =	sor.u32 @!p0 $0x4000, s6;
	s5 =	simm.s32 @!p0 $0x1B8D  }
0xb1: {  	s4 =	sshll.u32 @!p0 s4, $0x11;
	s6 =	sadd.s32 @!p0 $0x11B8D, s6;
	_ =	swait.eq @!p0 [sflag:s5], $0x1  }
0xb2: {  	s4 =	sor.u32 @!p0 s4, s6;
	[sflag:s5] =	ssyncadd.s32 @!p0 $0xFFFFFFFF  }
0xb3: {  	s25 =	simm.s32 $0x1B8E;
	s24 =	sld [smem:$0x3FFE];
	[sflag:s4] =	ssyncadd.remote.s32 @!p0 $0x1  }
0xb4: {  	s26 =	simm.s32 $execute0_lowered;
	[smem:$0x3FD2] =	sst s25  }
0xb5: {  	s5 =	sshll.u32 s26, $0x1;
	_ =	strace $0x8000005B;
	[dreg:$0x1] =	wrdreg $0xFFFFFFFF  }
0xb6: {  	s28 =	simm.s32 $_size_execute0_lowered;
	s3 =	sadd.s32 s3, s5;
	[dreg:$0x0] =	wrdreg $0x0  }
0xb7: {  	s5 =	sshll.u32 s28, $0x1;
	[dreg:$0x2] =	wrdreg s3  }
0xb8: {  	[dreg:$0x3] =	wrdreg s5  }
0xb9: {  	[dreg:$0x4] =	wrdreg $0xC0  }
0xba: {  	_ =	task [dreg:s22], $0x5FFFF  }
0xbb: {  	[dreg:$0x1] =	wrdreg $0xFFFFFFFF  }
0xbc: {  	[dreg:$0x0] =	wrdreg $0x60  }
0xbd: {  	[dreg:$0x2] =	wrdreg s24  }
0xbe: {  	[dreg:$0x3] =	wrdreg $0x10  }
0xbf: {  	_ =	task.clear_ibuf [dreg:s22], $0x4FFFF;
	_ =	strace $0x9000005B  }
0xc0: {  	s29 =	simm.s32 $0x10;
	_ =	strace $0x8000005D  }
0xc1: {  	_ =	swait.ge [sflag:s29], $0x1  }
0xc2: {  	[sflag:s29] =	ssyncadd.s32 $0xFFFFFFFF  }
0xc3: {  	_ =	strace $0x9000005D  }
0xc4: {  	_ =	sfence  }
0xc5: {  	s30 =	sld [smem:$0x0];
	_ =	sdelay $0x2  }
0xc6: {  	s31 =	sshll.u32 s1, $0xD;
	s1 =	sshrl.u32 s1, $0x2  }
0xc7: {  	s4 =	sand.u32 $0x4000, s31;
	s1 =	sadd.s32 s1, s30  }
0xc8: {  	s0 =	sor.u32 s4, s0;
	s1 =	sshll.u32 s1, $0x11  }
0xc9: {  	s0 =	sor.u32 s1, s0  }
0xca: {  	s0 =	sadd.s32 $0x8F2B, s0  }
0xcb: {  	[sflag:s0] =	ssyncadd.remote.s32 $0x1  }
0xcc: {  	_ =	sfence.sel $0xFFFF  }
0xcd: {  	[dreg:$0x0] =	wrdreg $0xFFFFFFFF;
	(pc) =	sbr.abs _section_cstart, $3  }
0xce: {  	[dreg:$0x1] =	wrdreg $0xFFFFFFFF  }
0xcf: {  	_ =	task.clear_ibuf [dreg:s22], $0x2FFFF;
	_ =	strace $0x9FFFFFFF  }
0xd0: {  	(tm) =	ssettm $0x7FFFFFFF  }
0xd1: {  	_ =	shalt  }
tec
execute0_lowered:
.L_overlay_start_1:
0x0: {  	(tag) =	ssettag $0x1  }
0x1: {  	s0 =	stileid.u32;
	s1 =	srdreg.scid  }
0x2: {  	s10 =	rddreg [dreg:$0x0];
	s14 =	sand.u32 $0x1, s1;
	s31 =	sshll.u32 s0, $0x1  }
0x3: {  	s6 =	simm.s32 $0x400;
	s2 =	sshll.u32 s0, $0x7;
	s11 =	sor.u32 s14, s31  }
0x4: {  	s1 =	rddreg [dreg:$0x1];
	s3 =	sand.u32 $0x600, s2;
	s4 =	sshll.u32 s11, $0x4  }
0x5: {  	s2 =	simm.s32 $0x0;
	s3 =	sadd.s32 s3, s10;
	s4 =	sand.u32 $0x70, s4  }
0x6: {  	s5 =	simm.s32 $0x2;
	[smem:$0x7FF] =	sst s2;
	s3 =	sadd.s32 s4, s3  }
0x7: {  	_ =	strace $0x8000005C;
	s4 =	simm.s32 $0x80;
	s3 =	sadd.s32 $0x47400, s3  }
0x8: {  	[tilespmem:s2], [sflag:$0x2] =	stream.strided.gather [hbm4b:s3+s4], $0x200, s6, s4, $0x38;
	[tilespmem:$0x4200] =	vst v63  }
0x9: {  	_ =	swait.ge [sflag:s5], $0x200  }
0xa: {  	s8 =	simm.s32 $0x200;
	[sflag:s5] =	ssyncset.done $0x0  }
0xb: {  	s9 =	simm.s32 $0x1;
	s7 =	sadd.s32 $0xF46800, s10;
	[sflag:s5] =	ssyncadd.s32 $0xFFFFFE00  }
0xc: {  	[tilespmem:s8], [sflag:$0x1] =	stream.indirect.gather [hbm4b:s7+s4], $0x80, s2, s4, $0xb8;
	[tilespmem:$0x4200] =	vst v63  }
0xd: {  	s11 =	sshll.u32 s11, $0xD;
	_ =	swait.ge [sflag:s9], $0x4000  }
0xe: {  	s15 =	sadd.s32 s11, s10;
	[sflag:s9] =	ssyncset.done $0x0  }
0xf: {  	s10 =	sadd.s32 $0x351800, s15;
	[sflag:s9] =	ssyncadd.s32 $0xFFFFC000  }
0x10: {  	[hbm4b:s10+s2] =	stream.linear.scatter [tilespmem:s8], [sflag:$0x2], $0x4000, $0x38;
	[tilespmem:$0x4200] =	vst v63  }
0x11: {  	_ =	swait.ge [sflag:s5], $0x4000  }
0x12: {  	[sflag:s5] =	ssyncset.done $0x0  }
0x13: {  	[sflag:s5] =	ssyncadd.s32 $0xFFFFC000  }
0x14: {  	[tilespmem:s8], [sflag:$0x1] =	stream.indirect.gather [hbm4b:s7+s4], $0x80, s4, s4, $0xb8;
	[tilespmem:$0x4200] =	vst v63  }
0x15: {  	_ =	swait.ge [sflag:s9], $0x4000  }
0x16: {  	[sflag:s9] =	ssyncset.done $0x0  }
0x17: {  	s11 =	sadd.s32 $0x352000, s15;
	[sflag:s9] =	ssyncadd.s32 $0xFFFFC000  }
0x18: {  	[hbm4b:s11+s2] =	stream.linear.scatter [tilespmem:s8], [sflag:$0x2], $0x4000, $0x38;
	[tilespmem:$0x4200] =	vst v63  }
0x19: {  	_ =	swait.ge [sflag:s5], $0x4000  }
0x1a: {  	[sflag:s5] =	ssyncset.done $0x0  }
0x1b: {  	s12 =	simm.s32 $0x100;
	[sflag:s5] =	ssyncadd.s32 $0xFFFFC000  }
0x1c: {  	[tilespmem:s8], [sflag:$0x1] =	stream.indirect.gather [hbm4b:s7+s4], $0x80, s12, s4, $0xb8;
	[tilespmem:$0x4200] =	vst v63  }
0x1d: {  	_ =	swait.ge [sflag:s9], $0x4000  }
0x1e: {  	[sflag:s9] =	ssyncset.done $0x0  }
0x1f: {  	s16 =	ssub.s32 $0x2, s14;
	s13 =	sadd.s32 $0x352800, s15;
	[sflag:s9] =	ssyncadd.s32 $0xFFFFC000  }
0x20: {  	[hbm4b:s13+s2] =	stream.linear.scatter [tilespmem:s8], [sflag:$0x2], $0x4000, $0x38;
	[tilespmem:$0x4200] =	vst v63  }
0x21: {  	s17 =	sshrl.u32 s16, $0x1;
	_ =	swait.ge [sflag:s5], $0x4000  }
0x22: {  	s16 =	ssub.s32 s16, s17;
	[sflag:s5] =	ssyncset.done $0x0  }
0x23: {  	s14 =	simm.s32 $0x180;
	s16 =	smax.u32 s16, $0x1;
	[sflag:s5] =	ssyncadd.s32 $0xFFFFC000  }
0x24: {  	[tilespmem:s8], [sflag:$0x1] =	stream.indirect.gather [hbm4b:s7+s4], $0x80, s14, s4, $0xb8;
	[tilespmem:$0x4200] =	vst v63  }
0x25: {  	p0 =	sne.s32 s16, $0x1;
	_ =	swait.ge [sflag:s9], $0x4000  }
.Ltmp0:
0x26: {  	[sflag:s9] =	ssyncset.done $0x0;
	(pc) =	sbr.rel @!p0 .LBB2_2-.Ltmp0, $4  }
0x27: {  	s15 =	sadd.s32 $0x353000, s15;
	[sflag:s9] =	ssyncadd.s32 $0xFFFFC000  }
0x28: {  	[hbm4b:s15+s2] =	stream.linear.scatter [tilespmem:s8], [sflag:$0x2], $0x4000, $0x38;
	[tilespmem:$0x4200] =	vst v63  }
0x29: {  	_ =	swait.ge [sflag:s5], $0x4000  }
0x2a: {  	s16 =	sadd.s32 $0xFFFFFFFF, s16;
	[sflag:s5] =	ssyncset.done $0x0  }
.LBB2_1:
0x2b: {  	p0 =	sne.s32 s16, $0x1;
	s16 =	sadd.s32 $0xFFFFFFFF, s16;
	[sflag:s5] =	ssyncadd.s32 $0xFFFFC000  }
0x2c: {  	[tilespmem:s2], [sflag:$0x2] =	stream.strided.gather [hbm4b:s3+s4], $0x200, s6, s4, $0x38;
	[tilespmem:$0x4200] =	vst v63  }
0x2d: {  	_ =	swait.ge [sflag:s5], $0x200  }
0x2e: {  	[sflag:s5] =	ssyncset.done $0x0  }
0x2f: {  	[sflag:s5] =	ssyncadd.s32 $0xFFFFFE00  }
0x30: {  	[tilespmem:s8], [sflag:$0x1] =	stream.indirect.gather [hbm4b:s7+s4], $0x80, s2, s4, $0xb8;
	[tilespmem:$0x4200] =	vst v63  }
0x31: {  	_ =	swait.ge [sflag:s9], $0x4000  }
0x32: {  	[sflag:s9] =	ssyncset.done $0x0  }
0x33: {  	[sflag:s9] =	ssyncadd.s32 $0xFFFFC000  }
0x34: {  	[hbm4b:s10+s2] =	stream.linear.scatter [tilespmem:s8], [sflag:$0x2], $0x4000, $0x38;
	[tilespmem:$0x4200] =	vst v63  }
0x35: {  	_ =	swait.ge [sflag:s5], $0x4000  }
0x36: {  	[sflag:s5] =	ssyncset.done $0x0  }
0x37: {  	[sflag:s5] =	ssyncadd.s32 $0xFFFFC000  }
0x38: {  	[tilespmem:s8], [sflag:$0x1] =	stream.indirect.gather [hbm4b:s7+s4], $0x80, s4, s4, $0xb8;
	[tilespmem:$0x4200] =	vst v63  }
0x39: {  	_ =	swait.ge [sflag:s9], $0x4000  }
0x3a: {  	[sflag:s9] =	ssyncset.done $0x0  }
0x3b: {  	[sflag:s9] =	ssyncadd.s32 $0xFFFFC000  }
0x3c: {  	[hbm4b:s11+s2] =	stream.linear.scatter [tilespmem:s8], [sflag:$0x2], $0x4000, $0x38;
	[tilespmem:$0x4200] =	vst v63  }
0x3d: {  	_ =	swait.ge [sflag:s5], $0x4000  }
0x3e: {  	[sflag:s5] =	ssyncset.done $0x0  }
0x3f: {  	[sflag:s5] =	ssyncadd.s32 $0xFFFFC000  }
0x40: {  	[tilespmem:s8], [sflag:$0x1] =	stream.indirect.gather [hbm4b:s7+s4], $0x80, s12, s4, $0xb8;
	[tilespmem:$0x4200] =	vst v63  }
0x41: {  	_ =	swait.ge [sflag:s9], $0x4000  }
0x42: {  	[sflag:s9] =	ssyncset.done $0x0  }
0x43: {  	[sflag:s9] =	ssyncadd.s32 $0xFFFFC000  }
0x44: {  	[hbm4b:s13+s2] =	stream.linear.scatter [tilespmem:s8], [sflag:$0x2], $0x4000, $0x38;
	[tilespmem:$0x4200] =	vst v63  }
0x45: {  	_ =	swait.ge [sflag:s5], $0x4000  }
0x46: {  	[sflag:s5] =	ssyncset.done $0x0  }
0x47: {  	[sflag:s5] =	ssyncadd.s32 $0xFFFFC000  }
0x48: {  	[tilespmem:s8], [sflag:$0x1] =	stream.indirect.gather [hbm4b:s7+s4], $0x80, s14, s4, $0xb8;
	[tilespmem:$0x4200] =	vst v63  }
0x49: {  	_ =	swait.ge [sflag:s9], $0x4000  }
.Ltmp1:
0x4a: {  	[sflag:s9] =	ssyncset.done $0x0;
	(pc) =	sbr.rel @p0 .LBB2_1-.Ltmp1, $4  }
0x4b: {  	[sflag:s9] =	ssyncadd.s32 $0xFFFFC000  }
0x4c: {  	[hbm4b:s15+s2] =	stream.linear.scatter [tilespmem:s8], [sflag:$0x2], $0x4000, $0x38;
	[tilespmem:$0x4200] =	vst v63  }
0x4d: {  	_ =	swait.ge [sflag:s5], $0x4000  }
0x4e: {  	[sflag:s5] =	ssyncset.done $0x0  }
.LBB2_2:
0x4f: {  	[sflag:s5] =	ssyncadd.s32 $0xFFFFC000  }
0x50: {  	_ =	sfence.sel $0x180000  }
0x51: {  	[bflag:$0x0] =	sbarrier.arrive $0xFFFF  }
0x52: {  	p0 =	sne.s32 s0, $0x0;
	_ =	strace $0x9000005C  }
0x53: {  	s0 =	sadd.s32 @!p0 $0x100000, s1;
	[bflag:$0x2] =	sbarrier.arrive $0xFFFF  }
0x54: {  	[sflag:s0] =	ssyncadd.tile.s32 @!p0 $0x1;
	_ =	shalt  }
.Lfunc_end2:
_tile_overlayer_lowered:
.L_overlay_start_2:
0x55: {  	(tag) =	ssettag $0x2  }
0x56: {  	s0 =	rddreg [dreg:$0x0];
	s2 =	stileid.u32  }
0x57: {  	s1 =	rddreg [dreg:$0x1];
	p0 =	sne.s32 s2, $0x0  }
0x58: {  	s3 =	rddreg [dreg:$0x2];
	[bflag:$0x3] =	sbarrier.arrive $0xFFFF;
	s2 =	simm.s32 @!p0 $0x1C02  }
0x59: {  	[timem:s3], [sflag:s2] =	dma.local @!p0 [hbm:s0], s1  }
0x5a: {  	s0 =	simm.s32 @!p0 $0x2  }
0x5b: {  	_ =	swait.ge @!p0 [sflag:s0], s1  }
0x5c: {  	s1 =	ssub.s32 @!p0 $0x0, s1;
	[sflag:s0] =	ssyncset.done @!p0 $0x0  }
0x5d: {  	[sflag:s0] =	ssyncadd.s32 @!p0 s1  }
0x5e: {  	[bflag:$0x3] =	sbarrier.arrive $0xFFFF  }
0x5f: {  	_ =	shalt  }

// kernel: kernel.45.cloned.1.call-start
scs
__scs_entry_jumppad:
0x0: {  	(pc) =	sbr.rel $0x88, $3  }
0x1: {  	(tag) =	ssettag $0x0;
	lr =	simm.s32 $0x1  }
0x2: {  	[smem:$0x3F89] =	sst lr;
	_ =	strace $0xD0000000  }
0x3: {  	_ = 	snop  }
0x4: {  	_ = 	snop  }
0x5: {  	_ = 	snop  }
0x6: {  	_ = 	snop  }
0x7: {  	_ = 	snop  }
__scs_overlays_trampoline_lowered:
0x8: {  	[smem:$0x3F98] =	sst s0  }
0x9: {  	[smem:$0x3F99] =	sst s1  }
0xa: {  	[smem:$0x3F9A] =	sst s2  }
0xb: {  	[smem:$0x3F9B] =	sst s3  }
0xc: {  	[smem:$0x3F9C] =	sst s4  }
0xd: {  	[smem:$0x3F9D] =	sst s5  }
0xe: {  	[smem:$0x3F9E] =	sst s6  }
0xf: {  	[smem:$0x3F9F] =	sst s7  }
0x10: {  	[smem:$0x3FA0] =	sst s8  }
0x11: {  	[smem:$0x3FA1] =	sst s9;
	s0 =	simm.s32 @!p0 $0x0  }
0x12: {  	s1 =	sld [smem:$0x3F87];
	s0 =	simm.s32 @p0 $0x1  }
0x13: {  	[smem:$0x3FA2] =	sst s0;
	s0 =	simm.s32 @!p1 $0x0  }
0x14: {  	s2 =	sld [smem:$0x3F86];
	s0 =	simm.s32 @p1 $0x1  }
0x15: {  	[smem:$0x3FA3] =	sst s0;
	s0 =	simm.s32 @!p2 $0x0  }
0x16: {  	s3 =	sld [smem:$0x3FDB];
	s0 =	simm.s32 @p2 $0x1  }
0x17: {  	s4 =	simm.s32 $0x1BF5;
	[smem:$0x3FA5] =	sst s0  }
0x18: {  	s0 =	sld [smem:$0x3F88];
	_ =	swait.ge [sflag:s4], $0x0  }
0x19: {  	s7 =	sld [smem:$0x3F89]  }
0x1a: {  	s8 =	sadd.s32 $0xFFFFE003, lr  }
0x1b: {  	s9 =	sadd.s32 $0xFFFFFEF7, lr;
	s5 =	simm.s32 $0xFFFFFFFF;
	p2 =	slt.u32 s8, $0xFFFFF086  }
0x1c: {  	p1 =	slt.u32 s9, $0xF7A;
	s5 =	simm.s32 @!p2 $0x0  }
0x1d: {  	s5 =	simm.s32 @p1 $0x1;
	p0 =	seq.s32 s7, s2  }
0x1e: {  	s7 =	smul.u32 @!p0 $0xF7A, s2;
	p2 =	seq.s32 @!p0 s5, $0x0  }
0x1f: {  	s9 =	smul.u32 $0xF7A, s1;
	s8 =	simm.s32 @!p0 $0x1BF5;
	p2 =	por !p2, p0  }
0x20: {  	[sflag:s8] =	ssyncset.s32 @!p0 $0xFFFFF086;
	s6 =	sadd.s32 @!p0 s3, s7;
	s7 =	simm.s32 @!p0 $0x108  }
0x21: {  	s3 =	sadd.s32 s3, s9;
	s6 =	sadd.s32 @!p0 $0x88, s6;
	s7 =	simm.s32 @p2 $0x1082  }
0x22: {  	[simem:s7], [sflag:s8] =	dma.local @!p0 [hbm:s6], $0xF7A  }
0x23: {  	s9 =	sor.u32 $0xD0000000, s2;
	s6 =	simm.s32 $0x108;
	_ =	swait.ge @!p0 [sflag:s8], $0x0  }
0x24: {  	s3 =	sadd.s32 $0x88, s3;
	s6 =	simm.s32 @!p1 $0x1082;
	[sflag:s4] =	ssyncset.s32 $0xFFFFF086  }
0x25: {  	[simem:s6], [sflag:s4] =	dma.local [hbm:s3], $0xF7A  }
0x26: {  	[smem:$0x3F89] =	sst s1;
	(tag) =	ssettag s2;
	_ =	strace s9  }
0x27: {  	s1 =	sld [smem:$0x3F99]  }
0x28: {  	s2 =	sld [smem:$0x3F9A]  }
0x29: {  	s4 =	sld [smem:$0x3F9C]  }
0x2a: {  	p0 =	seq.s32 s5, $0x0;
	s5 =	sld [smem:$0x3F9D]  }
0x2b: {  	s6 =	sld [smem:$0x3F9E]  }
0x2c: {  	s7 =	sld [smem:$0x3F9F]  }
0x2d: {  	s3 =	simm.s32 $0x108;
	s8 =	sld [smem:$0x3FA0]  }
0x2e: {  	s3 =	simm.s32 @!p0 $0x1082;
	s9 =	sld [smem:$0x3FA1]  }
0x2f: {  	lr =	sadd.s32 s0, s3;
	s0 =	sld [smem:$0x3F98]  }
0x30: {  	s3 =	sld [smem:$0x3F9B]  }
0x31: {  	[smem:$0x3FA4] =	sst s10  }
0x32: {  	s10 =	sld [smem:$0x3FA2];
	_ =	sdelay $0x3  }
0x33: {  	p0 =	seq.s32 s10, $0x1;
	s10 =	sld [smem:$0x3FA4];
	_ =	sdelay $0x3  }
0x34: {  	[smem:$0x3FA4] =	sst s10  }
0x35: {  	s10 =	sld [smem:$0x3FA3];
	_ =	sdelay $0x3  }
0x36: {  	p1 =	seq.s32 s10, $0x1;
	s10 =	sld [smem:$0x3FA4];
	_ =	sdelay $0x3  }
0x37: {  	[smem:$0x3FA4] =	sst s10  }
0x38: {  	s10 =	sld [smem:$0x3FA5]  }
0x39: {  	_ = 	snop;
	(pc) =	sbr.ind lr, $3  }
0x3a: {  	_ = 	snop  }
0x3b: {  	_ = 	snop  }
0x3c: {  	p2 =	seq.s32 s10, $0x1;
	s10 =	sld [smem:$0x3FA4]  }
0x3d: {  	_ =	shalt  }
0x3e: {  	_ =	shalt  }
0x3f: {  	_ =	shalt  }
0x40: {  	_ =	shalt  }
0x41: {  	_ =	shalt  }
0x42: {  	_ =	shalt  }
0x43: {  	_ =	shalt  }
0x44: {  	_ =	shalt  }
0x45: {  	_ =	shalt  }
0x46: {  	_ =	shalt  }
0x47: {  	_ =	shalt  }
0x48: {  	_ =	shalt  }
0x49: {  	_ =	shalt  }
0x4a: {  	_ =	shalt  }
0x4b: {  	_ =	shalt  }
0x4c: {  	_ =	shalt  }
0x4d: {  	_ =	shalt  }
0x4e: {  	_ =	shalt  }
0x4f: {  	_ =	shalt  }
0x50: {  	_ =	shalt  }
0x51: {  	_ =	shalt  }
0x52: {  	_ =	shalt  }
0x53: {  	_ =	shalt  }
0x54: {  	_ =	shalt  }
0x55: {  	_ =	shalt  }
0x56: {  	_ =	shalt  }
0x57: {  	_ =	shalt  }
0x58: {  	_ =	shalt  }
0x59: {  	_ =	shalt  }
0x5a: {  	_ =	shalt  }
0x5b: {  	_ =	shalt  }
0x5c: {  	_ =	shalt  }
0x5d: {  	_ =	shalt  }
0x5e: {  	_ =	shalt  }
0x5f: {  	_ =	shalt  }
0x60: {  	_ =	shalt  }
0x61: {  	_ =	shalt  }
0x62: {  	_ =	shalt  }
0x63: {  	_ =	shalt  }
0x64: {  	_ =	shalt  }
0x65: {  	_ =	shalt  }
0x66: {  	_ =	shalt  }
0x67: {  	_ =	shalt  }
0x68: {  	_ =	shalt  }
0x69: {  	_ =	shalt  }
0x6a: {  	_ =	shalt  }
0x6b: {  	_ =	shalt  }
0x6c: {  	_ =	shalt  }
0x6d: {  	_ =	shalt  }
0x6e: {  	_ =	shalt  }
0x6f: {  	_ =	shalt  }
0x70: {  	_ =	shalt  }
0x71: {  	_ =	shalt  }
0x72: {  	_ =	shalt  }
0x73: {  	_ =	shalt  }
0x74: {  	_ =	shalt  }
0x75: {  	_ =	shalt  }
0x76: {  	_ =	shalt  }
0x77: {  	_ =	shalt  }
0x78: {  	_ =	shalt  }
0x79: {  	_ =	shalt  }
0x7a: {  	_ =	shalt  }
0x7b: {  	_ =	shalt  }
0x7c: {  	_ =	shalt  }
0x7d: {  	_ =	shalt  }
0x7e: {  	_ =	shalt  }
0x7f: {  	_ =	shalt  }
0x80: {  	_ =	shalt  }
0x81: {  	_ =	shalt  }
0x82: {  	_ =	shalt  }
0x83: {  	_ =	shalt  }
0x84: {  	_ =	shalt  }
0x85: {  	_ =	shalt  }
0x86: {  	_ =	shalt  }
0x87: {  	_ =	shalt  }
.Lfunc_end0:
.L_simem_size_0:
called_computation.8_lowered:
.L_overlay_start_0:
0x88: {  	s2 =	sld [smem:$0x3FD9]  }
0x89: {  	s3 =	sld [smem:$0x3FFE];
	_ =	sdelay $0x1  }
0x8a: {  	s1 =	srdreg.scid  }
0x8b: {  	s0 =	sand.u32 $0x1, s1  }
0x8c: {  	s17 =	sshll.u32 s0, $0xA;
	s2 =	sadd.s32 s3, s2  }
0x8d: {  	s2 =	sadd.s32 s2, s17  }
0x8e: {  	[smem:$0x3FB0] =	sst s2  }
0x8f: {  	_ = 	snop  }
0x90: {  	(tm) =	ssettm $0x1  }
0x91: {  	s18 =	sld [smem:$0x3FFB];
	_ =	sdelay $0x3  }
0x92: {  	_ =	strace s18  }
0x93: {  	s2 =	sld [smem:$0x3FFC];
	_ =	sdelay $0x3  }
0x94: {  	_ =	strace s2  }
0x95: {  	s2 =	sld [smem:$0x3FFD];
	_ =	sdelay $0x3  }
0x96: {  	_ =	strace s2  }
0x97: {  	_ =	strace $0x8FFFFFFF  }
0x98: {  	s19 =	sld [smem:$0x3FDB];
	_ =	sdelay $0x1  }
0x99: {  	s20 =	simm.s32 $_scs_section_size  }
0x9a: {  	s4 =	simm.s32 $_size__tile_overlayer_lowered;
	s5 =	simm.s32 $_tile_overlayer_lowered  }
0x9b: {  	s6 =	simm.s32 $0x1BFF;
	s21 =	sshll.u32 s5, $0x1;
	s3 =	sadd.s32 s20, s19  }
0x9c: {  	s22 =	simm.s32 $0x0;
	s4 =	sshll.u32 s4, $0x1;
	s5 =	sadd.s32 s21, s3  }
0x9d: {  	[timem:s22], [sflag:s6] =	dma.local [hbm:s5], s4  }
0x9e: {  	_ =	swait.ge [sflag:s6], s4  }
0x9f: {  	s4 =	ssub.s32 $0x0, s4;
	[sflag:s6] =	ssyncset.done $0x0  }
0xa0: {  	[sflag:s6] =	ssyncadd.s32 s4;
	_ =	sdelay $0x1  }
0xa1: {  	s23 =	simm.s32 $0x1B8B  }
0xa2: {  	_ =	swait.ge [sflag:s23], $0x1  }
0xa3: {  	[sflag:s23] =	ssyncset.done $0x0  }
0xa4: {  	[sflag:s23] =	ssyncadd.s32 $0xFFFFFFFF  }
0xa5: {  	s4 =	sld [smem:$0x0]  }
0xa6: {  	s5 =	sand.u32 $0xFFFFFFFE, s1  }
0xa7: {  	p0 =	sne.s32 s1, s5  }
0xa8: {  	s5 =	sshll.u32 @p0 s5, $0xE  }
0xa9: {  	s5 =	sadd.s32 @p0 $0x11B8D, s5;
	s6 =	sshll.u32 @p0 s4, $0x11  }
0xaa: {  	s5 =	sor.u32 @p0 s6, s5  }
0xab: {  	[sflag:s5] =	ssyncadd.remote.s32 @p0 $0x1;
	_ =	sdelay $0x1  }
0xac: {  	s5 =	simm.s32 @p0 $0x1B8D  }
0xad: {  	_ =	swait.eq @p0 [sflag:s5], $0x1  }
0xae: {  	[sflag:s5] =	ssyncadd.s32 @p0 $0xFFFFFFFF  }
0xaf: {  	s6 =	sshll.u32 @!p0 s1, $0xE  }
0xb0: {  	s6 =	sor.u32 @!p0 $0x4000, s6;
	s5 =	simm.s32 @!p0 $0x1B8D  }
0xb1: {  	s4 =	sshll.u32 @!p0 s4, $0x11;
	s6 =	sadd.s32 @!p0 $0x11B8D, s6;
	_ =	swait.eq @!p0 [sflag:s5], $0x1  }
0xb2: {  	s4 =	sor.u32 @!p0 s4, s6;
	[sflag:s5] =	ssyncadd.s32 @!p0 $0xFFFFFFFF  }
0xb3: {  	s25 =	simm.s32 $0x1B8E;
	s24 =	sld [smem:$0x3FFE];
	[sflag:s4] =	ssyncadd.remote.s32 @!p0 $0x1  }
0xb4: {  	s26 =	simm.s32 $execute0_lowered;
	[smem:$0x3FD2] =	sst s25  }
0xb5: {  	s5 =	sshll.u32 s26, $0x1;
	_ =	strace $0x8000005E;
	[dreg:$0x1] =	wrdreg $0xFFFFFFFF  }
0xb6: {  	s28 =	simm.s32 $_size_execute0_lowered;
	s3 =	sadd.s32 s3, s5;
	[dreg:$0x0] =	wrdreg $0x0  }
0xb7: {  	s5 =	sshll.u32 s28, $0x1;
	[dreg:$0x2] =	wrdreg s3  }
0xb8: {  	[dreg:$0x3] =	wrdreg s5  }
0xb9: {  	[dreg:$0x4] =	wrdreg $0xC0  }
0xba: {  	_ =	task [dreg:s22], $0x5FFFF  }
0xbb: {  	[dreg:$0x1] =	wrdreg $0xFFFFFFFF  }
0xbc: {  	[dreg:$0x0] =	wrdreg $0x60  }
0xbd: {  	[dreg:$0x2] =	wrdreg s24  }
0xbe: {  	[dreg:$0x3] =	wrdreg $0x11  }
0xbf: {  	_ =	task.clear_ibuf [dreg:s22], $0x4FFFF;
	_ =	strace $0x9000005E  }
0xc0: {  	s29 =	simm.s32 $0x11;
	_ =	strace $0x80000060  }
0xc1: {  	_ =	swait.ge [sflag:s29], $0x1  }
0xc2: {  	[sflag:s29] =	ssyncadd.s32 $0xFFFFFFFF  }
0xc3: {  	_ =	strace $0x90000060  }
0xc4: {  	_ =	sfence  }
0xc5: {  	s30 =	sld [smem:$0x0];
	_ =	sdelay $0x2  }
0xc6: {  	s31 =	sshll.u32 s1, $0xD;
	s1 =	sshrl.u32 s1, $0x2  }
0xc7: {  	s4 =	sand.u32 $0x4000, s31;
	s1 =	sadd.s32 s1, s30  }
0xc8: {  	s0 =	sor.u32 s4, s0;
	s1 =	sshll.u32 s1, $0x11  }
0xc9: {  	s0 =	sor.u32 s1, s0  }
0xca: {  	s0 =	sadd.s32 $0x8F2B, s0  }
0xcb: {  	[sflag:s0] =	ssyncadd.remote.s32 $0x1  }
0xcc: {  	_ =	sfence.sel $0xFFFF  }
0xcd: {  	[dreg:$0x0] =	wrdreg $0xFFFFFFFF;
	(pc) =	sbr.abs _section_cstart, $3  }
0xce: {  	[dreg:$0x1] =	wrdreg $0xFFFFFFFF  }
0xcf: {  	_ =	task.clear_ibuf [dreg:s22], $0x2FFFF;
	_ =	strace $0x9FFFFFFF  }
0xd0: {  	(tm) =	ssettm $0x7FFFFFFF  }
0xd1: {  	_ =	shalt  }
tec
execute0_lowered:
.L_overlay_start_1:
0x0: {  	(tag) =	ssettag $0x1  }
0x1: {  	s0 =	stileid.u32;
	s1 =	srdreg.scid  }
0x2: {  	s10 =	rddreg [dreg:$0x0];
	s14 =	sand.u32 $0x1, s1;
	s31 =	sshll.u32 s0, $0x1  }
0x3: {  	s6 =	simm.s32 $0x400;
	s2 =	sshll.u32 s0, $0x7;
	s11 =	sor.u32 s14, s31  }
0x4: {  	s1 =	rddreg [dreg:$0x1];
	s3 =	sand.u32 $0x600, s2;
	s4 =	sshll.u32 s11, $0x4  }
0x5: {  	s2 =	simm.s32 $0x0;
	s3 =	sadd.s32 s3, s10;
	s4 =	sand.u32 $0x70, s4  }
0x6: {  	s5 =	simm.s32 $0x2;
	[smem:$0x7FF] =	sst s2;
	s3 =	sadd.s32 s4, s3  }
0x7: {  	_ =	strace $0x8000005F;
	s4 =	simm.s32 $0x80;
	s3 =	sadd.s32 $0x47C00, s3  }
0x8: {  	[tilespmem:s2], [sflag:$0x2] =	stream.strided.gather [hbm4b:s3+s4], $0x200, s6, s4, $0x38;
	[tilespmem:$0x4200] =	vst v63  }
0x9: {  	_ =	swait.ge [sflag:s5], $0x200  }
0xa: {  	s8 =	simm.s32 $0x200;
	[sflag:s5] =	ssyncset.done $0x0  }
0xb: {  	s9 =	simm.s32 $0x1;
	s7 =	sadd.s32 $0x10CD200, s10;
	[sflag:s5] =	ssyncadd.s32 $0xFFFFFE00  }
0xc: {  	[tilespmem:s8], [sflag:$0x1] =	stream.indirect.gather [hbm4b:s7+s4], $0x80, s2, s4, $0xb8;
	[tilespmem:$0x4200] =	vst v63  }
0xd: {  	s11 =	sshll.u32 s11, $0xD;
	_ =	swait.ge [sflag:s9], $0x4000  }
0xe: {  	s15 =	sadd.s32 s11, s10;
	[sflag:s9] =	ssyncset.done $0x0  }
0xf: {  	s10 =	sadd.s32 $0x391800, s15;
	[sflag:s9] =	ssyncadd.s32 $0xFFFFC000  }
0x10: {  	[hbm4b:s10+s2] =	stream.linear.scatter [tilespmem:s8], [sflag:$0x2], $0x4000, $0x38;
	[tilespmem:$0x4200] =	vst v63  }
0x11: {  	_ =	swait.ge [sflag:s5], $0x4000  }
0x12: {  	[sflag:s5] =	ssyncset.done $0x0  }
0x13: {  	[sflag:s5] =	ssyncadd.s32 $0xFFFFC000  }
0x14: {  	[tilespmem:s8], [sflag:$0x1] =	stream.indirect.gather [hbm4b:s7+s4], $0x80, s4, s4, $0xb8;
	[tilespmem:$0x4200] =	vst v63  }
0x15: {  	_ =	swait.ge [sflag:s9], $0x4000  }
0x16: {  	[sflag:s9] =	ssyncset.done $0x0  }
0x17: {  	s11 =	sadd.s32 $0x392000, s15;
	[sflag:s9] =	ssyncadd.s32 $0xFFFFC000  }
0x18: {  	[hbm4b:s11+s2] =	stream.linear.scatter [tilespmem:s8], [sflag:$0x2], $0x4000, $0x38;
	[tilespmem:$0x4200] =	vst v63  }
0x19: {  	_ =	swait.ge [sflag:s5], $0x4000  }
0x1a: {  	[sflag:s5] =	ssyncset.done $0x0  }
0x1b: {  	s12 =	simm.s32 $0x100;
	[sflag:s5] =	ssyncadd.s32 $0xFFFFC000  }
0x1c: {  	[tilespmem:s8], [sflag:$0x1] =	stream.indirect.gather [hbm4b:s7+s4], $0x80, s12, s4, $0xb8;
	[tilespmem:$0x4200] =	vst v63  }
0x1d: {  	_ =	swait.ge [sflag:s9], $0x4000  }
0x1e: {  	[sflag:s9] =	ssyncset.done $0x0  }
0x1f: {  	s16 =	ssub.s32 $0x2, s14;
	s13 =	sadd.s32 $0x392800, s15;
	[sflag:s9] =	ssyncadd.s32 $0xFFFFC000  }
0x20: {  	[hbm4b:s13+s2] =	stream.linear.scatter [tilespmem:s8], [sflag:$0x2], $0x4000, $0x38;
	[tilespmem:$0x4200] =	vst v63  }
0x21: {  	s17 =	sshrl.u32 s16, $0x1;
	_ =	swait.ge [sflag:s5], $0x4000  }
0x22: {  	s16 =	ssub.s32 s16, s17;
	[sflag:s5] =	ssyncset.done $0x0  }
0x23: {  	s14 =	simm.s32 $0x180;
	s16 =	smax.u32 s16, $0x1;
	[sflag:s5] =	ssyncadd.s32 $0xFFFFC000  }
0x24: {  	[tilespmem:s8], [sflag:$0x1] =	stream.indirect.gather [hbm4b:s7+s4], $0x80, s14, s4, $0xb8;
	[tilespmem:$0x4200] =	vst v63  }
0x25: {  	p0 =	sne.s32 s16, $0x1;
	_ =	swait.ge [sflag:s9], $0x4000  }
.Ltmp0:
0x26: {  	[sflag:s9] =	ssyncset.done $0x0;
	(pc) =	sbr.rel @!p0 .LBB2_2-.Ltmp0, $4  }
0x27: {  	s15 =	sadd.s32 $0x393000, s15;
	[sflag:s9] =	ssyncadd.s32 $0xFFFFC000  }
0x28: {  	[hbm4b:s15+s2] =	stream.linear.scatter [tilespmem:s8], [sflag:$0x2], $0x4000, $0x38;
	[tilespmem:$0x4200] =	vst v63  }
0x29: {  	_ =	swait.ge [sflag:s5], $0x4000  }
0x2a: {  	s16 =	sadd.s32 $0xFFFFFFFF, s16;
	[sflag:s5] =	ssyncset.done $0x0  }
.LBB2_1:
0x2b: {  	p0 =	sne.s32 s16, $0x1;
	s16 =	sadd.s32 $0xFFFFFFFF, s16;
	[sflag:s5] =	ssyncadd.s32 $0xFFFFC000  }
0x2c: {  	[tilespmem:s2], [sflag:$0x2] =	stream.strided.gather [hbm4b:s3+s4], $0x200, s6, s4, $0x38;
	[tilespmem:$0x4200] =	vst v63  }
0x2d: {  	_ =	swait.ge [sflag:s5], $0x200  }
0x2e: {  	[sflag:s5] =	ssyncset.done $0x0  }
0x2f: {  	[sflag:s5] =	ssyncadd.s32 $0xFFFFFE00  }
0x30: {  	[tilespmem:s8], [sflag:$0x1] =	stream.indirect.gather [hbm4b:s7+s4], $0x80, s2, s4, $0xb8;
	[tilespmem:$0x4200] =	vst v63  }
0x31: {  	_ =	swait.ge [sflag:s9], $0x4000  }
0x32: {  	[sflag:s9] =	ssyncset.done $0x0  }
0x33: {  	[sflag:s9] =	ssyncadd.s32 $0xFFFFC000  }
0x34: {  	[hbm4b:s10+s2] =	stream.linear.scatter [tilespmem:s8], [sflag:$0x2], $0x4000, $0x38;
	[tilespmem:$0x4200] =	vst v63  }
0x35: {  	_ =	swait.ge [sflag:s5], $0x4000  }
0x36: {  	[sflag:s5] =	ssyncset.done $0x0  }
0x37: {  	[sflag:s5] =	ssyncadd.s32 $0xFFFFC000  }
0x38: {  	[tilespmem:s8], [sflag:$0x1] =	stream.indirect.gather [hbm4b:s7+s4], $0x80, s4, s4, $0xb8;
	[tilespmem:$0x4200] =	vst v63  }
0x39: {  	_ =	swait.ge [sflag:s9], $0x4000  }
0x3a: {  	[sflag:s9] =	ssyncset.done $0x0  }
0x3b: {  	[sflag:s9] =	ssyncadd.s32 $0xFFFFC000  }
0x3c: {  	[hbm4b:s11+s2] =	stream.linear.scatter [tilespmem:s8], [sflag:$0x2], $0x4000, $0x38;
	[tilespmem:$0x4200] =	vst v63  }
0x3d: {  	_ =	swait.ge [sflag:s5], $0x4000  }
0x3e: {  	[sflag:s5] =	ssyncset.done $0x0  }
0x3f: {  	[sflag:s5] =	ssyncadd.s32 $0xFFFFC000  }
0x40: {  	[tilespmem:s8], [sflag:$0x1] =	stream.indirect.gather [hbm4b:s7+s4], $0x80, s12, s4, $0xb8;
	[tilespmem:$0x4200] =	vst v63  }
0x41: {  	_ =	swait.ge [sflag:s9], $0x4000  }
0x42: {  	[sflag:s9] =	ssyncset.done $0x0  }
0x43: {  	[sflag:s9] =	ssyncadd.s32 $0xFFFFC000  }
0x44: {  	[hbm4b:s13+s2] =	stream.linear.scatter [tilespmem:s8], [sflag:$0x2], $0x4000, $0x38;
	[tilespmem:$0x4200] =	vst v63  }
0x45: {  	_ =	swait.ge [sflag:s5], $0x4000  }
0x46: {  	[sflag:s5] =	ssyncset.done $0x0  }
0x47: {  	[sflag:s5] =	ssyncadd.s32 $0xFFFFC000  }
0x48: {  	[tilespmem:s8], [sflag:$0x1] =	stream.indirect.gather [hbm4b:s7+s4], $0x80, s14, s4, $0xb8;
	[tilespmem:$0x4200] =	vst v63  }
0x49: {  	_ =	swait.ge [sflag:s9], $0x4000  }
.Ltmp1:
0x4a: {  	[sflag:s9] =	ssyncset.done $0x0;
	(pc) =	sbr.rel @p0 .LBB2_1-.Ltmp1, $4  }
0x4b: {  	[sflag:s9] =	ssyncadd.s32 $0xFFFFC000  }
0x4c: {  	[hbm4b:s15+s2] =	stream.linear.scatter [tilespmem:s8], [sflag:$0x2], $0x4000, $0x38;
	[tilespmem:$0x4200] =	vst v63  }
0x4d: {  	_ =	swait.ge [sflag:s5], $0x4000  }
0x4e: {  	[sflag:s5] =	ssyncset.done $0x0  }
.LBB2_2:
0x4f: {  	[sflag:s5] =	ssyncadd.s32 $0xFFFFC000  }
0x50: {  	_ =	sfence.sel $0x180000  }
0x51: {  	[bflag:$0x0] =	sbarrier.arrive $0xFFFF  }
0x52: {  	p0 =	sne.s32 s0, $0x0;
	_ =	strace $0x9000005F  }
0x53: {  	s0 =	sadd.s32 @!p0 $0x100000, s1;
	[bflag:$0x2] =	sbarrier.arrive $0xFFFF  }
0x54: {  	[sflag:s0] =	ssyncadd.tile.s32 @!p0 $0x1;
	_ =	shalt  }
.Lfunc_end2:
_tile_overlayer_lowered:
.L_overlay_start_2:
0x55: {  	(tag) =	ssettag $0x2  }
0x56: {  	s0 =	rddreg [dreg:$0x0];
	s2 =	stileid.u32  }
0x57: {  	s1 =	rddreg [dreg:$0x1];
	p0 =	sne.s32 s2, $0x0  }
0x58: {  	s3 =	rddreg [dreg:$0x2];
	[bflag:$0x3] =	sbarrier.arrive $0xFFFF;
	s2 =	simm.s32 @!p0 $0x1C02  }
0x59: {  	[timem:s3], [sflag:s2] =	dma.local @!p0 [hbm:s0], s1  }
0x5a: {  	s0 =	simm.s32 @!p0 $0x2  }
0x5b: {  	_ =	swait.ge @!p0 [sflag:s0], s1  }
0x5c: {  	s1 =	ssub.s32 @!p0 $0x0, s1;
	[sflag:s0] =	ssyncset.done @!p0 $0x0  }
0x5d: {  	[sflag:s0] =	ssyncadd.s32 @!p0 s1  }
0x5e: {  	[bflag:$0x3] =	sbarrier.arrive $0xFFFF  }
0x5f: {  	_ =	shalt  }

</sc_bundles>
